<compile_context>
chip_gen: v7x
topology: tpu7x:2x2x1
jax: 0.10.2.dev20260603
libtpu: 0.0.44.dev20260713+nightly
codegen_flags: <defaults>
</compile_context>

<pallas_src>
import functools

import jax
import jax.numpy as jnp
from jax import lax
from jax.experimental import pallas as pl
from jax.experimental.pallas import tpu as pltpu
from jax.experimental.pallas import tpu_sc as plsc


@functools.lru_cache(maxsize=None)
def _make_sc_kernel(B, C, L, V, D, chunk):
    info = plsc.get_sparse_core_info()
    NC, NS = info.num_cores, info.num_subcores
    NW = NC * NS
    T = B * L
    tpw = T // NW
    n_chunks = tpw // chunk
    n_groups = n_chunks // 2
    W = D // 2
    mesh = plsc.VectorSubcoreMesh(core_axis_name="c", subcore_axis_name="s")

    @functools.partial(
        pl.kernel,
        mesh=mesh,
        out_type=jax.ShapeDtypeStruct((B, L, D), jnp.float32),
        scratch_types=[
            pltpu.VMEM((C, tpw), jnp.int32),
            pltpu.VMEM((chunk * C, W), jnp.int32),
            pltpu.VMEM((chunk * C, W), jnp.int32),
            pltpu.VMEM((chunk, D), jnp.float32),
            pltpu.VMEM((chunk, D), jnp.float32),
            pltpu.SemaphoreType.DMA,
            pltpu.SemaphoreType.DMA,
            pltpu.SemaphoreType.DMA,
            pltpu.SemaphoreType.DMA,
            pltpu.SemaphoreType.DMA,
        ],
    )
    def k(x_hbm, ftab_hbm, out_hbm, xv, rows0, rows1, out0, out1,
          xsem, sem0, sem1, osem0, osem1):
        wid = lax.axis_index("s") * NC + lax.axis_index("c")
        t0 = wid * tpw
        b = t0 // L
        l0 = t0 % L

        for c in range(C):
            pltpu.async_copy(x_hbm.at[b, c, pl.ds(l0, tpw)], xv.at[c], xsem)
        pltpu.make_async_copy(
            x_hbm.at[0, pl.ds(0, C), pl.ds(0, tpw)], xv, xsem
        ).wait()

        def prep_body(i, carry):
            for c in range(1, C):
                off = i * 16
                xv[c, pl.ds(off, 16)] = xv[c, pl.ds(off, 16)] + (c * V)
            return carry

        lax.fori_loop(0, tpw // 16, prep_body, 0)

        def start_gather(ci, rows, sem):
            off = ci * chunk
            for c in range(C):
                pltpu.async_copy(
                    ftab_hbm.at[xv.at[c, pl.ds(off, chunk)]],
                    rows.at[pl.ds(c * chunk, chunk)],
                    sem,
                )

        def wait_gather(rows, sem):
            pltpu.make_async_copy(
                ftab_hbm.at[pl.ds(0, chunk * C)], rows, sem
            ).wait()

        def wait_out(out_v, osem):
            pltpu.make_async_copy(
                out_hbm.at[0, pl.ds(0, chunk)], out_v, osem
            ).wait()

        def phase(g, ci, next_ci, rows, sem, out_v, osem):
            wait_gather(rows, sem)

            @pl.when(g > 0)
            def _():
                wait_out(out_v, osem)

            def slice_body(s, c2):
                off = s * 16
                for j in range(chunk):
                    w0 = rows[j, pl.ds(off, 16)]
                    hi = lax.bitcast_convert_type(w0, jnp.float32)
                    lo = lax.bitcast_convert_type(w0 << 16, jnp.float32)
                    for c in range(1, C):
                        wc = rows[c * chunk + j, pl.ds(off, 16)]
                        hi = hi + lax.bitcast_convert_type(wc, jnp.float32)
                        lo = lo + lax.bitcast_convert_type(
                            wc << 16, jnp.float32)
                    out_v[j, pl.ds(off, 16)] = lo
                    out_v[j, pl.ds(off + W, 16)] = hi
                return c2

            lax.fori_loop(0, W // 16, slice_body, 0)
            start_gather(next_ci, rows, sem)
            pltpu.async_copy(
                out_v, out_hbm.at[b, pl.ds(l0 + ci * chunk, chunk)], osem
            )

        start_gather(0, rows0, sem0)
        start_gather(1, rows1, sem1)

        def group(g, carry):
            c0 = 2 * g
            phase(g, c0, jnp.minimum(c0 + 2, n_chunks - 1), rows0, sem0,
                  out0, osem0)
            phase(g, c0 + 1, jnp.minimum(c0 + 3, n_chunks - 1), rows1, sem1,
                  out1, osem1)
            return carry

        lax.fori_loop(0, n_groups, group, 0)
        wait_gather(rows0, sem0)
        wait_gather(rows1, sem1)
        wait_out(out0, osem0)
        wait_out(out1, osem1)

    return k


def kernel(x, tables):
    B, C, L = x.shape
    _, V, D = tables.shape
    W = D // 2
    t2 = tables.reshape(C * V, D)

    def _rne(f):
        u = lax.bitcast_convert_type(f, jnp.uint32)
        return lax.shift_right_logical(
            u + jnp.uint32(0x7FFF) + ((u >> jnp.uint32(16)) & jnp.uint32(1)),
            jnp.uint32(16),
        )

    ftab = lax.bitcast_convert_type(
        (_rne(t2[:, W:]) << jnp.uint32(16)) | _rne(t2[:, :W]), jnp.int32
    )
    return _make_sc_kernel(B, C, L, V, D, 8)(x.astype(jnp.int32), ftab)

# --- scband reference (transcript-rebuilt; emitter-appended) ---
"""Pipeline reference for scband-mimi-token-embedding-23261542875491 (READ-ONLY COPY).

The authoritative reference and input builder live on the scoring server;
editing this copy changes nothing except your own understanding.
"""

import jax, jax.numpy as jnp
import numpy as np

NUM_CODEBOOKS = 8
VOCAB_SIZE = 2048
HIDDEN_SIZE = 1024
BATCH = 16
LENGTH = 2048


def setup_inputs(seed: int = 0) -> dict:
    key = jax.random.key(seed)
    k_idx, k_tab = jax.random.split(key)
    x = jax.random.randint(k_idx, (BATCH, NUM_CODEBOOKS, LENGTH), 0, VOCAB_SIZE, dtype=jnp.int64 if jax.config.jax_enable_x64 else jnp.int32).astype(jnp.int32)
    # stacked embedding tables, one per codebook (nn.Embedding default init ~ N(0,1))
    tables = jax.random.normal(k_tab, (NUM_CODEBOOKS, VOCAB_SIZE, HIDDEN_SIZE), dtype=jnp.float32)
    return {"x": x, "tables": tables}


def reference(x, tables):
    # x: (batch, num_codebooks, length); tables: (num_codebooks, vocab, hidden)
    num_codebooks = tables.shape[0]
    embeddings = []
    for i in range(num_codebooks):
        emb = jnp.take(tables[i], x[:, i, :], axis=0)  # (batch, length, hidden)
        embeddings.append(emb)
    return jnp.sum(jnp.stack(embeddings, axis=0), axis=0)

if __name__ == "__main__":
    import jax
    _d = setup_inputs()
    print(jax.jit(kernel)(*tuple(_d.values())))

</pallas_src>

<mosaic_0001>
#map = affine_map<(d0, d1) -> (0, 0, 0)>
#map1 = affine_map<(d0, d1) -> (0, 0)>
module attributes {stable_mosaic.version = 14 : i64} {
  func.func @k(%arg0: i32, %arg1: i32, %arg2: memref<16x8x2048xi32, #tpu.memory_space<hbm>>, %arg3: memref<16384x512xi32, #tpu.memory_space<hbm>>, %arg4: memref<16x2048x1024xf32, #tpu.memory_space<hbm>>, %arg5: memref<8x1024xi32, #tpu.memory_space<vmem>>, %arg6: memref<64x512xi32, #tpu.memory_space<vmem>>, %arg7: memref<64x512xi32, #tpu.memory_space<vmem>>, %arg8: memref<8x1024xf32, #tpu.memory_space<vmem>>, %arg9: memref<8x1024xf32, #tpu.memory_space<vmem>>, %arg10: memref<!tpu.dma_semaphore, #tpu.memory_space<semaphore_mem>>, %arg11: memref<!tpu.dma_semaphore, #tpu.memory_space<semaphore_mem>>, %arg12: memref<!tpu.dma_semaphore, #tpu.memory_space<semaphore_mem>>, %arg13: memref<!tpu.dma_semaphore, #tpu.memory_space<semaphore_mem>>, %arg14: memref<!tpu.dma_semaphore, #tpu.memory_space<semaphore_mem>>) attributes {dimension_semantics = [#tpu.dimension_semantics<core_parallel>, #tpu.dimension_semantics<subcore_parallel>], iteration_bounds = array<i64: 2, 16>, scalar_prefetch = 0 : i64, scratch_operands = 10 : i64, tpu.core_type = #tpu.core_type<sc_vector_subcore>, window_params = [{transform_indices = #map}, {transform_indices = #map1}, {transform_indices = #map}]} {
    %mul3A = arith.constant 2 : i32
    %mul3A_0 = arith.muli %arg1, %mul3A : i32
    %add3A = arith.addi %mul3A_0, %arg0 : i32
    %mul3A_1 = arith.constant 1024 : i32
    %mul3A_2 = arith.muli %add3A, %mul3A_1 : i32
    %jit3A = arith.constant 2048 : i32
    %div3A = arith.divsi %mul3A_2, %jit3A : i32
    %sign3A = arith.constant 0 : i32
    %sign3A_3 = arith.cmpi sgt, %mul3A_2, %sign3A : i32
    %sign3A_4 = arith.extui %sign3A_3 : i1 to i32
    %sign3A_5 = arith.constant 0 : i32
    %sign3A_6 = arith.cmpi slt, %mul3A_2, %sign3A_5 : i32
    %sign3A_7 = arith.extui %sign3A_6 : i1 to i32
    %sign3A_8 = arith.subi %sign3A_4, %sign3A_7 : i32
    %sign3A_9 = arith.constant 0 : i32
    %sign3A_10 = arith.cmpi sgt, %jit3A, %sign3A_9 : i32
    %sign3A_11 = arith.extui %sign3A_10 : i1 to i32
    %sign3A_12 = arith.constant 0 : i32
    %sign3A_13 = arith.cmpi slt, %jit3A, %sign3A_12 : i32
    %sign3A_14 = arith.extui %sign3A_13 : i1 to i32
    %sign3A_15 = arith.subi %sign3A_11, %sign3A_14 : i32
    %ne3A = arith.cmpi ne, %sign3A_8, %sign3A_15 : i32
    %rem3A = arith.remsi %mul3A_2, %jit3A : i32
    %ne3A_16 = arith.constant 0 : i32
    %ne3A_17 = arith.cmpi ne, %rem3A, %ne3A_16 : i32
    %and3A = arith.andi %ne3A, %ne3A_17 : i1
    %sub3A = arith.constant 1 : i32
    %sub3A_18 = arith.subi %div3A, %sub3A : i32
    %select_n3A = arith.select %and3A, %sub3A_18, %div3A : i32
    %jit3A_19 = arith.constant 2048 : i32
    %eq3A = arith.constant 0 : i32
    %eq3A_20 = arith.cmpi eq, %jit3A_19, %eq3A : i32
    %jit3A_21 = arith.constant 1 : i32
    %select_n3A_22 = arith.select %eq3A_20, %jit3A_21, %jit3A_19 : i32
    %rem3A_23 = arith.remsi %mul3A_2, %select_n3A_22 : i32
    %ne3A_24 = arith.constant 0 : i32
    %ne3A_25 = arith.cmpi ne, %rem3A_23, %ne3A_24 : i32
    %lt3A = arith.constant 0 : i32
    %lt3A_26 = arith.cmpi slt, %rem3A_23, %lt3A : i32
    %lt3A_27 = arith.constant 0 : i32
    %lt3A_28 = arith.cmpi slt, %select_n3A_22, %lt3A_27 : i32
    %ne3A_29 = arith.xori %lt3A_26, %lt3A_28 : i1
    %and3A_30 = arith.andi %ne3A_29, %ne3A_25 : i1
    %add3A_31 = arith.addi %rem3A_23, %select_n3A_22 : i32
    %select_n3A_32 = arith.select %and3A_30, %add3A_31, %rem3A_23 : i32
    %dma_start3A = arith.constant 0 : i32
    %dma_start3A_33 = arith.constant 0 : i32
    %dma_start3A_34 = arith.constant 0 : i32
    %dma_start3A_35 = tpu.memref_slice %arg5[%dma_start3A_33, %dma_start3A_34] : memref<8x1024xi32, #tpu.memory_space<vmem>> -> memref<1x1024xi32, #tpu.memory_space<vmem>>
    %dma_start3A_36 = tpu.memref_squeeze %dma_start3A_35 : memref<1x1024xi32, #tpu.memory_space<vmem>> -> memref<1024xi32, #tpu.memory_space<vmem>>
    %dma_start3A_37 = tpu.memref_slice %arg2[%select_n3A, %dma_start3A, %select_n3A_32] : memref<16x8x2048xi32, #tpu.memory_space<hbm>> -> memref<1x1x1024xi32, #tpu.memory_space<hbm>>
    %dma_start3A_38 = tpu.memref_squeeze %dma_start3A_37 : memref<1x1x1024xi32, #tpu.memory_space<hbm>> -> memref<1024xi32, #tpu.memory_space<hbm>>
    %dma_start3A_39 = arith.constant 0 : i32
    %dma_start3A_40 = tpu.memref_slice %arg5[%dma_start3A_33, %dma_start3A_39] : memref<8x1024xi32, #tpu.memory_space<vmem>> -> memref<1x1024xi32, #tpu.memory_space<vmem>>
    %dma_start3A_41 = tpu.memref_squeeze %dma_start3A_40 : memref<1x1024xi32, #tpu.memory_space<vmem>> -> memref<1024xi32, #tpu.memory_space<vmem>>
    %dma_start3A_42 = tpu.memref_slice %arg2[%select_n3A, %dma_start3A, %select_n3A_32] : memref<16x8x2048xi32, #tpu.memory_space<hbm>> -> memref<1x1x1024xi32, #tpu.memory_space<hbm>>
    %dma_start3A_43 = tpu.memref_squeeze %dma_start3A_42 : memref<1x1x1024xi32, #tpu.memory_space<hbm>> -> memref<1024xi32, #tpu.memory_space<hbm>>
    tpu.enqueue_dma source(%dma_start3A_43 : memref<1024xi32, #tpu.memory_space<hbm>>) target(%dma_start3A_41 : memref<1024xi32, #tpu.memory_space<vmem>>) target_semaphore(%arg10 : memref<!tpu.dma_semaphore, #tpu.memory_space<semaphore_mem>>)
    %dma_start3A_44 = arith.constant 1 : i32
    %dma_start3A_45 = arith.constant 1 : i32
    %dma_start3A_46 = arith.constant 0 : i32
    %dma_start3A_47 = tpu.memref_slice %arg5[%dma_start3A_45, %dma_start3A_46] : memref<8x1024xi32, #tpu.memory_space<vmem>> -> memref<1x1024xi32, #tpu.memory_space<vmem>>
    %dma_start3A_48 = tpu.memref_squeeze %dma_start3A_47 : memref<1x1024xi32, #tpu.memory_space<vmem>> -> memref<1024xi32, #tpu.memory_space<vmem>>
    %dma_start3A_49 = tpu.memref_slice %arg2[%select_n3A, %dma_start3A_44, %select_n3A_32] : memref<16x8x2048xi32, #tpu.memory_space<hbm>> -> memref<1x1x1024xi32, #tpu.memory_space<hbm>>
    %dma_start3A_50 = tpu.memref_squeeze %dma_start3A_49 : memref<1x1x1024xi32, #tpu.memory_space<hbm>> -> memref<1024xi32, #tpu.memory_space<hbm>>
    %dma_start3A_51 = arith.constant 0 : i32
    %dma_start3A_52 = tpu.memref_slice %arg5[%dma_start3A_45, %dma_start3A_51] : memref<8x1024xi32, #tpu.memory_space<vmem>> -> memref<1x1024xi32, #tpu.memory_space<vmem>>
    %dma_start3A_53 = tpu.memref_squeeze %dma_start3A_52 : memref<1x1024xi32, #tpu.memory_space<vmem>> -> memref<1024xi32, #tpu.memory_space<vmem>>
    %dma_start3A_54 = tpu.memref_slice %arg2[%select_n3A, %dma_start3A_44, %select_n3A_32] : memref<16x8x2048xi32, #tpu.memory_space<hbm>> -> memref<1x1x1024xi32, #tpu.memory_space<hbm>>
    %dma_start3A_55 = tpu.memref_squeeze %dma_start3A_54 : memref<1x1x1024xi32, #tpu.memory_space<hbm>> -> memref<1024xi32, #tpu.memory_space<hbm>>
    tpu.enqueue_dma source(%dma_start3A_55 : memref<1024xi32, #tpu.memory_space<hbm>>) target(%dma_start3A_53 : memref<1024xi32, #tpu.memory_space<vmem>>) target_semaphore(%arg10 : memref<!tpu.dma_semaphore, #tpu.memory_space<semaphore_mem>>)
    %dma_start3A_56 = arith.constant 2 : i32
    %dma_start3A_57 = arith.constant 2 : i32
    %dma_start3A_58 = arith.constant 0 : i32
    %dma_start3A_59 = tpu.memref_slice %arg5[%dma_start3A_57, %dma_start3A_58] : memref<8x1024xi32, #tpu.memory_space<vmem>> -> memref<1x1024xi32, #tpu.memory_space<vmem>>
    %dma_start3A_60 = tpu.memref_squeeze %dma_start3A_59 : memref<1x1024xi32, #tpu.memory_space<vmem>> -> memref<1024xi32, #tpu.memory_space<vmem>>
    %dma_start3A_61 = tpu.memref_slice %arg2[%select_n3A, %dma_start3A_56, %select_n3A_32] : memref<16x8x2048xi32, #tpu.memory_space<hbm>> -> memref<1x1x1024xi32, #tpu.memory_space<hbm>>
    %dma_start3A_62 = tpu.memref_squeeze %dma_start3A_61 : memref<1x1x1024xi32, #tpu.memory_space<hbm>> -> memref<1024xi32, #tpu.memory_space<hbm>>
    %dma_start3A_63 = arith.constant 0 : i32
    %dma_start3A_64 = tpu.memref_slice %arg5[%dma_start3A_57, %dma_start3A_63] : memref<8x1024xi32, #tpu.memory_space<vmem>> -> memref<1x1024xi32, #tpu.memory_space<vmem>>
    %dma_start3A_65 = tpu.memref_squeeze %dma_start3A_64 : memref<1x1024xi32, #tpu.memory_space<vmem>> -> memref<1024xi32, #tpu.memory_space<vmem>>
    %dma_start3A_66 = tpu.memref_slice %arg2[%select_n3A, %dma_start3A_56, %select_n3A_32] : memref<16x8x2048xi32, #tpu.memory_space<hbm>> -> memref<1x1x1024xi32, #tpu.memory_space<hbm>>
    %dma_start3A_67 = tpu.memref_squeeze %dma_start3A_66 : memref<1x1x1024xi32, #tpu.memory_space<hbm>> -> memref<1024xi32, #tpu.memory_space<hbm>>
    tpu.enqueue_dma source(%dma_start3A_67 : memref<1024xi32, #tpu.memory_space<hbm>>) target(%dma_start3A_65 : memref<1024xi32, #tpu.memory_space<vmem>>) target_semaphore(%arg10 : memref<!tpu.dma_semaphore, #tpu.memory_space<semaphore_mem>>)
    %dma_start3A_68 = arith.constant 3 : i32
    %dma_start3A_69 = arith.constant 3 : i32
    %dma_start3A_70 = arith.constant 0 : i32
    %dma_start3A_71 = tpu.memref_slice %arg5[%dma_start3A_69, %dma_start3A_70] : memref<8x1024xi32, #tpu.memory_space<vmem>> -> memref<1x1024xi32, #tpu.memory_space<vmem>>
    %dma_start3A_72 = tpu.memref_squeeze %dma_start3A_71 : memref<1x1024xi32, #tpu.memory_space<vmem>> -> memref<1024xi32, #tpu.memory_space<vmem>>
    %dma_start3A_73 = tpu.memref_slice %arg2[%select_n3A, %dma_start3A_68, %select_n3A_32] : memref<16x8x2048xi32, #tpu.memory_space<hbm>> -> memref<1x1x1024xi32, #tpu.memory_space<hbm>>
    %dma_start3A_74 = tpu.memref_squeeze %dma_start3A_73 : memref<1x1x1024xi32, #tpu.memory_space<hbm>> -> memref<1024xi32, #tpu.memory_space<hbm>>
    %dma_start3A_75 = arith.constant 0 : i32
    %dma_start3A_76 = tpu.memref_slice %arg5[%dma_start3A_69, %dma_start3A_75] : memref<8x1024xi32, #tpu.memory_space<vmem>> -> memref<1x1024xi32, #tpu.memory_space<vmem>>
    %dma_start3A_77 = tpu.memref_squeeze %dma_start3A_76 : memref<1x1024xi32, #tpu.memory_space<vmem>> -> memref<1024xi32, #tpu.memory_space<vmem>>
    %dma_start3A_78 = tpu.memref_slice %arg2[%select_n3A, %dma_start3A_68, %select_n3A_32] : memref<16x8x2048xi32, #tpu.memory_space<hbm>> -> memref<1x1x1024xi32, #tpu.memory_space<hbm>>
    %dma_start3A_79 = tpu.memref_squeeze %dma_start3A_78 : memref<1x1x1024xi32, #tpu.memory_space<hbm>> -> memref<1024xi32, #tpu.memory_space<hbm>>
    tpu.enqueue_dma source(%dma_start3A_79 : memref<1024xi32, #tpu.memory_space<hbm>>) target(%dma_start3A_77 : memref<1024xi32, #tpu.memory_space<vmem>>) target_semaphore(%arg10 : memref<!tpu.dma_semaphore, #tpu.memory_space<semaphore_mem>>)
    %dma_start3A_80 = arith.constant 4 : i32
    %dma_start3A_81 = arith.constant 4 : i32
    %dma_start3A_82 = arith.constant 0 : i32
    %dma_start3A_83 = tpu.memref_slice %arg5[%dma_start3A_81, %dma_start3A_82] : memref<8x1024xi32, #tpu.memory_space<vmem>> -> memref<1x1024xi32, #tpu.memory_space<vmem>>
    %dma_start3A_84 = tpu.memref_squeeze %dma_start3A_83 : memref<1x1024xi32, #tpu.memory_space<vmem>> -> memref<1024xi32, #tpu.memory_space<vmem>>
    %dma_start3A_85 = tpu.memref_slice %arg2[%select_n3A, %dma_start3A_80, %select_n3A_32] : memref<16x8x2048xi32, #tpu.memory_space<hbm>> -> memref<1x1x1024xi32, #tpu.memory_space<hbm>>
    %dma_start3A_86 = tpu.memref_squeeze %dma_start3A_85 : memref<1x1x1024xi32, #tpu.memory_space<hbm>> -> memref<1024xi32, #tpu.memory_space<hbm>>
    %dma_start3A_87 = arith.constant 0 : i32
    %dma_start3A_88 = tpu.memref_slice %arg5[%dma_start3A_81, %dma_start3A_87] : memref<8x1024xi32, #tpu.memory_space<vmem>> -> memref<1x1024xi32, #tpu.memory_space<vmem>>
    %dma_start3A_89 = tpu.memref_squeeze %dma_start3A_88 : memref<1x1024xi32, #tpu.memory_space<vmem>> -> memref<1024xi32, #tpu.memory_space<vmem>>
    %dma_start3A_90 = tpu.memref_slice %arg2[%select_n3A, %dma_start3A_80, %select_n3A_32] : memref<16x8x2048xi32, #tpu.memory_space<hbm>> -> memref<1x1x1024xi32, #tpu.memory_space<hbm>>
    %dma_start3A_91 = tpu.memref_squeeze %dma_start3A_90 : memref<1x1x1024xi32, #tpu.memory_space<hbm>> -> memref<1024xi32, #tpu.memory_space<hbm>>
    tpu.enqueue_dma source(%dma_start3A_91 : memref<1024xi32, #tpu.memory_space<hbm>>) target(%dma_start3A_89 : memref<1024xi32, #tpu.memory_space<vmem>>) target_semaphore(%arg10 : memref<!tpu.dma_semaphore, #tpu.memory_space<semaphore_mem>>)
    %dma_start3A_92 = arith.constant 5 : i32
    %dma_start3A_93 = arith.constant 5 : i32
    %dma_start3A_94 = arith.constant 0 : i32
    %dma_start3A_95 = tpu.memref_slice %arg5[%dma_start3A_93, %dma_start3A_94] : memref<8x1024xi32, #tpu.memory_space<vmem>> -> memref<1x1024xi32, #tpu.memory_space<vmem>>
    %dma_start3A_96 = tpu.memref_squeeze %dma_start3A_95 : memref<1x1024xi32, #tpu.memory_space<vmem>> -> memref<1024xi32, #tpu.memory_space<vmem>>
    %dma_start3A_97 = tpu.memref_slice %arg2[%select_n3A, %dma_start3A_92, %select_n3A_32] : memref<16x8x2048xi32, #tpu.memory_space<hbm>> -> memref<1x1x1024xi32, #tpu.memory_space<hbm>>
    %dma_start3A_98 = tpu.memref_squeeze %dma_start3A_97 : memref<1x1x1024xi32, #tpu.memory_space<hbm>> -> memref<1024xi32, #tpu.memory_space<hbm>>
    %dma_start3A_99 = arith.constant 0 : i32
    %dma_start3A_100 = tpu.memref_slice %arg5[%dma_start3A_93, %dma_start3A_99] : memref<8x1024xi32, #tpu.memory_space<vmem>> -> memref<1x1024xi32, #tpu.memory_space<vmem>>
    %dma_start3A_101 = tpu.memref_squeeze %dma_start3A_100 : memref<1x1024xi32, #tpu.memory_space<vmem>> -> memref<1024xi32, #tpu.memory_space<vmem>>
    %dma_start3A_102 = tpu.memref_slice %arg2[%select_n3A, %dma_start3A_92, %select_n3A_32] : memref<16x8x2048xi32, #tpu.memory_space<hbm>> -> memref<1x1x1024xi32, #tpu.memory_space<hbm>>
    %dma_start3A_103 = tpu.memref_squeeze %dma_start3A_102 : memref<1x1x1024xi32, #tpu.memory_space<hbm>> -> memref<1024xi32, #tpu.memory_space<hbm>>
    tpu.enqueue_dma source(%dma_start3A_103 : memref<1024xi32, #tpu.memory_space<hbm>>) target(%dma_start3A_101 : memref<1024xi32, #tpu.memory_space<vmem>>) target_semaphore(%arg10 : memref<!tpu.dma_semaphore, #tpu.memory_space<semaphore_mem>>)
    %dma_start3A_104 = arith.constant 6 : i32
    %dma_start3A_105 = arith.constant 6 : i32
    %dma_start3A_106 = arith.constant 0 : i32
    %dma_start3A_107 = tpu.memref_slice %arg5[%dma_start3A_105, %dma_start3A_106] : memref<8x1024xi32, #tpu.memory_space<vmem>> -> memref<1x1024xi32, #tpu.memory_space<vmem>>
    %dma_start3A_108 = tpu.memref_squeeze %dma_start3A_107 : memref<1x1024xi32, #tpu.memory_space<vmem>> -> memref<1024xi32, #tpu.memory_space<vmem>>
    %dma_start3A_109 = tpu.memref_slice %arg2[%select_n3A, %dma_start3A_104, %select_n3A_32] : memref<16x8x2048xi32, #tpu.memory_space<hbm>> -> memref<1x1x1024xi32, #tpu.memory_space<hbm>>
    %dma_start3A_110 = tpu.memref_squeeze %dma_start3A_109 : memref<1x1x1024xi32, #tpu.memory_space<hbm>> -> memref<1024xi32, #tpu.memory_space<hbm>>
    %dma_start3A_111 = arith.constant 0 : i32
    %dma_start3A_112 = tpu.memref_slice %arg5[%dma_start3A_105, %dma_start3A_111] : memref<8x1024xi32, #tpu.memory_space<vmem>> -> memref<1x1024xi32, #tpu.memory_space<vmem>>
    %dma_start3A_113 = tpu.memref_squeeze %dma_start3A_112 : memref<1x1024xi32, #tpu.memory_space<vmem>> -> memref<1024xi32, #tpu.memory_space<vmem>>
    %dma_start3A_114 = tpu.memref_slice %arg2[%select_n3A, %dma_start3A_104, %select_n3A_32] : memref<16x8x2048xi32, #tpu.memory_space<hbm>> -> memref<1x1x1024xi32, #tpu.memory_space<hbm>>
    %dma_start3A_115 = tpu.memref_squeeze %dma_start3A_114 : memref<1x1x1024xi32, #tpu.memory_space<hbm>> -> memref<1024xi32, #tpu.memory_space<hbm>>
    tpu.enqueue_dma source(%dma_start3A_115 : memref<1024xi32, #tpu.memory_space<hbm>>) target(%dma_start3A_113 : memref<1024xi32, #tpu.memory_space<vmem>>) target_semaphore(%arg10 : memref<!tpu.dma_semaphore, #tpu.memory_space<semaphore_mem>>)
    %dma_start3A_116 = arith.constant 7 : i32
    %dma_start3A_117 = arith.constant 7 : i32
    %dma_start3A_118 = arith.constant 0 : i32
    %dma_start3A_119 = tpu.memref_slice %arg5[%dma_start3A_117, %dma_start3A_118] : memref<8x1024xi32, #tpu.memory_space<vmem>> -> memref<1x1024xi32, #tpu.memory_space<vmem>>
    %dma_start3A_120 = tpu.memref_squeeze %dma_start3A_119 : memref<1x1024xi32, #tpu.memory_space<vmem>> -> memref<1024xi32, #tpu.memory_space<vmem>>
    %dma_start3A_121 = tpu.memref_slice %arg2[%select_n3A, %dma_start3A_116, %select_n3A_32] : memref<16x8x2048xi32, #tpu.memory_space<hbm>> -> memref<1x1x1024xi32, #tpu.memory_space<hbm>>
    %dma_start3A_122 = tpu.memref_squeeze %dma_start3A_121 : memref<1x1x1024xi32, #tpu.memory_space<hbm>> -> memref<1024xi32, #tpu.memory_space<hbm>>
    %dma_start3A_123 = arith.constant 0 : i32
    %dma_start3A_124 = tpu.memref_slice %arg5[%dma_start3A_117, %dma_start3A_123] : memref<8x1024xi32, #tpu.memory_space<vmem>> -> memref<1x1024xi32, #tpu.memory_space<vmem>>
    %dma_start3A_125 = tpu.memref_squeeze %dma_start3A_124 : memref<1x1024xi32, #tpu.memory_space<vmem>> -> memref<1024xi32, #tpu.memory_space<vmem>>
    %dma_start3A_126 = tpu.memref_slice %arg2[%select_n3A, %dma_start3A_116, %select_n3A_32] : memref<16x8x2048xi32, #tpu.memory_space<hbm>> -> memref<1x1x1024xi32, #tpu.memory_space<hbm>>
    %dma_start3A_127 = tpu.memref_squeeze %dma_start3A_126 : memref<1x1x1024xi32, #tpu.memory_space<hbm>> -> memref<1024xi32, #tpu.memory_space<hbm>>
    tpu.enqueue_dma source(%dma_start3A_127 : memref<1024xi32, #tpu.memory_space<hbm>>) target(%dma_start3A_125 : memref<1024xi32, #tpu.memory_space<vmem>>) target_semaphore(%arg10 : memref<!tpu.dma_semaphore, #tpu.memory_space<semaphore_mem>>)
    %dma_wait3A = arith.constant 0 : i32
    %dma_wait3A_128 = arith.constant 0 : i32
    %dma_wait3A_129 = arith.constant 0 : i32
    %dma_wait3A_130 = tpu.memref_slice %arg2[%dma_wait3A, %dma_wait3A_128, %dma_wait3A_129] : memref<16x8x2048xi32, #tpu.memory_space<hbm>> -> memref<1x8x1024xi32, #tpu.memory_space<hbm>>
    %dma_wait3A_131 = tpu.memref_squeeze %dma_wait3A_130 : memref<1x8x1024xi32, #tpu.memory_space<hbm>> -> memref<8x1024xi32, #tpu.memory_space<hbm>>
    %dma_wait3A_132 = arith.constant 0 : i32
    %dma_wait3A_133 = arith.constant 0 : i32
    %dma_wait3A_134 = tpu.memref_slice %arg2[%dma_wait3A, %dma_wait3A_132, %dma_wait3A_133] : memref<16x8x2048xi32, #tpu.memory_space<hbm>> -> memref<1x8x1024xi32, #tpu.memory_space<hbm>>
    %dma_wait3A_135 = tpu.memref_squeeze %dma_wait3A_134 : memref<1x8x1024xi32, #tpu.memory_space<hbm>> -> memref<8x1024xi32, #tpu.memory_space<hbm>>
    tpu.wait_dma2 semaphore(%arg10 : memref<!tpu.dma_semaphore, #tpu.memory_space<semaphore_mem>>) src(%dma_wait3A_135 : memref<8x1024xi32, #tpu.memory_space<hbm>>) dst(%arg5 : memref<8x1024xi32, #tpu.memory_space<vmem>>)
    %scan3A = arith.constant 0 : i32
    %scan3A_136 = arith.constant 0 : i32
    %scan3A_137 = arith.constant 64 : i32
    %scan3A_138 = arith.addi %scan3A_136, %scan3A_137 : i32
    %scan3A_139 = arith.constant 1 : i32
    scf.for %scan3A_337 = %scan3A_136 to %scan3A_138 step %scan3A_139  : i32 {
      %mul3A_338 = arith.constant 16 : i32
      %mul3A_339 = arith.muli %scan3A_337, %mul3A_338 : i32
      %get3A = arith.constant 1 : i32
      %get3A_340 = arith.index_cast %get3A : i32 to index
      %get3A_341 = arith.index_cast %mul3A_339 : i32 to index
      %get3A_342 = tpu.vector_load %arg5[%get3A_340, %get3A_341] {strides = array<i32>} : memref<8x1024xi32, #tpu.memory_space<vmem>>, vector<1x16xi32>,
      %get3A_343 = vector.shape_cast %get3A_342 : vector<1x16xi32> to vector<16xi32>
      %add3A_344 = arith.constant 2048 : i32
      %add3A_345 = vector.broadcast %add3A_344 : i32 to vector<16xi32>
      %add3A_346 = arith.addi %get3A_343, %add3A_345 : vector<16xi32>
      %swap3A = arith.constant 1 : i32
      %swap3A_347 = arith.index_cast %swap3A : i32 to index
      %swap3A_348 = arith.index_cast %mul3A_339 : i32 to index
      %swap3A_349 = tpu.vector_load %arg5[%swap3A_347, %swap3A_348] {strides = array<i32>} : memref<8x1024xi32, #tpu.memory_space<vmem>>, vector<1x16xi32>,
      %swap3A_350 = vector.shape_cast %swap3A_349 : vector<1x16xi32> to vector<16xi32>
      %swap3A_351 = vector.shape_cast %add3A_346 : vector<16xi32> to vector<1x16xi32>
      tpu.vector_store %arg5[%swap3A_347, %swap3A_348], %swap3A_351 {strides = array<i32>} : memref<8x1024xi32, #tpu.memory_space<vmem>>, vector<1x16xi32>,
      %mul3A_352 = arith.constant 16 : i32
      %mul3A_353 = arith.muli %scan3A_337, %mul3A_352 : i32
      %get3A_354 = arith.constant 2 : i32
      %get3A_355 = arith.index_cast %get3A_354 : i32 to index
      %get3A_356 = arith.index_cast %mul3A_353 : i32 to index
      %get3A_357 = tpu.vector_load %arg5[%get3A_355, %get3A_356] {strides = array<i32>} : memref<8x1024xi32, #tpu.memory_space<vmem>>, vector<1x16xi32>,
      %get3A_358 = vector.shape_cast %get3A_357 : vector<1x16xi32> to vector<16xi32>
      %add3A_359 = arith.constant 4096 : i32
      %add3A_360 = vector.broadcast %add3A_359 : i32 to vector<16xi32>
      %add3A_361 = arith.addi %get3A_358, %add3A_360 : vector<16xi32>
      %swap3A_362 = arith.constant 2 : i32
      %swap3A_363 = arith.index_cast %swap3A_362 : i32 to index
      %swap3A_364 = arith.index_cast %mul3A_353 : i32 to index
      %swap3A_365 = tpu.vector_load %arg5[%swap3A_363, %swap3A_364] {strides = array<i32>} : memref<8x1024xi32, #tpu.memory_space<vmem>>, vector<1x16xi32>,
      %swap3A_366 = vector.shape_cast %swap3A_365 : vector<1x16xi32> to vector<16xi32>
      %swap3A_367 = vector.shape_cast %add3A_361 : vector<16xi32> to vector<1x16xi32>
      tpu.vector_store %arg5[%swap3A_363, %swap3A_364], %swap3A_367 {strides = array<i32>} : memref<8x1024xi32, #tpu.memory_space<vmem>>, vector<1x16xi32>,
      %mul3A_368 = arith.constant 16 : i32
      %mul3A_369 = arith.muli %scan3A_337, %mul3A_368 : i32
      %get3A_370 = arith.constant 3 : i32
      %get3A_371 = arith.index_cast %get3A_370 : i32 to index
      %get3A_372 = arith.index_cast %mul3A_369 : i32 to index
      %get3A_373 = tpu.vector_load %arg5[%get3A_371, %get3A_372] {strides = array<i32>} : memref<8x1024xi32, #tpu.memory_space<vmem>>, vector<1x16xi32>,
      %get3A_374 = vector.shape_cast %get3A_373 : vector<1x16xi32> to vector<16xi32>
      %add3A_375 = arith.constant 6144 : i32
      %add3A_376 = vector.broadcast %add3A_375 : i32 to vector<16xi32>
      %add3A_377 = arith.addi %get3A_374, %add3A_376 : vector<16xi32>
      %swap3A_378 = arith.constant 3 : i32
      %swap3A_379 = arith.index_cast %swap3A_378 : i32 to index
      %swap3A_380 = arith.index_cast %mul3A_369 : i32 to index
      %swap3A_381 = tpu.vector_load %arg5[%swap3A_379, %swap3A_380] {strides = array<i32>} : memref<8x1024xi32, #tpu.memory_space<vmem>>, vector<1x16xi32>,
      %swap3A_382 = vector.shape_cast %swap3A_381 : vector<1x16xi32> to vector<16xi32>
      %swap3A_383 = vector.shape_cast %add3A_377 : vector<16xi32> to vector<1x16xi32>
      tpu.vector_store %arg5[%swap3A_379, %swap3A_380], %swap3A_383 {strides = array<i32>} : memref<8x1024xi32, #tpu.memory_space<vmem>>, vector<1x16xi32>,
      %mul3A_384 = arith.constant 16 : i32
      %mul3A_385 = arith.muli %scan3A_337, %mul3A_384 : i32
      %get3A_386 = arith.constant 4 : i32
      %get3A_387 = arith.index_cast %get3A_386 : i32 to index
      %get3A_388 = arith.index_cast %mul3A_385 : i32 to index
      %get3A_389 = tpu.vector_load %arg5[%get3A_387, %get3A_388] {strides = array<i32>} : memref<8x1024xi32, #tpu.memory_space<vmem>>, vector<1x16xi32>,
      %get3A_390 = vector.shape_cast %get3A_389 : vector<1x16xi32> to vector<16xi32>
      %add3A_391 = arith.constant 8192 : i32
      %add3A_392 = vector.broadcast %add3A_391 : i32 to vector<16xi32>
      %add3A_393 = arith.addi %get3A_390, %add3A_392 : vector<16xi32>
      %swap3A_394 = arith.constant 4 : i32
      %swap3A_395 = arith.index_cast %swap3A_394 : i32 to index
      %swap3A_396 = arith.index_cast %mul3A_385 : i32 to index
      %swap3A_397 = tpu.vector_load %arg5[%swap3A_395, %swap3A_396] {strides = array<i32>} : memref<8x1024xi32, #tpu.memory_space<vmem>>, vector<1x16xi32>,
      %swap3A_398 = vector.shape_cast %swap3A_397 : vector<1x16xi32> to vector<16xi32>
      %swap3A_399 = vector.shape_cast %add3A_393 : vector<16xi32> to vector<1x16xi32>
      tpu.vector_store %arg5[%swap3A_395, %swap3A_396], %swap3A_399 {strides = array<i32>} : memref<8x1024xi32, #tpu.memory_space<vmem>>, vector<1x16xi32>,
      %mul3A_400 = arith.constant 16 : i32
      %mul3A_401 = arith.muli %scan3A_337, %mul3A_400 : i32
      %get3A_402 = arith.constant 5 : i32
      %get3A_403 = arith.index_cast %get3A_402 : i32 to index
      %get3A_404 = arith.index_cast %mul3A_401 : i32 to index
      %get3A_405 = tpu.vector_load %arg5[%get3A_403, %get3A_404] {strides = array<i32>} : memref<8x1024xi32, #tpu.memory_space<vmem>>, vector<1x16xi32>,
      %get3A_406 = vector.shape_cast %get3A_405 : vector<1x16xi32> to vector<16xi32>
      %add3A_407 = arith.constant 10240 : i32
      %add3A_408 = vector.broadcast %add3A_407 : i32 to vector<16xi32>
      %add3A_409 = arith.addi %get3A_406, %add3A_408 : vector<16xi32>
      %swap3A_410 = arith.constant 5 : i32
      %swap3A_411 = arith.index_cast %swap3A_410 : i32 to index
      %swap3A_412 = arith.index_cast %mul3A_401 : i32 to index
      %swap3A_413 = tpu.vector_load %arg5[%swap3A_411, %swap3A_412] {strides = array<i32>} : memref<8x1024xi32, #tpu.memory_space<vmem>>, vector<1x16xi32>,
      %swap3A_414 = vector.shape_cast %swap3A_413 : vector<1x16xi32> to vector<16xi32>
      %swap3A_415 = vector.shape_cast %add3A_409 : vector<16xi32> to vector<1x16xi32>
      tpu.vector_store %arg5[%swap3A_411, %swap3A_412], %swap3A_415 {strides = array<i32>} : memref<8x1024xi32, #tpu.memory_space<vmem>>, vector<1x16xi32>,
      %mul3A_416 = arith.constant 16 : i32
      %mul3A_417 = arith.muli %scan3A_337, %mul3A_416 : i32
      %get3A_418 = arith.constant 6 : i32
      %get3A_419 = arith.index_cast %get3A_418 : i32 to index
      %get3A_420 = arith.index_cast %mul3A_417 : i32 to index
      %get3A_421 = tpu.vector_load %arg5[%get3A_419, %get3A_420] {strides = array<i32>} : memref<8x1024xi32, #tpu.memory_space<vmem>>, vector<1x16xi32>,
      %get3A_422 = vector.shape_cast %get3A_421 : vector<1x16xi32> to vector<16xi32>
      %add3A_423 = arith.constant 12288 : i32
      %add3A_424 = vector.broadcast %add3A_423 : i32 to vector<16xi32>
      %add3A_425 = arith.addi %get3A_422, %add3A_424 : vector<16xi32>
      %swap3A_426 = arith.constant 6 : i32
      %swap3A_427 = arith.index_cast %swap3A_426 : i32 to index
      %swap3A_428 = arith.index_cast %mul3A_417 : i32 to index
      %swap3A_429 = tpu.vector_load %arg5[%swap3A_427, %swap3A_428] {strides = array<i32>} : memref<8x1024xi32, #tpu.memory_space<vmem>>, vector<1x16xi32>,
      %swap3A_430 = vector.shape_cast %swap3A_429 : vector<1x16xi32> to vector<16xi32>
      %swap3A_431 = vector.shape_cast %add3A_425 : vector<16xi32> to vector<1x16xi32>
      tpu.vector_store %arg5[%swap3A_427, %swap3A_428], %swap3A_431 {strides = array<i32>} : memref<8x1024xi32, #tpu.memory_space<vmem>>, vector<1x16xi32>,
      %mul3A_432 = arith.constant 16 : i32
      %mul3A_433 = arith.muli %scan3A_337, %mul3A_432 : i32
      %get3A_434 = arith.constant 7 : i32
      %get3A_435 = arith.index_cast %get3A_434 : i32 to index
      %get3A_436 = arith.index_cast %mul3A_433 : i32 to index
      %get3A_437 = tpu.vector_load %arg5[%get3A_435, %get3A_436] {strides = array<i32>} : memref<8x1024xi32, #tpu.memory_space<vmem>>, vector<1x16xi32>,
      %get3A_438 = vector.shape_cast %get3A_437 : vector<1x16xi32> to vector<16xi32>
      %add3A_439 = arith.constant 14336 : i32
      %add3A_440 = vector.broadcast %add3A_439 : i32 to vector<16xi32>
      %add3A_441 = arith.addi %get3A_438, %add3A_440 : vector<16xi32>
      %swap3A_442 = arith.constant 7 : i32
      %swap3A_443 = arith.index_cast %swap3A_442 : i32 to index
      %swap3A_444 = arith.index_cast %mul3A_433 : i32 to index
      %swap3A_445 = tpu.vector_load %arg5[%swap3A_443, %swap3A_444] {strides = array<i32>} : memref<8x1024xi32, #tpu.memory_space<vmem>>, vector<1x16xi32>,
      %swap3A_446 = vector.shape_cast %swap3A_445 : vector<1x16xi32> to vector<16xi32>
      %swap3A_447 = vector.shape_cast %add3A_441 : vector<16xi32> to vector<1x16xi32>
      tpu.vector_store %arg5[%swap3A_443, %swap3A_444], %swap3A_447 {strides = array<i32>} : memref<8x1024xi32, #tpu.memory_space<vmem>>, vector<1x16xi32>,
    }
    %scan3A_140 = arith.constant 64 : i32
    %dma_start3A_141 = arith.constant 0 : i32
    %dma_start3A_142 = arith.constant 0 : i32
    %dma_start3A_143 = arith.constant 0 : i32
    %dma_start3A_144 = tpu.memref_slice %arg6[%dma_start3A_142, %dma_start3A_143] : memref<64x512xi32, #tpu.memory_space<vmem>> -> memref<8x512xi32, #tpu.memory_space<vmem>>
    %dma_start3A_145 = arith.constant 0 : i32
    %dma_start3A_146 = tpu.memref_slice %arg5[%dma_start3A_141, %dma_start3A_145] : memref<8x1024xi32, #tpu.memory_space<vmem>> -> memref<1x8xi32, #tpu.memory_space<vmem>>
    %dma_start3A_147 = tpu.memref_squeeze %dma_start3A_146 : memref<1x8xi32, #tpu.memory_space<vmem>> -> memref<8xi32, #tpu.memory_space<vmem>>
    %dma_start3A_148 = arith.constant 0 : i32
    %dma_start3A_149 = arith.constant 0 : i32
    %dma_start3A_150 = tpu.memref_slice %arg3[%dma_start3A_148, %dma_start3A_149] : memref<16384x512xi32, #tpu.memory_space<hbm>> -> memref<16384x512xi32, #tpu.memory_space<hbm>>
    tpu.enqueue_indirect_dma source(%dma_start3A_150 : memref<16384x512xi32, #tpu.memory_space<hbm>>) target(%dma_start3A_144 : memref<8x512xi32, #tpu.memory_space<vmem>>) offsets(%dma_start3A_147 : memref<8xi32, #tpu.memory_space<vmem>>) semaphore(%arg11 : memref<!tpu.dma_semaphore, #tpu.memory_space<semaphore_mem>>)
    %dma_start3A_151 = arith.constant 1 : i32
    %dma_start3A_152 = arith.constant 8 : i32
    %dma_start3A_153 = arith.constant 0 : i32
    %dma_start3A_154 = tpu.memref_slice %arg6[%dma_start3A_152, %dma_start3A_153] : memref<64x512xi32, #tpu.memory_space<vmem>> -> memref<8x512xi32, #tpu.memory_space<vmem>>
    %dma_start3A_155 = arith.constant 0 : i32
    %dma_start3A_156 = tpu.memref_slice %arg5[%dma_start3A_151, %dma_start3A_155] : memref<8x1024xi32, #tpu.memory_space<vmem>> -> memref<1x8xi32, #tpu.memory_space<vmem>>
    %dma_start3A_157 = tpu.memref_squeeze %dma_start3A_156 : memref<1x8xi32, #tpu.memory_space<vmem>> -> memref<8xi32, #tpu.memory_space<vmem>>
    %dma_start3A_158 = arith.constant 0 : i32
    %dma_start3A_159 = arith.constant 0 : i32
    %dma_start3A_160 = tpu.memref_slice %arg3[%dma_start3A_158, %dma_start3A_159] : memref<16384x512xi32, #tpu.memory_space<hbm>> -> memref<16384x512xi32, #tpu.memory_space<hbm>>
    tpu.enqueue_indirect_dma source(%dma_start3A_160 : memref<16384x512xi32, #tpu.memory_space<hbm>>) target(%dma_start3A_154 : memref<8x512xi32, #tpu.memory_space<vmem>>) offsets(%dma_start3A_157 : memref<8xi32, #tpu.memory_space<vmem>>) semaphore(%arg11 : memref<!tpu.dma_semaphore, #tpu.memory_space<semaphore_mem>>)
    %dma_start3A_161 = arith.constant 2 : i32
    %dma_start3A_162 = arith.constant 16 : i32
    %dma_start3A_163 = arith.constant 0 : i32
    %dma_start3A_164 = tpu.memref_slice %arg6[%dma_start3A_162, %dma_start3A_163] : memref<64x512xi32, #tpu.memory_space<vmem>> -> memref<8x512xi32, #tpu.memory_space<vmem>>
    %dma_start3A_165 = arith.constant 0 : i32
    %dma_start3A_166 = tpu.memref_slice %arg5[%dma_start3A_161, %dma_start3A_165] : memref<8x1024xi32, #tpu.memory_space<vmem>> -> memref<1x8xi32, #tpu.memory_space<vmem>>
    %dma_start3A_167 = tpu.memref_squeeze %dma_start3A_166 : memref<1x8xi32, #tpu.memory_space<vmem>> -> memref<8xi32, #tpu.memory_space<vmem>>
    %dma_start3A_168 = arith.constant 0 : i32
    %dma_start3A_169 = arith.constant 0 : i32
    %dma_start3A_170 = tpu.memref_slice %arg3[%dma_start3A_168, %dma_start3A_169] : memref<16384x512xi32, #tpu.memory_space<hbm>> -> memref<16384x512xi32, #tpu.memory_space<hbm>>
    tpu.enqueue_indirect_dma source(%dma_start3A_170 : memref<16384x512xi32, #tpu.memory_space<hbm>>) target(%dma_start3A_164 : memref<8x512xi32, #tpu.memory_space<vmem>>) offsets(%dma_start3A_167 : memref<8xi32, #tpu.memory_space<vmem>>) semaphore(%arg11 : memref<!tpu.dma_semaphore, #tpu.memory_space<semaphore_mem>>)
    %dma_start3A_171 = arith.constant 3 : i32
    %dma_start3A_172 = arith.constant 24 : i32
    %dma_start3A_173 = arith.constant 0 : i32
    %dma_start3A_174 = tpu.memref_slice %arg6[%dma_start3A_172, %dma_start3A_173] : memref<64x512xi32, #tpu.memory_space<vmem>> -> memref<8x512xi32, #tpu.memory_space<vmem>>
    %dma_start3A_175 = arith.constant 0 : i32
    %dma_start3A_176 = tpu.memref_slice %arg5[%dma_start3A_171, %dma_start3A_175] : memref<8x1024xi32, #tpu.memory_space<vmem>> -> memref<1x8xi32, #tpu.memory_space<vmem>>
    %dma_start3A_177 = tpu.memref_squeeze %dma_start3A_176 : memref<1x8xi32, #tpu.memory_space<vmem>> -> memref<8xi32, #tpu.memory_space<vmem>>
    %dma_start3A_178 = arith.constant 0 : i32
    %dma_start3A_179 = arith.constant 0 : i32
    %dma_start3A_180 = tpu.memref_slice %arg3[%dma_start3A_178, %dma_start3A_179] : memref<16384x512xi32, #tpu.memory_space<hbm>> -> memref<16384x512xi32, #tpu.memory_space<hbm>>
    tpu.enqueue_indirect_dma source(%dma_start3A_180 : memref<16384x512xi32, #tpu.memory_space<hbm>>) target(%dma_start3A_174 : memref<8x512xi32, #tpu.memory_space<vmem>>) offsets(%dma_start3A_177 : memref<8xi32, #tpu.memory_space<vmem>>) semaphore(%arg11 : memref<!tpu.dma_semaphore, #tpu.memory_space<semaphore_mem>>)
    %dma_start3A_181 = arith.constant 4 : i32
    %dma_start3A_182 = arith.constant 32 : i32
    %dma_start3A_183 = arith.constant 0 : i32
    %dma_start3A_184 = tpu.memref_slice %arg6[%dma_start3A_182, %dma_start3A_183] : memref<64x512xi32, #tpu.memory_space<vmem>> -> memref<8x512xi32, #tpu.memory_space<vmem>>
    %dma_start3A_185 = arith.constant 0 : i32
    %dma_start3A_186 = tpu.memref_slice %arg5[%dma_start3A_181, %dma_start3A_185] : memref<8x1024xi32, #tpu.memory_space<vmem>> -> memref<1x8xi32, #tpu.memory_space<vmem>>
    %dma_start3A_187 = tpu.memref_squeeze %dma_start3A_186 : memref<1x8xi32, #tpu.memory_space<vmem>> -> memref<8xi32, #tpu.memory_space<vmem>>
    %dma_start3A_188 = arith.constant 0 : i32
    %dma_start3A_189 = arith.constant 0 : i32
    %dma_start3A_190 = tpu.memref_slice %arg3[%dma_start3A_188, %dma_start3A_189] : memref<16384x512xi32, #tpu.memory_space<hbm>> -> memref<16384x512xi32, #tpu.memory_space<hbm>>
    tpu.enqueue_indirect_dma source(%dma_start3A_190 : memref<16384x512xi32, #tpu.memory_space<hbm>>) target(%dma_start3A_184 : memref<8x512xi32, #tpu.memory_space<vmem>>) offsets(%dma_start3A_187 : memref<8xi32, #tpu.memory_space<vmem>>) semaphore(%arg11 : memref<!tpu.dma_semaphore, #tpu.memory_space<semaphore_mem>>)
    %dma_start3A_191 = arith.constant 5 : i32
    %dma_start3A_192 = arith.constant 40 : i32
    %dma_start3A_193 = arith.constant 0 : i32
    %dma_start3A_194 = tpu.memref_slice %arg6[%dma_start3A_192, %dma_start3A_193] : memref<64x512xi32, #tpu.memory_space<vmem>> -> memref<8x512xi32, #tpu.memory_space<vmem>>
    %dma_start3A_195 = arith.constant 0 : i32
    %dma_start3A_196 = tpu.memref_slice %arg5[%dma_start3A_191, %dma_start3A_195] : memref<8x1024xi32, #tpu.memory_space<vmem>> -> memref<1x8xi32, #tpu.memory_space<vmem>>
    %dma_start3A_197 = tpu.memref_squeeze %dma_start3A_196 : memref<1x8xi32, #tpu.memory_space<vmem>> -> memref<8xi32, #tpu.memory_space<vmem>>
    %dma_start3A_198 = arith.constant 0 : i32
    %dma_start3A_199 = arith.constant 0 : i32
    %dma_start3A_200 = tpu.memref_slice %arg3[%dma_start3A_198, %dma_start3A_199] : memref<16384x512xi32, #tpu.memory_space<hbm>> -> memref<16384x512xi32, #tpu.memory_space<hbm>>
    tpu.enqueue_indirect_dma source(%dma_start3A_200 : memref<16384x512xi32, #tpu.memory_space<hbm>>) target(%dma_start3A_194 : memref<8x512xi32, #tpu.memory_space<vmem>>) offsets(%dma_start3A_197 : memref<8xi32, #tpu.memory_space<vmem>>) semaphore(%arg11 : memref<!tpu.dma_semaphore, #tpu.memory_space<semaphore_mem>>)
    %dma_start3A_201 = arith.constant 6 : i32
    %dma_start3A_202 = arith.constant 48 : i32
    %dma_start3A_203 = arith.constant 0 : i32
    %dma_start3A_204 = tpu.memref_slice %arg6[%dma_start3A_202, %dma_start3A_203] : memref<64x512xi32, #tpu.memory_space<vmem>> -> memref<8x512xi32, #tpu.memory_space<vmem>>
    %dma_start3A_205 = arith.constant 0 : i32
    %dma_start3A_206 = tpu.memref_slice %arg5[%dma_start3A_201, %dma_start3A_205] : memref<8x1024xi32, #tpu.memory_space<vmem>> -> memref<1x8xi32, #tpu.memory_space<vmem>>
    %dma_start3A_207 = tpu.memref_squeeze %dma_start3A_206 : memref<1x8xi32, #tpu.memory_space<vmem>> -> memref<8xi32, #tpu.memory_space<vmem>>
    %dma_start3A_208 = arith.constant 0 : i32
    %dma_start3A_209 = arith.constant 0 : i32
    %dma_start3A_210 = tpu.memref_slice %arg3[%dma_start3A_208, %dma_start3A_209] : memref<16384x512xi32, #tpu.memory_space<hbm>> -> memref<16384x512xi32, #tpu.memory_space<hbm>>
    tpu.enqueue_indirect_dma source(%dma_start3A_210 : memref<16384x512xi32, #tpu.memory_space<hbm>>) target(%dma_start3A_204 : memref<8x512xi32, #tpu.memory_space<vmem>>) offsets(%dma_start3A_207 : memref<8xi32, #tpu.memory_space<vmem>>) semaphore(%arg11 : memref<!tpu.dma_semaphore, #tpu.memory_space<semaphore_mem>>)
    %dma_start3A_211 = arith.constant 7 : i32
    %dma_start3A_212 = arith.constant 56 : i32
    %dma_start3A_213 = arith.constant 0 : i32
    %dma_start3A_214 = tpu.memref_slice %arg6[%dma_start3A_212, %dma_start3A_213] : memref<64x512xi32, #tpu.memory_space<vmem>> -> memref<8x512xi32, #tpu.memory_space<vmem>>
    %dma_start3A_215 = arith.constant 0 : i32
    %dma_start3A_216 = tpu.memref_slice %arg5[%dma_start3A_211, %dma_start3A_215] : memref<8x1024xi32, #tpu.memory_space<vmem>> -> memref<1x8xi32, #tpu.memory_space<vmem>>
    %dma_start3A_217 = tpu.memref_squeeze %dma_start3A_216 : memref<1x8xi32, #tpu.memory_space<vmem>> -> memref<8xi32, #tpu.memory_space<vmem>>
    %dma_start3A_218 = arith.constant 0 : i32
    %dma_start3A_219 = arith.constant 0 : i32
    %dma_start3A_220 = tpu.memref_slice %arg3[%dma_start3A_218, %dma_start3A_219] : memref<16384x512xi32, #tpu.memory_space<hbm>> -> memref<16384x512xi32, #tpu.memory_space<hbm>>
    tpu.enqueue_indirect_dma source(%dma_start3A_220 : memref<16384x512xi32, #tpu.memory_space<hbm>>) target(%dma_start3A_214 : memref<8x512xi32, #tpu.memory_space<vmem>>) offsets(%dma_start3A_217 : memref<8xi32, #tpu.memory_space<vmem>>) semaphore(%arg11 : memref<!tpu.dma_semaphore, #tpu.memory_space<semaphore_mem>>)
    %dma_start3A_221 = arith.constant 0 : i32
    %dma_start3A_222 = arith.constant 0 : i32
    %dma_start3A_223 = arith.constant 0 : i32
    %dma_start3A_224 = tpu.memref_slice %arg7[%dma_start3A_222, %dma_start3A_223] : memref<64x512xi32, #tpu.memory_space<vmem>> -> memref<8x512xi32, #tpu.memory_space<vmem>>
    %dma_start3A_225 = arith.constant 8 : i32
    %dma_start3A_226 = tpu.memref_slice %arg5[%dma_start3A_221, %dma_start3A_225] : memref<8x1024xi32, #tpu.memory_space<vmem>> -> memref<1x8xi32, #tpu.memory_space<vmem>>
    %dma_start3A_227 = tpu.memref_squeeze %dma_start3A_226 : memref<1x8xi32, #tpu.memory_space<vmem>> -> memref<8xi32, #tpu.memory_space<vmem>>
    %dma_start3A_228 = arith.constant 0 : i32
    %dma_start3A_229 = arith.constant 0 : i32
    %dma_start3A_230 = tpu.memref_slice %arg3[%dma_start3A_228, %dma_start3A_229] : memref<16384x512xi32, #tpu.memory_space<hbm>> -> memref<16384x512xi32, #tpu.memory_space<hbm>>
    tpu.enqueue_indirect_dma source(%dma_start3A_230 : memref<16384x512xi32, #tpu.memory_space<hbm>>) target(%dma_start3A_224 : memref<8x512xi32, #tpu.memory_space<vmem>>) offsets(%dma_start3A_227 : memref<8xi32, #tpu.memory_space<vmem>>) semaphore(%arg12 : memref<!tpu.dma_semaphore, #tpu.memory_space<semaphore_mem>>)
    %dma_start3A_231 = arith.constant 1 : i32
    %dma_start3A_232 = arith.constant 8 : i32
    %dma_start3A_233 = arith.constant 0 : i32
    %dma_start3A_234 = tpu.memref_slice %arg7[%dma_start3A_232, %dma_start3A_233] : memref<64x512xi32, #tpu.memory_space<vmem>> -> memref<8x512xi32, #tpu.memory_space<vmem>>
    %dma_start3A_235 = arith.constant 8 : i32
    %dma_start3A_236 = tpu.memref_slice %arg5[%dma_start3A_231, %dma_start3A_235] : memref<8x1024xi32, #tpu.memory_space<vmem>> -> memref<1x8xi32, #tpu.memory_space<vmem>>
    %dma_start3A_237 = tpu.memref_squeeze %dma_start3A_236 : memref<1x8xi32, #tpu.memory_space<vmem>> -> memref<8xi32, #tpu.memory_space<vmem>>
    %dma_start3A_238 = arith.constant 0 : i32
    %dma_start3A_239 = arith.constant 0 : i32
    %dma_start3A_240 = tpu.memref_slice %arg3[%dma_start3A_238, %dma_start3A_239] : memref<16384x512xi32, #tpu.memory_space<hbm>> -> memref<16384x512xi32, #tpu.memory_space<hbm>>
    tpu.enqueue_indirect_dma source(%dma_start3A_240 : memref<16384x512xi32, #tpu.memory_space<hbm>>) target(%dma_start3A_234 : memref<8x512xi32, #tpu.memory_space<vmem>>) offsets(%dma_start3A_237 : memref<8xi32, #tpu.memory_space<vmem>>) semaphore(%arg12 : memref<!tpu.dma_semaphore, #tpu.memory_space<semaphore_mem>>)
    %dma_start3A_241 = arith.constant 2 : i32
    %dma_start3A_242 = arith.constant 16 : i32
    %dma_start3A_243 = arith.constant 0 : i32
    %dma_start3A_244 = tpu.memref_slice %arg7[%dma_start3A_242, %dma_start3A_243] : memref<64x512xi32, #tpu.memory_space<vmem>> -> memref<8x512xi32, #tpu.memory_space<vmem>>
    %dma_start3A_245 = arith.constant 8 : i32
    %dma_start3A_246 = tpu.memref_slice %arg5[%dma_start3A_241, %dma_start3A_245] : memref<8x1024xi32, #tpu.memory_space<vmem>> -> memref<1x8xi32, #tpu.memory_space<vmem>>
    %dma_start3A_247 = tpu.memref_squeeze %dma_start3A_246 : memref<1x8xi32, #tpu.memory_space<vmem>> -> memref<8xi32, #tpu.memory_space<vmem>>
    %dma_start3A_248 = arith.constant 0 : i32
    %dma_start3A_249 = arith.constant 0 : i32
    %dma_start3A_250 = tpu.memref_slice %arg3[%dma_start3A_248, %dma_start3A_249] : memref<16384x512xi32, #tpu.memory_space<hbm>> -> memref<16384x512xi32, #tpu.memory_space<hbm>>
    tpu.enqueue_indirect_dma source(%dma_start3A_250 : memref<16384x512xi32, #tpu.memory_space<hbm>>) target(%dma_start3A_244 : memref<8x512xi32, #tpu.memory_space<vmem>>) offsets(%dma_start3A_247 : memref<8xi32, #tpu.memory_space<vmem>>) semaphore(%arg12 : memref<!tpu.dma_semaphore, #tpu.memory_space<semaphore_mem>>)
    %dma_start3A_251 = arith.constant 3 : i32
    %dma_start3A_252 = arith.constant 24 : i32
    %dma_start3A_253 = arith.constant 0 : i32
    %dma_start3A_254 = tpu.memref_slice %arg7[%dma_start3A_252, %dma_start3A_253] : memref<64x512xi32, #tpu.memory_space<vmem>> -> memref<8x512xi32, #tpu.memory_space<vmem>>
    %dma_start3A_255 = arith.constant 8 : i32
    %dma_start3A_256 = tpu.memref_slice %arg5[%dma_start3A_251, %dma_start3A_255] : memref<8x1024xi32, #tpu.memory_space<vmem>> -> memref<1x8xi32, #tpu.memory_space<vmem>>
    %dma_start3A_257 = tpu.memref_squeeze %dma_start3A_256 : memref<1x8xi32, #tpu.memory_space<vmem>> -> memref<8xi32, #tpu.memory_space<vmem>>
    %dma_start3A_258 = arith.constant 0 : i32
    %dma_start3A_259 = arith.constant 0 : i32
    %dma_start3A_260 = tpu.memref_slice %arg3[%dma_start3A_258, %dma_start3A_259] : memref<16384x512xi32, #tpu.memory_space<hbm>> -> memref<16384x512xi32, #tpu.memory_space<hbm>>
    tpu.enqueue_indirect_dma source(%dma_start3A_260 : memref<16384x512xi32, #tpu.memory_space<hbm>>) target(%dma_start3A_254 : memref<8x512xi32, #tpu.memory_space<vmem>>) offsets(%dma_start3A_257 : memref<8xi32, #tpu.memory_space<vmem>>) semaphore(%arg12 : memref<!tpu.dma_semaphore, #tpu.memory_space<semaphore_mem>>)
    %dma_start3A_261 = arith.constant 4 : i32
    %dma_start3A_262 = arith.constant 32 : i32
    %dma_start3A_263 = arith.constant 0 : i32
    %dma_start3A_264 = tpu.memref_slice %arg7[%dma_start3A_262, %dma_start3A_263] : memref<64x512xi32, #tpu.memory_space<vmem>> -> memref<8x512xi32, #tpu.memory_space<vmem>>
    %dma_start3A_265 = arith.constant 8 : i32
    %dma_start3A_266 = tpu.memref_slice %arg5[%dma_start3A_261, %dma_start3A_265] : memref<8x1024xi32, #tpu.memory_space<vmem>> -> memref<1x8xi32, #tpu.memory_space<vmem>>
    %dma_start3A_267 = tpu.memref_squeeze %dma_start3A_266 : memref<1x8xi32, #tpu.memory_space<vmem>> -> memref<8xi32, #tpu.memory_space<vmem>>
    %dma_start3A_268 = arith.constant 0 : i32
    %dma_start3A_269 = arith.constant 0 : i32
    %dma_start3A_270 = tpu.memref_slice %arg3[%dma_start3A_268, %dma_start3A_269] : memref<16384x512xi32, #tpu.memory_space<hbm>> -> memref<16384x512xi32, #tpu.memory_space<hbm>>
    tpu.enqueue_indirect_dma source(%dma_start3A_270 : memref<16384x512xi32, #tpu.memory_space<hbm>>) target(%dma_start3A_264 : memref<8x512xi32, #tpu.memory_space<vmem>>) offsets(%dma_start3A_267 : memref<8xi32, #tpu.memory_space<vmem>>) semaphore(%arg12 : memref<!tpu.dma_semaphore, #tpu.memory_space<semaphore_mem>>)
    %dma_start3A_271 = arith.constant 5 : i32
    %dma_start3A_272 = arith.constant 40 : i32
    %dma_start3A_273 = arith.constant 0 : i32
    %dma_start3A_274 = tpu.memref_slice %arg7[%dma_start3A_272, %dma_start3A_273] : memref<64x512xi32, #tpu.memory_space<vmem>> -> memref<8x512xi32, #tpu.memory_space<vmem>>
    %dma_start3A_275 = arith.constant 8 : i32
    %dma_start3A_276 = tpu.memref_slice %arg5[%dma_start3A_271, %dma_start3A_275] : memref<8x1024xi32, #tpu.memory_space<vmem>> -> memref<1x8xi32, #tpu.memory_space<vmem>>
    %dma_start3A_277 = tpu.memref_squeeze %dma_start3A_276 : memref<1x8xi32, #tpu.memory_space<vmem>> -> memref<8xi32, #tpu.memory_space<vmem>>
    %dma_start3A_278 = arith.constant 0 : i32
    %dma_start3A_279 = arith.constant 0 : i32
    %dma_start3A_280 = tpu.memref_slice %arg3[%dma_start3A_278, %dma_start3A_279] : memref<16384x512xi32, #tpu.memory_space<hbm>> -> memref<16384x512xi32, #tpu.memory_space<hbm>>
    tpu.enqueue_indirect_dma source(%dma_start3A_280 : memref<16384x512xi32, #tpu.memory_space<hbm>>) target(%dma_start3A_274 : memref<8x512xi32, #tpu.memory_space<vmem>>) offsets(%dma_start3A_277 : memref<8xi32, #tpu.memory_space<vmem>>) semaphore(%arg12 : memref<!tpu.dma_semaphore, #tpu.memory_space<semaphore_mem>>)
    %dma_start3A_281 = arith.constant 6 : i32
    %dma_start3A_282 = arith.constant 48 : i32
    %dma_start3A_283 = arith.constant 0 : i32
    %dma_start3A_284 = tpu.memref_slice %arg7[%dma_start3A_282, %dma_start3A_283] : memref<64x512xi32, #tpu.memory_space<vmem>> -> memref<8x512xi32, #tpu.memory_space<vmem>>
    %dma_start3A_285 = arith.constant 8 : i32
    %dma_start3A_286 = tpu.memref_slice %arg5[%dma_start3A_281, %dma_start3A_285] : memref<8x1024xi32, #tpu.memory_space<vmem>> -> memref<1x8xi32, #tpu.memory_space<vmem>>
    %dma_start3A_287 = tpu.memref_squeeze %dma_start3A_286 : memref<1x8xi32, #tpu.memory_space<vmem>> -> memref<8xi32, #tpu.memory_space<vmem>>
    %dma_start3A_288 = arith.constant 0 : i32
    %dma_start3A_289 = arith.constant 0 : i32
    %dma_start3A_290 = tpu.memref_slice %arg3[%dma_start3A_288, %dma_start3A_289] : memref<16384x512xi32, #tpu.memory_space<hbm>> -> memref<16384x512xi32, #tpu.memory_space<hbm>>
    tpu.enqueue_indirect_dma source(%dma_start3A_290 : memref<16384x512xi32, #tpu.memory_space<hbm>>) target(%dma_start3A_284 : memref<8x512xi32, #tpu.memory_space<vmem>>) offsets(%dma_start3A_287 : memref<8xi32, #tpu.memory_space<vmem>>) semaphore(%arg12 : memref<!tpu.dma_semaphore, #tpu.memory_space<semaphore_mem>>)
    %dma_start3A_291 = arith.constant 7 : i32
    %dma_start3A_292 = arith.constant 56 : i32
    %dma_start3A_293 = arith.constant 0 : i32
    %dma_start3A_294 = tpu.memref_slice %arg7[%dma_start3A_292, %dma_start3A_293] : memref<64x512xi32, #tpu.memory_space<vmem>> -> memref<8x512xi32, #tpu.memory_space<vmem>>
    %dma_start3A_295 = arith.constant 8 : i32
    %dma_start3A_296 = tpu.memref_slice %arg5[%dma_start3A_291, %dma_start3A_295] : memref<8x1024xi32, #tpu.memory_space<vmem>> -> memref<1x8xi32, #tpu.memory_space<vmem>>
    %dma_start3A_297 = tpu.memref_squeeze %dma_start3A_296 : memref<1x8xi32, #tpu.memory_space<vmem>> -> memref<8xi32, #tpu.memory_space<vmem>>
    %dma_start3A_298 = arith.constant 0 : i32
    %dma_start3A_299 = arith.constant 0 : i32
    %dma_start3A_300 = tpu.memref_slice %arg3[%dma_start3A_298, %dma_start3A_299] : memref<16384x512xi32, #tpu.memory_space<hbm>> -> memref<16384x512xi32, #tpu.memory_space<hbm>>
    tpu.enqueue_indirect_dma source(%dma_start3A_300 : memref<16384x512xi32, #tpu.memory_space<hbm>>) target(%dma_start3A_294 : memref<8x512xi32, #tpu.memory_space<vmem>>) offsets(%dma_start3A_297 : memref<8xi32, #tpu.memory_space<vmem>>) semaphore(%arg12 : memref<!tpu.dma_semaphore, #tpu.memory_space<semaphore_mem>>)
    %scan3A_301 = arith.constant 0 : i32
    %scan3A_302 = arith.constant 0 : i32
    %scan3A_303 = arith.constant 64 : i32
    %scan3A_304 = arith.addi %scan3A_302, %scan3A_303 : i32
    %scan3A_305 = arith.constant 1 : i32
    scf.for %scan3A_337 = %scan3A_302 to %scan3A_304 step %scan3A_305  : i32 {
      %mul3A_338 = arith.constant 2 : i32
      %mul3A_339 = arith.muli %mul3A_338, %scan3A_337 : i32
      %add3A_340 = arith.constant 2 : i32
      %add3A_341 = arith.addi %mul3A_339, %add3A_340 : i32
      %min3A = arith.constant 127 : i32
      %min3A_342 = arith.minsi %add3A_341, %min3A : i32
      %dma_wait3A_343 = arith.constant 0 : i32
      %dma_wait3A_344 = arith.constant 0 : i32
      %dma_wait3A_345 = tpu.memref_slice %arg3[%dma_wait3A_343, %dma_wait3A_344] : memref<16384x512xi32, #tpu.memory_space<hbm>> -> memref<64x512xi32, #tpu.memory_space<hbm>>
      %dma_wait3A_346 = arith.constant 0 : i32
      %dma_wait3A_347 = arith.constant 0 : i32
      %dma_wait3A_348 = tpu.memref_slice %arg3[%dma_wait3A_346, %dma_wait3A_347] : memref<16384x512xi32, #tpu.memory_space<hbm>> -> memref<64x512xi32, #tpu.memory_space<hbm>>
      tpu.wait_dma2 semaphore(%arg11 : memref<!tpu.dma_semaphore, #tpu.memory_space<semaphore_mem>>) src(%dma_wait3A_348 : memref<64x512xi32, #tpu.memory_space<hbm>>) dst(%arg6 : memref<64x512xi32, #tpu.memory_space<vmem>>)
      %gt3A = arith.constant 0 : i32
      %gt3A_349 = arith.cmpi sgt, %scan3A_337, %gt3A : i32
      %convert_element_type3A = arith.extui %gt3A_349 : i1 to i32
      %cond3A = arith.constant 0 : i32
      %cond3A_350 = arith.cmpi ne, %convert_element_type3A, %cond3A : i32
      scf.if %cond3A_350 {
        %dma_wait3A_546 = arith.constant 0 : i32
        %dma_wait3A_547 = arith.constant 0 : i32
        %dma_wait3A_548 = arith.constant 0 : i32
        %dma_wait3A_549 = tpu.memref_slice %arg4[%dma_wait3A_546, %dma_wait3A_547, %dma_wait3A_548] : memref<16x2048x1024xf32, #tpu.memory_space<hbm>> -> memref<1x8x1024xf32, #tpu.memory_space<hbm>>
        %dma_wait3A_550 = tpu.memref_squeeze %dma_wait3A_549 : memref<1x8x1024xf32, #tpu.memory_space<hbm>> -> memref<8x1024xf32, #tpu.memory_space<hbm>>
        %dma_wait3A_551 = arith.constant 0 : i32
        %dma_wait3A_552 = arith.constant 0 : i32
        %dma_wait3A_553 = tpu.memref_slice %arg4[%dma_wait3A_546, %dma_wait3A_551, %dma_wait3A_552] : memref<16x2048x1024xf32, #tpu.memory_space<hbm>> -> memref<1x8x1024xf32, #tpu.memory_space<hbm>>
        %dma_wait3A_554 = tpu.memref_squeeze %dma_wait3A_553 : memref<1x8x1024xf32, #tpu.memory_space<hbm>> -> memref<8x1024xf32, #tpu.memory_space<hbm>>
        tpu.wait_dma2 semaphore(%arg13 : memref<!tpu.dma_semaphore, #tpu.memory_space<semaphore_mem>>) src(%dma_wait3A_554 : memref<8x1024xf32, #tpu.memory_space<hbm>>) dst(%arg8 : memref<8x1024xf32, #tpu.memory_space<vmem>>)
      } else {
      }
      %scan3A_351 = arith.constant 0 : i32
      %scan3A_352 = arith.constant 0 : i32
      %scan3A_353 = arith.constant 32 : i32
      %scan3A_354 = arith.addi %scan3A_352, %scan3A_353 : i32
      %scan3A_355 = arith.constant 1 : i32
      scf.for %scan3A_546 = %scan3A_352 to %scan3A_354 step %scan3A_355  : i32 {
        %mul3A_547 = arith.constant 16 : i32
        %mul3A_548 = arith.muli %scan3A_546, %mul3A_547 : i32
        %get3A = arith.constant 0 : i32
        %get3A_549 = arith.index_cast %get3A : i32 to index
        %get3A_550 = arith.index_cast %mul3A_548 : i32 to index
        %get3A_551 = tpu.vector_load %arg6[%get3A_549, %get3A_550] {strides = array<i32>} : memref<64x512xi32, #tpu.memory_space<vmem>>, vector<1x16xi32>,
        %get3A_552 = vector.shape_cast %get3A_551 : vector<1x16xi32> to vector<16xi32>
        %bitcast_convert_type3A = tpu.bitcast %get3A_552 : vector<16xi32> -> vector<16xf32>
        %shift_left3A = arith.constant 16 : i32
        %shift_left3A_553 = vector.broadcast %shift_left3A : i32 to vector<16xi32>
        %shift_left3A_554 = arith.shli %get3A_552, %shift_left3A_553 : vector<16xi32>
        %bitcast_convert_type3A_555 = tpu.bitcast %shift_left3A_554 : vector<16xi32> -> vector<16xf32>
        %get3A_556 = arith.constant 8 : i32
        %get3A_557 = arith.index_cast %get3A_556 : i32 to index
        %get3A_558 = arith.index_cast %mul3A_548 : i32 to index
        %get3A_559 = tpu.vector_load %arg6[%get3A_557, %get3A_558] {strides = array<i32>} : memref<64x512xi32, #tpu.memory_space<vmem>>, vector<1x16xi32>,
        %get3A_560 = vector.shape_cast %get3A_559 : vector<1x16xi32> to vector<16xi32>
        %bitcast_convert_type3A_561 = tpu.bitcast %get3A_560 : vector<16xi32> -> vector<16xf32>
        %add3A_562 = arith.addf %bitcast_convert_type3A, %bitcast_convert_type3A_561 : vector<16xf32>
        %shift_left3A_563 = arith.constant 16 : i32
        %shift_left3A_564 = vector.broadcast %shift_left3A_563 : i32 to vector<16xi32>
        %shift_left3A_565 = arith.shli %get3A_560, %shift_left3A_564 : vector<16xi32>
        %bitcast_convert_type3A_566 = tpu.bitcast %shift_left3A_565 : vector<16xi32> -> vector<16xf32>
        %add3A_567 = arith.addf %bitcast_convert_type3A_555, %bitcast_convert_type3A_566 : vector<16xf32>
        %get3A_568 = arith.constant 16 : i32
        %get3A_569 = arith.index_cast %get3A_568 : i32 to index
        %get3A_570 = arith.index_cast %mul3A_548 : i32 to index
        %get3A_571 = tpu.vector_load %arg6[%get3A_569, %get3A_570] {strides = array<i32>} : memref<64x512xi32, #tpu.memory_space<vmem>>, vector<1x16xi32>,
        %get3A_572 = vector.shape_cast %get3A_571 : vector<1x16xi32> to vector<16xi32>
        %bitcast_convert_type3A_573 = tpu.bitcast %get3A_572 : vector<16xi32> -> vector<16xf32>
        %add3A_574 = arith.addf %add3A_562, %bitcast_convert_type3A_573 : vector<16xf32>
        %shift_left3A_575 = arith.constant 16 : i32
        %shift_left3A_576 = vector.broadcast %shift_left3A_575 : i32 to vector<16xi32>
        %shift_left3A_577 = arith.shli %get3A_572, %shift_left3A_576 : vector<16xi32>
        %bitcast_convert_type3A_578 = tpu.bitcast %shift_left3A_577 : vector<16xi32> -> vector<16xf32>
        %add3A_579 = arith.addf %add3A_567, %bitcast_convert_type3A_578 : vector<16xf32>
        %get3A_580 = arith.constant 24 : i32
        %get3A_581 = arith.index_cast %get3A_580 : i32 to index
        %get3A_582 = arith.index_cast %mul3A_548 : i32 to index
        %get3A_583 = tpu.vector_load %arg6[%get3A_581, %get3A_582] {strides = array<i32>} : memref<64x512xi32, #tpu.memory_space<vmem>>, vector<1x16xi32>,
        %get3A_584 = vector.shape_cast %get3A_583 : vector<1x16xi32> to vector<16xi32>
        %bitcast_convert_type3A_585 = tpu.bitcast %get3A_584 : vector<16xi32> -> vector<16xf32>
        %add3A_586 = arith.addf %add3A_574, %bitcast_convert_type3A_585 : vector<16xf32>
        %shift_left3A_587 = arith.constant 16 : i32
        %shift_left3A_588 = vector.broadcast %shift_left3A_587 : i32 to vector<16xi32>
        %shift_left3A_589 = arith.shli %get3A_584, %shift_left3A_588 : vector<16xi32>
        %bitcast_convert_type3A_590 = tpu.bitcast %shift_left3A_589 : vector<16xi32> -> vector<16xf32>
        %add3A_591 = arith.addf %add3A_579, %bitcast_convert_type3A_590 : vector<16xf32>
        %get3A_592 = arith.constant 32 : i32
        %get3A_593 = arith.index_cast %get3A_592 : i32 to index
        %get3A_594 = arith.index_cast %mul3A_548 : i32 to index
        %get3A_595 = tpu.vector_load %arg6[%get3A_593, %get3A_594] {strides = array<i32>} : memref<64x512xi32, #tpu.memory_space<vmem>>, vector<1x16xi32>,
        %get3A_596 = vector.shape_cast %get3A_595 : vector<1x16xi32> to vector<16xi32>
        %bitcast_convert_type3A_597 = tpu.bitcast %get3A_596 : vector<16xi32> -> vector<16xf32>
        %add3A_598 = arith.addf %add3A_586, %bitcast_convert_type3A_597 : vector<16xf32>
        %shift_left3A_599 = arith.constant 16 : i32
        %shift_left3A_600 = vector.broadcast %shift_left3A_599 : i32 to vector<16xi32>
        %shift_left3A_601 = arith.shli %get3A_596, %shift_left3A_600 : vector<16xi32>
        %bitcast_convert_type3A_602 = tpu.bitcast %shift_left3A_601 : vector<16xi32> -> vector<16xf32>
        %add3A_603 = arith.addf %add3A_591, %bitcast_convert_type3A_602 : vector<16xf32>
        %get3A_604 = arith.constant 40 : i32
        %get3A_605 = arith.index_cast %get3A_604 : i32 to index
        %get3A_606 = arith.index_cast %mul3A_548 : i32 to index
        %get3A_607 = tpu.vector_load %arg6[%get3A_605, %get3A_606] {strides = array<i32>} : memref<64x512xi32, #tpu.memory_space<vmem>>, vector<1x16xi32>,
        %get3A_608 = vector.shape_cast %get3A_607 : vector<1x16xi32> to vector<16xi32>
        %bitcast_convert_type3A_609 = tpu.bitcast %get3A_608 : vector<16xi32> -> vector<16xf32>
        %add3A_610 = arith.addf %add3A_598, %bitcast_convert_type3A_609 : vector<16xf32>
        %shift_left3A_611 = arith.constant 16 : i32
        %shift_left3A_612 = vector.broadcast %shift_left3A_611 : i32 to vector<16xi32>
        %shift_left3A_613 = arith.shli %get3A_608, %shift_left3A_612 : vector<16xi32>
        %bitcast_convert_type3A_614 = tpu.bitcast %shift_left3A_613 : vector<16xi32> -> vector<16xf32>
        %add3A_615 = arith.addf %add3A_603, %bitcast_convert_type3A_614 : vector<16xf32>
        %get3A_616 = arith.constant 48 : i32
        %get3A_617 = arith.index_cast %get3A_616 : i32 to index
        %get3A_618 = arith.index_cast %mul3A_548 : i32 to index
        %get3A_619 = tpu.vector_load %arg6[%get3A_617, %get3A_618] {strides = array<i32>} : memref<64x512xi32, #tpu.memory_space<vmem>>, vector<1x16xi32>,
        %get3A_620 = vector.shape_cast %get3A_619 : vector<1x16xi32> to vector<16xi32>
        %bitcast_convert_type3A_621 = tpu.bitcast %get3A_620 : vector<16xi32> -> vector<16xf32>
        %add3A_622 = arith.addf %add3A_610, %bitcast_convert_type3A_621 : vector<16xf32>
        %shift_left3A_623 = arith.constant 16 : i32
        %shift_left3A_624 = vector.broadcast %shift_left3A_623 : i32 to vector<16xi32>
        %shift_left3A_625 = arith.shli %get3A_620, %shift_left3A_624 : vector<16xi32>
        %bitcast_convert_type3A_626 = tpu.bitcast %shift_left3A_625 : vector<16xi32> -> vector<16xf32>
        %add3A_627 = arith.addf %add3A_615, %bitcast_convert_type3A_626 : vector<16xf32>
        %get3A_628 = arith.constant 56 : i32
        %get3A_629 = arith.index_cast %get3A_628 : i32 to index
        %get3A_630 = arith.index_cast %mul3A_548 : i32 to index
        %get3A_631 = tpu.vector_load %arg6[%get3A_629, %get3A_630] {strides = array<i32>} : memref<64x512xi32, #tpu.memory_space<vmem>>, vector<1x16xi32>,
        %get3A_632 = vector.shape_cast %get3A_631 : vector<1x16xi32> to vector<16xi32>
        %bitcast_convert_type3A_633 = tpu.bitcast %get3A_632 : vector<16xi32> -> vector<16xf32>
        %add3A_634 = arith.addf %add3A_622, %bitcast_convert_type3A_633 : vector<16xf32>
        %shift_left3A_635 = arith.constant 16 : i32
        %shift_left3A_636 = vector.broadcast %shift_left3A_635 : i32 to vector<16xi32>
        %shift_left3A_637 = arith.shli %get3A_632, %shift_left3A_636 : vector<16xi32>
        %bitcast_convert_type3A_638 = tpu.bitcast %shift_left3A_637 : vector<16xi32> -> vector<16xf32>
        %add3A_639 = arith.addf %add3A_627, %bitcast_convert_type3A_638 : vector<16xf32>
        %swap3A = arith.constant 0 : i32
        %swap3A_640 = arith.index_cast %swap3A : i32 to index
        %swap3A_641 = arith.index_cast %mul3A_548 : i32 to index
        %swap3A_642 = tpu.vector_load %arg8[%swap3A_640, %swap3A_641] {strides = array<i32>} : memref<8x1024xf32, #tpu.memory_space<vmem>>, vector<1x16xf32>,
        %swap3A_643 = vector.shape_cast %swap3A_642 : vector<1x16xf32> to vector<16xf32>
        %swap3A_644 = vector.shape_cast %add3A_639 : vector<16xf32> to vector<1x16xf32>
        tpu.vector_store %arg8[%swap3A_640, %swap3A_641], %swap3A_644 {strides = array<i32>} : memref<8x1024xf32, #tpu.memory_space<vmem>>, vector<1x16xf32>,
        %add3A_645 = arith.constant 512 : i32
        %add3A_646 = arith.addi %mul3A_548, %add3A_645 : i32
        %swap3A_647 = arith.constant 0 : i32
        %swap3A_648 = arith.index_cast %swap3A_647 : i32 to index
        %swap3A_649 = arith.index_cast %add3A_646 : i32 to index
        %swap3A_650 = tpu.vector_load %arg8[%swap3A_648, %swap3A_649] {strides = array<i32>} : memref<8x1024xf32, #tpu.memory_space<vmem>>, vector<1x16xf32>,
        %swap3A_651 = vector.shape_cast %swap3A_650 : vector<1x16xf32> to vector<16xf32>
        %swap3A_652 = vector.shape_cast %add3A_634 : vector<16xf32> to vector<1x16xf32>
        tpu.vector_store %arg8[%swap3A_648, %swap3A_649], %swap3A_652 {strides = array<i32>} : memref<8x1024xf32, #tpu.memory_space<vmem>>, vector<1x16xf32>,
        %get3A_653 = arith.constant 1 : i32
        %get3A_654 = arith.index_cast %get3A_653 : i32 to index
        %get3A_655 = arith.index_cast %mul3A_548 : i32 to index
        %get3A_656 = tpu.vector_load %arg6[%get3A_654, %get3A_655] {strides = array<i32>} : memref<64x512xi32, #tpu.memory_space<vmem>>, vector<1x16xi32>,
        %get3A_657 = vector.shape_cast %get3A_656 : vector<1x16xi32> to vector<16xi32>
        %bitcast_convert_type3A_658 = tpu.bitcast %get3A_657 : vector<16xi32> -> vector<16xf32>
        %shift_left3A_659 = arith.constant 16 : i32
        %shift_left3A_660 = vector.broadcast %shift_left3A_659 : i32 to vector<16xi32>
        %shift_left3A_661 = arith.shli %get3A_657, %shift_left3A_660 : vector<16xi32>
        %bitcast_convert_type3A_662 = tpu.bitcast %shift_left3A_661 : vector<16xi32> -> vector<16xf32>
        %get3A_663 = arith.constant 9 : i32
        %get3A_664 = arith.index_cast %get3A_663 : i32 to index
        %get3A_665 = arith.index_cast %mul3A_548 : i32 to index
        %get3A_666 = tpu.vector_load %arg6[%get3A_664, %get3A_665] {strides = array<i32>} : memref<64x512xi32, #tpu.memory_space<vmem>>, vector<1x16xi32>,
        %get3A_667 = vector.shape_cast %get3A_666 : vector<1x16xi32> to vector<16xi32>
        %bitcast_convert_type3A_668 = tpu.bitcast %get3A_667 : vector<16xi32> -> vector<16xf32>
        %add3A_669 = arith.addf %bitcast_convert_type3A_658, %bitcast_convert_type3A_668 : vector<16xf32>
        %shift_left3A_670 = arith.constant 16 : i32
        %shift_left3A_671 = vector.broadcast %shift_left3A_670 : i32 to vector<16xi32>
        %shift_left3A_672 = arith.shli %get3A_667, %shift_left3A_671 : vector<16xi32>
        %bitcast_convert_type3A_673 = tpu.bitcast %shift_left3A_672 : vector<16xi32> -> vector<16xf32>
        %add3A_674 = arith.addf %bitcast_convert_type3A_662, %bitcast_convert_type3A_673 : vector<16xf32>
        %get3A_675 = arith.constant 17 : i32
        %get3A_676 = arith.index_cast %get3A_675 : i32 to index
        %get3A_677 = arith.index_cast %mul3A_548 : i32 to index
        %get3A_678 = tpu.vector_load %arg6[%get3A_676, %get3A_677] {strides = array<i32>} : memref<64x512xi32, #tpu.memory_space<vmem>>, vector<1x16xi32>,
        %get3A_679 = vector.shape_cast %get3A_678 : vector<1x16xi32> to vector<16xi32>
        %bitcast_convert_type3A_680 = tpu.bitcast %get3A_679 : vector<16xi32> -> vector<16xf32>
        %add3A_681 = arith.addf %add3A_669, %bitcast_convert_type3A_680 : vector<16xf32>
        %shift_left3A_682 = arith.constant 16 : i32
        %shift_left3A_683 = vector.broadcast %shift_left3A_682 : i32 to vector<16xi32>
        %shift_left3A_684 = arith.shli %get3A_679, %shift_left3A_683 : vector<16xi32>
        %bitcast_convert_type3A_685 = tpu.bitcast %shift_left3A_684 : vector<16xi32> -> vector<16xf32>
        %add3A_686 = arith.addf %add3A_674, %bitcast_convert_type3A_685 : vector<16xf32>
        %get3A_687 = arith.constant 25 : i32
        %get3A_688 = arith.index_cast %get3A_687 : i32 to index
        %get3A_689 = arith.index_cast %mul3A_548 : i32 to index
        %get3A_690 = tpu.vector_load %arg6[%get3A_688, %get3A_689] {strides = array<i32>} : memref<64x512xi32, #tpu.memory_space<vmem>>, vector<1x16xi32>,
        %get3A_691 = vector.shape_cast %get3A_690 : vector<1x16xi32> to vector<16xi32>
        %bitcast_convert_type3A_692 = tpu.bitcast %get3A_691 : vector<16xi32> -> vector<16xf32>
        %add3A_693 = arith.addf %add3A_681, %bitcast_convert_type3A_692 : vector<16xf32>
        %shift_left3A_694 = arith.constant 16 : i32
        %shift_left3A_695 = vector.broadcast %shift_left3A_694 : i32 to vector<16xi32>
        %shift_left3A_696 = arith.shli %get3A_691, %shift_left3A_695 : vector<16xi32>
        %bitcast_convert_type3A_697 = tpu.bitcast %shift_left3A_696 : vector<16xi32> -> vector<16xf32>
        %add3A_698 = arith.addf %add3A_686, %bitcast_convert_type3A_697 : vector<16xf32>
        %get3A_699 = arith.constant 33 : i32
        %get3A_700 = arith.index_cast %get3A_699 : i32 to index
        %get3A_701 = arith.index_cast %mul3A_548 : i32 to index
        %get3A_702 = tpu.vector_load %arg6[%get3A_700, %get3A_701] {strides = array<i32>} : memref<64x512xi32, #tpu.memory_space<vmem>>, vector<1x16xi32>,
        %get3A_703 = vector.shape_cast %get3A_702 : vector<1x16xi32> to vector<16xi32>
        %bitcast_convert_type3A_704 = tpu.bitcast %get3A_703 : vector<16xi32> -> vector<16xf32>
        %add3A_705 = arith.addf %add3A_693, %bitcast_convert_type3A_704 : vector<16xf32>
        %shift_left3A_706 = arith.constant 16 : i32
        %shift_left3A_707 = vector.broadcast %shift_left3A_706 : i32 to vector<16xi32>
        %shift_left3A_708 = arith.shli %get3A_703, %shift_left3A_707 : vector<16xi32>
        %bitcast_convert_type3A_709 = tpu.bitcast %shift_left3A_708 : vector<16xi32> -> vector<16xf32>
        %add3A_710 = arith.addf %add3A_698, %bitcast_convert_type3A_709 : vector<16xf32>
        %get3A_711 = arith.constant 41 : i32
        %get3A_712 = arith.index_cast %get3A_711 : i32 to index
        %get3A_713 = arith.index_cast %mul3A_548 : i32 to index
        %get3A_714 = tpu.vector_load %arg6[%get3A_712, %get3A_713] {strides = array<i32>} : memref<64x512xi32, #tpu.memory_space<vmem>>, vector<1x16xi32>,
        %get3A_715 = vector.shape_cast %get3A_714 : vector<1x16xi32> to vector<16xi32>
        %bitcast_convert_type3A_716 = tpu.bitcast %get3A_715 : vector<16xi32> -> vector<16xf32>
        %add3A_717 = arith.addf %add3A_705, %bitcast_convert_type3A_716 : vector<16xf32>
        %shift_left3A_718 = arith.constant 16 : i32
        %shift_left3A_719 = vector.broadcast %shift_left3A_718 : i32 to vector<16xi32>
        %shift_left3A_720 = arith.shli %get3A_715, %shift_left3A_719 : vector<16xi32>
        %bitcast_convert_type3A_721 = tpu.bitcast %shift_left3A_720 : vector<16xi32> -> vector<16xf32>
        %add3A_722 = arith.addf %add3A_710, %bitcast_convert_type3A_721 : vector<16xf32>
        %get3A_723 = arith.constant 49 : i32
        %get3A_724 = arith.index_cast %get3A_723 : i32 to index
        %get3A_725 = arith.index_cast %mul3A_548 : i32 to index
        %get3A_726 = tpu.vector_load %arg6[%get3A_724, %get3A_725] {strides = array<i32>} : memref<64x512xi32, #tpu.memory_space<vmem>>, vector<1x16xi32>,
        %get3A_727 = vector.shape_cast %get3A_726 : vector<1x16xi32> to vector<16xi32>
        %bitcast_convert_type3A_728 = tpu.bitcast %get3A_727 : vector<16xi32> -> vector<16xf32>
        %add3A_729 = arith.addf %add3A_717, %bitcast_convert_type3A_728 : vector<16xf32>
        %shift_left3A_730 = arith.constant 16 : i32
        %shift_left3A_731 = vector.broadcast %shift_left3A_730 : i32 to vector<16xi32>
        %shift_left3A_732 = arith.shli %get3A_727, %shift_left3A_731 : vector<16xi32>
        %bitcast_convert_type3A_733 = tpu.bitcast %shift_left3A_732 : vector<16xi32> -> vector<16xf32>
        %add3A_734 = arith.addf %add3A_722, %bitcast_convert_type3A_733 : vector<16xf32>
        %get3A_735 = arith.constant 57 : i32
        %get3A_736 = arith.index_cast %get3A_735 : i32 to index
        %get3A_737 = arith.index_cast %mul3A_548 : i32 to index
        %get3A_738 = tpu.vector_load %arg6[%get3A_736, %get3A_737] {strides = array<i32>} : memref<64x512xi32, #tpu.memory_space<vmem>>, vector<1x16xi32>,
        %get3A_739 = vector.shape_cast %get3A_738 : vector<1x16xi32> to vector<16xi32>
        %bitcast_convert_type3A_740 = tpu.bitcast %get3A_739 : vector<16xi32> -> vector<16xf32>
        %add3A_741 = arith.addf %add3A_729, %bitcast_convert_type3A_740 : vector<16xf32>
        %shift_left3A_742 = arith.constant 16 : i32
        %shift_left3A_743 = vector.broadcast %shift_left3A_742 : i32 to vector<16xi32>
        %shift_left3A_744 = arith.shli %get3A_739, %shift_left3A_743 : vector<16xi32>
        %bitcast_convert_type3A_745 = tpu.bitcast %shift_left3A_744 : vector<16xi32> -> vector<16xf32>
        %add3A_746 = arith.addf %add3A_734, %bitcast_convert_type3A_745 : vector<16xf32>
        %swap3A_747 = arith.constant 1 : i32
        %swap3A_748 = arith.index_cast %swap3A_747 : i32 to index
        %swap3A_749 = arith.index_cast %mul3A_548 : i32 to index
        %swap3A_750 = tpu.vector_load %arg8[%swap3A_748, %swap3A_749] {strides = array<i32>} : memref<8x1024xf32, #tpu.memory_space<vmem>>, vector<1x16xf32>,
        %swap3A_751 = vector.shape_cast %swap3A_750 : vector<1x16xf32> to vector<16xf32>
        %swap3A_752 = vector.shape_cast %add3A_746 : vector<16xf32> to vector<1x16xf32>
        tpu.vector_store %arg8[%swap3A_748, %swap3A_749], %swap3A_752 {strides = array<i32>} : memref<8x1024xf32, #tpu.memory_space<vmem>>, vector<1x16xf32>,
        %add3A_753 = arith.constant 512 : i32
        %add3A_754 = arith.addi %mul3A_548, %add3A_753 : i32
        %swap3A_755 = arith.constant 1 : i32
        %swap3A_756 = arith.index_cast %swap3A_755 : i32 to index
        %swap3A_757 = arith.index_cast %add3A_754 : i32 to index
        %swap3A_758 = tpu.vector_load %arg8[%swap3A_756, %swap3A_757] {strides = array<i32>} : memref<8x1024xf32, #tpu.memory_space<vmem>>, vector<1x16xf32>,
        %swap3A_759 = vector.shape_cast %swap3A_758 : vector<1x16xf32> to vector<16xf32>
        %swap3A_760 = vector.shape_cast %add3A_741 : vector<16xf32> to vector<1x16xf32>
        tpu.vector_store %arg8[%swap3A_756, %swap3A_757], %swap3A_760 {strides = array<i32>} : memref<8x1024xf32, #tpu.memory_space<vmem>>, vector<1x16xf32>,
        %get3A_761 = arith.constant 2 : i32
        %get3A_762 = arith.index_cast %get3A_761 : i32 to index
        %get3A_763 = arith.index_cast %mul3A_548 : i32 to index
        %get3A_764 = tpu.vector_load %arg6[%get3A_762, %get3A_763] {strides = array<i32>} : memref<64x512xi32, #tpu.memory_space<vmem>>, vector<1x16xi32>,
        %get3A_765 = vector.shape_cast %get3A_764 : vector<1x16xi32> to vector<16xi32>
        %bitcast_convert_type3A_766 = tpu.bitcast %get3A_765 : vector<16xi32> -> vector<16xf32>
        %shift_left3A_767 = arith.constant 16 : i32
        %shift_left3A_768 = vector.broadcast %shift_left3A_767 : i32 to vector<16xi32>
        %shift_left3A_769 = arith.shli %get3A_765, %shift_left3A_768 : vector<16xi32>
        %bitcast_convert_type3A_770 = tpu.bitcast %shift_left3A_769 : vector<16xi32> -> vector<16xf32>
        %get3A_771 = arith.constant 10 : i32
        %get3A_772 = arith.index_cast %get3A_771 : i32 to index
        %get3A_773 = arith.index_cast %mul3A_548 : i32 to index
        %get3A_774 = tpu.vector_load %arg6[%get3A_772, %get3A_773] {strides = array<i32>} : memref<64x512xi32, #tpu.memory_space<vmem>>, vector<1x16xi32>,
        %get3A_775 = vector.shape_cast %get3A_774 : vector<1x16xi32> to vector<16xi32>
        %bitcast_convert_type3A_776 = tpu.bitcast %get3A_775 : vector<16xi32> -> vector<16xf32>
        %add3A_777 = arith.addf %bitcast_convert_type3A_766, %bitcast_convert_type3A_776 : vector<16xf32>
        %shift_left3A_778 = arith.constant 16 : i32
        %shift_left3A_779 = vector.broadcast %shift_left3A_778 : i32 to vector<16xi32>
        %shift_left3A_780 = arith.shli %get3A_775, %shift_left3A_779 : vector<16xi32>
        %bitcast_convert_type3A_781 = tpu.bitcast %shift_left3A_780 : vector<16xi32> -> vector<16xf32>
        %add3A_782 = arith.addf %bitcast_convert_type3A_770, %bitcast_convert_type3A_781 : vector<16xf32>
        %get3A_783 = arith.constant 18 : i32
        %get3A_784 = arith.index_cast %get3A_783 : i32 to index
        %get3A_785 = arith.index_cast %mul3A_548 : i32 to index
        %get3A_786 = tpu.vector_load %arg6[%get3A_784, %get3A_785] {strides = array<i32>} : memref<64x512xi32, #tpu.memory_space<vmem>>, vector<1x16xi32>,
        %get3A_787 = vector.shape_cast %get3A_786 : vector<1x16xi32> to vector<16xi32>
        %bitcast_convert_type3A_788 = tpu.bitcast %get3A_787 : vector<16xi32> -> vector<16xf32>
        %add3A_789 = arith.addf %add3A_777, %bitcast_convert_type3A_788 : vector<16xf32>
        %shift_left3A_790 = arith.constant 16 : i32
        %shift_left3A_791 = vector.broadcast %shift_left3A_790 : i32 to vector<16xi32>
        %shift_left3A_792 = arith.shli %get3A_787, %shift_left3A_791 : vector<16xi32>
        %bitcast_convert_type3A_793 = tpu.bitcast %shift_left3A_792 : vector<16xi32> -> vector<16xf32>
        %add3A_794 = arith.addf %add3A_782, %bitcast_convert_type3A_793 : vector<16xf32>
        %get3A_795 = arith.constant 26 : i32
        %get3A_796 = arith.index_cast %get3A_795 : i32 to index
        %get3A_797 = arith.index_cast %mul3A_548 : i32 to index
        %get3A_798 = tpu.vector_load %arg6[%get3A_796, %get3A_797] {strides = array<i32>} : memref<64x512xi32, #tpu.memory_space<vmem>>, vector<1x16xi32>,
        %get3A_799 = vector.shape_cast %get3A_798 : vector<1x16xi32> to vector<16xi32>
        %bitcast_convert_type3A_800 = tpu.bitcast %get3A_799 : vector<16xi32> -> vector<16xf32>
        %add3A_801 = arith.addf %add3A_789, %bitcast_convert_type3A_800 : vector<16xf32>
        %shift_left3A_802 = arith.constant 16 : i32
        %shift_left3A_803 = vector.broadcast %shift_left3A_802 : i32 to vector<16xi32>
        %shift_left3A_804 = arith.shli %get3A_799, %shift_left3A_803 : vector<16xi32>
        %bitcast_convert_type3A_805 = tpu.bitcast %shift_left3A_804 : vector<16xi32> -> vector<16xf32>
        %add3A_806 = arith.addf %add3A_794, %bitcast_convert_type3A_805 : vector<16xf32>
        %get3A_807 = arith.constant 34 : i32
        %get3A_808 = arith.index_cast %get3A_807 : i32 to index
        %get3A_809 = arith.index_cast %mul3A_548 : i32 to index
        %get3A_810 = tpu.vector_load %arg6[%get3A_808, %get3A_809] {strides = array<i32>} : memref<64x512xi32, #tpu.memory_space<vmem>>, vector<1x16xi32>,
        %get3A_811 = vector.shape_cast %get3A_810 : vector<1x16xi32> to vector<16xi32>
        %bitcast_convert_type3A_812 = tpu.bitcast %get3A_811 : vector<16xi32> -> vector<16xf32>
        %add3A_813 = arith.addf %add3A_801, %bitcast_convert_type3A_812 : vector<16xf32>
        %shift_left3A_814 = arith.constant 16 : i32
        %shift_left3A_815 = vector.broadcast %shift_left3A_814 : i32 to vector<16xi32>
        %shift_left3A_816 = arith.shli %get3A_811, %shift_left3A_815 : vector<16xi32>
        %bitcast_convert_type3A_817 = tpu.bitcast %shift_left3A_816 : vector<16xi32> -> vector<16xf32>
        %add3A_818 = arith.addf %add3A_806, %bitcast_convert_type3A_817 : vector<16xf32>
        %get3A_819 = arith.constant 42 : i32
        %get3A_820 = arith.index_cast %get3A_819 : i32 to index
        %get3A_821 = arith.index_cast %mul3A_548 : i32 to index
        %get3A_822 = tpu.vector_load %arg6[%get3A_820, %get3A_821] {strides = array<i32>} : memref<64x512xi32, #tpu.memory_space<vmem>>, vector<1x16xi32>,
        %get3A_823 = vector.shape_cast %get3A_822 : vector<1x16xi32> to vector<16xi32>
        %bitcast_convert_type3A_824 = tpu.bitcast %get3A_823 : vector<16xi32> -> vector<16xf32>
        %add3A_825 = arith.addf %add3A_813, %bitcast_convert_type3A_824 : vector<16xf32>
        %shift_left3A_826 = arith.constant 16 : i32
        %shift_left3A_827 = vector.broadcast %shift_left3A_826 : i32 to vector<16xi32>
        %shift_left3A_828 = arith.shli %get3A_823, %shift_left3A_827 : vector<16xi32>
        %bitcast_convert_type3A_829 = tpu.bitcast %shift_left3A_828 : vector<16xi32> -> vector<16xf32>
        %add3A_830 = arith.addf %add3A_818, %bitcast_convert_type3A_829 : vector<16xf32>
        %get3A_831 = arith.constant 50 : i32
        %get3A_832 = arith.index_cast %get3A_831 : i32 to index
        %get3A_833 = arith.index_cast %mul3A_548 : i32 to index
        %get3A_834 = tpu.vector_load %arg6[%get3A_832, %get3A_833] {strides = array<i32>} : memref<64x512xi32, #tpu.memory_space<vmem>>, vector<1x16xi32>,
        %get3A_835 = vector.shape_cast %get3A_834 : vector<1x16xi32> to vector<16xi32>
        %bitcast_convert_type3A_836 = tpu.bitcast %get3A_835 : vector<16xi32> -> vector<16xf32>
        %add3A_837 = arith.addf %add3A_825, %bitcast_convert_type3A_836 : vector<16xf32>
        %shift_left3A_838 = arith.constant 16 : i32
        %shift_left3A_839 = vector.broadcast %shift_left3A_838 : i32 to vector<16xi32>
        %shift_left3A_840 = arith.shli %get3A_835, %shift_left3A_839 : vector<16xi32>
        %bitcast_convert_type3A_841 = tpu.bitcast %shift_left3A_840 : vector<16xi32> -> vector<16xf32>
        %add3A_842 = arith.addf %add3A_830, %bitcast_convert_type3A_841 : vector<16xf32>
        %get3A_843 = arith.constant 58 : i32
        %get3A_844 = arith.index_cast %get3A_843 : i32 to index
        %get3A_845 = arith.index_cast %mul3A_548 : i32 to index
        %get3A_846 = tpu.vector_load %arg6[%get3A_844, %get3A_845] {strides = array<i32>} : memref<64x512xi32, #tpu.memory_space<vmem>>, vector<1x16xi32>,
        %get3A_847 = vector.shape_cast %get3A_846 : vector<1x16xi32> to vector<16xi32>
        %bitcast_convert_type3A_848 = tpu.bitcast %get3A_847 : vector<16xi32> -> vector<16xf32>
        %add3A_849 = arith.addf %add3A_837, %bitcast_convert_type3A_848 : vector<16xf32>
        %shift_left3A_850 = arith.constant 16 : i32
        %shift_left3A_851 = vector.broadcast %shift_left3A_850 : i32 to vector<16xi32>
        %shift_left3A_852 = arith.shli %get3A_847, %shift_left3A_851 : vector<16xi32>
        %bitcast_convert_type3A_853 = tpu.bitcast %shift_left3A_852 : vector<16xi32> -> vector<16xf32>
        %add3A_854 = arith.addf %add3A_842, %bitcast_convert_type3A_853 : vector<16xf32>
        %swap3A_855 = arith.constant 2 : i32
        %swap3A_856 = arith.index_cast %swap3A_855 : i32 to index
        %swap3A_857 = arith.index_cast %mul3A_548 : i32 to index
        %swap3A_858 = tpu.vector_load %arg8[%swap3A_856, %swap3A_857] {strides = array<i32>} : memref<8x1024xf32, #tpu.memory_space<vmem>>, vector<1x16xf32>,
        %swap3A_859 = vector.shape_cast %swap3A_858 : vector<1x16xf32> to vector<16xf32>
        %swap3A_860 = vector.shape_cast %add3A_854 : vector<16xf32> to vector<1x16xf32>
        tpu.vector_store %arg8[%swap3A_856, %swap3A_857], %swap3A_860 {strides = array<i32>} : memref<8x1024xf32, #tpu.memory_space<vmem>>, vector<1x16xf32>,
        %add3A_861 = arith.constant 512 : i32
        %add3A_862 = arith.addi %mul3A_548, %add3A_861 : i32
        %swap3A_863 = arith.constant 2 : i32
        %swap3A_864 = arith.index_cast %swap3A_863 : i32 to index
        %swap3A_865 = arith.index_cast %add3A_862 : i32 to index
        %swap3A_866 = tpu.vector_load %arg8[%swap3A_864, %swap3A_865] {strides = array<i32>} : memref<8x1024xf32, #tpu.memory_space<vmem>>, vector<1x16xf32>,
        %swap3A_867 = vector.shape_cast %swap3A_866 : vector<1x16xf32> to vector<16xf32>
        %swap3A_868 = vector.shape_cast %add3A_849 : vector<16xf32> to vector<1x16xf32>
        tpu.vector_store %arg8[%swap3A_864, %swap3A_865], %swap3A_868 {strides = array<i32>} : memref<8x1024xf32, #tpu.memory_space<vmem>>, vector<1x16xf32>,
        %get3A_869 = arith.constant 3 : i32
        %get3A_870 = arith.index_cast %get3A_869 : i32 to index
        %get3A_871 = arith.index_cast %mul3A_548 : i32 to index
        %get3A_872 = tpu.vector_load %arg6[%get3A_870, %get3A_871] {strides = array<i32>} : memref<64x512xi32, #tpu.memory_space<vmem>>, vector<1x16xi32>,
        %get3A_873 = vector.shape_cast %get3A_872 : vector<1x16xi32> to vector<16xi32>
        %bitcast_convert_type3A_874 = tpu.bitcast %get3A_873 : vector<16xi32> -> vector<16xf32>
        %shift_left3A_875 = arith.constant 16 : i32
        %shift_left3A_876 = vector.broadcast %shift_left3A_875 : i32 to vector<16xi32>
        %shift_left3A_877 = arith.shli %get3A_873, %shift_left3A_876 : vector<16xi32>
        %bitcast_convert_type3A_878 = tpu.bitcast %shift_left3A_877 : vector<16xi32> -> vector<16xf32>
        %get3A_879 = arith.constant 11 : i32
        %get3A_880 = arith.index_cast %get3A_879 : i32 to index
        %get3A_881 = arith.index_cast %mul3A_548 : i32 to index
        %get3A_882 = tpu.vector_load %arg6[%get3A_880, %get3A_881] {strides = array<i32>} : memref<64x512xi32, #tpu.memory_space<vmem>>, vector<1x16xi32>,
        %get3A_883 = vector.shape_cast %get3A_882 : vector<1x16xi32> to vector<16xi32>
        %bitcast_convert_type3A_884 = tpu.bitcast %get3A_883 : vector<16xi32> -> vector<16xf32>
        %add3A_885 = arith.addf %bitcast_convert_type3A_874, %bitcast_convert_type3A_884 : vector<16xf32>
        %shift_left3A_886 = arith.constant 16 : i32
        %shift_left3A_887 = vector.broadcast %shift_left3A_886 : i32 to vector<16xi32>
        %shift_left3A_888 = arith.shli %get3A_883, %shift_left3A_887 : vector<16xi32>
        %bitcast_convert_type3A_889 = tpu.bitcast %shift_left3A_888 : vector<16xi32> -> vector<16xf32>
        %add3A_890 = arith.addf %bitcast_convert_type3A_878, %bitcast_convert_type3A_889 : vector<16xf32>
        %get3A_891 = arith.constant 19 : i32
        %get3A_892 = arith.index_cast %get3A_891 : i32 to index
        %get3A_893 = arith.index_cast %mul3A_548 : i32 to index
        %get3A_894 = tpu.vector_load %arg6[%get3A_892, %get3A_893] {strides = array<i32>} : memref<64x512xi32, #tpu.memory_space<vmem>>, vector<1x16xi32>,
        %get3A_895 = vector.shape_cast %get3A_894 : vector<1x16xi32> to vector<16xi32>
        %bitcast_convert_type3A_896 = tpu.bitcast %get3A_895 : vector<16xi32> -> vector<16xf32>
        %add3A_897 = arith.addf %add3A_885, %bitcast_convert_type3A_896 : vector<16xf32>
        %shift_left3A_898 = arith.constant 16 : i32
        %shift_left3A_899 = vector.broadcast %shift_left3A_898 : i32 to vector<16xi32>
        %shift_left3A_900 = arith.shli %get3A_895, %shift_left3A_899 : vector<16xi32>
        %bitcast_convert_type3A_901 = tpu.bitcast %shift_left3A_900 : vector<16xi32> -> vector<16xf32>
        %add3A_902 = arith.addf %add3A_890, %bitcast_convert_type3A_901 : vector<16xf32>
        %get3A_903 = arith.constant 27 : i32
        %get3A_904 = arith.index_cast %get3A_903 : i32 to index
        %get3A_905 = arith.index_cast %mul3A_548 : i32 to index
        %get3A_906 = tpu.vector_load %arg6[%get3A_904, %get3A_905] {strides = array<i32>} : memref<64x512xi32, #tpu.memory_space<vmem>>, vector<1x16xi32>,
        %get3A_907 = vector.shape_cast %get3A_906 : vector<1x16xi32> to vector<16xi32>
        %bitcast_convert_type3A_908 = tpu.bitcast %get3A_907 : vector<16xi32> -> vector<16xf32>
        %add3A_909 = arith.addf %add3A_897, %bitcast_convert_type3A_908 : vector<16xf32>
        %shift_left3A_910 = arith.constant 16 : i32
        %shift_left3A_911 = vector.broadcast %shift_left3A_910 : i32 to vector<16xi32>
        %shift_left3A_912 = arith.shli %get3A_907, %shift_left3A_911 : vector<16xi32>
        %bitcast_convert_type3A_913 = tpu.bitcast %shift_left3A_912 : vector<16xi32> -> vector<16xf32>
        %add3A_914 = arith.addf %add3A_902, %bitcast_convert_type3A_913 : vector<16xf32>
        %get3A_915 = arith.constant 35 : i32
        %get3A_916 = arith.index_cast %get3A_915 : i32 to index
        %get3A_917 = arith.index_cast %mul3A_548 : i32 to index
        %get3A_918 = tpu.vector_load %arg6[%get3A_916, %get3A_917] {strides = array<i32>} : memref<64x512xi32, #tpu.memory_space<vmem>>, vector<1x16xi32>,
        %get3A_919 = vector.shape_cast %get3A_918 : vector<1x16xi32> to vector<16xi32>
        %bitcast_convert_type3A_920 = tpu.bitcast %get3A_919 : vector<16xi32> -> vector<16xf32>
        %add3A_921 = arith.addf %add3A_909, %bitcast_convert_type3A_920 : vector<16xf32>
        %shift_left3A_922 = arith.constant 16 : i32
        %shift_left3A_923 = vector.broadcast %shift_left3A_922 : i32 to vector<16xi32>
        %shift_left3A_924 = arith.shli %get3A_919, %shift_left3A_923 : vector<16xi32>
        %bitcast_convert_type3A_925 = tpu.bitcast %shift_left3A_924 : vector<16xi32> -> vector<16xf32>
        %add3A_926 = arith.addf %add3A_914, %bitcast_convert_type3A_925 : vector<16xf32>
        %get3A_927 = arith.constant 43 : i32
        %get3A_928 = arith.index_cast %get3A_927 : i32 to index
        %get3A_929 = arith.index_cast %mul3A_548 : i32 to index
        %get3A_930 = tpu.vector_load %arg6[%get3A_928, %get3A_929] {strides = array<i32>} : memref<64x512xi32, #tpu.memory_space<vmem>>, vector<1x16xi32>,
        %get3A_931 = vector.shape_cast %get3A_930 : vector<1x16xi32> to vector<16xi32>
        %bitcast_convert_type3A_932 = tpu.bitcast %get3A_931 : vector<16xi32> -> vector<16xf32>
        %add3A_933 = arith.addf %add3A_921, %bitcast_convert_type3A_932 : vector<16xf32>
        %shift_left3A_934 = arith.constant 16 : i32
        %shift_left3A_935 = vector.broadcast %shift_left3A_934 : i32 to vector<16xi32>
        %shift_left3A_936 = arith.shli %get3A_931, %shift_left3A_935 : vector<16xi32>
        %bitcast_convert_type3A_937 = tpu.bitcast %shift_left3A_936 : vector<16xi32> -> vector<16xf32>
        %add3A_938 = arith.addf %add3A_926, %bitcast_convert_type3A_937 : vector<16xf32>
        %get3A_939 = arith.constant 51 : i32
        %get3A_940 = arith.index_cast %get3A_939 : i32 to index
        %get3A_941 = arith.index_cast %mul3A_548 : i32 to index
        %get3A_942 = tpu.vector_load %arg6[%get3A_940, %get3A_941] {strides = array<i32>} : memref<64x512xi32, #tpu.memory_space<vmem>>, vector<1x16xi32>,
        %get3A_943 = vector.shape_cast %get3A_942 : vector<1x16xi32> to vector<16xi32>
        %bitcast_convert_type3A_944 = tpu.bitcast %get3A_943 : vector<16xi32> -> vector<16xf32>
        %add3A_945 = arith.addf %add3A_933, %bitcast_convert_type3A_944 : vector<16xf32>
        %shift_left3A_946 = arith.constant 16 : i32
        %shift_left3A_947 = vector.broadcast %shift_left3A_946 : i32 to vector<16xi32>
        %shift_left3A_948 = arith.shli %get3A_943, %shift_left3A_947 : vector<16xi32>
        %bitcast_convert_type3A_949 = tpu.bitcast %shift_left3A_948 : vector<16xi32> -> vector<16xf32>
        %add3A_950 = arith.addf %add3A_938, %bitcast_convert_type3A_949 : vector<16xf32>
        %get3A_951 = arith.constant 59 : i32
        %get3A_952 = arith.index_cast %get3A_951 : i32 to index
        %get3A_953 = arith.index_cast %mul3A_548 : i32 to index
        %get3A_954 = tpu.vector_load %arg6[%get3A_952, %get3A_953] {strides = array<i32>} : memref<64x512xi32, #tpu.memory_space<vmem>>, vector<1x16xi32>,
        %get3A_955 = vector.shape_cast %get3A_954 : vector<1x16xi32> to vector<16xi32>
        %bitcast_convert_type3A_956 = tpu.bitcast %get3A_955 : vector<16xi32> -> vector<16xf32>
        %add3A_957 = arith.addf %add3A_945, %bitcast_convert_type3A_956 : vector<16xf32>
        %shift_left3A_958 = arith.constant 16 : i32
        %shift_left3A_959 = vector.broadcast %shift_left3A_958 : i32 to vector<16xi32>
        %shift_left3A_960 = arith.shli %get3A_955, %shift_left3A_959 : vector<16xi32>
        %bitcast_convert_type3A_961 = tpu.bitcast %shift_left3A_960 : vector<16xi32> -> vector<16xf32>
        %add3A_962 = arith.addf %add3A_950, %bitcast_convert_type3A_961 : vector<16xf32>
        %swap3A_963 = arith.constant 3 : i32
        %swap3A_964 = arith.index_cast %swap3A_963 : i32 to index
        %swap3A_965 = arith.index_cast %mul3A_548 : i32 to index
        %swap3A_966 = tpu.vector_load %arg8[%swap3A_964, %swap3A_965] {strides = array<i32>} : memref<8x1024xf32, #tpu.memory_space<vmem>>, vector<1x16xf32>,
        %swap3A_967 = vector.shape_cast %swap3A_966 : vector<1x16xf32> to vector<16xf32>
        %swap3A_968 = vector.shape_cast %add3A_962 : vector<16xf32> to vector<1x16xf32>
        tpu.vector_store %arg8[%swap3A_964, %swap3A_965], %swap3A_968 {strides = array<i32>} : memref<8x1024xf32, #tpu.memory_space<vmem>>, vector<1x16xf32>,
        %add3A_969 = arith.constant 512 : i32
        %add3A_970 = arith.addi %mul3A_548, %add3A_969 : i32
        %swap3A_971 = arith.constant 3 : i32
        %swap3A_972 = arith.index_cast %swap3A_971 : i32 to index
        %swap3A_973 = arith.index_cast %add3A_970 : i32 to index
        %swap3A_974 = tpu.vector_load %arg8[%swap3A_972, %swap3A_973] {strides = array<i32>} : memref<8x1024xf32, #tpu.memory_space<vmem>>, vector<1x16xf32>,
        %swap3A_975 = vector.shape_cast %swap3A_974 : vector<1x16xf32> to vector<16xf32>
        %swap3A_976 = vector.shape_cast %add3A_957 : vector<16xf32> to vector<1x16xf32>
        tpu.vector_store %arg8[%swap3A_972, %swap3A_973], %swap3A_976 {strides = array<i32>} : memref<8x1024xf32, #tpu.memory_space<vmem>>, vector<1x16xf32>,
        %get3A_977 = arith.constant 4 : i32
        %get3A_978 = arith.index_cast %get3A_977 : i32 to index
        %get3A_979 = arith.index_cast %mul3A_548 : i32 to index
        %get3A_980 = tpu.vector_load %arg6[%get3A_978, %get3A_979] {strides = array<i32>} : memref<64x512xi32, #tpu.memory_space<vmem>>, vector<1x16xi32>,
        %get3A_981 = vector.shape_cast %get3A_980 : vector<1x16xi32> to vector<16xi32>
        %bitcast_convert_type3A_982 = tpu.bitcast %get3A_981 : vector<16xi32> -> vector<16xf32>
        %shift_left3A_983 = arith.constant 16 : i32
        %shift_left3A_984 = vector.broadcast %shift_left3A_983 : i32 to vector<16xi32>
        %shift_left3A_985 = arith.shli %get3A_981, %shift_left3A_984 : vector<16xi32>
        %bitcast_convert_type3A_986 = tpu.bitcast %shift_left3A_985 : vector<16xi32> -> vector<16xf32>
        %get3A_987 = arith.constant 12 : i32
        %get3A_988 = arith.index_cast %get3A_987 : i32 to index
        %get3A_989 = arith.index_cast %mul3A_548 : i32 to index
        %get3A_990 = tpu.vector_load %arg6[%get3A_988, %get3A_989] {strides = array<i32>} : memref<64x512xi32, #tpu.memory_space<vmem>>, vector<1x16xi32>,
        %get3A_991 = vector.shape_cast %get3A_990 : vector<1x16xi32> to vector<16xi32>
        %bitcast_convert_type3A_992 = tpu.bitcast %get3A_991 : vector<16xi32> -> vector<16xf32>
        %add3A_993 = arith.addf %bitcast_convert_type3A_982, %bitcast_convert_type3A_992 : vector<16xf32>
        %shift_left3A_994 = arith.constant 16 : i32
        %shift_left3A_995 = vector.broadcast %shift_left3A_994 : i32 to vector<16xi32>
        %shift_left3A_996 = arith.shli %get3A_991, %shift_left3A_995 : vector<16xi32>
        %bitcast_convert_type3A_997 = tpu.bitcast %shift_left3A_996 : vector<16xi32> -> vector<16xf32>
        %add3A_998 = arith.addf %bitcast_convert_type3A_986, %bitcast_convert_type3A_997 : vector<16xf32>
        %get3A_999 = arith.constant 20 : i32
        %get3A_1000 = arith.index_cast %get3A_999 : i32 to index
        %get3A_1001 = arith.index_cast %mul3A_548 : i32 to index
        %get3A_1002 = tpu.vector_load %arg6[%get3A_1000, %get3A_1001] {strides = array<i32>} : memref<64x512xi32, #tpu.memory_space<vmem>>, vector<1x16xi32>,
        %get3A_1003 = vector.shape_cast %get3A_1002 : vector<1x16xi32> to vector<16xi32>
        %bitcast_convert_type3A_1004 = tpu.bitcast %get3A_1003 : vector<16xi32> -> vector<16xf32>
        %add3A_1005 = arith.addf %add3A_993, %bitcast_convert_type3A_1004 : vector<16xf32>
        %shift_left3A_1006 = arith.constant 16 : i32
        %shift_left3A_1007 = vector.broadcast %shift_left3A_1006 : i32 to vector<16xi32>
        %shift_left3A_1008 = arith.shli %get3A_1003, %shift_left3A_1007 : vector<16xi32>
        %bitcast_convert_type3A_1009 = tpu.bitcast %shift_left3A_1008 : vector<16xi32> -> vector<16xf32>
        %add3A_1010 = arith.addf %add3A_998, %bitcast_convert_type3A_1009 : vector<16xf32>
        %get3A_1011 = arith.constant 28 : i32
        %get3A_1012 = arith.index_cast %get3A_1011 : i32 to index
        %get3A_1013 = arith.index_cast %mul3A_548 : i32 to index
        %get3A_1014 = tpu.vector_load %arg6[%get3A_1012, %get3A_1013] {strides = array<i32>} : memref<64x512xi32, #tpu.memory_space<vmem>>, vector<1x16xi32>,
        %get3A_1015 = vector.shape_cast %get3A_1014 : vector<1x16xi32> to vector<16xi32>
        %bitcast_convert_type3A_1016 = tpu.bitcast %get3A_1015 : vector<16xi32> -> vector<16xf32>
        %add3A_1017 = arith.addf %add3A_1005, %bitcast_convert_type3A_1016 : vector<16xf32>
        %shift_left3A_1018 = arith.constant 16 : i32
        %shift_left3A_1019 = vector.broadcast %shift_left3A_1018 : i32 to vector<16xi32>
        %shift_left3A_1020 = arith.shli %get3A_1015, %shift_left3A_1019 : vector<16xi32>
        %bitcast_convert_type3A_1021 = tpu.bitcast %shift_left3A_1020 : vector<16xi32> -> vector<16xf32>
        %add3A_1022 = arith.addf %add3A_1010, %bitcast_convert_type3A_1021 : vector<16xf32>
        %get3A_1023 = arith.constant 36 : i32
        %get3A_1024 = arith.index_cast %get3A_1023 : i32 to index
        %get3A_1025 = arith.index_cast %mul3A_548 : i32 to index
        %get3A_1026 = tpu.vector_load %arg6[%get3A_1024, %get3A_1025] {strides = array<i32>} : memref<64x512xi32, #tpu.memory_space<vmem>>, vector<1x16xi32>,
        %get3A_1027 = vector.shape_cast %get3A_1026 : vector<1x16xi32> to vector<16xi32>
        %bitcast_convert_type3A_1028 = tpu.bitcast %get3A_1027 : vector<16xi32> -> vector<16xf32>
        %add3A_1029 = arith.addf %add3A_1017, %bitcast_convert_type3A_1028 : vector<16xf32>
        %shift_left3A_1030 = arith.constant 16 : i32
        %shift_left3A_1031 = vector.broadcast %shift_left3A_1030 : i32 to vector<16xi32>
        %shift_left3A_1032 = arith.shli %get3A_1027, %shift_left3A_1031 : vector<16xi32>
        %bitcast_convert_type3A_1033 = tpu.bitcast %shift_left3A_1032 : vector<16xi32> -> vector<16xf32>
        %add3A_1034 = arith.addf %add3A_1022, %bitcast_convert_type3A_1033 : vector<16xf32>
        %get3A_1035 = arith.constant 44 : i32
        %get3A_1036 = arith.index_cast %get3A_1035 : i32 to index
        %get3A_1037 = arith.index_cast %mul3A_548 : i32 to index
        %get3A_1038 = tpu.vector_load %arg6[%get3A_1036, %get3A_1037] {strides = array<i32>} : memref<64x512xi32, #tpu.memory_space<vmem>>, vector<1x16xi32>,
        %get3A_1039 = vector.shape_cast %get3A_1038 : vector<1x16xi32> to vector<16xi32>
        %bitcast_convert_type3A_1040 = tpu.bitcast %get3A_1039 : vector<16xi32> -> vector<16xf32>
        %add3A_1041 = arith.addf %add3A_1029, %bitcast_convert_type3A_1040 : vector<16xf32>
        %shift_left3A_1042 = arith.constant 16 : i32
        %shift_left3A_1043 = vector.broadcast %shift_left3A_1042 : i32 to vector<16xi32>
        %shift_left3A_1044 = arith.shli %get3A_1039, %shift_left3A_1043 : vector<16xi32>
        %bitcast_convert_type3A_1045 = tpu.bitcast %shift_left3A_1044 : vector<16xi32> -> vector<16xf32>
        %add3A_1046 = arith.addf %add3A_1034, %bitcast_convert_type3A_1045 : vector<16xf32>
        %get3A_1047 = arith.constant 52 : i32
        %get3A_1048 = arith.index_cast %get3A_1047 : i32 to index
        %get3A_1049 = arith.index_cast %mul3A_548 : i32 to index
        %get3A_1050 = tpu.vector_load %arg6[%get3A_1048, %get3A_1049] {strides = array<i32>} : memref<64x512xi32, #tpu.memory_space<vmem>>, vector<1x16xi32>,
        %get3A_1051 = vector.shape_cast %get3A_1050 : vector<1x16xi32> to vector<16xi32>
        %bitcast_convert_type3A_1052 = tpu.bitcast %get3A_1051 : vector<16xi32> -> vector<16xf32>
        %add3A_1053 = arith.addf %add3A_1041, %bitcast_convert_type3A_1052 : vector<16xf32>
        %shift_left3A_1054 = arith.constant 16 : i32
        %shift_left3A_1055 = vector.broadcast %shift_left3A_1054 : i32 to vector<16xi32>
        %shift_left3A_1056 = arith.shli %get3A_1051, %shift_left3A_1055 : vector<16xi32>
        %bitcast_convert_type3A_1057 = tpu.bitcast %shift_left3A_1056 : vector<16xi32> -> vector<16xf32>
        %add3A_1058 = arith.addf %add3A_1046, %bitcast_convert_type3A_1057 : vector<16xf32>
        %get3A_1059 = arith.constant 60 : i32
        %get3A_1060 = arith.index_cast %get3A_1059 : i32 to index
        %get3A_1061 = arith.index_cast %mul3A_548 : i32 to index
        %get3A_1062 = tpu.vector_load %arg6[%get3A_1060, %get3A_1061] {strides = array<i32>} : memref<64x512xi32, #tpu.memory_space<vmem>>, vector<1x16xi32>,
        %get3A_1063 = vector.shape_cast %get3A_1062 : vector<1x16xi32> to vector<16xi32>
        %bitcast_convert_type3A_1064 = tpu.bitcast %get3A_1063 : vector<16xi32> -> vector<16xf32>
        %add3A_1065 = arith.addf %add3A_1053, %bitcast_convert_type3A_1064 : vector<16xf32>
        %shift_left3A_1066 = arith.constant 16 : i32
        %shift_left3A_1067 = vector.broadcast %shift_left3A_1066 : i32 to vector<16xi32>
        %shift_left3A_1068 = arith.shli %get3A_1063, %shift_left3A_1067 : vector<16xi32>
        %bitcast_convert_type3A_1069 = tpu.bitcast %shift_left3A_1068 : vector<16xi32> -> vector<16xf32>
        %add3A_1070 = arith.addf %add3A_1058, %bitcast_convert_type3A_1069 : vector<16xf32>
        %swap3A_1071 = arith.constant 4 : i32
        %swap3A_1072 = arith.index_cast %swap3A_1071 : i32 to index
        %swap3A_1073 = arith.index_cast %mul3A_548 : i32 to index
        %swap3A_1074 = tpu.vector_load %arg8[%swap3A_1072, %swap3A_1073] {strides = array<i32>} : memref<8x1024xf32, #tpu.memory_space<vmem>>, vector<1x16xf32>,
        %swap3A_1075 = vector.shape_cast %swap3A_1074 : vector<1x16xf32> to vector<16xf32>
        %swap3A_1076 = vector.shape_cast %add3A_1070 : vector<16xf32> to vector<1x16xf32>
        tpu.vector_store %arg8[%swap3A_1072, %swap3A_1073], %swap3A_1076 {strides = array<i32>} : memref<8x1024xf32, #tpu.memory_space<vmem>>, vector<1x16xf32>,
        %add3A_1077 = arith.constant 512 : i32
        %add3A_1078 = arith.addi %mul3A_548, %add3A_1077 : i32
        %swap3A_1079 = arith.constant 4 : i32
        %swap3A_1080 = arith.index_cast %swap3A_1079 : i32 to index
        %swap3A_1081 = arith.index_cast %add3A_1078 : i32 to index
        %swap3A_1082 = tpu.vector_load %arg8[%swap3A_1080, %swap3A_1081] {strides = array<i32>} : memref<8x1024xf32, #tpu.memory_space<vmem>>, vector<1x16xf32>,
        %swap3A_1083 = vector.shape_cast %swap3A_1082 : vector<1x16xf32> to vector<16xf32>
        %swap3A_1084 = vector.shape_cast %add3A_1065 : vector<16xf32> to vector<1x16xf32>
        tpu.vector_store %arg8[%swap3A_1080, %swap3A_1081], %swap3A_1084 {strides = array<i32>} : memref<8x1024xf32, #tpu.memory_space<vmem>>, vector<1x16xf32>,
        %get3A_1085 = arith.constant 5 : i32
        %get3A_1086 = arith.index_cast %get3A_1085 : i32 to index
        %get3A_1087 = arith.index_cast %mul3A_548 : i32 to index
        %get3A_1088 = tpu.vector_load %arg6[%get3A_1086, %get3A_1087] {strides = array<i32>} : memref<64x512xi32, #tpu.memory_space<vmem>>, vector<1x16xi32>,
        %get3A_1089 = vector.shape_cast %get3A_1088 : vector<1x16xi32> to vector<16xi32>
        %bitcast_convert_type3A_1090 = tpu.bitcast %get3A_1089 : vector<16xi32> -> vector<16xf32>
        %shift_left3A_1091 = arith.constant 16 : i32
        %shift_left3A_1092 = vector.broadcast %shift_left3A_1091 : i32 to vector<16xi32>
        %shift_left3A_1093 = arith.shli %get3A_1089, %shift_left3A_1092 : vector<16xi32>
        %bitcast_convert_type3A_1094 = tpu.bitcast %shift_left3A_1093 : vector<16xi32> -> vector<16xf32>
        %get3A_1095 = arith.constant 13 : i32
        %get3A_1096 = arith.index_cast %get3A_1095 : i32 to index
        %get3A_1097 = arith.index_cast %mul3A_548 : i32 to index
        %get3A_1098 = tpu.vector_load %arg6[%get3A_1096, %get3A_1097] {strides = array<i32>} : memref<64x512xi32, #tpu.memory_space<vmem>>, vector<1x16xi32>,
        %get3A_1099 = vector.shape_cast %get3A_1098 : vector<1x16xi32> to vector<16xi32>
        %bitcast_convert_type3A_1100 = tpu.bitcast %get3A_1099 : vector<16xi32> -> vector<16xf32>
        %add3A_1101 = arith.addf %bitcast_convert_type3A_1090, %bitcast_convert_type3A_1100 : vector<16xf32>
        %shift_left3A_1102 = arith.constant 16 : i32
        %shift_left3A_1103 = vector.broadcast %shift_left3A_1102 : i32 to vector<16xi32>
        %shift_left3A_1104 = arith.shli %get3A_1099, %shift_left3A_1103 : vector<16xi32>
        %bitcast_convert_type3A_1105 = tpu.bitcast %shift_left3A_1104 : vector<16xi32> -> vector<16xf32>
        %add3A_1106 = arith.addf %bitcast_convert_type3A_1094, %bitcast_convert_type3A_1105 : vector<16xf32>
        %get3A_1107 = arith.constant 21 : i32
        %get3A_1108 = arith.index_cast %get3A_1107 : i32 to index
        %get3A_1109 = arith.index_cast %mul3A_548 : i32 to index
        %get3A_1110 = tpu.vector_load %arg6[%get3A_1108, %get3A_1109] {strides = array<i32>} : memref<64x512xi32, #tpu.memory_space<vmem>>, vector<1x16xi32>,
        %get3A_1111 = vector.shape_cast %get3A_1110 : vector<1x16xi32> to vector<16xi32>
        %bitcast_convert_type3A_1112 = tpu.bitcast %get3A_1111 : vector<16xi32> -> vector<16xf32>
        %add3A_1113 = arith.addf %add3A_1101, %bitcast_convert_type3A_1112 : vector<16xf32>
        %shift_left3A_1114 = arith.constant 16 : i32
        %shift_left3A_1115 = vector.broadcast %shift_left3A_1114 : i32 to vector<16xi32>
        %shift_left3A_1116 = arith.shli %get3A_1111, %shift_left3A_1115 : vector<16xi32>
        %bitcast_convert_type3A_1117 = tpu.bitcast %shift_left3A_1116 : vector<16xi32> -> vector<16xf32>
        %add3A_1118 = arith.addf %add3A_1106, %bitcast_convert_type3A_1117 : vector<16xf32>
        %get3A_1119 = arith.constant 29 : i32
        %get3A_1120 = arith.index_cast %get3A_1119 : i32 to index
        %get3A_1121 = arith.index_cast %mul3A_548 : i32 to index
        %get3A_1122 = tpu.vector_load %arg6[%get3A_1120, %get3A_1121] {strides = array<i32>} : memref<64x512xi32, #tpu.memory_space<vmem>>, vector<1x16xi32>,
        %get3A_1123 = vector.shape_cast %get3A_1122 : vector<1x16xi32> to vector<16xi32>
        %bitcast_convert_type3A_1124 = tpu.bitcast %get3A_1123 : vector<16xi32> -> vector<16xf32>
        %add3A_1125 = arith.addf %add3A_1113, %bitcast_convert_type3A_1124 : vector<16xf32>
        %shift_left3A_1126 = arith.constant 16 : i32
        %shift_left3A_1127 = vector.broadcast %shift_left3A_1126 : i32 to vector<16xi32>
        %shift_left3A_1128 = arith.shli %get3A_1123, %shift_left3A_1127 : vector<16xi32>
        %bitcast_convert_type3A_1129 = tpu.bitcast %shift_left3A_1128 : vector<16xi32> -> vector<16xf32>
        %add3A_1130 = arith.addf %add3A_1118, %bitcast_convert_type3A_1129 : vector<16xf32>
        %get3A_1131 = arith.constant 37 : i32
        %get3A_1132 = arith.index_cast %get3A_1131 : i32 to index
        %get3A_1133 = arith.index_cast %mul3A_548 : i32 to index
        %get3A_1134 = tpu.vector_load %arg6[%get3A_1132, %get3A_1133] {strides = array<i32>} : memref<64x512xi32, #tpu.memory_space<vmem>>, vector<1x16xi32>,
        %get3A_1135 = vector.shape_cast %get3A_1134 : vector<1x16xi32> to vector<16xi32>
        %bitcast_convert_type3A_1136 = tpu.bitcast %get3A_1135 : vector<16xi32> -> vector<16xf32>
        %add3A_1137 = arith.addf %add3A_1125, %bitcast_convert_type3A_1136 : vector<16xf32>
        %shift_left3A_1138 = arith.constant 16 : i32
        %shift_left3A_1139 = vector.broadcast %shift_left3A_1138 : i32 to vector<16xi32>
        %shift_left3A_1140 = arith.shli %get3A_1135, %shift_left3A_1139 : vector<16xi32>
        %bitcast_convert_type3A_1141 = tpu.bitcast %shift_left3A_1140 : vector<16xi32> -> vector<16xf32>
        %add3A_1142 = arith.addf %add3A_1130, %bitcast_convert_type3A_1141 : vector<16xf32>
        %get3A_1143 = arith.constant 45 : i32
        %get3A_1144 = arith.index_cast %get3A_1143 : i32 to index
        %get3A_1145 = arith.index_cast %mul3A_548 : i32 to index
        %get3A_1146 = tpu.vector_load %arg6[%get3A_1144, %get3A_1145] {strides = array<i32>} : memref<64x512xi32, #tpu.memory_space<vmem>>, vector<1x16xi32>,
        %get3A_1147 = vector.shape_cast %get3A_1146 : vector<1x16xi32> to vector<16xi32>
        %bitcast_convert_type3A_1148 = tpu.bitcast %get3A_1147 : vector<16xi32> -> vector<16xf32>
        %add3A_1149 = arith.addf %add3A_1137, %bitcast_convert_type3A_1148 : vector<16xf32>
        %shift_left3A_1150 = arith.constant 16 : i32
        %shift_left3A_1151 = vector.broadcast %shift_left3A_1150 : i32 to vector<16xi32>
        %shift_left3A_1152 = arith.shli %get3A_1147, %shift_left3A_1151 : vector<16xi32>
        %bitcast_convert_type3A_1153 = tpu.bitcast %shift_left3A_1152 : vector<16xi32> -> vector<16xf32>
        %add3A_1154 = arith.addf %add3A_1142, %bitcast_convert_type3A_1153 : vector<16xf32>
        %get3A_1155 = arith.constant 53 : i32
        %get3A_1156 = arith.index_cast %get3A_1155 : i32 to index
        %get3A_1157 = arith.index_cast %mul3A_548 : i32 to index
        %get3A_1158 = tpu.vector_load %arg6[%get3A_1156, %get3A_1157] {strides = array<i32>} : memref<64x512xi32, #tpu.memory_space<vmem>>, vector<1x16xi32>,
        %get3A_1159 = vector.shape_cast %get3A_1158 : vector<1x16xi32> to vector<16xi32>
        %bitcast_convert_type3A_1160 = tpu.bitcast %get3A_1159 : vector<16xi32> -> vector<16xf32>
        %add3A_1161 = arith.addf %add3A_1149, %bitcast_convert_type3A_1160 : vector<16xf32>
        %shift_left3A_1162 = arith.constant 16 : i32
        %shift_left3A_1163 = vector.broadcast %shift_left3A_1162 : i32 to vector<16xi32>
        %shift_left3A_1164 = arith.shli %get3A_1159, %shift_left3A_1163 : vector<16xi32>
        %bitcast_convert_type3A_1165 = tpu.bitcast %shift_left3A_1164 : vector<16xi32> -> vector<16xf32>
        %add3A_1166 = arith.addf %add3A_1154, %bitcast_convert_type3A_1165 : vector<16xf32>
        %get3A_1167 = arith.constant 61 : i32
        %get3A_1168 = arith.index_cast %get3A_1167 : i32 to index
        %get3A_1169 = arith.index_cast %mul3A_548 : i32 to index
        %get3A_1170 = tpu.vector_load %arg6[%get3A_1168, %get3A_1169] {strides = array<i32>} : memref<64x512xi32, #tpu.memory_space<vmem>>, vector<1x16xi32>,
        %get3A_1171 = vector.shape_cast %get3A_1170 : vector<1x16xi32> to vector<16xi32>
        %bitcast_convert_type3A_1172 = tpu.bitcast %get3A_1171 : vector<16xi32> -> vector<16xf32>
        %add3A_1173 = arith.addf %add3A_1161, %bitcast_convert_type3A_1172 : vector<16xf32>
        %shift_left3A_1174 = arith.constant 16 : i32
        %shift_left3A_1175 = vector.broadcast %shift_left3A_1174 : i32 to vector<16xi32>
        %shift_left3A_1176 = arith.shli %get3A_1171, %shift_left3A_1175 : vector<16xi32>
        %bitcast_convert_type3A_1177 = tpu.bitcast %shift_left3A_1176 : vector<16xi32> -> vector<16xf32>
        %add3A_1178 = arith.addf %add3A_1166, %bitcast_convert_type3A_1177 : vector<16xf32>
        %swap3A_1179 = arith.constant 5 : i32
        %swap3A_1180 = arith.index_cast %swap3A_1179 : i32 to index
        %swap3A_1181 = arith.index_cast %mul3A_548 : i32 to index
        %swap3A_1182 = tpu.vector_load %arg8[%swap3A_1180, %swap3A_1181] {strides = array<i32>} : memref<8x1024xf32, #tpu.memory_space<vmem>>, vector<1x16xf32>,
        %swap3A_1183 = vector.shape_cast %swap3A_1182 : vector<1x16xf32> to vector<16xf32>
        %swap3A_1184 = vector.shape_cast %add3A_1178 : vector<16xf32> to vector<1x16xf32>
        tpu.vector_store %arg8[%swap3A_1180, %swap3A_1181], %swap3A_1184 {strides = array<i32>} : memref<8x1024xf32, #tpu.memory_space<vmem>>, vector<1x16xf32>,
        %add3A_1185 = arith.constant 512 : i32
        %add3A_1186 = arith.addi %mul3A_548, %add3A_1185 : i32
        %swap3A_1187 = arith.constant 5 : i32
        %swap3A_1188 = arith.index_cast %swap3A_1187 : i32 to index
        %swap3A_1189 = arith.index_cast %add3A_1186 : i32 to index
        %swap3A_1190 = tpu.vector_load %arg8[%swap3A_1188, %swap3A_1189] {strides = array<i32>} : memref<8x1024xf32, #tpu.memory_space<vmem>>, vector<1x16xf32>,
        %swap3A_1191 = vector.shape_cast %swap3A_1190 : vector<1x16xf32> to vector<16xf32>
        %swap3A_1192 = vector.shape_cast %add3A_1173 : vector<16xf32> to vector<1x16xf32>
        tpu.vector_store %arg8[%swap3A_1188, %swap3A_1189], %swap3A_1192 {strides = array<i32>} : memref<8x1024xf32, #tpu.memory_space<vmem>>, vector<1x16xf32>,
        %get3A_1193 = arith.constant 6 : i32
        %get3A_1194 = arith.index_cast %get3A_1193 : i32 to index
        %get3A_1195 = arith.index_cast %mul3A_548 : i32 to index
        %get3A_1196 = tpu.vector_load %arg6[%get3A_1194, %get3A_1195] {strides = array<i32>} : memref<64x512xi32, #tpu.memory_space<vmem>>, vector<1x16xi32>,
        %get3A_1197 = vector.shape_cast %get3A_1196 : vector<1x16xi32> to vector<16xi32>
        %bitcast_convert_type3A_1198 = tpu.bitcast %get3A_1197 : vector<16xi32> -> vector<16xf32>
        %shift_left3A_1199 = arith.constant 16 : i32
        %shift_left3A_1200 = vector.broadcast %shift_left3A_1199 : i32 to vector<16xi32>
        %shift_left3A_1201 = arith.shli %get3A_1197, %shift_left3A_1200 : vector<16xi32>
        %bitcast_convert_type3A_1202 = tpu.bitcast %shift_left3A_1201 : vector<16xi32> -> vector<16xf32>
        %get3A_1203 = arith.constant 14 : i32
        %get3A_1204 = arith.index_cast %get3A_1203 : i32 to index
        %get3A_1205 = arith.index_cast %mul3A_548 : i32 to index
        %get3A_1206 = tpu.vector_load %arg6[%get3A_1204, %get3A_1205] {strides = array<i32>} : memref<64x512xi32, #tpu.memory_space<vmem>>, vector<1x16xi32>,
        %get3A_1207 = vector.shape_cast %get3A_1206 : vector<1x16xi32> to vector<16xi32>
        %bitcast_convert_type3A_1208 = tpu.bitcast %get3A_1207 : vector<16xi32> -> vector<16xf32>
        %add3A_1209 = arith.addf %bitcast_convert_type3A_1198, %bitcast_convert_type3A_1208 : vector<16xf32>
        %shift_left3A_1210 = arith.constant 16 : i32
        %shift_left3A_1211 = vector.broadcast %shift_left3A_1210 : i32 to vector<16xi32>
        %shift_left3A_1212 = arith.shli %get3A_1207, %shift_left3A_1211 : vector<16xi32>
        %bitcast_convert_type3A_1213 = tpu.bitcast %shift_left3A_1212 : vector<16xi32> -> vector<16xf32>
        %add3A_1214 = arith.addf %bitcast_convert_type3A_1202, %bitcast_convert_type3A_1213 : vector<16xf32>
        %get3A_1215 = arith.constant 22 : i32
        %get3A_1216 = arith.index_cast %get3A_1215 : i32 to index
        %get3A_1217 = arith.index_cast %mul3A_548 : i32 to index
        %get3A_1218 = tpu.vector_load %arg6[%get3A_1216, %get3A_1217] {strides = array<i32>} : memref<64x512xi32, #tpu.memory_space<vmem>>, vector<1x16xi32>,
        %get3A_1219 = vector.shape_cast %get3A_1218 : vector<1x16xi32> to vector<16xi32>
        %bitcast_convert_type3A_1220 = tpu.bitcast %get3A_1219 : vector<16xi32> -> vector<16xf32>
        %add3A_1221 = arith.addf %add3A_1209, %bitcast_convert_type3A_1220 : vector<16xf32>
        %shift_left3A_1222 = arith.constant 16 : i32
        %shift_left3A_1223 = vector.broadcast %shift_left3A_1222 : i32 to vector<16xi32>
        %shift_left3A_1224 = arith.shli %get3A_1219, %shift_left3A_1223 : vector<16xi32>
        %bitcast_convert_type3A_1225 = tpu.bitcast %shift_left3A_1224 : vector<16xi32> -> vector<16xf32>
        %add3A_1226 = arith.addf %add3A_1214, %bitcast_convert_type3A_1225 : vector<16xf32>
        %get3A_1227 = arith.constant 30 : i32
        %get3A_1228 = arith.index_cast %get3A_1227 : i32 to index
        %get3A_1229 = arith.index_cast %mul3A_548 : i32 to index
        %get3A_1230 = tpu.vector_load %arg6[%get3A_1228, %get3A_1229] {strides = array<i32>} : memref<64x512xi32, #tpu.memory_space<vmem>>, vector<1x16xi32>,
        %get3A_1231 = vector.shape_cast %get3A_1230 : vector<1x16xi32> to vector<16xi32>
        %bitcast_convert_type3A_1232 = tpu.bitcast %get3A_1231 : vector<16xi32> -> vector<16xf32>
        %add3A_1233 = arith.addf %add3A_1221, %bitcast_convert_type3A_1232 : vector<16xf32>
        %shift_left3A_1234 = arith.constant 16 : i32
        %shift_left3A_1235 = vector.broadcast %shift_left3A_1234 : i32 to vector<16xi32>
        %shift_left3A_1236 = arith.shli %get3A_1231, %shift_left3A_1235 : vector<16xi32>
        %bitcast_convert_type3A_1237 = tpu.bitcast %shift_left3A_1236 : vector<16xi32> -> vector<16xf32>
        %add3A_1238 = arith.addf %add3A_1226, %bitcast_convert_type3A_1237 : vector<16xf32>
        %get3A_1239 = arith.constant 38 : i32
        %get3A_1240 = arith.index_cast %get3A_1239 : i32 to index
        %get3A_1241 = arith.index_cast %mul3A_548 : i32 to index
        %get3A_1242 = tpu.vector_load %arg6[%get3A_1240, %get3A_1241] {strides = array<i32>} : memref<64x512xi32, #tpu.memory_space<vmem>>, vector<1x16xi32>,
        %get3A_1243 = vector.shape_cast %get3A_1242 : vector<1x16xi32> to vector<16xi32>
        %bitcast_convert_type3A_1244 = tpu.bitcast %get3A_1243 : vector<16xi32> -> vector<16xf32>
        %add3A_1245 = arith.addf %add3A_1233, %bitcast_convert_type3A_1244 : vector<16xf32>
        %shift_left3A_1246 = arith.constant 16 : i32
        %shift_left3A_1247 = vector.broadcast %shift_left3A_1246 : i32 to vector<16xi32>
        %shift_left3A_1248 = arith.shli %get3A_1243, %shift_left3A_1247 : vector<16xi32>
        %bitcast_convert_type3A_1249 = tpu.bitcast %shift_left3A_1248 : vector<16xi32> -> vector<16xf32>
        %add3A_1250 = arith.addf %add3A_1238, %bitcast_convert_type3A_1249 : vector<16xf32>
        %get3A_1251 = arith.constant 46 : i32
        %get3A_1252 = arith.index_cast %get3A_1251 : i32 to index
        %get3A_1253 = arith.index_cast %mul3A_548 : i32 to index
        %get3A_1254 = tpu.vector_load %arg6[%get3A_1252, %get3A_1253] {strides = array<i32>} : memref<64x512xi32, #tpu.memory_space<vmem>>, vector<1x16xi32>,
        %get3A_1255 = vector.shape_cast %get3A_1254 : vector<1x16xi32> to vector<16xi32>
        %bitcast_convert_type3A_1256 = tpu.bitcast %get3A_1255 : vector<16xi32> -> vector<16xf32>
        %add3A_1257 = arith.addf %add3A_1245, %bitcast_convert_type3A_1256 : vector<16xf32>
        %shift_left3A_1258 = arith.constant 16 : i32
        %shift_left3A_1259 = vector.broadcast %shift_left3A_1258 : i32 to vector<16xi32>
        %shift_left3A_1260 = arith.shli %get3A_1255, %shift_left3A_1259 : vector<16xi32>
        %bitcast_convert_type3A_1261 = tpu.bitcast %shift_left3A_1260 : vector<16xi32> -> vector<16xf32>
        %add3A_1262 = arith.addf %add3A_1250, %bitcast_convert_type3A_1261 : vector<16xf32>
        %get3A_1263 = arith.constant 54 : i32
        %get3A_1264 = arith.index_cast %get3A_1263 : i32 to index
        %get3A_1265 = arith.index_cast %mul3A_548 : i32 to index
        %get3A_1266 = tpu.vector_load %arg6[%get3A_1264, %get3A_1265] {strides = array<i32>} : memref<64x512xi32, #tpu.memory_space<vmem>>, vector<1x16xi32>,
        %get3A_1267 = vector.shape_cast %get3A_1266 : vector<1x16xi32> to vector<16xi32>
        %bitcast_convert_type3A_1268 = tpu.bitcast %get3A_1267 : vector<16xi32> -> vector<16xf32>
        %add3A_1269 = arith.addf %add3A_1257, %bitcast_convert_type3A_1268 : vector<16xf32>
        %shift_left3A_1270 = arith.constant 16 : i32
        %shift_left3A_1271 = vector.broadcast %shift_left3A_1270 : i32 to vector<16xi32>
        %shift_left3A_1272 = arith.shli %get3A_1267, %shift_left3A_1271 : vector<16xi32>
        %bitcast_convert_type3A_1273 = tpu.bitcast %shift_left3A_1272 : vector<16xi32> -> vector<16xf32>
        %add3A_1274 = arith.addf %add3A_1262, %bitcast_convert_type3A_1273 : vector<16xf32>
        %get3A_1275 = arith.constant 62 : i32
        %get3A_1276 = arith.index_cast %get3A_1275 : i32 to index
        %get3A_1277 = arith.index_cast %mul3A_548 : i32 to index
        %get3A_1278 = tpu.vector_load %arg6[%get3A_1276, %get3A_1277] {strides = array<i32>} : memref<64x512xi32, #tpu.memory_space<vmem>>, vector<1x16xi32>,
        %get3A_1279 = vector.shape_cast %get3A_1278 : vector<1x16xi32> to vector<16xi32>
        %bitcast_convert_type3A_1280 = tpu.bitcast %get3A_1279 : vector<16xi32> -> vector<16xf32>
        %add3A_1281 = arith.addf %add3A_1269, %bitcast_convert_type3A_1280 : vector<16xf32>
        %shift_left3A_1282 = arith.constant 16 : i32
        %shift_left3A_1283 = vector.broadcast %shift_left3A_1282 : i32 to vector<16xi32>
        %shift_left3A_1284 = arith.shli %get3A_1279, %shift_left3A_1283 : vector<16xi32>
        %bitcast_convert_type3A_1285 = tpu.bitcast %shift_left3A_1284 : vector<16xi32> -> vector<16xf32>
        %add3A_1286 = arith.addf %add3A_1274, %bitcast_convert_type3A_1285 : vector<16xf32>
        %swap3A_1287 = arith.constant 6 : i32
        %swap3A_1288 = arith.index_cast %swap3A_1287 : i32 to index
        %swap3A_1289 = arith.index_cast %mul3A_548 : i32 to index
        %swap3A_1290 = tpu.vector_load %arg8[%swap3A_1288, %swap3A_1289] {strides = array<i32>} : memref<8x1024xf32, #tpu.memory_space<vmem>>, vector<1x16xf32>,
        %swap3A_1291 = vector.shape_cast %swap3A_1290 : vector<1x16xf32> to vector<16xf32>
        %swap3A_1292 = vector.shape_cast %add3A_1286 : vector<16xf32> to vector<1x16xf32>
        tpu.vector_store %arg8[%swap3A_1288, %swap3A_1289], %swap3A_1292 {strides = array<i32>} : memref<8x1024xf32, #tpu.memory_space<vmem>>, vector<1x16xf32>,
        %add3A_1293 = arith.constant 512 : i32
        %add3A_1294 = arith.addi %mul3A_548, %add3A_1293 : i32
        %swap3A_1295 = arith.constant 6 : i32
        %swap3A_1296 = arith.index_cast %swap3A_1295 : i32 to index
        %swap3A_1297 = arith.index_cast %add3A_1294 : i32 to index
        %swap3A_1298 = tpu.vector_load %arg8[%swap3A_1296, %swap3A_1297] {strides = array<i32>} : memref<8x1024xf32, #tpu.memory_space<vmem>>, vector<1x16xf32>,
        %swap3A_1299 = vector.shape_cast %swap3A_1298 : vector<1x16xf32> to vector<16xf32>
        %swap3A_1300 = vector.shape_cast %add3A_1281 : vector<16xf32> to vector<1x16xf32>
        tpu.vector_store %arg8[%swap3A_1296, %swap3A_1297], %swap3A_1300 {strides = array<i32>} : memref<8x1024xf32, #tpu.memory_space<vmem>>, vector<1x16xf32>,
        %get3A_1301 = arith.constant 7 : i32
        %get3A_1302 = arith.index_cast %get3A_1301 : i32 to index
        %get3A_1303 = arith.index_cast %mul3A_548 : i32 to index
        %get3A_1304 = tpu.vector_load %arg6[%get3A_1302, %get3A_1303] {strides = array<i32>} : memref<64x512xi32, #tpu.memory_space<vmem>>, vector<1x16xi32>,
        %get3A_1305 = vector.shape_cast %get3A_1304 : vector<1x16xi32> to vector<16xi32>
        %bitcast_convert_type3A_1306 = tpu.bitcast %get3A_1305 : vector<16xi32> -> vector<16xf32>
        %shift_left3A_1307 = arith.constant 16 : i32
        %shift_left3A_1308 = vector.broadcast %shift_left3A_1307 : i32 to vector<16xi32>
        %shift_left3A_1309 = arith.shli %get3A_1305, %shift_left3A_1308 : vector<16xi32>
        %bitcast_convert_type3A_1310 = tpu.bitcast %shift_left3A_1309 : vector<16xi32> -> vector<16xf32>
        %get3A_1311 = arith.constant 15 : i32
        %get3A_1312 = arith.index_cast %get3A_1311 : i32 to index
        %get3A_1313 = arith.index_cast %mul3A_548 : i32 to index
        %get3A_1314 = tpu.vector_load %arg6[%get3A_1312, %get3A_1313] {strides = array<i32>} : memref<64x512xi32, #tpu.memory_space<vmem>>, vector<1x16xi32>,
        %get3A_1315 = vector.shape_cast %get3A_1314 : vector<1x16xi32> to vector<16xi32>
        %bitcast_convert_type3A_1316 = tpu.bitcast %get3A_1315 : vector<16xi32> -> vector<16xf32>
        %add3A_1317 = arith.addf %bitcast_convert_type3A_1306, %bitcast_convert_type3A_1316 : vector<16xf32>
        %shift_left3A_1318 = arith.constant 16 : i32
        %shift_left3A_1319 = vector.broadcast %shift_left3A_1318 : i32 to vector<16xi32>
        %shift_left3A_1320 = arith.shli %get3A_1315, %shift_left3A_1319 : vector<16xi32>
        %bitcast_convert_type3A_1321 = tpu.bitcast %shift_left3A_1320 : vector<16xi32> -> vector<16xf32>
        %add3A_1322 = arith.addf %bitcast_convert_type3A_1310, %bitcast_convert_type3A_1321 : vector<16xf32>
        %get3A_1323 = arith.constant 23 : i32
        %get3A_1324 = arith.index_cast %get3A_1323 : i32 to index
        %get3A_1325 = arith.index_cast %mul3A_548 : i32 to index
        %get3A_1326 = tpu.vector_load %arg6[%get3A_1324, %get3A_1325] {strides = array<i32>} : memref<64x512xi32, #tpu.memory_space<vmem>>, vector<1x16xi32>,
        %get3A_1327 = vector.shape_cast %get3A_1326 : vector<1x16xi32> to vector<16xi32>
        %bitcast_convert_type3A_1328 = tpu.bitcast %get3A_1327 : vector<16xi32> -> vector<16xf32>
        %add3A_1329 = arith.addf %add3A_1317, %bitcast_convert_type3A_1328 : vector<16xf32>
        %shift_left3A_1330 = arith.constant 16 : i32
        %shift_left3A_1331 = vector.broadcast %shift_left3A_1330 : i32 to vector<16xi32>
        %shift_left3A_1332 = arith.shli %get3A_1327, %shift_left3A_1331 : vector<16xi32>
        %bitcast_convert_type3A_1333 = tpu.bitcast %shift_left3A_1332 : vector<16xi32> -> vector<16xf32>
        %add3A_1334 = arith.addf %add3A_1322, %bitcast_convert_type3A_1333 : vector<16xf32>
        %get3A_1335 = arith.constant 31 : i32
        %get3A_1336 = arith.index_cast %get3A_1335 : i32 to index
        %get3A_1337 = arith.index_cast %mul3A_548 : i32 to index
        %get3A_1338 = tpu.vector_load %arg6[%get3A_1336, %get3A_1337] {strides = array<i32>} : memref<64x512xi32, #tpu.memory_space<vmem>>, vector<1x16xi32>,
        %get3A_1339 = vector.shape_cast %get3A_1338 : vector<1x16xi32> to vector<16xi32>
        %bitcast_convert_type3A_1340 = tpu.bitcast %get3A_1339 : vector<16xi32> -> vector<16xf32>
        %add3A_1341 = arith.addf %add3A_1329, %bitcast_convert_type3A_1340 : vector<16xf32>
        %shift_left3A_1342 = arith.constant 16 : i32
        %shift_left3A_1343 = vector.broadcast %shift_left3A_1342 : i32 to vector<16xi32>
        %shift_left3A_1344 = arith.shli %get3A_1339, %shift_left3A_1343 : vector<16xi32>
        %bitcast_convert_type3A_1345 = tpu.bitcast %shift_left3A_1344 : vector<16xi32> -> vector<16xf32>
        %add3A_1346 = arith.addf %add3A_1334, %bitcast_convert_type3A_1345 : vector<16xf32>
        %get3A_1347 = arith.constant 39 : i32
        %get3A_1348 = arith.index_cast %get3A_1347 : i32 to index
        %get3A_1349 = arith.index_cast %mul3A_548 : i32 to index
        %get3A_1350 = tpu.vector_load %arg6[%get3A_1348, %get3A_1349] {strides = array<i32>} : memref<64x512xi32, #tpu.memory_space<vmem>>, vector<1x16xi32>,
        %get3A_1351 = vector.shape_cast %get3A_1350 : vector<1x16xi32> to vector<16xi32>
        %bitcast_convert_type3A_1352 = tpu.bitcast %get3A_1351 : vector<16xi32> -> vector<16xf32>
        %add3A_1353 = arith.addf %add3A_1341, %bitcast_convert_type3A_1352 : vector<16xf32>
        %shift_left3A_1354 = arith.constant 16 : i32
        %shift_left3A_1355 = vector.broadcast %shift_left3A_1354 : i32 to vector<16xi32>
        %shift_left3A_1356 = arith.shli %get3A_1351, %shift_left3A_1355 : vector<16xi32>
        %bitcast_convert_type3A_1357 = tpu.bitcast %shift_left3A_1356 : vector<16xi32> -> vector<16xf32>
        %add3A_1358 = arith.addf %add3A_1346, %bitcast_convert_type3A_1357 : vector<16xf32>
        %get3A_1359 = arith.constant 47 : i32
        %get3A_1360 = arith.index_cast %get3A_1359 : i32 to index
        %get3A_1361 = arith.index_cast %mul3A_548 : i32 to index
        %get3A_1362 = tpu.vector_load %arg6[%get3A_1360, %get3A_1361] {strides = array<i32>} : memref<64x512xi32, #tpu.memory_space<vmem>>, vector<1x16xi32>,
        %get3A_1363 = vector.shape_cast %get3A_1362 : vector<1x16xi32> to vector<16xi32>
        %bitcast_convert_type3A_1364 = tpu.bitcast %get3A_1363 : vector<16xi32> -> vector<16xf32>
        %add3A_1365 = arith.addf %add3A_1353, %bitcast_convert_type3A_1364 : vector<16xf32>
        %shift_left3A_1366 = arith.constant 16 : i32
        %shift_left3A_1367 = vector.broadcast %shift_left3A_1366 : i32 to vector<16xi32>
        %shift_left3A_1368 = arith.shli %get3A_1363, %shift_left3A_1367 : vector<16xi32>
        %bitcast_convert_type3A_1369 = tpu.bitcast %shift_left3A_1368 : vector<16xi32> -> vector<16xf32>
        %add3A_1370 = arith.addf %add3A_1358, %bitcast_convert_type3A_1369 : vector<16xf32>
        %get3A_1371 = arith.constant 55 : i32
        %get3A_1372 = arith.index_cast %get3A_1371 : i32 to index
        %get3A_1373 = arith.index_cast %mul3A_548 : i32 to index
        %get3A_1374 = tpu.vector_load %arg6[%get3A_1372, %get3A_1373] {strides = array<i32>} : memref<64x512xi32, #tpu.memory_space<vmem>>, vector<1x16xi32>,
        %get3A_1375 = vector.shape_cast %get3A_1374 : vector<1x16xi32> to vector<16xi32>
        %bitcast_convert_type3A_1376 = tpu.bitcast %get3A_1375 : vector<16xi32> -> vector<16xf32>
        %add3A_1377 = arith.addf %add3A_1365, %bitcast_convert_type3A_1376 : vector<16xf32>
        %shift_left3A_1378 = arith.constant 16 : i32
        %shift_left3A_1379 = vector.broadcast %shift_left3A_1378 : i32 to vector<16xi32>
        %shift_left3A_1380 = arith.shli %get3A_1375, %shift_left3A_1379 : vector<16xi32>
        %bitcast_convert_type3A_1381 = tpu.bitcast %shift_left3A_1380 : vector<16xi32> -> vector<16xf32>
        %add3A_1382 = arith.addf %add3A_1370, %bitcast_convert_type3A_1381 : vector<16xf32>
        %get3A_1383 = arith.constant 63 : i32
        %get3A_1384 = arith.index_cast %get3A_1383 : i32 to index
        %get3A_1385 = arith.index_cast %mul3A_548 : i32 to index
        %get3A_1386 = tpu.vector_load %arg6[%get3A_1384, %get3A_1385] {strides = array<i32>} : memref<64x512xi32, #tpu.memory_space<vmem>>, vector<1x16xi32>,
        %get3A_1387 = vector.shape_cast %get3A_1386 : vector<1x16xi32> to vector<16xi32>
        %bitcast_convert_type3A_1388 = tpu.bitcast %get3A_1387 : vector<16xi32> -> vector<16xf32>
        %add3A_1389 = arith.addf %add3A_1377, %bitcast_convert_type3A_1388 : vector<16xf32>
        %shift_left3A_1390 = arith.constant 16 : i32
        %shift_left3A_1391 = vector.broadcast %shift_left3A_1390 : i32 to vector<16xi32>
        %shift_left3A_1392 = arith.shli %get3A_1387, %shift_left3A_1391 : vector<16xi32>
        %bitcast_convert_type3A_1393 = tpu.bitcast %shift_left3A_1392 : vector<16xi32> -> vector<16xf32>
        %add3A_1394 = arith.addf %add3A_1382, %bitcast_convert_type3A_1393 : vector<16xf32>
        %swap3A_1395 = arith.constant 7 : i32
        %swap3A_1396 = arith.index_cast %swap3A_1395 : i32 to index
        %swap3A_1397 = arith.index_cast %mul3A_548 : i32 to index
        %swap3A_1398 = tpu.vector_load %arg8[%swap3A_1396, %swap3A_1397] {strides = array<i32>} : memref<8x1024xf32, #tpu.memory_space<vmem>>, vector<1x16xf32>,
        %swap3A_1399 = vector.shape_cast %swap3A_1398 : vector<1x16xf32> to vector<16xf32>
        %swap3A_1400 = vector.shape_cast %add3A_1394 : vector<16xf32> to vector<1x16xf32>
        tpu.vector_store %arg8[%swap3A_1396, %swap3A_1397], %swap3A_1400 {strides = array<i32>} : memref<8x1024xf32, #tpu.memory_space<vmem>>, vector<1x16xf32>,
        %add3A_1401 = arith.constant 512 : i32
        %add3A_1402 = arith.addi %mul3A_548, %add3A_1401 : i32
        %swap3A_1403 = arith.constant 7 : i32
        %swap3A_1404 = arith.index_cast %swap3A_1403 : i32 to index
        %swap3A_1405 = arith.index_cast %add3A_1402 : i32 to index
        %swap3A_1406 = tpu.vector_load %arg8[%swap3A_1404, %swap3A_1405] {strides = array<i32>} : memref<8x1024xf32, #tpu.memory_space<vmem>>, vector<1x16xf32>,
        %swap3A_1407 = vector.shape_cast %swap3A_1406 : vector<1x16xf32> to vector<16xf32>
        %swap3A_1408 = vector.shape_cast %add3A_1389 : vector<16xf32> to vector<1x16xf32>
        tpu.vector_store %arg8[%swap3A_1404, %swap3A_1405], %swap3A_1408 {strides = array<i32>} : memref<8x1024xf32, #tpu.memory_space<vmem>>, vector<1x16xf32>,
      }
      %scan3A_356 = arith.constant 32 : i32
      %mul3A_357 = arith.constant 8 : i32
      %mul3A_358 = arith.muli %min3A_342, %mul3A_357 : i32
      %dma_start3A_359 = arith.constant 0 : i32
      %dma_start3A_360 = arith.constant 0 : i32
      %dma_start3A_361 = arith.constant 0 : i32
      %dma_start3A_362 = tpu.memref_slice %arg6[%dma_start3A_360, %dma_start3A_361] : memref<64x512xi32, #tpu.memory_space<vmem>> -> memref<8x512xi32, #tpu.memory_space<vmem>>
      %dma_start3A_363 = tpu.memref_slice %arg5[%dma_start3A_359, %mul3A_358] : memref<8x1024xi32, #tpu.memory_space<vmem>> -> memref<1x8xi32, #tpu.memory_space<vmem>>
      %dma_start3A_364 = tpu.memref_squeeze %dma_start3A_363 : memref<1x8xi32, #tpu.memory_space<vmem>> -> memref<8xi32, #tpu.memory_space<vmem>>
      %dma_start3A_365 = arith.constant 0 : i32
      %dma_start3A_366 = arith.constant 0 : i32
      %dma_start3A_367 = tpu.memref_slice %arg3[%dma_start3A_365, %dma_start3A_366] : memref<16384x512xi32, #tpu.memory_space<hbm>> -> memref<16384x512xi32, #tpu.memory_space<hbm>>
      tpu.enqueue_indirect_dma source(%dma_start3A_367 : memref<16384x512xi32, #tpu.memory_space<hbm>>) target(%dma_start3A_362 : memref<8x512xi32, #tpu.memory_space<vmem>>) offsets(%dma_start3A_364 : memref<8xi32, #tpu.memory_space<vmem>>) semaphore(%arg11 : memref<!tpu.dma_semaphore, #tpu.memory_space<semaphore_mem>>)
      %dma_start3A_368 = arith.constant 1 : i32
      %dma_start3A_369 = arith.constant 8 : i32
      %dma_start3A_370 = arith.constant 0 : i32
      %dma_start3A_371 = tpu.memref_slice %arg6[%dma_start3A_369, %dma_start3A_370] : memref<64x512xi32, #tpu.memory_space<vmem>> -> memref<8x512xi32, #tpu.memory_space<vmem>>
      %dma_start3A_372 = tpu.memref_slice %arg5[%dma_start3A_368, %mul3A_358] : memref<8x1024xi32, #tpu.memory_space<vmem>> -> memref<1x8xi32, #tpu.memory_space<vmem>>
      %dma_start3A_373 = tpu.memref_squeeze %dma_start3A_372 : memref<1x8xi32, #tpu.memory_space<vmem>> -> memref<8xi32, #tpu.memory_space<vmem>>
      %dma_start3A_374 = arith.constant 0 : i32
      %dma_start3A_375 = arith.constant 0 : i32
      %dma_start3A_376 = tpu.memref_slice %arg3[%dma_start3A_374, %dma_start3A_375] : memref<16384x512xi32, #tpu.memory_space<hbm>> -> memref<16384x512xi32, #tpu.memory_space<hbm>>
      tpu.enqueue_indirect_dma source(%dma_start3A_376 : memref<16384x512xi32, #tpu.memory_space<hbm>>) target(%dma_start3A_371 : memref<8x512xi32, #tpu.memory_space<vmem>>) offsets(%dma_start3A_373 : memref<8xi32, #tpu.memory_space<vmem>>) semaphore(%arg11 : memref<!tpu.dma_semaphore, #tpu.memory_space<semaphore_mem>>)
      %dma_start3A_377 = arith.constant 2 : i32
      %dma_start3A_378 = arith.constant 16 : i32
      %dma_start3A_379 = arith.constant 0 : i32
      %dma_start3A_380 = tpu.memref_slice %arg6[%dma_start3A_378, %dma_start3A_379] : memref<64x512xi32, #tpu.memory_space<vmem>> -> memref<8x512xi32, #tpu.memory_space<vmem>>
      %dma_start3A_381 = tpu.memref_slice %arg5[%dma_start3A_377, %mul3A_358] : memref<8x1024xi32, #tpu.memory_space<vmem>> -> memref<1x8xi32, #tpu.memory_space<vmem>>
      %dma_start3A_382 = tpu.memref_squeeze %dma_start3A_381 : memref<1x8xi32, #tpu.memory_space<vmem>> -> memref<8xi32, #tpu.memory_space<vmem>>
      %dma_start3A_383 = arith.constant 0 : i32
      %dma_start3A_384 = arith.constant 0 : i32
      %dma_start3A_385 = tpu.memref_slice %arg3[%dma_start3A_383, %dma_start3A_384] : memref<16384x512xi32, #tpu.memory_space<hbm>> -> memref<16384x512xi32, #tpu.memory_space<hbm>>
      tpu.enqueue_indirect_dma source(%dma_start3A_385 : memref<16384x512xi32, #tpu.memory_space<hbm>>) target(%dma_start3A_380 : memref<8x512xi32, #tpu.memory_space<vmem>>) offsets(%dma_start3A_382 : memref<8xi32, #tpu.memory_space<vmem>>) semaphore(%arg11 : memref<!tpu.dma_semaphore, #tpu.memory_space<semaphore_mem>>)
      %dma_start3A_386 = arith.constant 3 : i32
      %dma_start3A_387 = arith.constant 24 : i32
      %dma_start3A_388 = arith.constant 0 : i32
      %dma_start3A_389 = tpu.memref_slice %arg6[%dma_start3A_387, %dma_start3A_388] : memref<64x512xi32, #tpu.memory_space<vmem>> -> memref<8x512xi32, #tpu.memory_space<vmem>>
      %dma_start3A_390 = tpu.memref_slice %arg5[%dma_start3A_386, %mul3A_358] : memref<8x1024xi32, #tpu.memory_space<vmem>> -> memref<1x8xi32, #tpu.memory_space<vmem>>
      %dma_start3A_391 = tpu.memref_squeeze %dma_start3A_390 : memref<1x8xi32, #tpu.memory_space<vmem>> -> memref<8xi32, #tpu.memory_space<vmem>>
      %dma_start3A_392 = arith.constant 0 : i32
      %dma_start3A_393 = arith.constant 0 : i32
      %dma_start3A_394 = tpu.memref_slice %arg3[%dma_start3A_392, %dma_start3A_393] : memref<16384x512xi32, #tpu.memory_space<hbm>> -> memref<16384x512xi32, #tpu.memory_space<hbm>>
      tpu.enqueue_indirect_dma source(%dma_start3A_394 : memref<16384x512xi32, #tpu.memory_space<hbm>>) target(%dma_start3A_389 : memref<8x512xi32, #tpu.memory_space<vmem>>) offsets(%dma_start3A_391 : memref<8xi32, #tpu.memory_space<vmem>>) semaphore(%arg11 : memref<!tpu.dma_semaphore, #tpu.memory_space<semaphore_mem>>)
      %dma_start3A_395 = arith.constant 4 : i32
      %dma_start3A_396 = arith.constant 32 : i32
      %dma_start3A_397 = arith.constant 0 : i32
      %dma_start3A_398 = tpu.memref_slice %arg6[%dma_start3A_396, %dma_start3A_397] : memref<64x512xi32, #tpu.memory_space<vmem>> -> memref<8x512xi32, #tpu.memory_space<vmem>>
      %dma_start3A_399 = tpu.memref_slice %arg5[%dma_start3A_395, %mul3A_358] : memref<8x1024xi32, #tpu.memory_space<vmem>> -> memref<1x8xi32, #tpu.memory_space<vmem>>
      %dma_start3A_400 = tpu.memref_squeeze %dma_start3A_399 : memref<1x8xi32, #tpu.memory_space<vmem>> -> memref<8xi32, #tpu.memory_space<vmem>>
      %dma_start3A_401 = arith.constant 0 : i32
      %dma_start3A_402 = arith.constant 0 : i32
      %dma_start3A_403 = tpu.memref_slice %arg3[%dma_start3A_401, %dma_start3A_402] : memref<16384x512xi32, #tpu.memory_space<hbm>> -> memref<16384x512xi32, #tpu.memory_space<hbm>>
      tpu.enqueue_indirect_dma source(%dma_start3A_403 : memref<16384x512xi32, #tpu.memory_space<hbm>>) target(%dma_start3A_398 : memref<8x512xi32, #tpu.memory_space<vmem>>) offsets(%dma_start3A_400 : memref<8xi32, #tpu.memory_space<vmem>>) semaphore(%arg11 : memref<!tpu.dma_semaphore, #tpu.memory_space<semaphore_mem>>)
      %dma_start3A_404 = arith.constant 5 : i32
      %dma_start3A_405 = arith.constant 40 : i32
      %dma_start3A_406 = arith.constant 0 : i32
      %dma_start3A_407 = tpu.memref_slice %arg6[%dma_start3A_405, %dma_start3A_406] : memref<64x512xi32, #tpu.memory_space<vmem>> -> memref<8x512xi32, #tpu.memory_space<vmem>>
      %dma_start3A_408 = tpu.memref_slice %arg5[%dma_start3A_404, %mul3A_358] : memref<8x1024xi32, #tpu.memory_space<vmem>> -> memref<1x8xi32, #tpu.memory_space<vmem>>
      %dma_start3A_409 = tpu.memref_squeeze %dma_start3A_408 : memref<1x8xi32, #tpu.memory_space<vmem>> -> memref<8xi32, #tpu.memory_space<vmem>>
      %dma_start3A_410 = arith.constant 0 : i32
      %dma_start3A_411 = arith.constant 0 : i32
      %dma_start3A_412 = tpu.memref_slice %arg3[%dma_start3A_410, %dma_start3A_411] : memref<16384x512xi32, #tpu.memory_space<hbm>> -> memref<16384x512xi32, #tpu.memory_space<hbm>>
      tpu.enqueue_indirect_dma source(%dma_start3A_412 : memref<16384x512xi32, #tpu.memory_space<hbm>>) target(%dma_start3A_407 : memref<8x512xi32, #tpu.memory_space<vmem>>) offsets(%dma_start3A_409 : memref<8xi32, #tpu.memory_space<vmem>>) semaphore(%arg11 : memref<!tpu.dma_semaphore, #tpu.memory_space<semaphore_mem>>)
      %dma_start3A_413 = arith.constant 6 : i32
      %dma_start3A_414 = arith.constant 48 : i32
      %dma_start3A_415 = arith.constant 0 : i32
      %dma_start3A_416 = tpu.memref_slice %arg6[%dma_start3A_414, %dma_start3A_415] : memref<64x512xi32, #tpu.memory_space<vmem>> -> memref<8x512xi32, #tpu.memory_space<vmem>>
      %dma_start3A_417 = tpu.memref_slice %arg5[%dma_start3A_413, %mul3A_358] : memref<8x1024xi32, #tpu.memory_space<vmem>> -> memref<1x8xi32, #tpu.memory_space<vmem>>
      %dma_start3A_418 = tpu.memref_squeeze %dma_start3A_417 : memref<1x8xi32, #tpu.memory_space<vmem>> -> memref<8xi32, #tpu.memory_space<vmem>>
      %dma_start3A_419 = arith.constant 0 : i32
      %dma_start3A_420 = arith.constant 0 : i32
      %dma_start3A_421 = tpu.memref_slice %arg3[%dma_start3A_419, %dma_start3A_420] : memref<16384x512xi32, #tpu.memory_space<hbm>> -> memref<16384x512xi32, #tpu.memory_space<hbm>>
      tpu.enqueue_indirect_dma source(%dma_start3A_421 : memref<16384x512xi32, #tpu.memory_space<hbm>>) target(%dma_start3A_416 : memref<8x512xi32, #tpu.memory_space<vmem>>) offsets(%dma_start3A_418 : memref<8xi32, #tpu.memory_space<vmem>>) semaphore(%arg11 : memref<!tpu.dma_semaphore, #tpu.memory_space<semaphore_mem>>)
      %dma_start3A_422 = arith.constant 7 : i32
      %dma_start3A_423 = arith.constant 56 : i32
      %dma_start3A_424 = arith.constant 0 : i32
      %dma_start3A_425 = tpu.memref_slice %arg6[%dma_start3A_423, %dma_start3A_424] : memref<64x512xi32, #tpu.memory_space<vmem>> -> memref<8x512xi32, #tpu.memory_space<vmem>>
      %dma_start3A_426 = tpu.memref_slice %arg5[%dma_start3A_422, %mul3A_358] : memref<8x1024xi32, #tpu.memory_space<vmem>> -> memref<1x8xi32, #tpu.memory_space<vmem>>
      %dma_start3A_427 = tpu.memref_squeeze %dma_start3A_426 : memref<1x8xi32, #tpu.memory_space<vmem>> -> memref<8xi32, #tpu.memory_space<vmem>>
      %dma_start3A_428 = arith.constant 0 : i32
      %dma_start3A_429 = arith.constant 0 : i32
      %dma_start3A_430 = tpu.memref_slice %arg3[%dma_start3A_428, %dma_start3A_429] : memref<16384x512xi32, #tpu.memory_space<hbm>> -> memref<16384x512xi32, #tpu.memory_space<hbm>>
      tpu.enqueue_indirect_dma source(%dma_start3A_430 : memref<16384x512xi32, #tpu.memory_space<hbm>>) target(%dma_start3A_425 : memref<8x512xi32, #tpu.memory_space<vmem>>) offsets(%dma_start3A_427 : memref<8xi32, #tpu.memory_space<vmem>>) semaphore(%arg11 : memref<!tpu.dma_semaphore, #tpu.memory_space<semaphore_mem>>)
      %mul3A_431 = arith.constant 8 : i32
      %mul3A_432 = arith.muli %mul3A_339, %mul3A_431 : i32
      %add3A_433 = arith.addi %select_n3A_32, %mul3A_432 : i32
      %dma_start3A_434 = arith.constant 0 : i32
      %dma_start3A_435 = tpu.memref_slice %arg4[%select_n3A, %add3A_433, %dma_start3A_434] : memref<16x2048x1024xf32, #tpu.memory_space<hbm>> -> memref<1x8x1024xf32, #tpu.memory_space<hbm>>
      %dma_start3A_436 = tpu.memref_squeeze %dma_start3A_435 : memref<1x8x1024xf32, #tpu.memory_space<hbm>> -> memref<8x1024xf32, #tpu.memory_space<hbm>>
      %dma_start3A_437 = arith.constant 0 : i32
      %dma_start3A_438 = tpu.memref_slice %arg4[%select_n3A, %add3A_433, %dma_start3A_437] : memref<16x2048x1024xf32, #tpu.memory_space<hbm>> -> memref<1x8x1024xf32, #tpu.memory_space<hbm>>
      %dma_start3A_439 = tpu.memref_squeeze %dma_start3A_438 : memref<1x8x1024xf32, #tpu.memory_space<hbm>> -> memref<8x1024xf32, #tpu.memory_space<hbm>>
      tpu.enqueue_dma source(%arg8 : memref<8x1024xf32, #tpu.memory_space<vmem>>) target(%dma_start3A_439 : memref<8x1024xf32, #tpu.memory_space<hbm>>) target_semaphore(%arg13 : memref<!tpu.dma_semaphore, #tpu.memory_space<semaphore_mem>>)
      %add3A_440 = arith.constant 1 : i32
      %add3A_441 = arith.addi %mul3A_339, %add3A_440 : i32
      %add3A_442 = arith.constant 3 : i32
      %add3A_443 = arith.addi %mul3A_339, %add3A_442 : i32
      %min3A_444 = arith.constant 127 : i32
      %min3A_445 = arith.minsi %add3A_443, %min3A_444 : i32
      %dma_wait3A_446 = arith.constant 0 : i32
      %dma_wait3A_447 = arith.constant 0 : i32
      %dma_wait3A_448 = tpu.memref_slice %arg3[%dma_wait3A_446, %dma_wait3A_447] : memref<16384x512xi32, #tpu.memory_space<hbm>> -> memref<64x512xi32, #tpu.memory_space<hbm>>
      %dma_wait3A_449 = arith.constant 0 : i32
      %dma_wait3A_450 = arith.constant 0 : i32
      %dma_wait3A_451 = tpu.memref_slice %arg3[%dma_wait3A_449, %dma_wait3A_450] : memref<16384x512xi32, #tpu.memory_space<hbm>> -> memref<64x512xi32, #tpu.memory_space<hbm>>
      tpu.wait_dma2 semaphore(%arg12 : memref<!tpu.dma_semaphore, #tpu.memory_space<semaphore_mem>>) src(%dma_wait3A_451 : memref<64x512xi32, #tpu.memory_space<hbm>>) dst(%arg7 : memref<64x512xi32, #tpu.memory_space<vmem>>)
      %gt3A_452 = arith.constant 0 : i32
      %gt3A_453 = arith.cmpi sgt, %scan3A_337, %gt3A_452 : i32
      %convert_element_type3A_454 = arith.extui %gt3A_453 : i1 to i32
      %cond3A_455 = arith.constant 0 : i32
      %cond3A_456 = arith.cmpi ne, %convert_element_type3A_454, %cond3A_455 : i32
      scf.if %cond3A_456 {
        %dma_wait3A_546 = arith.constant 0 : i32
        %dma_wait3A_547 = arith.constant 0 : i32
        %dma_wait3A_548 = arith.constant 0 : i32
        %dma_wait3A_549 = tpu.memref_slice %arg4[%dma_wait3A_546, %dma_wait3A_547, %dma_wait3A_548] : memref<16x2048x1024xf32, #tpu.memory_space<hbm>> -> memref<1x8x1024xf32, #tpu.memory_space<hbm>>
        %dma_wait3A_550 = tpu.memref_squeeze %dma_wait3A_549 : memref<1x8x1024xf32, #tpu.memory_space<hbm>> -> memref<8x1024xf32, #tpu.memory_space<hbm>>
        %dma_wait3A_551 = arith.constant 0 : i32
        %dma_wait3A_552 = arith.constant 0 : i32
        %dma_wait3A_553 = tpu.memref_slice %arg4[%dma_wait3A_546, %dma_wait3A_551, %dma_wait3A_552] : memref<16x2048x1024xf32, #tpu.memory_space<hbm>> -> memref<1x8x1024xf32, #tpu.memory_space<hbm>>
        %dma_wait3A_554 = tpu.memref_squeeze %dma_wait3A_553 : memref<1x8x1024xf32, #tpu.memory_space<hbm>> -> memref<8x1024xf32, #tpu.memory_space<hbm>>
        tpu.wait_dma2 semaphore(%arg14 : memref<!tpu.dma_semaphore, #tpu.memory_space<semaphore_mem>>) src(%dma_wait3A_554 : memref<8x1024xf32, #tpu.memory_space<hbm>>) dst(%arg9 : memref<8x1024xf32, #tpu.memory_space<vmem>>)
      } else {
      }
      %scan3A_457 = arith.constant 0 : i32
      %scan3A_458 = arith.constant 0 : i32
      %scan3A_459 = arith.constant 32 : i32
      %scan3A_460 = arith.addi %scan3A_458, %scan3A_459 : i32
      %scan3A_461 = arith.constant 1 : i32
      scf.for %scan3A_546 = %scan3A_458 to %scan3A_460 step %scan3A_461  : i32 {
        %mul3A_547 = arith.constant 16 : i32
        %mul3A_548 = arith.muli %scan3A_546, %mul3A_547 : i32
        %get3A = arith.constant 0 : i32
        %get3A_549 = arith.index_cast %get3A : i32 to index
        %get3A_550 = arith.index_cast %mul3A_548 : i32 to index
        %get3A_551 = tpu.vector_load %arg7[%get3A_549, %get3A_550] {strides = array<i32>} : memref<64x512xi32, #tpu.memory_space<vmem>>, vector<1x16xi32>,
        %get3A_552 = vector.shape_cast %get3A_551 : vector<1x16xi32> to vector<16xi32>
        %bitcast_convert_type3A = tpu.bitcast %get3A_552 : vector<16xi32> -> vector<16xf32>
        %shift_left3A = arith.constant 16 : i32
        %shift_left3A_553 = vector.broadcast %shift_left3A : i32 to vector<16xi32>
        %shift_left3A_554 = arith.shli %get3A_552, %shift_left3A_553 : vector<16xi32>
        %bitcast_convert_type3A_555 = tpu.bitcast %shift_left3A_554 : vector<16xi32> -> vector<16xf32>
        %get3A_556 = arith.constant 8 : i32
        %get3A_557 = arith.index_cast %get3A_556 : i32 to index
        %get3A_558 = arith.index_cast %mul3A_548 : i32 to index
        %get3A_559 = tpu.vector_load %arg7[%get3A_557, %get3A_558] {strides = array<i32>} : memref<64x512xi32, #tpu.memory_space<vmem>>, vector<1x16xi32>,
        %get3A_560 = vector.shape_cast %get3A_559 : vector<1x16xi32> to vector<16xi32>
        %bitcast_convert_type3A_561 = tpu.bitcast %get3A_560 : vector<16xi32> -> vector<16xf32>
        %add3A_562 = arith.addf %bitcast_convert_type3A, %bitcast_convert_type3A_561 : vector<16xf32>
        %shift_left3A_563 = arith.constant 16 : i32
        %shift_left3A_564 = vector.broadcast %shift_left3A_563 : i32 to vector<16xi32>
        %shift_left3A_565 = arith.shli %get3A_560, %shift_left3A_564 : vector<16xi32>
        %bitcast_convert_type3A_566 = tpu.bitcast %shift_left3A_565 : vector<16xi32> -> vector<16xf32>
        %add3A_567 = arith.addf %bitcast_convert_type3A_555, %bitcast_convert_type3A_566 : vector<16xf32>
        %get3A_568 = arith.constant 16 : i32
        %get3A_569 = arith.index_cast %get3A_568 : i32 to index
        %get3A_570 = arith.index_cast %mul3A_548 : i32 to index
        %get3A_571 = tpu.vector_load %arg7[%get3A_569, %get3A_570] {strides = array<i32>} : memref<64x512xi32, #tpu.memory_space<vmem>>, vector<1x16xi32>,
        %get3A_572 = vector.shape_cast %get3A_571 : vector<1x16xi32> to vector<16xi32>
        %bitcast_convert_type3A_573 = tpu.bitcast %get3A_572 : vector<16xi32> -> vector<16xf32>
        %add3A_574 = arith.addf %add3A_562, %bitcast_convert_type3A_573 : vector<16xf32>
        %shift_left3A_575 = arith.constant 16 : i32
        %shift_left3A_576 = vector.broadcast %shift_left3A_575 : i32 to vector<16xi32>
        %shift_left3A_577 = arith.shli %get3A_572, %shift_left3A_576 : vector<16xi32>
        %bitcast_convert_type3A_578 = tpu.bitcast %shift_left3A_577 : vector<16xi32> -> vector<16xf32>
        %add3A_579 = arith.addf %add3A_567, %bitcast_convert_type3A_578 : vector<16xf32>
        %get3A_580 = arith.constant 24 : i32
        %get3A_581 = arith.index_cast %get3A_580 : i32 to index
        %get3A_582 = arith.index_cast %mul3A_548 : i32 to index
        %get3A_583 = tpu.vector_load %arg7[%get3A_581, %get3A_582] {strides = array<i32>} : memref<64x512xi32, #tpu.memory_space<vmem>>, vector<1x16xi32>,
        %get3A_584 = vector.shape_cast %get3A_583 : vector<1x16xi32> to vector<16xi32>
        %bitcast_convert_type3A_585 = tpu.bitcast %get3A_584 : vector<16xi32> -> vector<16xf32>
        %add3A_586 = arith.addf %add3A_574, %bitcast_convert_type3A_585 : vector<16xf32>
        %shift_left3A_587 = arith.constant 16 : i32
        %shift_left3A_588 = vector.broadcast %shift_left3A_587 : i32 to vector<16xi32>
        %shift_left3A_589 = arith.shli %get3A_584, %shift_left3A_588 : vector<16xi32>
        %bitcast_convert_type3A_590 = tpu.bitcast %shift_left3A_589 : vector<16xi32> -> vector<16xf32>
        %add3A_591 = arith.addf %add3A_579, %bitcast_convert_type3A_590 : vector<16xf32>
        %get3A_592 = arith.constant 32 : i32
        %get3A_593 = arith.index_cast %get3A_592 : i32 to index
        %get3A_594 = arith.index_cast %mul3A_548 : i32 to index
        %get3A_595 = tpu.vector_load %arg7[%get3A_593, %get3A_594] {strides = array<i32>} : memref<64x512xi32, #tpu.memory_space<vmem>>, vector<1x16xi32>,
        %get3A_596 = vector.shape_cast %get3A_595 : vector<1x16xi32> to vector<16xi32>
        %bitcast_convert_type3A_597 = tpu.bitcast %get3A_596 : vector<16xi32> -> vector<16xf32>
        %add3A_598 = arith.addf %add3A_586, %bitcast_convert_type3A_597 : vector<16xf32>
        %shift_left3A_599 = arith.constant 16 : i32
        %shift_left3A_600 = vector.broadcast %shift_left3A_599 : i32 to vector<16xi32>
        %shift_left3A_601 = arith.shli %get3A_596, %shift_left3A_600 : vector<16xi32>
        %bitcast_convert_type3A_602 = tpu.bitcast %shift_left3A_601 : vector<16xi32> -> vector<16xf32>
        %add3A_603 = arith.addf %add3A_591, %bitcast_convert_type3A_602 : vector<16xf32>
        %get3A_604 = arith.constant 40 : i32
        %get3A_605 = arith.index_cast %get3A_604 : i32 to index
        %get3A_606 = arith.index_cast %mul3A_548 : i32 to index
        %get3A_607 = tpu.vector_load %arg7[%get3A_605, %get3A_606] {strides = array<i32>} : memref<64x512xi32, #tpu.memory_space<vmem>>, vector<1x16xi32>,
        %get3A_608 = vector.shape_cast %get3A_607 : vector<1x16xi32> to vector<16xi32>
        %bitcast_convert_type3A_609 = tpu.bitcast %get3A_608 : vector<16xi32> -> vector<16xf32>
        %add3A_610 = arith.addf %add3A_598, %bitcast_convert_type3A_609 : vector<16xf32>
        %shift_left3A_611 = arith.constant 16 : i32
        %shift_left3A_612 = vector.broadcast %shift_left3A_611 : i32 to vector<16xi32>
        %shift_left3A_613 = arith.shli %get3A_608, %shift_left3A_612 : vector<16xi32>
        %bitcast_convert_type3A_614 = tpu.bitcast %shift_left3A_613 : vector<16xi32> -> vector<16xf32>
        %add3A_615 = arith.addf %add3A_603, %bitcast_convert_type3A_614 : vector<16xf32>
        %get3A_616 = arith.constant 48 : i32
        %get3A_617 = arith.index_cast %get3A_616 : i32 to index
        %get3A_618 = arith.index_cast %mul3A_548 : i32 to index
        %get3A_619 = tpu.vector_load %arg7[%get3A_617, %get3A_618] {strides = array<i32>} : memref<64x512xi32, #tpu.memory_space<vmem>>, vector<1x16xi32>,
        %get3A_620 = vector.shape_cast %get3A_619 : vector<1x16xi32> to vector<16xi32>
        %bitcast_convert_type3A_621 = tpu.bitcast %get3A_620 : vector<16xi32> -> vector<16xf32>
        %add3A_622 = arith.addf %add3A_610, %bitcast_convert_type3A_621 : vector<16xf32>
        %shift_left3A_623 = arith.constant 16 : i32
        %shift_left3A_624 = vector.broadcast %shift_left3A_623 : i32 to vector<16xi32>
        %shift_left3A_625 = arith.shli %get3A_620, %shift_left3A_624 : vector<16xi32>
        %bitcast_convert_type3A_626 = tpu.bitcast %shift_left3A_625 : vector<16xi32> -> vector<16xf32>
        %add3A_627 = arith.addf %add3A_615, %bitcast_convert_type3A_626 : vector<16xf32>
        %get3A_628 = arith.constant 56 : i32
        %get3A_629 = arith.index_cast %get3A_628 : i32 to index
        %get3A_630 = arith.index_cast %mul3A_548 : i32 to index
        %get3A_631 = tpu.vector_load %arg7[%get3A_629, %get3A_630] {strides = array<i32>} : memref<64x512xi32, #tpu.memory_space<vmem>>, vector<1x16xi32>,
        %get3A_632 = vector.shape_cast %get3A_631 : vector<1x16xi32> to vector<16xi32>
        %bitcast_convert_type3A_633 = tpu.bitcast %get3A_632 : vector<16xi32> -> vector<16xf32>
        %add3A_634 = arith.addf %add3A_622, %bitcast_convert_type3A_633 : vector<16xf32>
        %shift_left3A_635 = arith.constant 16 : i32
        %shift_left3A_636 = vector.broadcast %shift_left3A_635 : i32 to vector<16xi32>
        %shift_left3A_637 = arith.shli %get3A_632, %shift_left3A_636 : vector<16xi32>
        %bitcast_convert_type3A_638 = tpu.bitcast %shift_left3A_637 : vector<16xi32> -> vector<16xf32>
        %add3A_639 = arith.addf %add3A_627, %bitcast_convert_type3A_638 : vector<16xf32>
        %swap3A = arith.constant 0 : i32
        %swap3A_640 = arith.index_cast %swap3A : i32 to index
        %swap3A_641 = arith.index_cast %mul3A_548 : i32 to index
        %swap3A_642 = tpu.vector_load %arg9[%swap3A_640, %swap3A_641] {strides = array<i32>} : memref<8x1024xf32, #tpu.memory_space<vmem>>, vector<1x16xf32>,
        %swap3A_643 = vector.shape_cast %swap3A_642 : vector<1x16xf32> to vector<16xf32>
        %swap3A_644 = vector.shape_cast %add3A_639 : vector<16xf32> to vector<1x16xf32>
        tpu.vector_store %arg9[%swap3A_640, %swap3A_641], %swap3A_644 {strides = array<i32>} : memref<8x1024xf32, #tpu.memory_space<vmem>>, vector<1x16xf32>,
        %add3A_645 = arith.constant 512 : i32
        %add3A_646 = arith.addi %mul3A_548, %add3A_645 : i32
        %swap3A_647 = arith.constant 0 : i32
        %swap3A_648 = arith.index_cast %swap3A_647 : i32 to index
        %swap3A_649 = arith.index_cast %add3A_646 : i32 to index
        %swap3A_650 = tpu.vector_load %arg9[%swap3A_648, %swap3A_649] {strides = array<i32>} : memref<8x1024xf32, #tpu.memory_space<vmem>>, vector<1x16xf32>,
        %swap3A_651 = vector.shape_cast %swap3A_650 : vector<1x16xf32> to vector<16xf32>
        %swap3A_652 = vector.shape_cast %add3A_634 : vector<16xf32> to vector<1x16xf32>
        tpu.vector_store %arg9[%swap3A_648, %swap3A_649], %swap3A_652 {strides = array<i32>} : memref<8x1024xf32, #tpu.memory_space<vmem>>, vector<1x16xf32>,
        %get3A_653 = arith.constant 1 : i32
        %get3A_654 = arith.index_cast %get3A_653 : i32 to index
        %get3A_655 = arith.index_cast %mul3A_548 : i32 to index
        %get3A_656 = tpu.vector_load %arg7[%get3A_654, %get3A_655] {strides = array<i32>} : memref<64x512xi32, #tpu.memory_space<vmem>>, vector<1x16xi32>,
        %get3A_657 = vector.shape_cast %get3A_656 : vector<1x16xi32> to vector<16xi32>
        %bitcast_convert_type3A_658 = tpu.bitcast %get3A_657 : vector<16xi32> -> vector<16xf32>
        %shift_left3A_659 = arith.constant 16 : i32
        %shift_left3A_660 = vector.broadcast %shift_left3A_659 : i32 to vector<16xi32>
        %shift_left3A_661 = arith.shli %get3A_657, %shift_left3A_660 : vector<16xi32>
        %bitcast_convert_type3A_662 = tpu.bitcast %shift_left3A_661 : vector<16xi32> -> vector<16xf32>
        %get3A_663 = arith.constant 9 : i32
        %get3A_664 = arith.index_cast %get3A_663 : i32 to index
        %get3A_665 = arith.index_cast %mul3A_548 : i32 to index
        %get3A_666 = tpu.vector_load %arg7[%get3A_664, %get3A_665] {strides = array<i32>} : memref<64x512xi32, #tpu.memory_space<vmem>>, vector<1x16xi32>,
        %get3A_667 = vector.shape_cast %get3A_666 : vector<1x16xi32> to vector<16xi32>
        %bitcast_convert_type3A_668 = tpu.bitcast %get3A_667 : vector<16xi32> -> vector<16xf32>
        %add3A_669 = arith.addf %bitcast_convert_type3A_658, %bitcast_convert_type3A_668 : vector<16xf32>
        %shift_left3A_670 = arith.constant 16 : i32
        %shift_left3A_671 = vector.broadcast %shift_left3A_670 : i32 to vector<16xi32>
        %shift_left3A_672 = arith.shli %get3A_667, %shift_left3A_671 : vector<16xi32>
        %bitcast_convert_type3A_673 = tpu.bitcast %shift_left3A_672 : vector<16xi32> -> vector<16xf32>
        %add3A_674 = arith.addf %bitcast_convert_type3A_662, %bitcast_convert_type3A_673 : vector<16xf32>
        %get3A_675 = arith.constant 17 : i32
        %get3A_676 = arith.index_cast %get3A_675 : i32 to index
        %get3A_677 = arith.index_cast %mul3A_548 : i32 to index
        %get3A_678 = tpu.vector_load %arg7[%get3A_676, %get3A_677] {strides = array<i32>} : memref<64x512xi32, #tpu.memory_space<vmem>>, vector<1x16xi32>,
        %get3A_679 = vector.shape_cast %get3A_678 : vector<1x16xi32> to vector<16xi32>
        %bitcast_convert_type3A_680 = tpu.bitcast %get3A_679 : vector<16xi32> -> vector<16xf32>
        %add3A_681 = arith.addf %add3A_669, %bitcast_convert_type3A_680 : vector<16xf32>
        %shift_left3A_682 = arith.constant 16 : i32
        %shift_left3A_683 = vector.broadcast %shift_left3A_682 : i32 to vector<16xi32>
        %shift_left3A_684 = arith.shli %get3A_679, %shift_left3A_683 : vector<16xi32>
        %bitcast_convert_type3A_685 = tpu.bitcast %shift_left3A_684 : vector<16xi32> -> vector<16xf32>
        %add3A_686 = arith.addf %add3A_674, %bitcast_convert_type3A_685 : vector<16xf32>
        %get3A_687 = arith.constant 25 : i32
        %get3A_688 = arith.index_cast %get3A_687 : i32 to index
        %get3A_689 = arith.index_cast %mul3A_548 : i32 to index
        %get3A_690 = tpu.vector_load %arg7[%get3A_688, %get3A_689] {strides = array<i32>} : memref<64x512xi32, #tpu.memory_space<vmem>>, vector<1x16xi32>,
        %get3A_691 = vector.shape_cast %get3A_690 : vector<1x16xi32> to vector<16xi32>
        %bitcast_convert_type3A_692 = tpu.bitcast %get3A_691 : vector<16xi32> -> vector<16xf32>
        %add3A_693 = arith.addf %add3A_681, %bitcast_convert_type3A_692 : vector<16xf32>
        %shift_left3A_694 = arith.constant 16 : i32
        %shift_left3A_695 = vector.broadcast %shift_left3A_694 : i32 to vector<16xi32>
        %shift_left3A_696 = arith.shli %get3A_691, %shift_left3A_695 : vector<16xi32>
        %bitcast_convert_type3A_697 = tpu.bitcast %shift_left3A_696 : vector<16xi32> -> vector<16xf32>
        %add3A_698 = arith.addf %add3A_686, %bitcast_convert_type3A_697 : vector<16xf32>
        %get3A_699 = arith.constant 33 : i32
        %get3A_700 = arith.index_cast %get3A_699 : i32 to index
        %get3A_701 = arith.index_cast %mul3A_548 : i32 to index
        %get3A_702 = tpu.vector_load %arg7[%get3A_700, %get3A_701] {strides = array<i32>} : memref<64x512xi32, #tpu.memory_space<vmem>>, vector<1x16xi32>,
        %get3A_703 = vector.shape_cast %get3A_702 : vector<1x16xi32> to vector<16xi32>
        %bitcast_convert_type3A_704 = tpu.bitcast %get3A_703 : vector<16xi32> -> vector<16xf32>
        %add3A_705 = arith.addf %add3A_693, %bitcast_convert_type3A_704 : vector<16xf32>
        %shift_left3A_706 = arith.constant 16 : i32
        %shift_left3A_707 = vector.broadcast %shift_left3A_706 : i32 to vector<16xi32>
        %shift_left3A_708 = arith.shli %get3A_703, %shift_left3A_707 : vector<16xi32>
        %bitcast_convert_type3A_709 = tpu.bitcast %shift_left3A_708 : vector<16xi32> -> vector<16xf32>
        %add3A_710 = arith.addf %add3A_698, %bitcast_convert_type3A_709 : vector<16xf32>
        %get3A_711 = arith.constant 41 : i32
        %get3A_712 = arith.index_cast %get3A_711 : i32 to index
        %get3A_713 = arith.index_cast %mul3A_548 : i32 to index
        %get3A_714 = tpu.vector_load %arg7[%get3A_712, %get3A_713] {strides = array<i32>} : memref<64x512xi32, #tpu.memory_space<vmem>>, vector<1x16xi32>,
        %get3A_715 = vector.shape_cast %get3A_714 : vector<1x16xi32> to vector<16xi32>
        %bitcast_convert_type3A_716 = tpu.bitcast %get3A_715 : vector<16xi32> -> vector<16xf32>
        %add3A_717 = arith.addf %add3A_705, %bitcast_convert_type3A_716 : vector<16xf32>
        %shift_left3A_718 = arith.constant 16 : i32
        %shift_left3A_719 = vector.broadcast %shift_left3A_718 : i32 to vector<16xi32>
        %shift_left3A_720 = arith.shli %get3A_715, %shift_left3A_719 : vector<16xi32>
        %bitcast_convert_type3A_721 = tpu.bitcast %shift_left3A_720 : vector<16xi32> -> vector<16xf32>
        %add3A_722 = arith.addf %add3A_710, %bitcast_convert_type3A_721 : vector<16xf32>
        %get3A_723 = arith.constant 49 : i32
        %get3A_724 = arith.index_cast %get3A_723 : i32 to index
        %get3A_725 = arith.index_cast %mul3A_548 : i32 to index
        %get3A_726 = tpu.vector_load %arg7[%get3A_724, %get3A_725] {strides = array<i32>} : memref<64x512xi32, #tpu.memory_space<vmem>>, vector<1x16xi32>,
        %get3A_727 = vector.shape_cast %get3A_726 : vector<1x16xi32> to vector<16xi32>
        %bitcast_convert_type3A_728 = tpu.bitcast %get3A_727 : vector<16xi32> -> vector<16xf32>
        %add3A_729 = arith.addf %add3A_717, %bitcast_convert_type3A_728 : vector<16xf32>
        %shift_left3A_730 = arith.constant 16 : i32
        %shift_left3A_731 = vector.broadcast %shift_left3A_730 : i32 to vector<16xi32>
        %shift_left3A_732 = arith.shli %get3A_727, %shift_left3A_731 : vector<16xi32>
        %bitcast_convert_type3A_733 = tpu.bitcast %shift_left3A_732 : vector<16xi32> -> vector<16xf32>
        %add3A_734 = arith.addf %add3A_722, %bitcast_convert_type3A_733 : vector<16xf32>
        %get3A_735 = arith.constant 57 : i32
        %get3A_736 = arith.index_cast %get3A_735 : i32 to index
        %get3A_737 = arith.index_cast %mul3A_548 : i32 to index
        %get3A_738 = tpu.vector_load %arg7[%get3A_736, %get3A_737] {strides = array<i32>} : memref<64x512xi32, #tpu.memory_space<vmem>>, vector<1x16xi32>,
        %get3A_739 = vector.shape_cast %get3A_738 : vector<1x16xi32> to vector<16xi32>
        %bitcast_convert_type3A_740 = tpu.bitcast %get3A_739 : vector<16xi32> -> vector<16xf32>
        %add3A_741 = arith.addf %add3A_729, %bitcast_convert_type3A_740 : vector<16xf32>
        %shift_left3A_742 = arith.constant 16 : i32
        %shift_left3A_743 = vector.broadcast %shift_left3A_742 : i32 to vector<16xi32>
        %shift_left3A_744 = arith.shli %get3A_739, %shift_left3A_743 : vector<16xi32>
        %bitcast_convert_type3A_745 = tpu.bitcast %shift_left3A_744 : vector<16xi32> -> vector<16xf32>
        %add3A_746 = arith.addf %add3A_734, %bitcast_convert_type3A_745 : vector<16xf32>
        %swap3A_747 = arith.constant 1 : i32
        %swap3A_748 = arith.index_cast %swap3A_747 : i32 to index
        %swap3A_749 = arith.index_cast %mul3A_548 : i32 to index
        %swap3A_750 = tpu.vector_load %arg9[%swap3A_748, %swap3A_749] {strides = array<i32>} : memref<8x1024xf32, #tpu.memory_space<vmem>>, vector<1x16xf32>,
        %swap3A_751 = vector.shape_cast %swap3A_750 : vector<1x16xf32> to vector<16xf32>
        %swap3A_752 = vector.shape_cast %add3A_746 : vector<16xf32> to vector<1x16xf32>
        tpu.vector_store %arg9[%swap3A_748, %swap3A_749], %swap3A_752 {strides = array<i32>} : memref<8x1024xf32, #tpu.memory_space<vmem>>, vector<1x16xf32>,
        %add3A_753 = arith.constant 512 : i32
        %add3A_754 = arith.addi %mul3A_548, %add3A_753 : i32
        %swap3A_755 = arith.constant 1 : i32
        %swap3A_756 = arith.index_cast %swap3A_755 : i32 to index
        %swap3A_757 = arith.index_cast %add3A_754 : i32 to index
        %swap3A_758 = tpu.vector_load %arg9[%swap3A_756, %swap3A_757] {strides = array<i32>} : memref<8x1024xf32, #tpu.memory_space<vmem>>, vector<1x16xf32>,
        %swap3A_759 = vector.shape_cast %swap3A_758 : vector<1x16xf32> to vector<16xf32>
        %swap3A_760 = vector.shape_cast %add3A_741 : vector<16xf32> to vector<1x16xf32>
        tpu.vector_store %arg9[%swap3A_756, %swap3A_757], %swap3A_760 {strides = array<i32>} : memref<8x1024xf32, #tpu.memory_space<vmem>>, vector<1x16xf32>,
        %get3A_761 = arith.constant 2 : i32
        %get3A_762 = arith.index_cast %get3A_761 : i32 to index
        %get3A_763 = arith.index_cast %mul3A_548 : i32 to index
        %get3A_764 = tpu.vector_load %arg7[%get3A_762, %get3A_763] {strides = array<i32>} : memref<64x512xi32, #tpu.memory_space<vmem>>, vector<1x16xi32>,
        %get3A_765 = vector.shape_cast %get3A_764 : vector<1x16xi32> to vector<16xi32>
        %bitcast_convert_type3A_766 = tpu.bitcast %get3A_765 : vector<16xi32> -> vector<16xf32>
        %shift_left3A_767 = arith.constant 16 : i32
        %shift_left3A_768 = vector.broadcast %shift_left3A_767 : i32 to vector<16xi32>
        %shift_left3A_769 = arith.shli %get3A_765, %shift_left3A_768 : vector<16xi32>
        %bitcast_convert_type3A_770 = tpu.bitcast %shift_left3A_769 : vector<16xi32> -> vector<16xf32>
        %get3A_771 = arith.constant 10 : i32
        %get3A_772 = arith.index_cast %get3A_771 : i32 to index
        %get3A_773 = arith.index_cast %mul3A_548 : i32 to index
        %get3A_774 = tpu.vector_load %arg7[%get3A_772, %get3A_773] {strides = array<i32>} : memref<64x512xi32, #tpu.memory_space<vmem>>, vector<1x16xi32>,
        %get3A_775 = vector.shape_cast %get3A_774 : vector<1x16xi32> to vector<16xi32>
        %bitcast_convert_type3A_776 = tpu.bitcast %get3A_775 : vector<16xi32> -> vector<16xf32>
        %add3A_777 = arith.addf %bitcast_convert_type3A_766, %bitcast_convert_type3A_776 : vector<16xf32>
        %shift_left3A_778 = arith.constant 16 : i32
        %shift_left3A_779 = vector.broadcast %shift_left3A_778 : i32 to vector<16xi32>
        %shift_left3A_780 = arith.shli %get3A_775, %shift_left3A_779 : vector<16xi32>
        %bitcast_convert_type3A_781 = tpu.bitcast %shift_left3A_780 : vector<16xi32> -> vector<16xf32>
        %add3A_782 = arith.addf %bitcast_convert_type3A_770, %bitcast_convert_type3A_781 : vector<16xf32>
        %get3A_783 = arith.constant 18 : i32
        %get3A_784 = arith.index_cast %get3A_783 : i32 to index
        %get3A_785 = arith.index_cast %mul3A_548 : i32 to index
        %get3A_786 = tpu.vector_load %arg7[%get3A_784, %get3A_785] {strides = array<i32>} : memref<64x512xi32, #tpu.memory_space<vmem>>, vector<1x16xi32>,
        %get3A_787 = vector.shape_cast %get3A_786 : vector<1x16xi32> to vector<16xi32>
        %bitcast_convert_type3A_788 = tpu.bitcast %get3A_787 : vector<16xi32> -> vector<16xf32>
        %add3A_789 = arith.addf %add3A_777, %bitcast_convert_type3A_788 : vector<16xf32>
        %shift_left3A_790 = arith.constant 16 : i32
        %shift_left3A_791 = vector.broadcast %shift_left3A_790 : i32 to vector<16xi32>
        %shift_left3A_792 = arith.shli %get3A_787, %shift_left3A_791 : vector<16xi32>
        %bitcast_convert_type3A_793 = tpu.bitcast %shift_left3A_792 : vector<16xi32> -> vector<16xf32>
        %add3A_794 = arith.addf %add3A_782, %bitcast_convert_type3A_793 : vector<16xf32>
        %get3A_795 = arith.constant 26 : i32
        %get3A_796 = arith.index_cast %get3A_795 : i32 to index
        %get3A_797 = arith.index_cast %mul3A_548 : i32 to index
        %get3A_798 = tpu.vector_load %arg7[%get3A_796, %get3A_797] {strides = array<i32>} : memref<64x512xi32, #tpu.memory_space<vmem>>, vector<1x16xi32>,
        %get3A_799 = vector.shape_cast %get3A_798 : vector<1x16xi32> to vector<16xi32>
        %bitcast_convert_type3A_800 = tpu.bitcast %get3A_799 : vector<16xi32> -> vector<16xf32>
        %add3A_801 = arith.addf %add3A_789, %bitcast_convert_type3A_800 : vector<16xf32>
        %shift_left3A_802 = arith.constant 16 : i32
        %shift_left3A_803 = vector.broadcast %shift_left3A_802 : i32 to vector<16xi32>
        %shift_left3A_804 = arith.shli %get3A_799, %shift_left3A_803 : vector<16xi32>
        %bitcast_convert_type3A_805 = tpu.bitcast %shift_left3A_804 : vector<16xi32> -> vector<16xf32>
        %add3A_806 = arith.addf %add3A_794, %bitcast_convert_type3A_805 : vector<16xf32>
        %get3A_807 = arith.constant 34 : i32
        %get3A_808 = arith.index_cast %get3A_807 : i32 to index
        %get3A_809 = arith.index_cast %mul3A_548 : i32 to index
        %get3A_810 = tpu.vector_load %arg7[%get3A_808, %get3A_809] {strides = array<i32>} : memref<64x512xi32, #tpu.memory_space<vmem>>, vector<1x16xi32>,
        %get3A_811 = vector.shape_cast %get3A_810 : vector<1x16xi32> to vector<16xi32>
        %bitcast_convert_type3A_812 = tpu.bitcast %get3A_811 : vector<16xi32> -> vector<16xf32>
        %add3A_813 = arith.addf %add3A_801, %bitcast_convert_type3A_812 : vector<16xf32>
        %shift_left3A_814 = arith.constant 16 : i32
        %shift_left3A_815 = vector.broadcast %shift_left3A_814 : i32 to vector<16xi32>
        %shift_left3A_816 = arith.shli %get3A_811, %shift_left3A_815 : vector<16xi32>
        %bitcast_convert_type3A_817 = tpu.bitcast %shift_left3A_816 : vector<16xi32> -> vector<16xf32>
        %add3A_818 = arith.addf %add3A_806, %bitcast_convert_type3A_817 : vector<16xf32>
        %get3A_819 = arith.constant 42 : i32
        %get3A_820 = arith.index_cast %get3A_819 : i32 to index
        %get3A_821 = arith.index_cast %mul3A_548 : i32 to index
        %get3A_822 = tpu.vector_load %arg7[%get3A_820, %get3A_821] {strides = array<i32>} : memref<64x512xi32, #tpu.memory_space<vmem>>, vector<1x16xi32>,
        %get3A_823 = vector.shape_cast %get3A_822 : vector<1x16xi32> to vector<16xi32>
        %bitcast_convert_type3A_824 = tpu.bitcast %get3A_823 : vector<16xi32> -> vector<16xf32>
        %add3A_825 = arith.addf %add3A_813, %bitcast_convert_type3A_824 : vector<16xf32>
        %shift_left3A_826 = arith.constant 16 : i32
        %shift_left3A_827 = vector.broadcast %shift_left3A_826 : i32 to vector<16xi32>
        %shift_left3A_828 = arith.shli %get3A_823, %shift_left3A_827 : vector<16xi32>
        %bitcast_convert_type3A_829 = tpu.bitcast %shift_left3A_828 : vector<16xi32> -> vector<16xf32>
        %add3A_830 = arith.addf %add3A_818, %bitcast_convert_type3A_829 : vector<16xf32>
        %get3A_831 = arith.constant 50 : i32
        %get3A_832 = arith.index_cast %get3A_831 : i32 to index
        %get3A_833 = arith.index_cast %mul3A_548 : i32 to index
        %get3A_834 = tpu.vector_load %arg7[%get3A_832, %get3A_833] {strides = array<i32>} : memref<64x512xi32, #tpu.memory_space<vmem>>, vector<1x16xi32>,
        %get3A_835 = vector.shape_cast %get3A_834 : vector<1x16xi32> to vector<16xi32>
        %bitcast_convert_type3A_836 = tpu.bitcast %get3A_835 : vector<16xi32> -> vector<16xf32>
        %add3A_837 = arith.addf %add3A_825, %bitcast_convert_type3A_836 : vector<16xf32>
        %shift_left3A_838 = arith.constant 16 : i32
        %shift_left3A_839 = vector.broadcast %shift_left3A_838 : i32 to vector<16xi32>
        %shift_left3A_840 = arith.shli %get3A_835, %shift_left3A_839 : vector<16xi32>
        %bitcast_convert_type3A_841 = tpu.bitcast %shift_left3A_840 : vector<16xi32> -> vector<16xf32>
        %add3A_842 = arith.addf %add3A_830, %bitcast_convert_type3A_841 : vector<16xf32>
        %get3A_843 = arith.constant 58 : i32
        %get3A_844 = arith.index_cast %get3A_843 : i32 to index
        %get3A_845 = arith.index_cast %mul3A_548 : i32 to index
        %get3A_846 = tpu.vector_load %arg7[%get3A_844, %get3A_845] {strides = array<i32>} : memref<64x512xi32, #tpu.memory_space<vmem>>, vector<1x16xi32>,
        %get3A_847 = vector.shape_cast %get3A_846 : vector<1x16xi32> to vector<16xi32>
        %bitcast_convert_type3A_848 = tpu.bitcast %get3A_847 : vector<16xi32> -> vector<16xf32>
        %add3A_849 = arith.addf %add3A_837, %bitcast_convert_type3A_848 : vector<16xf32>
        %shift_left3A_850 = arith.constant 16 : i32
        %shift_left3A_851 = vector.broadcast %shift_left3A_850 : i32 to vector<16xi32>
        %shift_left3A_852 = arith.shli %get3A_847, %shift_left3A_851 : vector<16xi32>
        %bitcast_convert_type3A_853 = tpu.bitcast %shift_left3A_852 : vector<16xi32> -> vector<16xf32>
        %add3A_854 = arith.addf %add3A_842, %bitcast_convert_type3A_853 : vector<16xf32>
        %swap3A_855 = arith.constant 2 : i32
        %swap3A_856 = arith.index_cast %swap3A_855 : i32 to index
        %swap3A_857 = arith.index_cast %mul3A_548 : i32 to index
        %swap3A_858 = tpu.vector_load %arg9[%swap3A_856, %swap3A_857] {strides = array<i32>} : memref<8x1024xf32, #tpu.memory_space<vmem>>, vector<1x16xf32>,
        %swap3A_859 = vector.shape_cast %swap3A_858 : vector<1x16xf32> to vector<16xf32>
        %swap3A_860 = vector.shape_cast %add3A_854 : vector<16xf32> to vector<1x16xf32>
        tpu.vector_store %arg9[%swap3A_856, %swap3A_857], %swap3A_860 {strides = array<i32>} : memref<8x1024xf32, #tpu.memory_space<vmem>>, vector<1x16xf32>,
        %add3A_861 = arith.constant 512 : i32
        %add3A_862 = arith.addi %mul3A_548, %add3A_861 : i32
        %swap3A_863 = arith.constant 2 : i32
        %swap3A_864 = arith.index_cast %swap3A_863 : i32 to index
        %swap3A_865 = arith.index_cast %add3A_862 : i32 to index
        %swap3A_866 = tpu.vector_load %arg9[%swap3A_864, %swap3A_865] {strides = array<i32>} : memref<8x1024xf32, #tpu.memory_space<vmem>>, vector<1x16xf32>,
        %swap3A_867 = vector.shape_cast %swap3A_866 : vector<1x16xf32> to vector<16xf32>
        %swap3A_868 = vector.shape_cast %add3A_849 : vector<16xf32> to vector<1x16xf32>
        tpu.vector_store %arg9[%swap3A_864, %swap3A_865], %swap3A_868 {strides = array<i32>} : memref<8x1024xf32, #tpu.memory_space<vmem>>, vector<1x16xf32>,
        %get3A_869 = arith.constant 3 : i32
        %get3A_870 = arith.index_cast %get3A_869 : i32 to index
        %get3A_871 = arith.index_cast %mul3A_548 : i32 to index
        %get3A_872 = tpu.vector_load %arg7[%get3A_870, %get3A_871] {strides = array<i32>} : memref<64x512xi32, #tpu.memory_space<vmem>>, vector<1x16xi32>,
        %get3A_873 = vector.shape_cast %get3A_872 : vector<1x16xi32> to vector<16xi32>
        %bitcast_convert_type3A_874 = tpu.bitcast %get3A_873 : vector<16xi32> -> vector<16xf32>
        %shift_left3A_875 = arith.constant 16 : i32
        %shift_left3A_876 = vector.broadcast %shift_left3A_875 : i32 to vector<16xi32>
        %shift_left3A_877 = arith.shli %get3A_873, %shift_left3A_876 : vector<16xi32>
        %bitcast_convert_type3A_878 = tpu.bitcast %shift_left3A_877 : vector<16xi32> -> vector<16xf32>
        %get3A_879 = arith.constant 11 : i32
        %get3A_880 = arith.index_cast %get3A_879 : i32 to index
        %get3A_881 = arith.index_cast %mul3A_548 : i32 to index
        %get3A_882 = tpu.vector_load %arg7[%get3A_880, %get3A_881] {strides = array<i32>} : memref<64x512xi32, #tpu.memory_space<vmem>>, vector<1x16xi32>,
        %get3A_883 = vector.shape_cast %get3A_882 : vector<1x16xi32> to vector<16xi32>
        %bitcast_convert_type3A_884 = tpu.bitcast %get3A_883 : vector<16xi32> -> vector<16xf32>
        %add3A_885 = arith.addf %bitcast_convert_type3A_874, %bitcast_convert_type3A_884 : vector<16xf32>
        %shift_left3A_886 = arith.constant 16 : i32
        %shift_left3A_887 = vector.broadcast %shift_left3A_886 : i32 to vector<16xi32>
        %shift_left3A_888 = arith.shli %get3A_883, %shift_left3A_887 : vector<16xi32>
        %bitcast_convert_type3A_889 = tpu.bitcast %shift_left3A_888 : vector<16xi32> -> vector<16xf32>
        %add3A_890 = arith.addf %bitcast_convert_type3A_878, %bitcast_convert_type3A_889 : vector<16xf32>
        %get3A_891 = arith.constant 19 : i32
        %get3A_892 = arith.index_cast %get3A_891 : i32 to index
        %get3A_893 = arith.index_cast %mul3A_548 : i32 to index
        %get3A_894 = tpu.vector_load %arg7[%get3A_892, %get3A_893] {strides = array<i32>} : memref<64x512xi32, #tpu.memory_space<vmem>>, vector<1x16xi32>,
        %get3A_895 = vector.shape_cast %get3A_894 : vector<1x16xi32> to vector<16xi32>
        %bitcast_convert_type3A_896 = tpu.bitcast %get3A_895 : vector<16xi32> -> vector<16xf32>
        %add3A_897 = arith.addf %add3A_885, %bitcast_convert_type3A_896 : vector<16xf32>
        %shift_left3A_898 = arith.constant 16 : i32
        %shift_left3A_899 = vector.broadcast %shift_left3A_898 : i32 to vector<16xi32>
        %shift_left3A_900 = arith.shli %get3A_895, %shift_left3A_899 : vector<16xi32>
        %bitcast_convert_type3A_901 = tpu.bitcast %shift_left3A_900 : vector<16xi32> -> vector<16xf32>
        %add3A_902 = arith.addf %add3A_890, %bitcast_convert_type3A_901 : vector<16xf32>
        %get3A_903 = arith.constant 27 : i32
        %get3A_904 = arith.index_cast %get3A_903 : i32 to index
        %get3A_905 = arith.index_cast %mul3A_548 : i32 to index
        %get3A_906 = tpu.vector_load %arg7[%get3A_904, %get3A_905] {strides = array<i32>} : memref<64x512xi32, #tpu.memory_space<vmem>>, vector<1x16xi32>,
        %get3A_907 = vector.shape_cast %get3A_906 : vector<1x16xi32> to vector<16xi32>
        %bitcast_convert_type3A_908 = tpu.bitcast %get3A_907 : vector<16xi32> -> vector<16xf32>
        %add3A_909 = arith.addf %add3A_897, %bitcast_convert_type3A_908 : vector<16xf32>
        %shift_left3A_910 = arith.constant 16 : i32
        %shift_left3A_911 = vector.broadcast %shift_left3A_910 : i32 to vector<16xi32>
        %shift_left3A_912 = arith.shli %get3A_907, %shift_left3A_911 : vector<16xi32>
        %bitcast_convert_type3A_913 = tpu.bitcast %shift_left3A_912 : vector<16xi32> -> vector<16xf32>
        %add3A_914 = arith.addf %add3A_902, %bitcast_convert_type3A_913 : vector<16xf32>
        %get3A_915 = arith.constant 35 : i32
        %get3A_916 = arith.index_cast %get3A_915 : i32 to index
        %get3A_917 = arith.index_cast %mul3A_548 : i32 to index
        %get3A_918 = tpu.vector_load %arg7[%get3A_916, %get3A_917] {strides = array<i32>} : memref<64x512xi32, #tpu.memory_space<vmem>>, vector<1x16xi32>,
        %get3A_919 = vector.shape_cast %get3A_918 : vector<1x16xi32> to vector<16xi32>
        %bitcast_convert_type3A_920 = tpu.bitcast %get3A_919 : vector<16xi32> -> vector<16xf32>
        %add3A_921 = arith.addf %add3A_909, %bitcast_convert_type3A_920 : vector<16xf32>
        %shift_left3A_922 = arith.constant 16 : i32
        %shift_left3A_923 = vector.broadcast %shift_left3A_922 : i32 to vector<16xi32>
        %shift_left3A_924 = arith.shli %get3A_919, %shift_left3A_923 : vector<16xi32>
        %bitcast_convert_type3A_925 = tpu.bitcast %shift_left3A_924 : vector<16xi32> -> vector<16xf32>
        %add3A_926 = arith.addf %add3A_914, %bitcast_convert_type3A_925 : vector<16xf32>
        %get3A_927 = arith.constant 43 : i32
        %get3A_928 = arith.index_cast %get3A_927 : i32 to index
        %get3A_929 = arith.index_cast %mul3A_548 : i32 to index
        %get3A_930 = tpu.vector_load %arg7[%get3A_928, %get3A_929] {strides = array<i32>} : memref<64x512xi32, #tpu.memory_space<vmem>>, vector<1x16xi32>,
        %get3A_931 = vector.shape_cast %get3A_930 : vector<1x16xi32> to vector<16xi32>
        %bitcast_convert_type3A_932 = tpu.bitcast %get3A_931 : vector<16xi32> -> vector<16xf32>
        %add3A_933 = arith.addf %add3A_921, %bitcast_convert_type3A_932 : vector<16xf32>
        %shift_left3A_934 = arith.constant 16 : i32
        %shift_left3A_935 = vector.broadcast %shift_left3A_934 : i32 to vector<16xi32>
        %shift_left3A_936 = arith.shli %get3A_931, %shift_left3A_935 : vector<16xi32>
        %bitcast_convert_type3A_937 = tpu.bitcast %shift_left3A_936 : vector<16xi32> -> vector<16xf32>
        %add3A_938 = arith.addf %add3A_926, %bitcast_convert_type3A_937 : vector<16xf32>
        %get3A_939 = arith.constant 51 : i32
        %get3A_940 = arith.index_cast %get3A_939 : i32 to index
        %get3A_941 = arith.index_cast %mul3A_548 : i32 to index
        %get3A_942 = tpu.vector_load %arg7[%get3A_940, %get3A_941] {strides = array<i32>} : memref<64x512xi32, #tpu.memory_space<vmem>>, vector<1x16xi32>,
        %get3A_943 = vector.shape_cast %get3A_942 : vector<1x16xi32> to vector<16xi32>
        %bitcast_convert_type3A_944 = tpu.bitcast %get3A_943 : vector<16xi32> -> vector<16xf32>
        %add3A_945 = arith.addf %add3A_933, %bitcast_convert_type3A_944 : vector<16xf32>
        %shift_left3A_946 = arith.constant 16 : i32
        %shift_left3A_947 = vector.broadcast %shift_left3A_946 : i32 to vector<16xi32>
        %shift_left3A_948 = arith.shli %get3A_943, %shift_left3A_947 : vector<16xi32>
        %bitcast_convert_type3A_949 = tpu.bitcast %shift_left3A_948 : vector<16xi32> -> vector<16xf32>
        %add3A_950 = arith.addf %add3A_938, %bitcast_convert_type3A_949 : vector<16xf32>
        %get3A_951 = arith.constant 59 : i32
        %get3A_952 = arith.index_cast %get3A_951 : i32 to index
        %get3A_953 = arith.index_cast %mul3A_548 : i32 to index
        %get3A_954 = tpu.vector_load %arg7[%get3A_952, %get3A_953] {strides = array<i32>} : memref<64x512xi32, #tpu.memory_space<vmem>>, vector<1x16xi32>,
        %get3A_955 = vector.shape_cast %get3A_954 : vector<1x16xi32> to vector<16xi32>
        %bitcast_convert_type3A_956 = tpu.bitcast %get3A_955 : vector<16xi32> -> vector<16xf32>
        %add3A_957 = arith.addf %add3A_945, %bitcast_convert_type3A_956 : vector<16xf32>
        %shift_left3A_958 = arith.constant 16 : i32
        %shift_left3A_959 = vector.broadcast %shift_left3A_958 : i32 to vector<16xi32>
        %shift_left3A_960 = arith.shli %get3A_955, %shift_left3A_959 : vector<16xi32>
        %bitcast_convert_type3A_961 = tpu.bitcast %shift_left3A_960 : vector<16xi32> -> vector<16xf32>
        %add3A_962 = arith.addf %add3A_950, %bitcast_convert_type3A_961 : vector<16xf32>
        %swap3A_963 = arith.constant 3 : i32
        %swap3A_964 = arith.index_cast %swap3A_963 : i32 to index
        %swap3A_965 = arith.index_cast %mul3A_548 : i32 to index
        %swap3A_966 = tpu.vector_load %arg9[%swap3A_964, %swap3A_965] {strides = array<i32>} : memref<8x1024xf32, #tpu.memory_space<vmem>>, vector<1x16xf32>,
        %swap3A_967 = vector.shape_cast %swap3A_966 : vector<1x16xf32> to vector<16xf32>
        %swap3A_968 = vector.shape_cast %add3A_962 : vector<16xf32> to vector<1x16xf32>
        tpu.vector_store %arg9[%swap3A_964, %swap3A_965], %swap3A_968 {strides = array<i32>} : memref<8x1024xf32, #tpu.memory_space<vmem>>, vector<1x16xf32>,
        %add3A_969 = arith.constant 512 : i32
        %add3A_970 = arith.addi %mul3A_548, %add3A_969 : i32
        %swap3A_971 = arith.constant 3 : i32
        %swap3A_972 = arith.index_cast %swap3A_971 : i32 to index
        %swap3A_973 = arith.index_cast %add3A_970 : i32 to index
        %swap3A_974 = tpu.vector_load %arg9[%swap3A_972, %swap3A_973] {strides = array<i32>} : memref<8x1024xf32, #tpu.memory_space<vmem>>, vector<1x16xf32>,
        %swap3A_975 = vector.shape_cast %swap3A_974 : vector<1x16xf32> to vector<16xf32>
        %swap3A_976 = vector.shape_cast %add3A_957 : vector<16xf32> to vector<1x16xf32>
        tpu.vector_store %arg9[%swap3A_972, %swap3A_973], %swap3A_976 {strides = array<i32>} : memref<8x1024xf32, #tpu.memory_space<vmem>>, vector<1x16xf32>,
        %get3A_977 = arith.constant 4 : i32
        %get3A_978 = arith.index_cast %get3A_977 : i32 to index
        %get3A_979 = arith.index_cast %mul3A_548 : i32 to index
        %get3A_980 = tpu.vector_load %arg7[%get3A_978, %get3A_979] {strides = array<i32>} : memref<64x512xi32, #tpu.memory_space<vmem>>, vector<1x16xi32>,
        %get3A_981 = vector.shape_cast %get3A_980 : vector<1x16xi32> to vector<16xi32>
        %bitcast_convert_type3A_982 = tpu.bitcast %get3A_981 : vector<16xi32> -> vector<16xf32>
        %shift_left3A_983 = arith.constant 16 : i32
        %shift_left3A_984 = vector.broadcast %shift_left3A_983 : i32 to vector<16xi32>
        %shift_left3A_985 = arith.shli %get3A_981, %shift_left3A_984 : vector<16xi32>
        %bitcast_convert_type3A_986 = tpu.bitcast %shift_left3A_985 : vector<16xi32> -> vector<16xf32>
        %get3A_987 = arith.constant 12 : i32
        %get3A_988 = arith.index_cast %get3A_987 : i32 to index
        %get3A_989 = arith.index_cast %mul3A_548 : i32 to index
        %get3A_990 = tpu.vector_load %arg7[%get3A_988, %get3A_989] {strides = array<i32>} : memref<64x512xi32, #tpu.memory_space<vmem>>, vector<1x16xi32>,
        %get3A_991 = vector.shape_cast %get3A_990 : vector<1x16xi32> to vector<16xi32>
        %bitcast_convert_type3A_992 = tpu.bitcast %get3A_991 : vector<16xi32> -> vector<16xf32>
        %add3A_993 = arith.addf %bitcast_convert_type3A_982, %bitcast_convert_type3A_992 : vector<16xf32>
        %shift_left3A_994 = arith.constant 16 : i32
        %shift_left3A_995 = vector.broadcast %shift_left3A_994 : i32 to vector<16xi32>
        %shift_left3A_996 = arith.shli %get3A_991, %shift_left3A_995 : vector<16xi32>
        %bitcast_convert_type3A_997 = tpu.bitcast %shift_left3A_996 : vector<16xi32> -> vector<16xf32>
        %add3A_998 = arith.addf %bitcast_convert_type3A_986, %bitcast_convert_type3A_997 : vector<16xf32>
        %get3A_999 = arith.constant 20 : i32
        %get3A_1000 = arith.index_cast %get3A_999 : i32 to index
        %get3A_1001 = arith.index_cast %mul3A_548 : i32 to index
        %get3A_1002 = tpu.vector_load %arg7[%get3A_1000, %get3A_1001] {strides = array<i32>} : memref<64x512xi32, #tpu.memory_space<vmem>>, vector<1x16xi32>,
        %get3A_1003 = vector.shape_cast %get3A_1002 : vector<1x16xi32> to vector<16xi32>
        %bitcast_convert_type3A_1004 = tpu.bitcast %get3A_1003 : vector<16xi32> -> vector<16xf32>
        %add3A_1005 = arith.addf %add3A_993, %bitcast_convert_type3A_1004 : vector<16xf32>
        %shift_left3A_1006 = arith.constant 16 : i32
        %shift_left3A_1007 = vector.broadcast %shift_left3A_1006 : i32 to vector<16xi32>
        %shift_left3A_1008 = arith.shli %get3A_1003, %shift_left3A_1007 : vector<16xi32>
        %bitcast_convert_type3A_1009 = tpu.bitcast %shift_left3A_1008 : vector<16xi32> -> vector<16xf32>
        %add3A_1010 = arith.addf %add3A_998, %bitcast_convert_type3A_1009 : vector<16xf32>
        %get3A_1011 = arith.constant 28 : i32
        %get3A_1012 = arith.index_cast %get3A_1011 : i32 to index
        %get3A_1013 = arith.index_cast %mul3A_548 : i32 to index
        %get3A_1014 = tpu.vector_load %arg7[%get3A_1012, %get3A_1013] {strides = array<i32>} : memref<64x512xi32, #tpu.memory_space<vmem>>, vector<1x16xi32>,
        %get3A_1015 = vector.shape_cast %get3A_1014 : vector<1x16xi32> to vector<16xi32>
        %bitcast_convert_type3A_1016 = tpu.bitcast %get3A_1015 : vector<16xi32> -> vector<16xf32>
        %add3A_1017 = arith.addf %add3A_1005, %bitcast_convert_type3A_1016 : vector<16xf32>
        %shift_left3A_1018 = arith.constant 16 : i32
        %shift_left3A_1019 = vector.broadcast %shift_left3A_1018 : i32 to vector<16xi32>
        %shift_left3A_1020 = arith.shli %get3A_1015, %shift_left3A_1019 : vector<16xi32>
        %bitcast_convert_type3A_1021 = tpu.bitcast %shift_left3A_1020 : vector<16xi32> -> vector<16xf32>
        %add3A_1022 = arith.addf %add3A_1010, %bitcast_convert_type3A_1021 : vector<16xf32>
        %get3A_1023 = arith.constant 36 : i32
        %get3A_1024 = arith.index_cast %get3A_1023 : i32 to index
        %get3A_1025 = arith.index_cast %mul3A_548 : i32 to index
        %get3A_1026 = tpu.vector_load %arg7[%get3A_1024, %get3A_1025] {strides = array<i32>} : memref<64x512xi32, #tpu.memory_space<vmem>>, vector<1x16xi32>,
        %get3A_1027 = vector.shape_cast %get3A_1026 : vector<1x16xi32> to vector<16xi32>
        %bitcast_convert_type3A_1028 = tpu.bitcast %get3A_1027 : vector<16xi32> -> vector<16xf32>
        %add3A_1029 = arith.addf %add3A_1017, %bitcast_convert_type3A_1028 : vector<16xf32>
        %shift_left3A_1030 = arith.constant 16 : i32
        %shift_left3A_1031 = vector.broadcast %shift_left3A_1030 : i32 to vector<16xi32>
        %shift_left3A_1032 = arith.shli %get3A_1027, %shift_left3A_1031 : vector<16xi32>
        %bitcast_convert_type3A_1033 = tpu.bitcast %shift_left3A_1032 : vector<16xi32> -> vector<16xf32>
        %add3A_1034 = arith.addf %add3A_1022, %bitcast_convert_type3A_1033 : vector<16xf32>
        %get3A_1035 = arith.constant 44 : i32
        %get3A_1036 = arith.index_cast %get3A_1035 : i32 to index
        %get3A_1037 = arith.index_cast %mul3A_548 : i32 to index
        %get3A_1038 = tpu.vector_load %arg7[%get3A_1036, %get3A_1037] {strides = array<i32>} : memref<64x512xi32, #tpu.memory_space<vmem>>, vector<1x16xi32>,
        %get3A_1039 = vector.shape_cast %get3A_1038 : vector<1x16xi32> to vector<16xi32>
        %bitcast_convert_type3A_1040 = tpu.bitcast %get3A_1039 : vector<16xi32> -> vector<16xf32>
        %add3A_1041 = arith.addf %add3A_1029, %bitcast_convert_type3A_1040 : vector<16xf32>
        %shift_left3A_1042 = arith.constant 16 : i32
        %shift_left3A_1043 = vector.broadcast %shift_left3A_1042 : i32 to vector<16xi32>
        %shift_left3A_1044 = arith.shli %get3A_1039, %shift_left3A_1043 : vector<16xi32>
        %bitcast_convert_type3A_1045 = tpu.bitcast %shift_left3A_1044 : vector<16xi32> -> vector<16xf32>
        %add3A_1046 = arith.addf %add3A_1034, %bitcast_convert_type3A_1045 : vector<16xf32>
        %get3A_1047 = arith.constant 52 : i32
        %get3A_1048 = arith.index_cast %get3A_1047 : i32 to index
        %get3A_1049 = arith.index_cast %mul3A_548 : i32 to index
        %get3A_1050 = tpu.vector_load %arg7[%get3A_1048, %get3A_1049] {strides = array<i32>} : memref<64x512xi32, #tpu.memory_space<vmem>>, vector<1x16xi32>,
        %get3A_1051 = vector.shape_cast %get3A_1050 : vector<1x16xi32> to vector<16xi32>
        %bitcast_convert_type3A_1052 = tpu.bitcast %get3A_1051 : vector<16xi32> -> vector<16xf32>
        %add3A_1053 = arith.addf %add3A_1041, %bitcast_convert_type3A_1052 : vector<16xf32>
        %shift_left3A_1054 = arith.constant 16 : i32
        %shift_left3A_1055 = vector.broadcast %shift_left3A_1054 : i32 to vector<16xi32>
        %shift_left3A_1056 = arith.shli %get3A_1051, %shift_left3A_1055 : vector<16xi32>
        %bitcast_convert_type3A_1057 = tpu.bitcast %shift_left3A_1056 : vector<16xi32> -> vector<16xf32>
        %add3A_1058 = arith.addf %add3A_1046, %bitcast_convert_type3A_1057 : vector<16xf32>
        %get3A_1059 = arith.constant 60 : i32
        %get3A_1060 = arith.index_cast %get3A_1059 : i32 to index
        %get3A_1061 = arith.index_cast %mul3A_548 : i32 to index
        %get3A_1062 = tpu.vector_load %arg7[%get3A_1060, %get3A_1061] {strides = array<i32>} : memref<64x512xi32, #tpu.memory_space<vmem>>, vector<1x16xi32>,
        %get3A_1063 = vector.shape_cast %get3A_1062 : vector<1x16xi32> to vector<16xi32>
        %bitcast_convert_type3A_1064 = tpu.bitcast %get3A_1063 : vector<16xi32> -> vector<16xf32>
        %add3A_1065 = arith.addf %add3A_1053, %bitcast_convert_type3A_1064 : vector<16xf32>
        %shift_left3A_1066 = arith.constant 16 : i32
        %shift_left3A_1067 = vector.broadcast %shift_left3A_1066 : i32 to vector<16xi32>
        %shift_left3A_1068 = arith.shli %get3A_1063, %shift_left3A_1067 : vector<16xi32>
        %bitcast_convert_type3A_1069 = tpu.bitcast %shift_left3A_1068 : vector<16xi32> -> vector<16xf32>
        %add3A_1070 = arith.addf %add3A_1058, %bitcast_convert_type3A_1069 : vector<16xf32>
        %swap3A_1071 = arith.constant 4 : i32
        %swap3A_1072 = arith.index_cast %swap3A_1071 : i32 to index
        %swap3A_1073 = arith.index_cast %mul3A_548 : i32 to index
        %swap3A_1074 = tpu.vector_load %arg9[%swap3A_1072, %swap3A_1073] {strides = array<i32>} : memref<8x1024xf32, #tpu.memory_space<vmem>>, vector<1x16xf32>,
        %swap3A_1075 = vector.shape_cast %swap3A_1074 : vector<1x16xf32> to vector<16xf32>
        %swap3A_1076 = vector.shape_cast %add3A_1070 : vector<16xf32> to vector<1x16xf32>
        tpu.vector_store %arg9[%swap3A_1072, %swap3A_1073], %swap3A_1076 {strides = array<i32>} : memref<8x1024xf32, #tpu.memory_space<vmem>>, vector<1x16xf32>,
        %add3A_1077 = arith.constant 512 : i32
        %add3A_1078 = arith.addi %mul3A_548, %add3A_1077 : i32
        %swap3A_1079 = arith.constant 4 : i32
        %swap3A_1080 = arith.index_cast %swap3A_1079 : i32 to index
        %swap3A_1081 = arith.index_cast %add3A_1078 : i32 to index
        %swap3A_1082 = tpu.vector_load %arg9[%swap3A_1080, %swap3A_1081] {strides = array<i32>} : memref<8x1024xf32, #tpu.memory_space<vmem>>, vector<1x16xf32>,
        %swap3A_1083 = vector.shape_cast %swap3A_1082 : vector<1x16xf32> to vector<16xf32>
        %swap3A_1084 = vector.shape_cast %add3A_1065 : vector<16xf32> to vector<1x16xf32>
        tpu.vector_store %arg9[%swap3A_1080, %swap3A_1081], %swap3A_1084 {strides = array<i32>} : memref<8x1024xf32, #tpu.memory_space<vmem>>, vector<1x16xf32>,
        %get3A_1085 = arith.constant 5 : i32
        %get3A_1086 = arith.index_cast %get3A_1085 : i32 to index
        %get3A_1087 = arith.index_cast %mul3A_548 : i32 to index
        %get3A_1088 = tpu.vector_load %arg7[%get3A_1086, %get3A_1087] {strides = array<i32>} : memref<64x512xi32, #tpu.memory_space<vmem>>, vector<1x16xi32>,
        %get3A_1089 = vector.shape_cast %get3A_1088 : vector<1x16xi32> to vector<16xi32>
        %bitcast_convert_type3A_1090 = tpu.bitcast %get3A_1089 : vector<16xi32> -> vector<16xf32>
        %shift_left3A_1091 = arith.constant 16 : i32
        %shift_left3A_1092 = vector.broadcast %shift_left3A_1091 : i32 to vector<16xi32>
        %shift_left3A_1093 = arith.shli %get3A_1089, %shift_left3A_1092 : vector<16xi32>
        %bitcast_convert_type3A_1094 = tpu.bitcast %shift_left3A_1093 : vector<16xi32> -> vector<16xf32>
        %get3A_1095 = arith.constant 13 : i32
        %get3A_1096 = arith.index_cast %get3A_1095 : i32 to index
        %get3A_1097 = arith.index_cast %mul3A_548 : i32 to index
        %get3A_1098 = tpu.vector_load %arg7[%get3A_1096, %get3A_1097] {strides = array<i32>} : memref<64x512xi32, #tpu.memory_space<vmem>>, vector<1x16xi32>,
        %get3A_1099 = vector.shape_cast %get3A_1098 : vector<1x16xi32> to vector<16xi32>
        %bitcast_convert_type3A_1100 = tpu.bitcast %get3A_1099 : vector<16xi32> -> vector<16xf32>
        %add3A_1101 = arith.addf %bitcast_convert_type3A_1090, %bitcast_convert_type3A_1100 : vector<16xf32>
        %shift_left3A_1102 = arith.constant 16 : i32
        %shift_left3A_1103 = vector.broadcast %shift_left3A_1102 : i32 to vector<16xi32>
        %shift_left3A_1104 = arith.shli %get3A_1099, %shift_left3A_1103 : vector<16xi32>
        %bitcast_convert_type3A_1105 = tpu.bitcast %shift_left3A_1104 : vector<16xi32> -> vector<16xf32>
        %add3A_1106 = arith.addf %bitcast_convert_type3A_1094, %bitcast_convert_type3A_1105 : vector<16xf32>
        %get3A_1107 = arith.constant 21 : i32
        %get3A_1108 = arith.index_cast %get3A_1107 : i32 to index
        %get3A_1109 = arith.index_cast %mul3A_548 : i32 to index
        %get3A_1110 = tpu.vector_load %arg7[%get3A_1108, %get3A_1109] {strides = array<i32>} : memref<64x512xi32, #tpu.memory_space<vmem>>, vector<1x16xi32>,
        %get3A_1111 = vector.shape_cast %get3A_1110 : vector<1x16xi32> to vector<16xi32>
        %bitcast_convert_type3A_1112 = tpu.bitcast %get3A_1111 : vector<16xi32> -> vector<16xf32>
        %add3A_1113 = arith.addf %add3A_1101, %bitcast_convert_type3A_1112 : vector<16xf32>
        %shift_left3A_1114 = arith.constant 16 : i32
        %shift_left3A_1115 = vector.broadcast %shift_left3A_1114 : i32 to vector<16xi32>
        %shift_left3A_1116 = arith.shli %get3A_1111, %shift_left3A_1115 : vector<16xi32>
        %bitcast_convert_type3A_1117 = tpu.bitcast %shift_left3A_1116 : vector<16xi32> -> vector<16xf32>
        %add3A_1118 = arith.addf %add3A_1106, %bitcast_convert_type3A_1117 : vector<16xf32>
        %get3A_1119 = arith.constant 29 : i32
        %get3A_1120 = arith.index_cast %get3A_1119 : i32 to index
        %get3A_1121 = arith.index_cast %mul3A_548 : i32 to index
        %get3A_1122 = tpu.vector_load %arg7[%get3A_1120, %get3A_1121] {strides = array<i32>} : memref<64x512xi32, #tpu.memory_space<vmem>>, vector<1x16xi32>,
        %get3A_1123 = vector.shape_cast %get3A_1122 : vector<1x16xi32> to vector<16xi32>
        %bitcast_convert_type3A_1124 = tpu.bitcast %get3A_1123 : vector<16xi32> -> vector<16xf32>
        %add3A_1125 = arith.addf %add3A_1113, %bitcast_convert_type3A_1124 : vector<16xf32>
        %shift_left3A_1126 = arith.constant 16 : i32
        %shift_left3A_1127 = vector.broadcast %shift_left3A_1126 : i32 to vector<16xi32>
        %shift_left3A_1128 = arith.shli %get3A_1123, %shift_left3A_1127 : vector<16xi32>
        %bitcast_convert_type3A_1129 = tpu.bitcast %shift_left3A_1128 : vector<16xi32> -> vector<16xf32>
        %add3A_1130 = arith.addf %add3A_1118, %bitcast_convert_type3A_1129 : vector<16xf32>
        %get3A_1131 = arith.constant 37 : i32
        %get3A_1132 = arith.index_cast %get3A_1131 : i32 to index
        %get3A_1133 = arith.index_cast %mul3A_548 : i32 to index
        %get3A_1134 = tpu.vector_load %arg7[%get3A_1132, %get3A_1133] {strides = array<i32>} : memref<64x512xi32, #tpu.memory_space<vmem>>, vector<1x16xi32>,
        %get3A_1135 = vector.shape_cast %get3A_1134 : vector<1x16xi32> to vector<16xi32>
        %bitcast_convert_type3A_1136 = tpu.bitcast %get3A_1135 : vector<16xi32> -> vector<16xf32>
        %add3A_1137 = arith.addf %add3A_1125, %bitcast_convert_type3A_1136 : vector<16xf32>
        %shift_left3A_1138 = arith.constant 16 : i32
        %shift_left3A_1139 = vector.broadcast %shift_left3A_1138 : i32 to vector<16xi32>
        %shift_left3A_1140 = arith.shli %get3A_1135, %shift_left3A_1139 : vector<16xi32>
        %bitcast_convert_type3A_1141 = tpu.bitcast %shift_left3A_1140 : vector<16xi32> -> vector<16xf32>
        %add3A_1142 = arith.addf %add3A_1130, %bitcast_convert_type3A_1141 : vector<16xf32>
        %get3A_1143 = arith.constant 45 : i32
        %get3A_1144 = arith.index_cast %get3A_1143 : i32 to index
        %get3A_1145 = arith.index_cast %mul3A_548 : i32 to index
        %get3A_1146 = tpu.vector_load %arg7[%get3A_1144, %get3A_1145] {strides = array<i32>} : memref<64x512xi32, #tpu.memory_space<vmem>>, vector<1x16xi32>,
        %get3A_1147 = vector.shape_cast %get3A_1146 : vector<1x16xi32> to vector<16xi32>
        %bitcast_convert_type3A_1148 = tpu.bitcast %get3A_1147 : vector<16xi32> -> vector<16xf32>
        %add3A_1149 = arith.addf %add3A_1137, %bitcast_convert_type3A_1148 : vector<16xf32>
        %shift_left3A_1150 = arith.constant 16 : i32
        %shift_left3A_1151 = vector.broadcast %shift_left3A_1150 : i32 to vector<16xi32>
        %shift_left3A_1152 = arith.shli %get3A_1147, %shift_left3A_1151 : vector<16xi32>
        %bitcast_convert_type3A_1153 = tpu.bitcast %shift_left3A_1152 : vector<16xi32> -> vector<16xf32>
        %add3A_1154 = arith.addf %add3A_1142, %bitcast_convert_type3A_1153 : vector<16xf32>
        %get3A_1155 = arith.constant 53 : i32
        %get3A_1156 = arith.index_cast %get3A_1155 : i32 to index
        %get3A_1157 = arith.index_cast %mul3A_548 : i32 to index
        %get3A_1158 = tpu.vector_load %arg7[%get3A_1156, %get3A_1157] {strides = array<i32>} : memref<64x512xi32, #tpu.memory_space<vmem>>, vector<1x16xi32>,
        %get3A_1159 = vector.shape_cast %get3A_1158 : vector<1x16xi32> to vector<16xi32>
        %bitcast_convert_type3A_1160 = tpu.bitcast %get3A_1159 : vector<16xi32> -> vector<16xf32>
        %add3A_1161 = arith.addf %add3A_1149, %bitcast_convert_type3A_1160 : vector<16xf32>
        %shift_left3A_1162 = arith.constant 16 : i32
        %shift_left3A_1163 = vector.broadcast %shift_left3A_1162 : i32 to vector<16xi32>
        %shift_left3A_1164 = arith.shli %get3A_1159, %shift_left3A_1163 : vector<16xi32>
        %bitcast_convert_type3A_1165 = tpu.bitcast %shift_left3A_1164 : vector<16xi32> -> vector<16xf32>
        %add3A_1166 = arith.addf %add3A_1154, %bitcast_convert_type3A_1165 : vector<16xf32>
        %get3A_1167 = arith.constant 61 : i32
        %get3A_1168 = arith.index_cast %get3A_1167 : i32 to index
        %get3A_1169 = arith.index_cast %mul3A_548 : i32 to index
        %get3A_1170 = tpu.vector_load %arg7[%get3A_1168, %get3A_1169] {strides = array<i32>} : memref<64x512xi32, #tpu.memory_space<vmem>>, vector<1x16xi32>,
        %get3A_1171 = vector.shape_cast %get3A_1170 : vector<1x16xi32> to vector<16xi32>
        %bitcast_convert_type3A_1172 = tpu.bitcast %get3A_1171 : vector<16xi32> -> vector<16xf32>
        %add3A_1173 = arith.addf %add3A_1161, %bitcast_convert_type3A_1172 : vector<16xf32>
        %shift_left3A_1174 = arith.constant 16 : i32
        %shift_left3A_1175 = vector.broadcast %shift_left3A_1174 : i32 to vector<16xi32>
        %shift_left3A_1176 = arith.shli %get3A_1171, %shift_left3A_1175 : vector<16xi32>
        %bitcast_convert_type3A_1177 = tpu.bitcast %shift_left3A_1176 : vector<16xi32> -> vector<16xf32>
        %add3A_1178 = arith.addf %add3A_1166, %bitcast_convert_type3A_1177 : vector<16xf32>
        %swap3A_1179 = arith.constant 5 : i32
        %swap3A_1180 = arith.index_cast %swap3A_1179 : i32 to index
        %swap3A_1181 = arith.index_cast %mul3A_548 : i32 to index
        %swap3A_1182 = tpu.vector_load %arg9[%swap3A_1180, %swap3A_1181] {strides = array<i32>} : memref<8x1024xf32, #tpu.memory_space<vmem>>, vector<1x16xf32>,
        %swap3A_1183 = vector.shape_cast %swap3A_1182 : vector<1x16xf32> to vector<16xf32>
        %swap3A_1184 = vector.shape_cast %add3A_1178 : vector<16xf32> to vector<1x16xf32>
        tpu.vector_store %arg9[%swap3A_1180, %swap3A_1181], %swap3A_1184 {strides = array<i32>} : memref<8x1024xf32, #tpu.memory_space<vmem>>, vector<1x16xf32>,
        %add3A_1185 = arith.constant 512 : i32
        %add3A_1186 = arith.addi %mul3A_548, %add3A_1185 : i32
        %swap3A_1187 = arith.constant 5 : i32
        %swap3A_1188 = arith.index_cast %swap3A_1187 : i32 to index
        %swap3A_1189 = arith.index_cast %add3A_1186 : i32 to index
        %swap3A_1190 = tpu.vector_load %arg9[%swap3A_1188, %swap3A_1189] {strides = array<i32>} : memref<8x1024xf32, #tpu.memory_space<vmem>>, vector<1x16xf32>,
        %swap3A_1191 = vector.shape_cast %swap3A_1190 : vector<1x16xf32> to vector<16xf32>
        %swap3A_1192 = vector.shape_cast %add3A_1173 : vector<16xf32> to vector<1x16xf32>
        tpu.vector_store %arg9[%swap3A_1188, %swap3A_1189], %swap3A_1192 {strides = array<i32>} : memref<8x1024xf32, #tpu.memory_space<vmem>>, vector<1x16xf32>,
        %get3A_1193 = arith.constant 6 : i32
        %get3A_1194 = arith.index_cast %get3A_1193 : i32 to index
        %get3A_1195 = arith.index_cast %mul3A_548 : i32 to index
        %get3A_1196 = tpu.vector_load %arg7[%get3A_1194, %get3A_1195] {strides = array<i32>} : memref<64x512xi32, #tpu.memory_space<vmem>>, vector<1x16xi32>,
        %get3A_1197 = vector.shape_cast %get3A_1196 : vector<1x16xi32> to vector<16xi32>
        %bitcast_convert_type3A_1198 = tpu.bitcast %get3A_1197 : vector<16xi32> -> vector<16xf32>
        %shift_left3A_1199 = arith.constant 16 : i32
        %shift_left3A_1200 = vector.broadcast %shift_left3A_1199 : i32 to vector<16xi32>
        %shift_left3A_1201 = arith.shli %get3A_1197, %shift_left3A_1200 : vector<16xi32>
        %bitcast_convert_type3A_1202 = tpu.bitcast %shift_left3A_1201 : vector<16xi32> -> vector<16xf32>
        %get3A_1203 = arith.constant 14 : i32
        %get3A_1204 = arith.index_cast %get3A_1203 : i32 to index
        %get3A_1205 = arith.index_cast %mul3A_548 : i32 to index
        %get3A_1206 = tpu.vector_load %arg7[%get3A_1204, %get3A_1205] {strides = array<i32>} : memref<64x512xi32, #tpu.memory_space<vmem>>, vector<1x16xi32>,
        %get3A_1207 = vector.shape_cast %get3A_1206 : vector<1x16xi32> to vector<16xi32>
        %bitcast_convert_type3A_1208 = tpu.bitcast %get3A_1207 : vector<16xi32> -> vector<16xf32>
        %add3A_1209 = arith.addf %bitcast_convert_type3A_1198, %bitcast_convert_type3A_1208 : vector<16xf32>
        %shift_left3A_1210 = arith.constant 16 : i32
        %shift_left3A_1211 = vector.broadcast %shift_left3A_1210 : i32 to vector<16xi32>
        %shift_left3A_1212 = arith.shli %get3A_1207, %shift_left3A_1211 : vector<16xi32>
        %bitcast_convert_type3A_1213 = tpu.bitcast %shift_left3A_1212 : vector<16xi32> -> vector<16xf32>
        %add3A_1214 = arith.addf %bitcast_convert_type3A_1202, %bitcast_convert_type3A_1213 : vector<16xf32>
        %get3A_1215 = arith.constant 22 : i32
        %get3A_1216 = arith.index_cast %get3A_1215 : i32 to index
        %get3A_1217 = arith.index_cast %mul3A_548 : i32 to index
        %get3A_1218 = tpu.vector_load %arg7[%get3A_1216, %get3A_1217] {strides = array<i32>} : memref<64x512xi32, #tpu.memory_space<vmem>>, vector<1x16xi32>,
        %get3A_1219 = vector.shape_cast %get3A_1218 : vector<1x16xi32> to vector<16xi32>
        %bitcast_convert_type3A_1220 = tpu.bitcast %get3A_1219 : vector<16xi32> -> vector<16xf32>
        %add3A_1221 = arith.addf %add3A_1209, %bitcast_convert_type3A_1220 : vector<16xf32>
        %shift_left3A_1222 = arith.constant 16 : i32
        %shift_left3A_1223 = vector.broadcast %shift_left3A_1222 : i32 to vector<16xi32>
        %shift_left3A_1224 = arith.shli %get3A_1219, %shift_left3A_1223 : vector<16xi32>
        %bitcast_convert_type3A_1225 = tpu.bitcast %shift_left3A_1224 : vector<16xi32> -> vector<16xf32>
        %add3A_1226 = arith.addf %add3A_1214, %bitcast_convert_type3A_1225 : vector<16xf32>
        %get3A_1227 = arith.constant 30 : i32
        %get3A_1228 = arith.index_cast %get3A_1227 : i32 to index
        %get3A_1229 = arith.index_cast %mul3A_548 : i32 to index
        %get3A_1230 = tpu.vector_load %arg7[%get3A_1228, %get3A_1229] {strides = array<i32>} : memref<64x512xi32, #tpu.memory_space<vmem>>, vector<1x16xi32>,
        %get3A_1231 = vector.shape_cast %get3A_1230 : vector<1x16xi32> to vector<16xi32>
        %bitcast_convert_type3A_1232 = tpu.bitcast %get3A_1231 : vector<16xi32> -> vector<16xf32>
        %add3A_1233 = arith.addf %add3A_1221, %bitcast_convert_type3A_1232 : vector<16xf32>
        %shift_left3A_1234 = arith.constant 16 : i32
        %shift_left3A_1235 = vector.broadcast %shift_left3A_1234 : i32 to vector<16xi32>
        %shift_left3A_1236 = arith.shli %get3A_1231, %shift_left3A_1235 : vector<16xi32>
        %bitcast_convert_type3A_1237 = tpu.bitcast %shift_left3A_1236 : vector<16xi32> -> vector<16xf32>
        %add3A_1238 = arith.addf %add3A_1226, %bitcast_convert_type3A_1237 : vector<16xf32>
        %get3A_1239 = arith.constant 38 : i32
        %get3A_1240 = arith.index_cast %get3A_1239 : i32 to index
        %get3A_1241 = arith.index_cast %mul3A_548 : i32 to index
        %get3A_1242 = tpu.vector_load %arg7[%get3A_1240, %get3A_1241] {strides = array<i32>} : memref<64x512xi32, #tpu.memory_space<vmem>>, vector<1x16xi32>,
        %get3A_1243 = vector.shape_cast %get3A_1242 : vector<1x16xi32> to vector<16xi32>
        %bitcast_convert_type3A_1244 = tpu.bitcast %get3A_1243 : vector<16xi32> -> vector<16xf32>
        %add3A_1245 = arith.addf %add3A_1233, %bitcast_convert_type3A_1244 : vector<16xf32>
        %shift_left3A_1246 = arith.constant 16 : i32
        %shift_left3A_1247 = vector.broadcast %shift_left3A_1246 : i32 to vector<16xi32>
        %shift_left3A_1248 = arith.shli %get3A_1243, %shift_left3A_1247 : vector<16xi32>
        %bitcast_convert_type3A_1249 = tpu.bitcast %shift_left3A_1248 : vector<16xi32> -> vector<16xf32>
        %add3A_1250 = arith.addf %add3A_1238, %bitcast_convert_type3A_1249 : vector<16xf32>
        %get3A_1251 = arith.constant 46 : i32
        %get3A_1252 = arith.index_cast %get3A_1251 : i32 to index
        %get3A_1253 = arith.index_cast %mul3A_548 : i32 to index
        %get3A_1254 = tpu.vector_load %arg7[%get3A_1252, %get3A_1253] {strides = array<i32>} : memref<64x512xi32, #tpu.memory_space<vmem>>, vector<1x16xi32>,
        %get3A_1255 = vector.shape_cast %get3A_1254 : vector<1x16xi32> to vector<16xi32>
        %bitcast_convert_type3A_1256 = tpu.bitcast %get3A_1255 : vector<16xi32> -> vector<16xf32>
        %add3A_1257 = arith.addf %add3A_1245, %bitcast_convert_type3A_1256 : vector<16xf32>
        %shift_left3A_1258 = arith.constant 16 : i32
        %shift_left3A_1259 = vector.broadcast %shift_left3A_1258 : i32 to vector<16xi32>
        %shift_left3A_1260 = arith.shli %get3A_1255, %shift_left3A_1259 : vector<16xi32>
        %bitcast_convert_type3A_1261 = tpu.bitcast %shift_left3A_1260 : vector<16xi32> -> vector<16xf32>
        %add3A_1262 = arith.addf %add3A_1250, %bitcast_convert_type3A_1261 : vector<16xf32>
        %get3A_1263 = arith.constant 54 : i32
        %get3A_1264 = arith.index_cast %get3A_1263 : i32 to index
        %get3A_1265 = arith.index_cast %mul3A_548 : i32 to index
        %get3A_1266 = tpu.vector_load %arg7[%get3A_1264, %get3A_1265] {strides = array<i32>} : memref<64x512xi32, #tpu.memory_space<vmem>>, vector<1x16xi32>,
        %get3A_1267 = vector.shape_cast %get3A_1266 : vector<1x16xi32> to vector<16xi32>
        %bitcast_convert_type3A_1268 = tpu.bitcast %get3A_1267 : vector<16xi32> -> vector<16xf32>
        %add3A_1269 = arith.addf %add3A_1257, %bitcast_convert_type3A_1268 : vector<16xf32>
        %shift_left3A_1270 = arith.constant 16 : i32
        %shift_left3A_1271 = vector.broadcast %shift_left3A_1270 : i32 to vector<16xi32>
        %shift_left3A_1272 = arith.shli %get3A_1267, %shift_left3A_1271 : vector<16xi32>
        %bitcast_convert_type3A_1273 = tpu.bitcast %shift_left3A_1272 : vector<16xi32> -> vector<16xf32>
        %add3A_1274 = arith.addf %add3A_1262, %bitcast_convert_type3A_1273 : vector<16xf32>
        %get3A_1275 = arith.constant 62 : i32
        %get3A_1276 = arith.index_cast %get3A_1275 : i32 to index
        %get3A_1277 = arith.index_cast %mul3A_548 : i32 to index
        %get3A_1278 = tpu.vector_load %arg7[%get3A_1276, %get3A_1277] {strides = array<i32>} : memref<64x512xi32, #tpu.memory_space<vmem>>, vector<1x16xi32>,
        %get3A_1279 = vector.shape_cast %get3A_1278 : vector<1x16xi32> to vector<16xi32>
        %bitcast_convert_type3A_1280 = tpu.bitcast %get3A_1279 : vector<16xi32> -> vector<16xf32>
        %add3A_1281 = arith.addf %add3A_1269, %bitcast_convert_type3A_1280 : vector<16xf32>
        %shift_left3A_1282 = arith.constant 16 : i32
        %shift_left3A_1283 = vector.broadcast %shift_left3A_1282 : i32 to vector<16xi32>
        %shift_left3A_1284 = arith.shli %get3A_1279, %shift_left3A_1283 : vector<16xi32>
        %bitcast_convert_type3A_1285 = tpu.bitcast %shift_left3A_1284 : vector<16xi32> -> vector<16xf32>
        %add3A_1286 = arith.addf %add3A_1274, %bitcast_convert_type3A_1285 : vector<16xf32>
        %swap3A_1287 = arith.constant 6 : i32
        %swap3A_1288 = arith.index_cast %swap3A_1287 : i32 to index
        %swap3A_1289 = arith.index_cast %mul3A_548 : i32 to index
        %swap3A_1290 = tpu.vector_load %arg9[%swap3A_1288, %swap3A_1289] {strides = array<i32>} : memref<8x1024xf32, #tpu.memory_space<vmem>>, vector<1x16xf32>,
        %swap3A_1291 = vector.shape_cast %swap3A_1290 : vector<1x16xf32> to vector<16xf32>
        %swap3A_1292 = vector.shape_cast %add3A_1286 : vector<16xf32> to vector<1x16xf32>
        tpu.vector_store %arg9[%swap3A_1288, %swap3A_1289], %swap3A_1292 {strides = array<i32>} : memref<8x1024xf32, #tpu.memory_space<vmem>>, vector<1x16xf32>,
        %add3A_1293 = arith.constant 512 : i32
        %add3A_1294 = arith.addi %mul3A_548, %add3A_1293 : i32
        %swap3A_1295 = arith.constant 6 : i32
        %swap3A_1296 = arith.index_cast %swap3A_1295 : i32 to index
        %swap3A_1297 = arith.index_cast %add3A_1294 : i32 to index
        %swap3A_1298 = tpu.vector_load %arg9[%swap3A_1296, %swap3A_1297] {strides = array<i32>} : memref<8x1024xf32, #tpu.memory_space<vmem>>, vector<1x16xf32>,
        %swap3A_1299 = vector.shape_cast %swap3A_1298 : vector<1x16xf32> to vector<16xf32>
        %swap3A_1300 = vector.shape_cast %add3A_1281 : vector<16xf32> to vector<1x16xf32>
        tpu.vector_store %arg9[%swap3A_1296, %swap3A_1297], %swap3A_1300 {strides = array<i32>} : memref<8x1024xf32, #tpu.memory_space<vmem>>, vector<1x16xf32>,
        %get3A_1301 = arith.constant 7 : i32
        %get3A_1302 = arith.index_cast %get3A_1301 : i32 to index
        %get3A_1303 = arith.index_cast %mul3A_548 : i32 to index
        %get3A_1304 = tpu.vector_load %arg7[%get3A_1302, %get3A_1303] {strides = array<i32>} : memref<64x512xi32, #tpu.memory_space<vmem>>, vector<1x16xi32>,
        %get3A_1305 = vector.shape_cast %get3A_1304 : vector<1x16xi32> to vector<16xi32>
        %bitcast_convert_type3A_1306 = tpu.bitcast %get3A_1305 : vector<16xi32> -> vector<16xf32>
        %shift_left3A_1307 = arith.constant 16 : i32
        %shift_left3A_1308 = vector.broadcast %shift_left3A_1307 : i32 to vector<16xi32>
        %shift_left3A_1309 = arith.shli %get3A_1305, %shift_left3A_1308 : vector<16xi32>
        %bitcast_convert_type3A_1310 = tpu.bitcast %shift_left3A_1309 : vector<16xi32> -> vector<16xf32>
        %get3A_1311 = arith.constant 15 : i32
        %get3A_1312 = arith.index_cast %get3A_1311 : i32 to index
        %get3A_1313 = arith.index_cast %mul3A_548 : i32 to index
        %get3A_1314 = tpu.vector_load %arg7[%get3A_1312, %get3A_1313] {strides = array<i32>} : memref<64x512xi32, #tpu.memory_space<vmem>>, vector<1x16xi32>,
        %get3A_1315 = vector.shape_cast %get3A_1314 : vector<1x16xi32> to vector<16xi32>
        %bitcast_convert_type3A_1316 = tpu.bitcast %get3A_1315 : vector<16xi32> -> vector<16xf32>
        %add3A_1317 = arith.addf %bitcast_convert_type3A_1306, %bitcast_convert_type3A_1316 : vector<16xf32>
        %shift_left3A_1318 = arith.constant 16 : i32
        %shift_left3A_1319 = vector.broadcast %shift_left3A_1318 : i32 to vector<16xi32>
        %shift_left3A_1320 = arith.shli %get3A_1315, %shift_left3A_1319 : vector<16xi32>
        %bitcast_convert_type3A_1321 = tpu.bitcast %shift_left3A_1320 : vector<16xi32> -> vector<16xf32>
        %add3A_1322 = arith.addf %bitcast_convert_type3A_1310, %bitcast_convert_type3A_1321 : vector<16xf32>
        %get3A_1323 = arith.constant 23 : i32
        %get3A_1324 = arith.index_cast %get3A_1323 : i32 to index
        %get3A_1325 = arith.index_cast %mul3A_548 : i32 to index
        %get3A_1326 = tpu.vector_load %arg7[%get3A_1324, %get3A_1325] {strides = array<i32>} : memref<64x512xi32, #tpu.memory_space<vmem>>, vector<1x16xi32>,
        %get3A_1327 = vector.shape_cast %get3A_1326 : vector<1x16xi32> to vector<16xi32>
        %bitcast_convert_type3A_1328 = tpu.bitcast %get3A_1327 : vector<16xi32> -> vector<16xf32>
        %add3A_1329 = arith.addf %add3A_1317, %bitcast_convert_type3A_1328 : vector<16xf32>
        %shift_left3A_1330 = arith.constant 16 : i32
        %shift_left3A_1331 = vector.broadcast %shift_left3A_1330 : i32 to vector<16xi32>
        %shift_left3A_1332 = arith.shli %get3A_1327, %shift_left3A_1331 : vector<16xi32>
        %bitcast_convert_type3A_1333 = tpu.bitcast %shift_left3A_1332 : vector<16xi32> -> vector<16xf32>
        %add3A_1334 = arith.addf %add3A_1322, %bitcast_convert_type3A_1333 : vector<16xf32>
        %get3A_1335 = arith.constant 31 : i32
        %get3A_1336 = arith.index_cast %get3A_1335 : i32 to index
        %get3A_1337 = arith.index_cast %mul3A_548 : i32 to index
        %get3A_1338 = tpu.vector_load %arg7[%get3A_1336, %get3A_1337] {strides = array<i32>} : memref<64x512xi32, #tpu.memory_space<vmem>>, vector<1x16xi32>,
        %get3A_1339 = vector.shape_cast %get3A_1338 : vector<1x16xi32> to vector<16xi32>
        %bitcast_convert_type3A_1340 = tpu.bitcast %get3A_1339 : vector<16xi32> -> vector<16xf32>
        %add3A_1341 = arith.addf %add3A_1329, %bitcast_convert_type3A_1340 : vector<16xf32>
        %shift_left3A_1342 = arith.constant 16 : i32
        %shift_left3A_1343 = vector.broadcast %shift_left3A_1342 : i32 to vector<16xi32>
        %shift_left3A_1344 = arith.shli %get3A_1339, %shift_left3A_1343 : vector<16xi32>
        %bitcast_convert_type3A_1345 = tpu.bitcast %shift_left3A_1344 : vector<16xi32> -> vector<16xf32>
        %add3A_1346 = arith.addf %add3A_1334, %bitcast_convert_type3A_1345 : vector<16xf32>
        %get3A_1347 = arith.constant 39 : i32
        %get3A_1348 = arith.index_cast %get3A_1347 : i32 to index
        %get3A_1349 = arith.index_cast %mul3A_548 : i32 to index
        %get3A_1350 = tpu.vector_load %arg7[%get3A_1348, %get3A_1349] {strides = array<i32>} : memref<64x512xi32, #tpu.memory_space<vmem>>, vector<1x16xi32>,
        %get3A_1351 = vector.shape_cast %get3A_1350 : vector<1x16xi32> to vector<16xi32>
        %bitcast_convert_type3A_1352 = tpu.bitcast %get3A_1351 : vector<16xi32> -> vector<16xf32>
        %add3A_1353 = arith.addf %add3A_1341, %bitcast_convert_type3A_1352 : vector<16xf32>
        %shift_left3A_1354 = arith.constant 16 : i32
        %shift_left3A_1355 = vector.broadcast %shift_left3A_1354 : i32 to vector<16xi32>
        %shift_left3A_1356 = arith.shli %get3A_1351, %shift_left3A_1355 : vector<16xi32>
        %bitcast_convert_type3A_1357 = tpu.bitcast %shift_left3A_1356 : vector<16xi32> -> vector<16xf32>
        %add3A_1358 = arith.addf %add3A_1346, %bitcast_convert_type3A_1357 : vector<16xf32>
        %get3A_1359 = arith.constant 47 : i32
        %get3A_1360 = arith.index_cast %get3A_1359 : i32 to index
        %get3A_1361 = arith.index_cast %mul3A_548 : i32 to index
        %get3A_1362 = tpu.vector_load %arg7[%get3A_1360, %get3A_1361] {strides = array<i32>} : memref<64x512xi32, #tpu.memory_space<vmem>>, vector<1x16xi32>,
        %get3A_1363 = vector.shape_cast %get3A_1362 : vector<1x16xi32> to vector<16xi32>
        %bitcast_convert_type3A_1364 = tpu.bitcast %get3A_1363 : vector<16xi32> -> vector<16xf32>
        %add3A_1365 = arith.addf %add3A_1353, %bitcast_convert_type3A_1364 : vector<16xf32>
        %shift_left3A_1366 = arith.constant 16 : i32
        %shift_left3A_1367 = vector.broadcast %shift_left3A_1366 : i32 to vector<16xi32>
        %shift_left3A_1368 = arith.shli %get3A_1363, %shift_left3A_1367 : vector<16xi32>
        %bitcast_convert_type3A_1369 = tpu.bitcast %shift_left3A_1368 : vector<16xi32> -> vector<16xf32>
        %add3A_1370 = arith.addf %add3A_1358, %bitcast_convert_type3A_1369 : vector<16xf32>
        %get3A_1371 = arith.constant 55 : i32
        %get3A_1372 = arith.index_cast %get3A_1371 : i32 to index
        %get3A_1373 = arith.index_cast %mul3A_548 : i32 to index
        %get3A_1374 = tpu.vector_load %arg7[%get3A_1372, %get3A_1373] {strides = array<i32>} : memref<64x512xi32, #tpu.memory_space<vmem>>, vector<1x16xi32>,
        %get3A_1375 = vector.shape_cast %get3A_1374 : vector<1x16xi32> to vector<16xi32>
        %bitcast_convert_type3A_1376 = tpu.bitcast %get3A_1375 : vector<16xi32> -> vector<16xf32>
        %add3A_1377 = arith.addf %add3A_1365, %bitcast_convert_type3A_1376 : vector<16xf32>
        %shift_left3A_1378 = arith.constant 16 : i32
        %shift_left3A_1379 = vector.broadcast %shift_left3A_1378 : i32 to vector<16xi32>
        %shift_left3A_1380 = arith.shli %get3A_1375, %shift_left3A_1379 : vector<16xi32>
        %bitcast_convert_type3A_1381 = tpu.bitcast %shift_left3A_1380 : vector<16xi32> -> vector<16xf32>
        %add3A_1382 = arith.addf %add3A_1370, %bitcast_convert_type3A_1381 : vector<16xf32>
        %get3A_1383 = arith.constant 63 : i32
        %get3A_1384 = arith.index_cast %get3A_1383 : i32 to index
        %get3A_1385 = arith.index_cast %mul3A_548 : i32 to index
        %get3A_1386 = tpu.vector_load %arg7[%get3A_1384, %get3A_1385] {strides = array<i32>} : memref<64x512xi32, #tpu.memory_space<vmem>>, vector<1x16xi32>,
        %get3A_1387 = vector.shape_cast %get3A_1386 : vector<1x16xi32> to vector<16xi32>
        %bitcast_convert_type3A_1388 = tpu.bitcast %get3A_1387 : vector<16xi32> -> vector<16xf32>
        %add3A_1389 = arith.addf %add3A_1377, %bitcast_convert_type3A_1388 : vector<16xf32>
        %shift_left3A_1390 = arith.constant 16 : i32
        %shift_left3A_1391 = vector.broadcast %shift_left3A_1390 : i32 to vector<16xi32>
        %shift_left3A_1392 = arith.shli %get3A_1387, %shift_left3A_1391 : vector<16xi32>
        %bitcast_convert_type3A_1393 = tpu.bitcast %shift_left3A_1392 : vector<16xi32> -> vector<16xf32>
        %add3A_1394 = arith.addf %add3A_1382, %bitcast_convert_type3A_1393 : vector<16xf32>
        %swap3A_1395 = arith.constant 7 : i32
        %swap3A_1396 = arith.index_cast %swap3A_1395 : i32 to index
        %swap3A_1397 = arith.index_cast %mul3A_548 : i32 to index
        %swap3A_1398 = tpu.vector_load %arg9[%swap3A_1396, %swap3A_1397] {strides = array<i32>} : memref<8x1024xf32, #tpu.memory_space<vmem>>, vector<1x16xf32>,
        %swap3A_1399 = vector.shape_cast %swap3A_1398 : vector<1x16xf32> to vector<16xf32>
        %swap3A_1400 = vector.shape_cast %add3A_1394 : vector<16xf32> to vector<1x16xf32>
        tpu.vector_store %arg9[%swap3A_1396, %swap3A_1397], %swap3A_1400 {strides = array<i32>} : memref<8x1024xf32, #tpu.memory_space<vmem>>, vector<1x16xf32>,
        %add3A_1401 = arith.constant 512 : i32
        %add3A_1402 = arith.addi %mul3A_548, %add3A_1401 : i32
        %swap3A_1403 = arith.constant 7 : i32
        %swap3A_1404 = arith.index_cast %swap3A_1403 : i32 to index
        %swap3A_1405 = arith.index_cast %add3A_1402 : i32 to index
        %swap3A_1406 = tpu.vector_load %arg9[%swap3A_1404, %swap3A_1405] {strides = array<i32>} : memref<8x1024xf32, #tpu.memory_space<vmem>>, vector<1x16xf32>,
        %swap3A_1407 = vector.shape_cast %swap3A_1406 : vector<1x16xf32> to vector<16xf32>
        %swap3A_1408 = vector.shape_cast %add3A_1389 : vector<16xf32> to vector<1x16xf32>
        tpu.vector_store %arg9[%swap3A_1404, %swap3A_1405], %swap3A_1408 {strides = array<i32>} : memref<8x1024xf32, #tpu.memory_space<vmem>>, vector<1x16xf32>,
      }
      %scan3A_462 = arith.constant 32 : i32
      %mul3A_463 = arith.constant 8 : i32
      %mul3A_464 = arith.muli %min3A_445, %mul3A_463 : i32
      %dma_start3A_465 = arith.constant 0 : i32
      %dma_start3A_466 = arith.constant 0 : i32
      %dma_start3A_467 = arith.constant 0 : i32
      %dma_start3A_468 = tpu.memref_slice %arg7[%dma_start3A_466, %dma_start3A_467] : memref<64x512xi32, #tpu.memory_space<vmem>> -> memref<8x512xi32, #tpu.memory_space<vmem>>
      %dma_start3A_469 = tpu.memref_slice %arg5[%dma_start3A_465, %mul3A_464] : memref<8x1024xi32, #tpu.memory_space<vmem>> -> memref<1x8xi32, #tpu.memory_space<vmem>>
      %dma_start3A_470 = tpu.memref_squeeze %dma_start3A_469 : memref<1x8xi32, #tpu.memory_space<vmem>> -> memref<8xi32, #tpu.memory_space<vmem>>
      %dma_start3A_471 = arith.constant 0 : i32
      %dma_start3A_472 = arith.constant 0 : i32
      %dma_start3A_473 = tpu.memref_slice %arg3[%dma_start3A_471, %dma_start3A_472] : memref<16384x512xi32, #tpu.memory_space<hbm>> -> memref<16384x512xi32, #tpu.memory_space<hbm>>
      tpu.enqueue_indirect_dma source(%dma_start3A_473 : memref<16384x512xi32, #tpu.memory_space<hbm>>) target(%dma_start3A_468 : memref<8x512xi32, #tpu.memory_space<vmem>>) offsets(%dma_start3A_470 : memref<8xi32, #tpu.memory_space<vmem>>) semaphore(%arg12 : memref<!tpu.dma_semaphore, #tpu.memory_space<semaphore_mem>>)
      %dma_start3A_474 = arith.constant 1 : i32
      %dma_start3A_475 = arith.constant 8 : i32
      %dma_start3A_476 = arith.constant 0 : i32
      %dma_start3A_477 = tpu.memref_slice %arg7[%dma_start3A_475, %dma_start3A_476] : memref<64x512xi32, #tpu.memory_space<vmem>> -> memref<8x512xi32, #tpu.memory_space<vmem>>
      %dma_start3A_478 = tpu.memref_slice %arg5[%dma_start3A_474, %mul3A_464] : memref<8x1024xi32, #tpu.memory_space<vmem>> -> memref<1x8xi32, #tpu.memory_space<vmem>>
      %dma_start3A_479 = tpu.memref_squeeze %dma_start3A_478 : memref<1x8xi32, #tpu.memory_space<vmem>> -> memref<8xi32, #tpu.memory_space<vmem>>
      %dma_start3A_480 = arith.constant 0 : i32
      %dma_start3A_481 = arith.constant 0 : i32
      %dma_start3A_482 = tpu.memref_slice %arg3[%dma_start3A_480, %dma_start3A_481] : memref<16384x512xi32, #tpu.memory_space<hbm>> -> memref<16384x512xi32, #tpu.memory_space<hbm>>
      tpu.enqueue_indirect_dma source(%dma_start3A_482 : memref<16384x512xi32, #tpu.memory_space<hbm>>) target(%dma_start3A_477 : memref<8x512xi32, #tpu.memory_space<vmem>>) offsets(%dma_start3A_479 : memref<8xi32, #tpu.memory_space<vmem>>) semaphore(%arg12 : memref<!tpu.dma_semaphore, #tpu.memory_space<semaphore_mem>>)
      %dma_start3A_483 = arith.constant 2 : i32
      %dma_start3A_484 = arith.constant 16 : i32
      %dma_start3A_485 = arith.constant 0 : i32
      %dma_start3A_486 = tpu.memref_slice %arg7[%dma_start3A_484, %dma_start3A_485] : memref<64x512xi32, #tpu.memory_space<vmem>> -> memref<8x512xi32, #tpu.memory_space<vmem>>
      %dma_start3A_487 = tpu.memref_slice %arg5[%dma_start3A_483, %mul3A_464] : memref<8x1024xi32, #tpu.memory_space<vmem>> -> memref<1x8xi32, #tpu.memory_space<vmem>>
      %dma_start3A_488 = tpu.memref_squeeze %dma_start3A_487 : memref<1x8xi32, #tpu.memory_space<vmem>> -> memref<8xi32, #tpu.memory_space<vmem>>
      %dma_start3A_489 = arith.constant 0 : i32
      %dma_start3A_490 = arith.constant 0 : i32
      %dma_start3A_491 = tpu.memref_slice %arg3[%dma_start3A_489, %dma_start3A_490] : memref<16384x512xi32, #tpu.memory_space<hbm>> -> memref<16384x512xi32, #tpu.memory_space<hbm>>
      tpu.enqueue_indirect_dma source(%dma_start3A_491 : memref<16384x512xi32, #tpu.memory_space<hbm>>) target(%dma_start3A_486 : memref<8x512xi32, #tpu.memory_space<vmem>>) offsets(%dma_start3A_488 : memref<8xi32, #tpu.memory_space<vmem>>) semaphore(%arg12 : memref<!tpu.dma_semaphore, #tpu.memory_space<semaphore_mem>>)
      %dma_start3A_492 = arith.constant 3 : i32
      %dma_start3A_493 = arith.constant 24 : i32
      %dma_start3A_494 = arith.constant 0 : i32
      %dma_start3A_495 = tpu.memref_slice %arg7[%dma_start3A_493, %dma_start3A_494] : memref<64x512xi32, #tpu.memory_space<vmem>> -> memref<8x512xi32, #tpu.memory_space<vmem>>
      %dma_start3A_496 = tpu.memref_slice %arg5[%dma_start3A_492, %mul3A_464] : memref<8x1024xi32, #tpu.memory_space<vmem>> -> memref<1x8xi32, #tpu.memory_space<vmem>>
      %dma_start3A_497 = tpu.memref_squeeze %dma_start3A_496 : memref<1x8xi32, #tpu.memory_space<vmem>> -> memref<8xi32, #tpu.memory_space<vmem>>
      %dma_start3A_498 = arith.constant 0 : i32
      %dma_start3A_499 = arith.constant 0 : i32
      %dma_start3A_500 = tpu.memref_slice %arg3[%dma_start3A_498, %dma_start3A_499] : memref<16384x512xi32, #tpu.memory_space<hbm>> -> memref<16384x512xi32, #tpu.memory_space<hbm>>
      tpu.enqueue_indirect_dma source(%dma_start3A_500 : memref<16384x512xi32, #tpu.memory_space<hbm>>) target(%dma_start3A_495 : memref<8x512xi32, #tpu.memory_space<vmem>>) offsets(%dma_start3A_497 : memref<8xi32, #tpu.memory_space<vmem>>) semaphore(%arg12 : memref<!tpu.dma_semaphore, #tpu.memory_space<semaphore_mem>>)
      %dma_start3A_501 = arith.constant 4 : i32
      %dma_start3A_502 = arith.constant 32 : i32
      %dma_start3A_503 = arith.constant 0 : i32
      %dma_start3A_504 = tpu.memref_slice %arg7[%dma_start3A_502, %dma_start3A_503] : memref<64x512xi32, #tpu.memory_space<vmem>> -> memref<8x512xi32, #tpu.memory_space<vmem>>
      %dma_start3A_505 = tpu.memref_slice %arg5[%dma_start3A_501, %mul3A_464] : memref<8x1024xi32, #tpu.memory_space<vmem>> -> memref<1x8xi32, #tpu.memory_space<vmem>>
      %dma_start3A_506 = tpu.memref_squeeze %dma_start3A_505 : memref<1x8xi32, #tpu.memory_space<vmem>> -> memref<8xi32, #tpu.memory_space<vmem>>
      %dma_start3A_507 = arith.constant 0 : i32
      %dma_start3A_508 = arith.constant 0 : i32
      %dma_start3A_509 = tpu.memref_slice %arg3[%dma_start3A_507, %dma_start3A_508] : memref<16384x512xi32, #tpu.memory_space<hbm>> -> memref<16384x512xi32, #tpu.memory_space<hbm>>
      tpu.enqueue_indirect_dma source(%dma_start3A_509 : memref<16384x512xi32, #tpu.memory_space<hbm>>) target(%dma_start3A_504 : memref<8x512xi32, #tpu.memory_space<vmem>>) offsets(%dma_start3A_506 : memref<8xi32, #tpu.memory_space<vmem>>) semaphore(%arg12 : memref<!tpu.dma_semaphore, #tpu.memory_space<semaphore_mem>>)
      %dma_start3A_510 = arith.constant 5 : i32
      %dma_start3A_511 = arith.constant 40 : i32
      %dma_start3A_512 = arith.constant 0 : i32
      %dma_start3A_513 = tpu.memref_slice %arg7[%dma_start3A_511, %dma_start3A_512] : memref<64x512xi32, #tpu.memory_space<vmem>> -> memref<8x512xi32, #tpu.memory_space<vmem>>
      %dma_start3A_514 = tpu.memref_slice %arg5[%dma_start3A_510, %mul3A_464] : memref<8x1024xi32, #tpu.memory_space<vmem>> -> memref<1x8xi32, #tpu.memory_space<vmem>>
      %dma_start3A_515 = tpu.memref_squeeze %dma_start3A_514 : memref<1x8xi32, #tpu.memory_space<vmem>> -> memref<8xi32, #tpu.memory_space<vmem>>
      %dma_start3A_516 = arith.constant 0 : i32
      %dma_start3A_517 = arith.constant 0 : i32
      %dma_start3A_518 = tpu.memref_slice %arg3[%dma_start3A_516, %dma_start3A_517] : memref<16384x512xi32, #tpu.memory_space<hbm>> -> memref<16384x512xi32, #tpu.memory_space<hbm>>
      tpu.enqueue_indirect_dma source(%dma_start3A_518 : memref<16384x512xi32, #tpu.memory_space<hbm>>) target(%dma_start3A_513 : memref<8x512xi32, #tpu.memory_space<vmem>>) offsets(%dma_start3A_515 : memref<8xi32, #tpu.memory_space<vmem>>) semaphore(%arg12 : memref<!tpu.dma_semaphore, #tpu.memory_space<semaphore_mem>>)
      %dma_start3A_519 = arith.constant 6 : i32
      %dma_start3A_520 = arith.constant 48 : i32
      %dma_start3A_521 = arith.constant 0 : i32
      %dma_start3A_522 = tpu.memref_slice %arg7[%dma_start3A_520, %dma_start3A_521] : memref<64x512xi32, #tpu.memory_space<vmem>> -> memref<8x512xi32, #tpu.memory_space<vmem>>
      %dma_start3A_523 = tpu.memref_slice %arg5[%dma_start3A_519, %mul3A_464] : memref<8x1024xi32, #tpu.memory_space<vmem>> -> memref<1x8xi32, #tpu.memory_space<vmem>>
      %dma_start3A_524 = tpu.memref_squeeze %dma_start3A_523 : memref<1x8xi32, #tpu.memory_space<vmem>> -> memref<8xi32, #tpu.memory_space<vmem>>
      %dma_start3A_525 = arith.constant 0 : i32
      %dma_start3A_526 = arith.constant 0 : i32
      %dma_start3A_527 = tpu.memref_slice %arg3[%dma_start3A_525, %dma_start3A_526] : memref<16384x512xi32, #tpu.memory_space<hbm>> -> memref<16384x512xi32, #tpu.memory_space<hbm>>
      tpu.enqueue_indirect_dma source(%dma_start3A_527 : memref<16384x512xi32, #tpu.memory_space<hbm>>) target(%dma_start3A_522 : memref<8x512xi32, #tpu.memory_space<vmem>>) offsets(%dma_start3A_524 : memref<8xi32, #tpu.memory_space<vmem>>) semaphore(%arg12 : memref<!tpu.dma_semaphore, #tpu.memory_space<semaphore_mem>>)
      %dma_start3A_528 = arith.constant 7 : i32
      %dma_start3A_529 = arith.constant 56 : i32
      %dma_start3A_530 = arith.constant 0 : i32
      %dma_start3A_531 = tpu.memref_slice %arg7[%dma_start3A_529, %dma_start3A_530] : memref<64x512xi32, #tpu.memory_space<vmem>> -> memref<8x512xi32, #tpu.memory_space<vmem>>
      %dma_start3A_532 = tpu.memref_slice %arg5[%dma_start3A_528, %mul3A_464] : memref<8x1024xi32, #tpu.memory_space<vmem>> -> memref<1x8xi32, #tpu.memory_space<vmem>>
      %dma_start3A_533 = tpu.memref_squeeze %dma_start3A_532 : memref<1x8xi32, #tpu.memory_space<vmem>> -> memref<8xi32, #tpu.memory_space<vmem>>
      %dma_start3A_534 = arith.constant 0 : i32
      %dma_start3A_535 = arith.constant 0 : i32
      %dma_start3A_536 = tpu.memref_slice %arg3[%dma_start3A_534, %dma_start3A_535] : memref<16384x512xi32, #tpu.memory_space<hbm>> -> memref<16384x512xi32, #tpu.memory_space<hbm>>
      tpu.enqueue_indirect_dma source(%dma_start3A_536 : memref<16384x512xi32, #tpu.memory_space<hbm>>) target(%dma_start3A_531 : memref<8x512xi32, #tpu.memory_space<vmem>>) offsets(%dma_start3A_533 : memref<8xi32, #tpu.memory_space<vmem>>) semaphore(%arg12 : memref<!tpu.dma_semaphore, #tpu.memory_space<semaphore_mem>>)
      %mul3A_537 = arith.constant 8 : i32
      %mul3A_538 = arith.muli %add3A_441, %mul3A_537 : i32
      %add3A_539 = arith.addi %select_n3A_32, %mul3A_538 : i32
      %dma_start3A_540 = arith.constant 0 : i32
      %dma_start3A_541 = tpu.memref_slice %arg4[%select_n3A, %add3A_539, %dma_start3A_540] : memref<16x2048x1024xf32, #tpu.memory_space<hbm>> -> memref<1x8x1024xf32, #tpu.memory_space<hbm>>
      %dma_start3A_542 = tpu.memref_squeeze %dma_start3A_541 : memref<1x8x1024xf32, #tpu.memory_space<hbm>> -> memref<8x1024xf32, #tpu.memory_space<hbm>>
      %dma_start3A_543 = arith.constant 0 : i32
      %dma_start3A_544 = tpu.memref_slice %arg4[%select_n3A, %add3A_539, %dma_start3A_543] : memref<16x2048x1024xf32, #tpu.memory_space<hbm>> -> memref<1x8x1024xf32, #tpu.memory_space<hbm>>
      %dma_start3A_545 = tpu.memref_squeeze %dma_start3A_544 : memref<1x8x1024xf32, #tpu.memory_space<hbm>> -> memref<8x1024xf32, #tpu.memory_space<hbm>>
      tpu.enqueue_dma source(%arg9 : memref<8x1024xf32, #tpu.memory_space<vmem>>) target(%dma_start3A_545 : memref<8x1024xf32, #tpu.memory_space<hbm>>) target_semaphore(%arg14 : memref<!tpu.dma_semaphore, #tpu.memory_space<semaphore_mem>>)
    }
    %scan3A_306 = arith.constant 64 : i32
    %dma_wait3A_307 = arith.constant 0 : i32
    %dma_wait3A_308 = arith.constant 0 : i32
    %dma_wait3A_309 = tpu.memref_slice %arg3[%dma_wait3A_307, %dma_wait3A_308] : memref<16384x512xi32, #tpu.memory_space<hbm>> -> memref<64x512xi32, #tpu.memory_space<hbm>>
    %dma_wait3A_310 = arith.constant 0 : i32
    %dma_wait3A_311 = arith.constant 0 : i32
    %dma_wait3A_312 = tpu.memref_slice %arg3[%dma_wait3A_310, %dma_wait3A_311] : memref<16384x512xi32, #tpu.memory_space<hbm>> -> memref<64x512xi32, #tpu.memory_space<hbm>>
    tpu.wait_dma2 semaphore(%arg11 : memref<!tpu.dma_semaphore, #tpu.memory_space<semaphore_mem>>) src(%dma_wait3A_312 : memref<64x512xi32, #tpu.memory_space<hbm>>) dst(%arg6 : memref<64x512xi32, #tpu.memory_space<vmem>>)
    %dma_wait3A_313 = arith.constant 0 : i32
    %dma_wait3A_314 = arith.constant 0 : i32
    %dma_wait3A_315 = tpu.memref_slice %arg3[%dma_wait3A_313, %dma_wait3A_314] : memref<16384x512xi32, #tpu.memory_space<hbm>> -> memref<64x512xi32, #tpu.memory_space<hbm>>
    %dma_wait3A_316 = arith.constant 0 : i32
    %dma_wait3A_317 = arith.constant 0 : i32
    %dma_wait3A_318 = tpu.memref_slice %arg3[%dma_wait3A_316, %dma_wait3A_317] : memref<16384x512xi32, #tpu.memory_space<hbm>> -> memref<64x512xi32, #tpu.memory_space<hbm>>
    tpu.wait_dma2 semaphore(%arg12 : memref<!tpu.dma_semaphore, #tpu.memory_space<semaphore_mem>>) src(%dma_wait3A_318 : memref<64x512xi32, #tpu.memory_space<hbm>>) dst(%arg7 : memref<64x512xi32, #tpu.memory_space<vmem>>)
    %dma_wait3A_319 = arith.constant 0 : i32
    %dma_wait3A_320 = arith.constant 0 : i32
    %dma_wait3A_321 = arith.constant 0 : i32
    %dma_wait3A_322 = tpu.memref_slice %arg4[%dma_wait3A_319, %dma_wait3A_320, %dma_wait3A_321] : memref<16x2048x1024xf32, #tpu.memory_space<hbm>> -> memref<1x8x1024xf32, #tpu.memory_space<hbm>>
    %dma_wait3A_323 = tpu.memref_squeeze %dma_wait3A_322 : memref<1x8x1024xf32, #tpu.memory_space<hbm>> -> memref<8x1024xf32, #tpu.memory_space<hbm>>
    %dma_wait3A_324 = arith.constant 0 : i32
    %dma_wait3A_325 = arith.constant 0 : i32
    %dma_wait3A_326 = tpu.memref_slice %arg4[%dma_wait3A_319, %dma_wait3A_324, %dma_wait3A_325] : memref<16x2048x1024xf32, #tpu.memory_space<hbm>> -> memref<1x8x1024xf32, #tpu.memory_space<hbm>>
    %dma_wait3A_327 = tpu.memref_squeeze %dma_wait3A_326 : memref<1x8x1024xf32, #tpu.memory_space<hbm>> -> memref<8x1024xf32, #tpu.memory_space<hbm>>
    tpu.wait_dma2 semaphore(%arg13 : memref<!tpu.dma_semaphore, #tpu.memory_space<semaphore_mem>>) src(%dma_wait3A_327 : memref<8x1024xf32, #tpu.memory_space<hbm>>) dst(%arg8 : memref<8x1024xf32, #tpu.memory_space<vmem>>)
    %dma_wait3A_328 = arith.constant 0 : i32
    %dma_wait3A_329 = arith.constant 0 : i32
    %dma_wait3A_330 = arith.constant 0 : i32
    %dma_wait3A_331 = tpu.memref_slice %arg4[%dma_wait3A_328, %dma_wait3A_329, %dma_wait3A_330] : memref<16x2048x1024xf32, #tpu.memory_space<hbm>> -> memref<1x8x1024xf32, #tpu.memory_space<hbm>>
    %dma_wait3A_332 = tpu.memref_squeeze %dma_wait3A_331 : memref<1x8x1024xf32, #tpu.memory_space<hbm>> -> memref<8x1024xf32, #tpu.memory_space<hbm>>
    %dma_wait3A_333 = arith.constant 0 : i32
    %dma_wait3A_334 = arith.constant 0 : i32
    %dma_wait3A_335 = tpu.memref_slice %arg4[%dma_wait3A_328, %dma_wait3A_333, %dma_wait3A_334] : memref<16x2048x1024xf32, #tpu.memory_space<hbm>> -> memref<1x8x1024xf32, #tpu.memory_space<hbm>>
    %dma_wait3A_336 = tpu.memref_squeeze %dma_wait3A_335 : memref<1x8x1024xf32, #tpu.memory_space<hbm>> -> memref<8x1024xf32, #tpu.memory_space<hbm>>
    tpu.wait_dma2 semaphore(%arg14 : memref<!tpu.dma_semaphore, #tpu.memory_space<semaphore_mem>>) src(%dma_wait3A_336 : memref<8x1024xf32, #tpu.memory_space<hbm>>) dst(%arg9 : memref<8x1024xf32, #tpu.memory_space<vmem>>)
    return
  }
}

</mosaic_0001>

<sc_bundles>
// kernel: kernel.3.cloned.1.call-start
scs
__scs_entry_jumppad:
0x0: {  	(pc) =	sbr.rel $0x88, $3  }
0x1: {  	(tag) =	ssettag $0x0;
	lr =	simm.s32 $0x1  }
0x2: {  	[smem:$0x3F9F] =	sst lr;
	_ =	strace $0xD0000000  }
0x3: {  	_ = 	snop  }
0x4: {  	_ = 	snop  }
0x5: {  	_ = 	snop  }
0x6: {  	_ = 	snop  }
0x7: {  	_ = 	snop  }
__scs_overlays_trampoline_lowered:
0x8: {  	[smem:$0x3FAE] =	sst s0  }
0x9: {  	[smem:$0x3FAF] =	sst s1  }
0xa: {  	[smem:$0x3FB0] =	sst s2  }
0xb: {  	[smem:$0x3FB1] =	sst s3  }
0xc: {  	[smem:$0x3FB2] =	sst s4  }
0xd: {  	[smem:$0x3FB3] =	sst s5  }
0xe: {  	[smem:$0x3FB4] =	sst s6  }
0xf: {  	[smem:$0x3FB5] =	sst s7  }
0x10: {  	[smem:$0x3FB6] =	sst s8  }
0x11: {  	[smem:$0x3FB7] =	sst s9;
	s0 =	simm.s32 @!p0 $0x0  }
0x12: {  	s1 =	sld [smem:$0x3F9D];
	s0 =	simm.s32 @p0 $0x1  }
0x13: {  	[smem:$0x3FB8] =	sst s0;
	s0 =	simm.s32 @!p1 $0x0  }
0x14: {  	s2 =	sld [smem:$0x3F9C];
	s0 =	simm.s32 @p1 $0x1  }
0x15: {  	[smem:$0x3FB9] =	sst s0;
	s0 =	simm.s32 @!p2 $0x0  }
0x16: {  	s3 =	sld [smem:$0x3FDB];
	s0 =	simm.s32 @p2 $0x1  }
0x17: {  	s4 =	simm.s32 $0x1BF5;
	[smem:$0x3FBB] =	sst s0  }
0x18: {  	s0 =	sld [smem:$0x3F9E];
	_ =	swait.ge [sflag:s4], $0x0  }
0x19: {  	s7 =	sld [smem:$0x3F9F]  }
0x1a: {  	s8 =	sadd.s32 $0xFFFFE003, lr  }
0x1b: {  	s9 =	sadd.s32 $0xFFFFFEF7, lr;
	s5 =	simm.s32 $0xFFFFFFFF;
	p2 =	slt.u32 s8, $0xFFFFF086  }
0x1c: {  	p1 =	slt.u32 s9, $0xF7A;
	s5 =	simm.s32 @!p2 $0x0  }
0x1d: {  	s5 =	simm.s32 @p1 $0x1;
	p0 =	seq.s32 s7, s2  }
0x1e: {  	s7 =	smul.u32 @!p0 $0xF7A, s2;
	p2 =	seq.s32 @!p0 s5, $0x0  }
0x1f: {  	s9 =	smul.u32 $0xF7A, s1;
	s8 =	simm.s32 @!p0 $0x1BF5;
	p2 =	por !p2, p0  }
0x20: {  	[sflag:s8] =	ssyncset.s32 @!p0 $0xFFFFF086;
	s6 =	sadd.s32 @!p0 s3, s7;
	s7 =	simm.s32 @!p0 $0x108  }
0x21: {  	s3 =	sadd.s32 s3, s9;
	s6 =	sadd.s32 @!p0 $0x88, s6;
	s7 =	simm.s32 @p2 $0x1082  }
0x22: {  	[simem:s7], [sflag:s8] =	dma.local @!p0 [hbm:s6], $0xF7A  }
0x23: {  	s9 =	sor.u32 $0xD0000000, s2;
	s6 =	simm.s32 $0x108;
	_ =	swait.ge @!p0 [sflag:s8], $0x0  }
0x24: {  	s3 =	sadd.s32 $0x88, s3;
	s6 =	simm.s32 @!p1 $0x1082;
	[sflag:s4] =	ssyncset.s32 $0xFFFFF086  }
0x25: {  	[simem:s6], [sflag:s4] =	dma.local [hbm:s3], $0xF7A  }
0x26: {  	[smem:$0x3F9F] =	sst s1;
	(tag) =	ssettag s2;
	_ =	strace s9  }
0x27: {  	s1 =	sld [smem:$0x3FAF]  }
0x28: {  	s2 =	sld [smem:$0x3FB0]  }
0x29: {  	s4 =	sld [smem:$0x3FB2]  }
0x2a: {  	p0 =	seq.s32 s5, $0x0;
	s5 =	sld [smem:$0x3FB3]  }
0x2b: {  	s6 =	sld [smem:$0x3FB4]  }
0x2c: {  	s7 =	sld [smem:$0x3FB5]  }
0x2d: {  	s3 =	simm.s32 $0x108;
	s8 =	sld [smem:$0x3FB6]  }
0x2e: {  	s3 =	simm.s32 @!p0 $0x1082;
	s9 =	sld [smem:$0x3FB7]  }
0x2f: {  	lr =	sadd.s32 s0, s3;
	s0 =	sld [smem:$0x3FAE]  }
0x30: {  	s3 =	sld [smem:$0x3FB1]  }
0x31: {  	[smem:$0x3FBA] =	sst s10  }
0x32: {  	s10 =	sld [smem:$0x3FB8];
	_ =	sdelay $0x3  }
0x33: {  	p0 =	seq.s32 s10, $0x1;
	s10 =	sld [smem:$0x3FBA];
	_ =	sdelay $0x3  }
0x34: {  	[smem:$0x3FBA] =	sst s10  }
0x35: {  	s10 =	sld [smem:$0x3FB9];
	_ =	sdelay $0x3  }
0x36: {  	p1 =	seq.s32 s10, $0x1;
	s10 =	sld [smem:$0x3FBA];
	_ =	sdelay $0x3  }
0x37: {  	[smem:$0x3FBA] =	sst s10  }
0x38: {  	s10 =	sld [smem:$0x3FBB]  }
0x39: {  	_ = 	snop;
	(pc) =	sbr.ind lr, $3  }
0x3a: {  	_ = 	snop  }
0x3b: {  	_ = 	snop  }
0x3c: {  	p2 =	seq.s32 s10, $0x1;
	s10 =	sld [smem:$0x3FBA]  }
0x3d: {  	_ =	shalt  }
0x3e: {  	_ =	shalt  }
0x3f: {  	_ =	shalt  }
0x40: {  	_ =	shalt  }
0x41: {  	_ =	shalt  }
0x42: {  	_ =	shalt  }
0x43: {  	_ =	shalt  }
0x44: {  	_ =	shalt  }
0x45: {  	_ =	shalt  }
0x46: {  	_ =	shalt  }
0x47: {  	_ =	shalt  }
0x48: {  	_ =	shalt  }
0x49: {  	_ =	shalt  }
0x4a: {  	_ =	shalt  }
0x4b: {  	_ =	shalt  }
0x4c: {  	_ =	shalt  }
0x4d: {  	_ =	shalt  }
0x4e: {  	_ =	shalt  }
0x4f: {  	_ =	shalt  }
0x50: {  	_ =	shalt  }
0x51: {  	_ =	shalt  }
0x52: {  	_ =	shalt  }
0x53: {  	_ =	shalt  }
0x54: {  	_ =	shalt  }
0x55: {  	_ =	shalt  }
0x56: {  	_ =	shalt  }
0x57: {  	_ =	shalt  }
0x58: {  	_ =	shalt  }
0x59: {  	_ =	shalt  }
0x5a: {  	_ =	shalt  }
0x5b: {  	_ =	shalt  }
0x5c: {  	_ =	shalt  }
0x5d: {  	_ =	shalt  }
0x5e: {  	_ =	shalt  }
0x5f: {  	_ =	shalt  }
0x60: {  	_ =	shalt  }
0x61: {  	_ =	shalt  }
0x62: {  	_ =	shalt  }
0x63: {  	_ =	shalt  }
0x64: {  	_ =	shalt  }
0x65: {  	_ =	shalt  }
0x66: {  	_ =	shalt  }
0x67: {  	_ =	shalt  }
0x68: {  	_ =	shalt  }
0x69: {  	_ =	shalt  }
0x6a: {  	_ =	shalt  }
0x6b: {  	_ =	shalt  }
0x6c: {  	_ =	shalt  }
0x6d: {  	_ =	shalt  }
0x6e: {  	_ =	shalt  }
0x6f: {  	_ =	shalt  }
0x70: {  	_ =	shalt  }
0x71: {  	_ =	shalt  }
0x72: {  	_ =	shalt  }
0x73: {  	_ =	shalt  }
0x74: {  	_ =	shalt  }
0x75: {  	_ =	shalt  }
0x76: {  	_ =	shalt  }
0x77: {  	_ =	shalt  }
0x78: {  	_ =	shalt  }
0x79: {  	_ =	shalt  }
0x7a: {  	_ =	shalt  }
0x7b: {  	_ =	shalt  }
0x7c: {  	_ =	shalt  }
0x7d: {  	_ =	shalt  }
0x7e: {  	_ =	shalt  }
0x7f: {  	_ =	shalt  }
0x80: {  	_ =	shalt  }
0x81: {  	_ =	shalt  }
0x82: {  	_ =	shalt  }
0x83: {  	_ =	shalt  }
0x84: {  	_ =	shalt  }
0x85: {  	_ =	shalt  }
0x86: {  	_ =	shalt  }
0x87: {  	_ =	shalt  }
.Lfunc_end0:
.L_simem_size_0:
called_computation_lowered:
.L_overlay_start_0:
0x88: {  	s2 =	sld [smem:$0x3FD9]  }
0x89: {  	s3 =	sld [smem:$0x3FFE];
	_ =	sdelay $0x1  }
0x8a: {  	s1 =	srdreg.scid  }
0x8b: {  	s0 =	sand.u32 $0x1, s1  }
0x8c: {  	s17 =	sshll.u32 s0, $0xA;
	s2 =	sadd.s32 s3, s2  }
0x8d: {  	s2 =	sadd.s32 s2, s17  }
0x8e: {  	[smem:$0x3FC6] =	sst s2  }
0x8f: {  	_ = 	snop  }
0x90: {  	s2 =	sld [smem:$0x3FC9]  }
0x91: {  	s18 =	sld [smem:$0x3FD0];
	(tm) =	ssettm $0x1  }
0x92: {  	s4 =	sld [smem:$0x3FFB];
	_ =	sdelay $0x3  }
0x93: {  	_ =	strace s4  }
0x94: {  	s4 =	sld [smem:$0x3FFC];
	_ =	sdelay $0x3  }
0x95: {  	_ =	strace s4  }
0x96: {  	s4 =	sld [smem:$0x3FFD];
	_ =	sdelay $0x3  }
0x97: {  	_ =	strace s4  }
0x98: {  	_ =	strace $0x8FFFFFFF  }
0x99: {  	s19 =	sld [smem:$0x3FDB];
	_ =	sdelay $0x1  }
0x9a: {  	s5 =	simm.s32 $_scs_section_size  }
0x9b: {  	s6 =	simm.s32 $_size__tile_overlayer_lowered;
	s7 =	simm.s32 $_tile_overlayer_lowered  }
0x9c: {  	s22 =	simm.s32 $0x1BFF;
	s21 =	sshll.u32 s7, $0x1;
	s4 =	sadd.s32 s5, s19  }
0x9d: {  	s8 =	simm.s32 $0x0;
	s20 =	sshll.u32 s6, $0x1;
	s6 =	sadd.s32 s21, s4  }
0x9e: {  	[timem:s8], [sflag:s22] =	dma.local [hbm:s6], s20  }
0x9f: {  	_ =	swait.ge [sflag:s22], s20  }
0xa0: {  	s5 =	ssub.s32 $0x0, s20;
	[sflag:s22] =	ssyncset.done $0x0  }
0xa1: {  	[sflag:s22] =	ssyncadd.s32 s5;
	_ =	sdelay $0x1  }
0xa2: {  	s23 =	simm.s32 $0x1B8B  }
0xa3: {  	_ =	swait.ge [sflag:s23], $0x1  }
0xa4: {  	[sflag:s23] =	ssyncset.done $0x0  }
0xa5: {  	s25 =	simm.s32 $0x1B8E;
	s24 =	sld [smem:$0x3FFE];
	[sflag:s23] =	ssyncadd.s32 $0xFFFFFFFF  }
0xa6: {  	s26 =	simm.s32 $execute0_lowered;
	[smem:$0x3FD2] =	sst s25  }
0xa7: {  	s6 =	sshll.u32 s26, $0x1;
	_ =	strace $0x80000046;
	[dreg:$0x1] =	wrdreg $0xFFFFFFFF  }
0xa8: {  	s28 =	simm.s32 $_size_execute0_lowered;
	s4 =	sadd.s32 s4, s6;
	[dreg:$0x0] =	wrdreg $0x0  }
0xa9: {  	s6 =	sshll.u32 s28, $0x1;
	[dreg:$0x2] =	wrdreg s4  }
0xaa: {  	[dreg:$0x3] =	wrdreg s6  }
0xab: {  	[dreg:$0x4] =	wrdreg $0xC0  }
0xac: {  	_ =	task [dreg:s8], $0x5FFFF  }
0xad: {  	[dreg:$0x1] =	wrdreg $0xFFFFFFFF  }
0xae: {  	[dreg:$0x0] =	wrdreg $0x60  }
0xaf: {  	[dreg:$0x2] =	wrdreg s2  }
0xb0: {  	[dreg:$0x3] =	wrdreg s24  }
0xb1: {  	[dreg:$0x4] =	wrdreg s18  }
0xb2: {  	[dreg:$0x5] =	wrdreg $0x9  }
0xb3: {  	_ =	task.clear_ibuf [dreg:s8], $0x6FFFF;
	_ =	strace $0x90000046  }
0xb4: {  	s29 =	simm.s32 $0x9;
	_ =	strace $0x80000048  }
0xb5: {  	_ =	swait.ge [sflag:s29], $0x1  }
0xb6: {  	[sflag:s29] =	ssyncadd.s32 $0xFFFFFFFF  }
0xb7: {  	_ =	strace $0x90000048  }
0xb8: {  	_ =	sfence  }
0xb9: {  	s30 =	sld [smem:$0x0];
	_ =	sdelay $0x2  }
0xba: {  	s31 =	sshll.u32 s1, $0xD;
	s1 =	sshrl.u32 s1, $0x2  }
0xbb: {  	s3 =	sand.u32 $0x4000, s31;
	s1 =	sadd.s32 s1, s30  }
0xbc: {  	s0 =	sor.u32 s3, s0;
	s1 =	sshll.u32 s1, $0x11  }
0xbd: {  	s0 =	sor.u32 s1, s0  }
0xbe: {  	s0 =	sadd.s32 $0x8F2B, s0  }
0xbf: {  	[sflag:s0] =	ssyncadd.remote.s32 $0x1  }
0xc0: {  	_ =	sfence.sel $0xFFFF  }
0xc1: {  	[dreg:$0x0] =	wrdreg $0xFFFFFFFF;
	(pc) =	sbr.abs _section_cstart, $3  }
0xc2: {  	[dreg:$0x1] =	wrdreg $0xFFFFFFFF  }
0xc3: {  	_ =	task.clear_ibuf [dreg:s8], $0x2FFFF;
	_ =	strace $0x9FFFFFFF  }
0xc4: {  	(tm) =	ssettm $0x7FFFFFFF  }
0xc5: {  	_ =	shalt  }
tec
execute0_lowered:
.L_overlay_start_1:
0x0: {  	(tag) =	ssettag $0x1  }
0x1: {  	s0 =	srdreg.scid  }
0x2: {  	s6 =	stileid.u32;
	s0 =	sand.u32 $0x1, s0  }
0x3: {  	s1 =	sor.u32 s0, s6  }
0x4: {  	p1 =	seq.s32 s0, $0x1;
	p0 =	seq.s32 s1, $0x0  }
0x5: {  	p0 =	por !p0, !p1  }
0x6: {  	s20 =	rddreg [dreg:$0x0];
	s4 =	simm.s32 $0x1;
	p0 =	por !p0, !p0  }
0x7: {  	s5 =	rddreg [dreg:$0x1];
	s4 =	simm.s32 @!p0 $0x0  }
0x8: {  	s2 =	rddreg [dreg:$0x2];
	s8 =	ssub.s32 $0x2, s0;
	s6 =	ssub.s32 s6, s4  }
0x9: {  	s7 =	sshll.u32 s0, $0xD;
	s9 =	sshrl.u32 s8, $0x1;
	s4 =	sshll.u32 s6, $0xE  }
0xa: {  	s3 =	simm.s32 $0x0;
	s8 =	ssub.s32 s8, s9;
	s7 =	sor.u32 s7, s4  }
0xb: {  	[smem:$0x7FF] =	sst s3;
	s8 =	smax.u32 s8, $0x1;
	s7 =	sshrl.u32 s7, $0x3  }
0xc: {  	_ =	strace $0x80000047;
	[dreg:$0xc] =	wrdreg s8;
	s7 =	sadd.s32 s20, s7  }
0xd: {  	s1 =	sadd.s32 $0x10, s7;
	[dreg:$0x4] =	wrdreg s7  }
0xe: {  	s21 =	sadd.s32 $0x20, s7;
	[dreg:$0x5] =	wrdreg s1  }
0xf: {  	s22 =	sadd.s32 $0x30, s7;
	[dreg:$0x6] =	wrdreg s21  }
0x10: {  	s23 =	sadd.s32 $0x40, s7;
	[dreg:$0x7] =	wrdreg s22  }
0x11: {  	s24 =	sadd.s32 $0x50, s7;
	[dreg:$0x8] =	wrdreg s23  }
0x12: {  	s25 =	sadd.s32 $0x60, s7;
	[dreg:$0x9] =	wrdreg s24  }
0x13: {  	s26 =	sadd.s32 $0x70, s7;
	[dreg:$0xa] =	wrdreg s25  }
0x14: {  	s9 =	sadd.s32 $0x80, s7;
	[dreg:$0xb] =	wrdreg s26  }
0x15: {  	s10 =	sadd.s32 $0x100, s7;
	[dreg:$0xd] =	wrdreg s9  }
0x16: {  	s11 =	sadd.s32 $0x180, s7;
	[dreg:$0xe] =	wrdreg s10  }
0x17: {  	s12 =	sadd.s32 $0x200, s7;
	[dreg:$0xf] =	wrdreg s11  }
0x18: {  	s13 =	sadd.s32 $0x280, s7;
	[dreg:$0x10] =	wrdreg s12  }
0x19: {  	s16 =	sadd.s32 $0x300, s7;
	[dreg:$0x11] =	wrdreg s13  }
0x1a: {  	s17 =	sadd.s32 $0x380, s7;
	[dreg:$0x12] =	wrdreg s16  }
0x1b: {  	s14 =	sadd.s32 $0x500, s5;
	s18 =	sadd.s32 $0x90, s7;
	[dreg:$0x13] =	wrdreg s17  }
0x1c: {  	s0 =	sshll.u32 s0, $0x14;
	s19 =	sadd.s32 $0x110, s7;
	[dreg:$0x14] =	wrdreg s18  }
0x1d: {  	s6 =	sshll.u32 s6, $0x15;
	s20 =	sadd.s32 $0x190, s7;
	[dreg:$0x15] =	wrdreg s19  }
0x1e: {  	s4 =	sadd.s32 $0x400, s5;
	s5 =	sadd.s32 $0x220, s7;
	[dreg:$0x16] =	wrdreg s20  }
0x1f: {  	s15 =	sor.u32 s6, s0;
	s6 =	sadd.s32 $0x2A0, s7;
	[dreg:$0x1e] =	wrdreg s5  }
0x20: {  	s8 =	sadd.s32 $0x320, s7;
	[dreg:$0x1f] =	wrdreg s6  }
0x21: {  	s21 =	sadd.s32 $0x210, s7;
	[smem:$0x7D9] =	sst s8  }
0x22: {  	s22 =	sadd.s32 $0x290, s7;
	[dreg:$0x17] =	wrdreg s21  }
0x23: {  	s23 =	sadd.s32 $0x310, s7;
	[dreg:$0x18] =	wrdreg s22  }
0x24: {  	s24 =	sadd.s32 $0x390, s7;
	[dreg:$0x19] =	wrdreg s23  }
0x25: {  	s25 =	sadd.s32 $0xA0, s7;
	[dreg:$0x1a] =	wrdreg s24  }
0x26: {  	s26 =	sadd.s32 $0x120, s7;
	[dreg:$0x1b] =	wrdreg s25  }
0x27: {  	s1 =	sadd.s32 $0x1A0, s7;
	[dreg:$0x1c] =	wrdreg s26  }
0x28: {  	s9 =	sadd.s32 $0x3A0, s7;
	[dreg:$0x1d] =	wrdreg s1  }
0x29: {  	s10 =	sadd.s32 $0xB0, s7;
	[smem:$0x7DA] =	sst s9  }
0x2a: {  	s11 =	sadd.s32 $0x130, s7;
	[smem:$0x7DB] =	sst s10  }
0x2b: {  	s12 =	sadd.s32 $0x1B0, s7;
	[smem:$0x7DC] =	sst s11  }
0x2c: {  	s13 =	sadd.s32 $0x230, s7;
	[smem:$0x7DD] =	sst s12  }
0x2d: {  	s16 =	sadd.s32 $0x2B0, s7;
	[smem:$0x7DE] =	sst s13  }
0x2e: {  	s17 =	sadd.s32 $0x330, s7;
	[smem:$0x7DF] =	sst s16  }
0x2f: {  	s18 =	sadd.s32 $0x3B0, s7;
	[smem:$0x7E0] =	sst s17  }
0x30: {  	s19 =	sadd.s32 $0xC0, s7;
	[smem:$0x7E1] =	sst s18  }
0x31: {  	s20 =	sadd.s32 $0x140, s7;
	[smem:$0x7E2] =	sst s19  }
0x32: {  	s5 =	sadd.s32 $0x1D0, s7;
	[smem:$0x7E3] =	sst s20  }
0x33: {  	s6 =	sadd.s32 $0x250, s7;
	[smem:$0x7EB] =	sst s5  }
0x34: {  	s8 =	sadd.s32 $0x2D0, s7;
	[smem:$0x7EC] =	sst s6  }
0x35: {  	s21 =	sadd.s32 $0x1C0, s7;
	[smem:$0x7ED] =	sst s8  }
0x36: {  	s22 =	sadd.s32 $0x240, s7;
	[smem:$0x7E4] =	sst s21  }
0x37: {  	s23 =	sadd.s32 $0x2C0, s7;
	[smem:$0x7E5] =	sst s22  }
0x38: {  	s24 =	sadd.s32 $0x340, s7;
	[smem:$0x7E6] =	sst s23  }
0x39: {  	s25 =	sadd.s32 $0x3C0, s7;
	[smem:$0x7E7] =	sst s24  }
0x3a: {  	s26 =	sadd.s32 $0xD0, s7;
	[smem:$0x7E8] =	sst s25  }
0x3b: {  	s1 =	sadd.s32 $0x150, s7;
	[smem:$0x7E9] =	sst s26  }
0x3c: {  	s9 =	sadd.s32 $0x350, s7;
	[smem:$0x7EA] =	sst s1  }
0x3d: {  	s10 =	sadd.s32 $0x3D0, s7;
	[smem:$0x7EE] =	sst s9  }
0x3e: {  	s11 =	sadd.s32 $0xE0, s7;
	[smem:$0x7EF] =	sst s10  }
0x3f: {  	s12 =	sadd.s32 $0x160, s7;
	[smem:$0x7F0] =	sst s11  }
0x40: {  	s13 =	sadd.s32 $0x1E0, s7;
	[smem:$0x7F1] =	sst s12  }
0x41: {  	s16 =	sadd.s32 $0x260, s7;
	[smem:$0x7F2] =	sst s13  }
0x42: {  	s28 =	simm.s32 $0xF000;
	s17 =	sadd.s32 $0x2E0, s7;
	[smem:$0x7F3] =	sst s16  }
0x43: {  	s29 =	simm.s32 $0xF800;
	s18 =	sadd.s32 $0x360, s7;
	[smem:$0x7F4] =	sst s17  }
0x44: {  	s30 =	simm.s32 $0x10000;
	s19 =	sadd.s32 $0x3E0, s7;
	[smem:$0x7F5] =	sst s18  }
0x45: {  	s31 =	simm.s32 $0x10800;
	s20 =	sadd.s32 $0xF0, s7;
	[smem:$0x7F6] =	sst s19  }
0x46: {  	s0 =	simm.s32 $0x11800;
	[smem:$0x7F7] =	sst s20;
	s21 =	sadd.s32 $0x170, s7  }
0x47: {  	s6 =	simm.s32 $0xD800;
	s22 =	sadd.s32 $0x1F0, s7;
	[smem:$0x7F8] =	sst s21  }
0x48: {  	s5 =	simm.s32 $0xE000;
	s23 =	sadd.s32 $0x270, s7;
	[smem:$0x7F9] =	sst s22  }
0x49: {  	s8 =	simm.s32 $0x3;
	s24 =	sadd.s32 $0x2F0, s7;
	[smem:$0x7FA] =	sst s23  }
0x4a: {  	s25 =	sadd.s32 $0x370, s7;
	s26 =	sadd.s32 $0x3F0, s7;
	[smem:$0x7FB] =	sst s24  }
0x4b: {  	v0 =	vlaneseq.u32;
	s1 =	simm.s32 $0x11000;
	s7 =	simm.s32 $0x2;
	[smem:$0x7FC] =	sst s25  }
0x4c: {  	v1 =	vshrl.u32 v0, $0x3;
	s11 =	simm.s32 $0x0;
	[smem:$0x7FD] =	sst s26;
	s25 =	sor.u32 $0x2000, s15  }
0x4d: {  	vm0 =	vmmov $0xffff;
	v0 =	vand.u32 $0x7, v0;
	v1 =	vmul.u32 $0x8, v1;
	s23 =	simm.s32 $0xC800;
	s24 =	simm.s32 $0xD000;
	s26 =	simm.s32 $0xE800  }
.LBB2_1:
0x4e: {  	[smem:$0x7D8] =	sst s11  }
0x4f: {  	s9 =	rddreg [dreg:$0x4]  }
0x50: {  	s12 =	rddreg [dreg:$0xd]  }
0x51: {  	[tilespmem:s3], [sflag:$0x1] =	stream.linear.gather [hbm4b:s9+s3], $0x80, $0x38;
	[tilespmem:$0x16000] =	vst v63  }
0x52: {  	s10 =	simm.s32 $0x400;
	s13 =	rddreg [dreg:$0xe]  }
0x53: {  	[tilespmem:s10], [sflag:$0x1] =	stream.linear.gather [hbm4b:s12+s3], $0x80, $0x38;
	[tilespmem:$0x16000] =	vst v63  }
0x54: {  	s16 =	simm.s32 $0x800;
	s17 =	rddreg [dreg:$0xf]  }
0x55: {  	[tilespmem:s16], [sflag:$0x1] =	stream.linear.gather [hbm4b:s13+s3], $0x80, $0x38;
	[tilespmem:$0x16000] =	vst v63  }
0x56: {  	s18 =	simm.s32 $0xC00;
	s19 =	rddreg [dreg:$0x10]  }
0x57: {  	[tilespmem:s18], [sflag:$0x1] =	stream.linear.gather [hbm4b:s17+s3], $0x80, $0x38;
	[tilespmem:$0x16000] =	vst v63  }
0x58: {  	s20 =	simm.s32 $0x1000;
	s21 =	rddreg [dreg:$0x11]  }
0x59: {  	[tilespmem:s20], [sflag:$0x1] =	stream.linear.gather [hbm4b:s19+s3], $0x80, $0x38;
	[tilespmem:$0x16000] =	vst v63  }
0x5a: {  	s22 =	simm.s32 $0x1400;
	s11 =	rddreg [dreg:$0x12]  }
0x5b: {  	[tilespmem:s22], [sflag:$0x1] =	stream.linear.gather [hbm4b:s21+s3], $0x80, $0x38;
	[tilespmem:$0x16000] =	vst v63  }
0x5c: {  	s12 =	simm.s32 $0x1800;
	s13 =	rddreg [dreg:$0x13]  }
0x5d: {  	[tilespmem:s12], [sflag:$0x1] =	stream.linear.gather [hbm4b:s11+s3], $0x80, $0x38;
	[tilespmem:$0x16000] =	vst v63  }
0x5e: {  	s16 =	simm.s32 $0x1C00;
	s17 =	rddreg [dreg:$0x5]  }
0x5f: {  	[tilespmem:s16], [sflag:$0x1] =	stream.linear.gather [hbm4b:s13+s3], $0x80, $0x38;
	[tilespmem:$0x16000] =	vst v63  }
0x60: {  	s18 =	simm.s32 $0x80;
	s19 =	rddreg [dreg:$0x14]  }
0x61: {  	[tilespmem:s18], [sflag:$0x1] =	stream.linear.gather [hbm4b:s17+s3], $0x80, $0x38;
	[tilespmem:$0x16000] =	vst v63  }
0x62: {  	s20 =	simm.s32 $0x480;
	s21 =	rddreg [dreg:$0x15]  }
0x63: {  	[tilespmem:s20], [sflag:$0x1] =	stream.linear.gather [hbm4b:s19+s3], $0x80, $0x38;
	[tilespmem:$0x16000] =	vst v63  }
0x64: {  	s22 =	simm.s32 $0x880;
	s11 =	rddreg [dreg:$0x16]  }
0x65: {  	[tilespmem:s22], [sflag:$0x1] =	stream.linear.gather [hbm4b:s21+s3], $0x80, $0x38;
	[tilespmem:$0x16000] =	vst v63  }
0x66: {  	s12 =	simm.s32 $0xC80;
	s13 =	rddreg [dreg:$0x17]  }
0x67: {  	[tilespmem:s12], [sflag:$0x1] =	stream.linear.gather [hbm4b:s11+s3], $0x80, $0x38;
	[tilespmem:$0x16000] =	vst v63  }
0x68: {  	s16 =	simm.s32 $0x1080;
	s17 =	rddreg [dreg:$0x18]  }
0x69: {  	[tilespmem:s16], [sflag:$0x1] =	stream.linear.gather [hbm4b:s13+s3], $0x80, $0x38;
	[tilespmem:$0x16000] =	vst v63  }
0x6a: {  	s18 =	simm.s32 $0x1480;
	s19 =	rddreg [dreg:$0x19]  }
0x6b: {  	[tilespmem:s18], [sflag:$0x1] =	stream.linear.gather [hbm4b:s17+s3], $0x80, $0x38;
	[tilespmem:$0x16000] =	vst v63  }
0x6c: {  	s20 =	simm.s32 $0x1880;
	s21 =	rddreg [dreg:$0x1a]  }
0x6d: {  	[tilespmem:s20], [sflag:$0x1] =	stream.linear.gather [hbm4b:s19+s3], $0x80, $0x38;
	[tilespmem:$0x16000] =	vst v63  }
0x6e: {  	s22 =	simm.s32 $0x1C80;
	s11 =	rddreg [dreg:$0x6]  }
0x6f: {  	[tilespmem:s22], [sflag:$0x1] =	stream.linear.gather [hbm4b:s21+s3], $0x80, $0x38;
	[tilespmem:$0x16000] =	vst v63  }
0x70: {  	s12 =	simm.s32 $0x100;
	s13 =	rddreg [dreg:$0x1b]  }
0x71: {  	[tilespmem:s12], [sflag:$0x1] =	stream.linear.gather [hbm4b:s11+s3], $0x80, $0x38;
	[tilespmem:$0x16000] =	vst v63  }
0x72: {  	s16 =	simm.s32 $0x500;
	s17 =	rddreg [dreg:$0x1c]  }
0x73: {  	[tilespmem:s16], [sflag:$0x1] =	stream.linear.gather [hbm4b:s13+s3], $0x80, $0x38;
	[tilespmem:$0x16000] =	vst v63  }
0x74: {  	s18 =	simm.s32 $0x900;
	s19 =	rddreg [dreg:$0x1d]  }
0x75: {  	[tilespmem:s18], [sflag:$0x1] =	stream.linear.gather [hbm4b:s17+s3], $0x80, $0x38;
	[tilespmem:$0x16000] =	vst v63  }
0x76: {  	s20 =	simm.s32 $0xD00;
	s21 =	rddreg [dreg:$0x1e]  }
0x77: {  	[tilespmem:s20], [sflag:$0x1] =	stream.linear.gather [hbm4b:s19+s3], $0x80, $0x38;
	[tilespmem:$0x16000] =	vst v63  }
0x78: {  	s22 =	simm.s32 $0x1100;
	s11 =	rddreg [dreg:$0x1f]  }
0x79: {  	[tilespmem:s22], [sflag:$0x1] =	stream.linear.gather [hbm4b:s21+s3], $0x80, $0x38;
	[tilespmem:$0x16000] =	vst v63  }
0x7a: {  	s12 =	simm.s32 $0x1500;
	s13 =	sld [smem:$0x7D9]  }
0x7b: {  	[tilespmem:s12], [sflag:$0x1] =	stream.linear.gather [hbm4b:s11+s3], $0x80, $0x38;
	[tilespmem:$0x16000] =	vst v63  }
0x7c: {  	s16 =	simm.s32 $0x1900;
	s17 =	sld [smem:$0x7DA]  }
0x7d: {  	[tilespmem:s16], [sflag:$0x1] =	stream.linear.gather [hbm4b:s13+s3], $0x80, $0x38;
	[tilespmem:$0x16000] =	vst v63  }
0x7e: {  	s18 =	simm.s32 $0x1D00;
	s19 =	rddreg [dreg:$0x7]  }
0x7f: {  	[tilespmem:s18], [sflag:$0x1] =	stream.linear.gather [hbm4b:s17+s3], $0x80, $0x38;
	[tilespmem:$0x16000] =	vst v63  }
0x80: {  	s20 =	simm.s32 $0x180;
	s21 =	sld [smem:$0x7DB]  }
0x81: {  	[tilespmem:s20], [sflag:$0x1] =	stream.linear.gather [hbm4b:s19+s3], $0x80, $0x38;
	[tilespmem:$0x16000] =	vst v63  }
0x82: {  	s22 =	simm.s32 $0x580;
	s11 =	sld [smem:$0x7DC]  }
0x83: {  	[tilespmem:s22], [sflag:$0x1] =	stream.linear.gather [hbm4b:s21+s3], $0x80, $0x38;
	[tilespmem:$0x16000] =	vst v63  }
0x84: {  	s12 =	simm.s32 $0x980;
	s13 =	sld [smem:$0x7DD]  }
0x85: {  	[tilespmem:s12], [sflag:$0x1] =	stream.linear.gather [hbm4b:s11+s3], $0x80, $0x38;
	[tilespmem:$0x16000] =	vst v63  }
0x86: {  	s16 =	simm.s32 $0xD80;
	s17 =	sld [smem:$0x7DE]  }
0x87: {  	[tilespmem:s16], [sflag:$0x1] =	stream.linear.gather [hbm4b:s13+s3], $0x80, $0x38;
	[tilespmem:$0x16000] =	vst v63  }
0x88: {  	s18 =	simm.s32 $0x1180;
	s19 =	sld [smem:$0x7DF]  }
0x89: {  	[tilespmem:s18], [sflag:$0x1] =	stream.linear.gather [hbm4b:s17+s3], $0x80, $0x38;
	[tilespmem:$0x16000] =	vst v63  }
0x8a: {  	s20 =	simm.s32 $0x1580;
	s21 =	sld [smem:$0x7E0]  }
0x8b: {  	[tilespmem:s20], [sflag:$0x1] =	stream.linear.gather [hbm4b:s19+s3], $0x80, $0x38;
	[tilespmem:$0x16000] =	vst v63  }
0x8c: {  	s22 =	simm.s32 $0x1980;
	s11 =	sld [smem:$0x7E1]  }
0x8d: {  	[tilespmem:s22], [sflag:$0x1] =	stream.linear.gather [hbm4b:s21+s3], $0x80, $0x38;
	[tilespmem:$0x16000] =	vst v63  }
0x8e: {  	s12 =	simm.s32 $0x1D80;
	s13 =	rddreg [dreg:$0x8]  }
0x8f: {  	[tilespmem:s12], [sflag:$0x1] =	stream.linear.gather [hbm4b:s11+s3], $0x80, $0x38;
	[tilespmem:$0x16000] =	vst v63  }
0x90: {  	s16 =	simm.s32 $0x200;
	s17 =	sld [smem:$0x7E2]  }
0x91: {  	[tilespmem:s16], [sflag:$0x1] =	stream.linear.gather [hbm4b:s13+s3], $0x80, $0x38;
	[tilespmem:$0x16000] =	vst v63  }
0x92: {  	s18 =	simm.s32 $0x600;
	s19 =	sld [smem:$0x7E3]  }
0x93: {  	[tilespmem:s18], [sflag:$0x1] =	stream.linear.gather [hbm4b:s17+s3], $0x80, $0x38;
	[tilespmem:$0x16000] =	vst v63  }
0x94: {  	s20 =	simm.s32 $0xA00;
	s21 =	sld [smem:$0x7E4]  }
0x95: {  	[tilespmem:s20], [sflag:$0x1] =	stream.linear.gather [hbm4b:s19+s3], $0x80, $0x38;
	[tilespmem:$0x16000] =	vst v63  }
0x96: {  	s22 =	simm.s32 $0xE00;
	s11 =	sld [smem:$0x7E5]  }
0x97: {  	[tilespmem:s22], [sflag:$0x1] =	stream.linear.gather [hbm4b:s21+s3], $0x80, $0x38;
	[tilespmem:$0x16000] =	vst v63  }
0x98: {  	s12 =	simm.s32 $0x1200;
	s13 =	sld [smem:$0x7E6]  }
0x99: {  	[tilespmem:s12], [sflag:$0x1] =	stream.linear.gather [hbm4b:s11+s3], $0x80, $0x38;
	[tilespmem:$0x16000] =	vst v63  }
0x9a: {  	s16 =	simm.s32 $0x1600;
	s17 =	sld [smem:$0x7E7]  }
0x9b: {  	[tilespmem:s16], [sflag:$0x1] =	stream.linear.gather [hbm4b:s13+s3], $0x80, $0x38;
	[tilespmem:$0x16000] =	vst v63  }
0x9c: {  	s18 =	simm.s32 $0x1A00;
	s19 =	sld [smem:$0x7E8]  }
0x9d: {  	[tilespmem:s18], [sflag:$0x1] =	stream.linear.gather [hbm4b:s17+s3], $0x80, $0x38;
	[tilespmem:$0x16000] =	vst v63  }
0x9e: {  	s20 =	simm.s32 $0x1E00;
	s21 =	rddreg [dreg:$0x9]  }
0x9f: {  	[tilespmem:s20], [sflag:$0x1] =	stream.linear.gather [hbm4b:s19+s3], $0x80, $0x38;
	[tilespmem:$0x16000] =	vst v63  }
0xa0: {  	s22 =	simm.s32 $0x280;
	s11 =	sld [smem:$0x7E9]  }
0xa1: {  	[tilespmem:s22], [sflag:$0x1] =	stream.linear.gather [hbm4b:s21+s3], $0x80, $0x38;
	[tilespmem:$0x16000] =	vst v63  }
0xa2: {  	s12 =	simm.s32 $0x680;
	s13 =	sld [smem:$0x7EA]  }
0xa3: {  	[tilespmem:s12], [sflag:$0x1] =	stream.linear.gather [hbm4b:s11+s3], $0x80, $0x38;
	[tilespmem:$0x16000] =	vst v63  }
0xa4: {  	s16 =	simm.s32 $0xA80;
	s17 =	sld [smem:$0x7EB]  }
0xa5: {  	[tilespmem:s16], [sflag:$0x1] =	stream.linear.gather [hbm4b:s13+s3], $0x80, $0x38;
	[tilespmem:$0x16000] =	vst v63  }
0xa6: {  	s18 =	simm.s32 $0xE80;
	s19 =	sld [smem:$0x7EC]  }
0xa7: {  	[tilespmem:s18], [sflag:$0x1] =	stream.linear.gather [hbm4b:s17+s3], $0x80, $0x38;
	[tilespmem:$0x16000] =	vst v63  }
0xa8: {  	s20 =	simm.s32 $0x1280;
	s21 =	sld [smem:$0x7ED]  }
0xa9: {  	[tilespmem:s20], [sflag:$0x1] =	stream.linear.gather [hbm4b:s19+s3], $0x80, $0x38;
	[tilespmem:$0x16000] =	vst v63  }
0xaa: {  	s22 =	simm.s32 $0x1680;
	s11 =	sld [smem:$0x7EE]  }
0xab: {  	[tilespmem:s22], [sflag:$0x1] =	stream.linear.gather [hbm4b:s21+s3], $0x80, $0x38;
	[tilespmem:$0x16000] =	vst v63  }
0xac: {  	s12 =	simm.s32 $0x1A80;
	s13 =	sld [smem:$0x7EF]  }
0xad: {  	[tilespmem:s12], [sflag:$0x1] =	stream.linear.gather [hbm4b:s11+s3], $0x80, $0x38;
	[tilespmem:$0x16000] =	vst v63  }
0xae: {  	s16 =	simm.s32 $0x1E80;
	s17 =	rddreg [dreg:$0xa]  }
0xaf: {  	[tilespmem:s16], [sflag:$0x1] =	stream.linear.gather [hbm4b:s13+s3], $0x80, $0x38;
	[tilespmem:$0x16000] =	vst v63  }
0xb0: {  	s18 =	simm.s32 $0x300;
	s19 =	sld [smem:$0x7F0]  }
0xb1: {  	[tilespmem:s18], [sflag:$0x1] =	stream.linear.gather [hbm4b:s17+s3], $0x80, $0x38;
	[tilespmem:$0x16000] =	vst v63  }
0xb2: {  	s20 =	simm.s32 $0x700;
	s21 =	sld [smem:$0x7F1]  }
0xb3: {  	[tilespmem:s20], [sflag:$0x1] =	stream.linear.gather [hbm4b:s19+s3], $0x80, $0x38;
	[tilespmem:$0x16000] =	vst v63  }
0xb4: {  	s22 =	simm.s32 $0xB00;
	s11 =	sld [smem:$0x7F2]  }
0xb5: {  	[tilespmem:s22], [sflag:$0x1] =	stream.linear.gather [hbm4b:s21+s3], $0x80, $0x38;
	[tilespmem:$0x16000] =	vst v63  }
0xb6: {  	s12 =	simm.s32 $0xF00;
	s13 =	sld [smem:$0x7F3]  }
0xb7: {  	[tilespmem:s12], [sflag:$0x1] =	stream.linear.gather [hbm4b:s11+s3], $0x80, $0x38;
	[tilespmem:$0x16000] =	vst v63  }
0xb8: {  	s16 =	simm.s32 $0x1300;
	s17 =	sld [smem:$0x7F4]  }
0xb9: {  	[tilespmem:s16], [sflag:$0x1] =	stream.linear.gather [hbm4b:s13+s3], $0x80, $0x38;
	[tilespmem:$0x16000] =	vst v63  }
0xba: {  	s18 =	simm.s32 $0x1700;
	s19 =	sld [smem:$0x7F5]  }
0xbb: {  	[tilespmem:s18], [sflag:$0x1] =	stream.linear.gather [hbm4b:s17+s3], $0x80, $0x38;
	[tilespmem:$0x16000] =	vst v63  }
0xbc: {  	s20 =	simm.s32 $0x1B00;
	s21 =	sld [smem:$0x7F6]  }
0xbd: {  	[tilespmem:s20], [sflag:$0x1] =	stream.linear.gather [hbm4b:s19+s3], $0x80, $0x38;
	[tilespmem:$0x16000] =	vst v63  }
0xbe: {  	s22 =	simm.s32 $0x1F00;
	s11 =	rddreg [dreg:$0xb]  }
0xbf: {  	[tilespmem:s22], [sflag:$0x1] =	stream.linear.gather [hbm4b:s21+s3], $0x80, $0x38;
	[tilespmem:$0x16000] =	vst v63  }
0xc0: {  	s12 =	simm.s32 $0x380;
	s13 =	sld [smem:$0x7F7]  }
0xc1: {  	[tilespmem:s12], [sflag:$0x1] =	stream.linear.gather [hbm4b:s11+s3], $0x80, $0x38;
	[tilespmem:$0x16000] =	vst v63  }
0xc2: {  	s16 =	simm.s32 $0x780;
	s17 =	sld [smem:$0x7F8]  }
0xc3: {  	[tilespmem:s16], [sflag:$0x1] =	stream.linear.gather [hbm4b:s13+s3], $0x80, $0x38;
	[tilespmem:$0x16000] =	vst v63  }
0xc4: {  	s18 =	simm.s32 $0xB80;
	s19 =	sld [smem:$0x7F9]  }
0xc5: {  	[tilespmem:s18], [sflag:$0x1] =	stream.linear.gather [hbm4b:s17+s3], $0x80, $0x38;
	[tilespmem:$0x16000] =	vst v63  }
0xc6: {  	s20 =	simm.s32 $0xF80;
	s21 =	sld [smem:$0x7FA]  }
0xc7: {  	[tilespmem:s20], [sflag:$0x1] =	stream.linear.gather [hbm4b:s19+s3], $0x80, $0x38;
	[tilespmem:$0x16000] =	vst v63  }
0xc8: {  	s22 =	simm.s32 $0x1380;
	s11 =	sld [smem:$0x7FB]  }
0xc9: {  	[tilespmem:s22], [sflag:$0x1] =	stream.linear.gather [hbm4b:s21+s3], $0x80, $0x38;
	[tilespmem:$0x16000] =	vst v63  }
0xca: {  	s12 =	simm.s32 $0x1780;
	s13 =	sld [smem:$0x7FC]  }
0xcb: {  	[tilespmem:s12], [sflag:$0x1] =	stream.linear.gather [hbm4b:s11+s3], $0x80, $0x38;
	[tilespmem:$0x16000] =	vst v63  }
0xcc: {  	s16 =	simm.s32 $0x1B80;
	s17 =	sld [smem:$0x7FD]  }
0xcd: {  	[tilespmem:s16], [sflag:$0x1] =	stream.linear.gather [hbm4b:s13+s3], $0x80, $0x38;
	[tilespmem:$0x16000] =	vst v63  }
0xce: {  	s18 =	simm.s32 $0x1F80;
	s19 =	simm.s32 $0x1  }
0xcf: {  	[tilespmem:s18], [sflag:$0x1] =	stream.linear.gather [hbm4b:s17+s3], $0x80, $0x38;
	[tilespmem:$0x16000] =	vst v63  }
0xd0: {  	_ =	swait.ge [sflag:s19], $0x2000  }
0xd1: {  	s20 =	sand.u32 $0x70, s3;
	s21 =	sand.u32 $0x1C00, s3;
	[sflag:s19] =	ssyncset.done $0x0  }
0xd2: {  	s9 =	sor.u32 s20, s21;
	[sflag:s19] =	ssyncadd.s32 $0xFFFFE000  }
0xd3: {  	v2 =	vld [tilespmem:s9+$0x300]  }
0xd4: {  	v3 =	vld [tilespmem:s9+$0x180]  }
0xd5: {  	v4 =	vld [tilespmem:s9+$0x200]  }
0xd6: {  	v6 =	vld [tilespmem:s9+$0x100]  }
0xd7: {  	v5 =	vld [tilespmem:s9+$0x280]  }
0xd8: {  	v7 =	vld [tilespmem:s9+$0x80];
	v2 =	vadd.s32 $0x3000, v2  }
0xd9: {  	v3 =	vadd.s32 $0x1800, v3;
	[tilespmem:s9+$0x300] =	vst v2  }
0xda: {  	[tilespmem:s9+$0x180] =	vst v3;
	v2 =	vadd.s32 $0x2000, v4  }
0xdb: {  	v3 =	vadd.s32 $0x1000, v6;
	[tilespmem:s9+$0x200] =	vst v2  }
0xdc: {  	v2 =	vadd.s32 $0x2800, v5;
	[tilespmem:s9+$0x100] =	vst v3  }
0xdd: {  	s22 =	sor.u32 s3, s3;
	[tilespmem:s9+$0x280] =	vst v2;
	v2 =	vadd.s32 $0x800, v7  }
0xde: {  	s11 =	sor.u32 $0x380, s22;
	[tilespmem:s9+$0x80] =	vst v2  }
0xdf: {  	s10 =	simm.s32 $0x0;
	s9 =	simm.s32 $0x10;
	v2 =	vld [tilespmem:s11+$0x0]  }
.LBB2_2:
0xe0: {  	p0 =	sne.s32 s9, $0x3F0  }
0xe1: {  	s10 =	sadd.s32 $0x80, s10;
	s12 =	smov.u32 s9;
	s9 =	sadd.s32 $0x10, s9  }
0xe2: {  	_ =	sdelay $0x2  }
0xe3: {  	s13 =	sand.u32 $0x70, s12;
	s16 =	sand.u32 $0x1C00, s10;
	v2 =	vadd.s32 $0x3800, v2  }
0xe4: {  	s13 =	sor.u32 s13, s16;
	[tilespmem:s11+$0x0] =	vst v2  }
0xe5: {  	v2 =	vld [tilespmem:s13+$0x300]  }
0xe6: {  	v3 =	vld [tilespmem:s13+$0x180]  }
0xe7: {  	v4 =	vld [tilespmem:s13+$0x200]  }
0xe8: {  	v5 =	vld [tilespmem:s13+$0x280]  }
0xe9: {  	v6 =	vld [tilespmem:s13+$0x100]  }
0xea: {  	v7 =	vld [tilespmem:s13+$0x80];
	v2 =	vadd.s32 $0x3000, v2  }
0xeb: {  	v3 =	vadd.s32 $0x1800, v3;
	[tilespmem:s13+$0x300] =	vst v2  }
0xec: {  	[tilespmem:s13+$0x180] =	vst v3;
	v2 =	vadd.s32 $0x2000, v4  }
.Ltmp0:
0xed: {  	[tilespmem:s13+$0x200] =	vst v2;
	v2 =	vadd.s32 $0x2800, v5;
	(pc) =	sbr.rel @p0 .LBB2_2-.Ltmp0, $4  }
0xee: {  	v3 =	vadd.s32 $0x1000, v6;
	[tilespmem:s13+$0x280] =	vst v2  }
0xef: {  	s11 =	sor.u32 s10, s12;
	v2 =	vadd.s32 $0x800, v7;
	[tilespmem:s13+$0x100] =	vst v3  }
0xf0: {  	s11 =	sor.u32 $0x380, s11;
	[tilespmem:s13+$0x80] =	vst v2  }
0xf1: {  	v2 =	vld [tilespmem:s11+$0x0]  }
0xf2: {  	_ =	sdelay $0x3  }
0xf3: {  	v2 =	vadd.s32 $0x3800, v2  }
0xf4: {  	[tilespmem:s11+$0x0] =	vst v2  }
0xf5: {  	v2 =	vld.msk [tilespmem:$0x0], $0xff;
	_ =	sdelay $0x4  }
0xf6: {  	v3 =	vshll.u32 v2, $0x2  }
0xf7: {  	v2 =	vand.u32 $0x7, v2;
	v3 =	vand.u32 $0xFFFFFFE0, v3  }
0xf8: {  	v2 =	vor.u32 v2, v3  }
0xf9: {  	v2 =	vperm.xlane v2, v0;
	_ =	sdelay $0x1  }
0xfa: {  	v2 =	vadd.s32 v1, v2;
	_ =	sdelay $0x3  }
0xfb: {  	s9 =	simm.s32 $0x0;
	s10 =	simm.s32 $0x2000  }
0xfc: {  	[tilespmem:s10], [sflag:$0x2] =	stream.indirect_vreg.gather [hbm4b:s4+s9], $0x80, v2, vm0, $0xb8;
	[tilespmem:$0x16000] =	vst v63  }
0xfd: {  	s11 =	simm.s32 $0x2800  }
0xfe: {  	[tilespmem:s11], [sflag:$0x2] =	stream.indirect_vreg.gather [hbm4b:s14+s9], $0x80, v2, vm0, $0xb8;
	[tilespmem:$0x16000] =	vst v63  }
0xff: {  	v2 =	vld.msk [tilespmem:$0x80], $0xff;
	_ =	sdelay $0x4  }
0x100: {  	v3 =	vshll.u32 v2, $0x2  }
0x101: {  	v2 =	vand.u32 $0x7, v2;
	v3 =	vand.u32 $0xFFFFFFE0, v3  }
0x102: {  	v2 =	vor.u32 v2, v3  }
0x103: {  	v2 =	vperm.xlane v2, v0;
	_ =	sdelay $0x1  }
0x104: {  	v2 =	vadd.s32 v1, v2;
	_ =	sdelay $0x3  }
0x105: {  	s12 =	simm.s32 $0x3000  }
0x106: {  	[tilespmem:s12], [sflag:$0x2] =	stream.indirect_vreg.gather [hbm4b:s4+s9], $0x80, v2, vm0, $0xb8;
	[tilespmem:$0x16000] =	vst v63  }
0x107: {  	s13 =	simm.s32 $0x3800  }
0x108: {  	[tilespmem:s13], [sflag:$0x2] =	stream.indirect_vreg.gather [hbm4b:s14+s9], $0x80, v2, vm0, $0xb8;
	[tilespmem:$0x16000] =	vst v63  }
0x109: {  	v2 =	vld.msk [tilespmem:$0x100], $0xff;
	_ =	sdelay $0x4  }
0x10a: {  	v3 =	vshll.u32 v2, $0x2  }
0x10b: {  	v2 =	vand.u32 $0x7, v2;
	v3 =	vand.u32 $0xFFFFFFE0, v3  }
0x10c: {  	v2 =	vor.u32 v2, v3  }
0x10d: {  	v2 =	vperm.xlane v2, v0;
	_ =	sdelay $0x1  }
0x10e: {  	v2 =	vadd.s32 v1, v2;
	_ =	sdelay $0x3  }
0x10f: {  	s16 =	simm.s32 $0x4000  }
0x110: {  	[tilespmem:s16], [sflag:$0x2] =	stream.indirect_vreg.gather [hbm4b:s4+s9], $0x80, v2, vm0, $0xb8;
	[tilespmem:$0x16000] =	vst v63  }
0x111: {  	s17 =	simm.s32 $0x4800  }
0x112: {  	[tilespmem:s17], [sflag:$0x2] =	stream.indirect_vreg.gather [hbm4b:s14+s9], $0x80, v2, vm0, $0xb8;
	[tilespmem:$0x16000] =	vst v63  }
0x113: {  	v2 =	vld.msk [tilespmem:$0x180], $0xff;
	_ =	sdelay $0x4  }
0x114: {  	v3 =	vshll.u32 v2, $0x2  }
0x115: {  	v2 =	vand.u32 $0x7, v2;
	v3 =	vand.u32 $0xFFFFFFE0, v3  }
0x116: {  	v2 =	vor.u32 v2, v3  }
0x117: {  	v2 =	vperm.xlane v2, v0;
	_ =	sdelay $0x1  }
0x118: {  	v2 =	vadd.s32 v1, v2;
	_ =	sdelay $0x3  }
0x119: {  	s18 =	simm.s32 $0x5000  }
0x11a: {  	[tilespmem:s18], [sflag:$0x2] =	stream.indirect_vreg.gather [hbm4b:s4+s9], $0x80, v2, vm0, $0xb8;
	[tilespmem:$0x16000] =	vst v63  }
0x11b: {  	s19 =	simm.s32 $0x5800  }
0x11c: {  	[tilespmem:s19], [sflag:$0x2] =	stream.indirect_vreg.gather [hbm4b:s14+s9], $0x80, v2, vm0, $0xb8;
	[tilespmem:$0x16000] =	vst v63  }
0x11d: {  	v2 =	vld.msk [tilespmem:$0x200], $0xff;
	_ =	sdelay $0x4  }
0x11e: {  	v3 =	vshll.u32 v2, $0x2  }
0x11f: {  	v2 =	vand.u32 $0x7, v2;
	v3 =	vand.u32 $0xFFFFFFE0, v3  }
0x120: {  	v2 =	vor.u32 v2, v3  }
0x121: {  	v2 =	vperm.xlane v2, v0;
	_ =	sdelay $0x1  }
0x122: {  	v2 =	vadd.s32 v1, v2;
	_ =	sdelay $0x3  }
0x123: {  	s20 =	simm.s32 $0x6000  }
0x124: {  	[tilespmem:s20], [sflag:$0x2] =	stream.indirect_vreg.gather [hbm4b:s4+s9], $0x80, v2, vm0, $0xb8;
	[tilespmem:$0x16000] =	vst v63  }
0x125: {  	s21 =	simm.s32 $0x6800  }
0x126: {  	[tilespmem:s21], [sflag:$0x2] =	stream.indirect_vreg.gather [hbm4b:s14+s9], $0x80, v2, vm0, $0xb8;
	[tilespmem:$0x16000] =	vst v63  }
0x127: {  	v2 =	vld.msk [tilespmem:$0x280], $0xff;
	_ =	sdelay $0x4  }
0x128: {  	v3 =	vshll.u32 v2, $0x2  }
0x129: {  	v2 =	vand.u32 $0x7, v2;
	v3 =	vand.u32 $0xFFFFFFE0, v3  }
0x12a: {  	v2 =	vor.u32 v2, v3  }
0x12b: {  	v2 =	vperm.xlane v2, v0;
	_ =	sdelay $0x1  }
0x12c: {  	v2 =	vadd.s32 v1, v2;
	_ =	sdelay $0x3  }
0x12d: {  	s22 =	simm.s32 $0x7000  }
0x12e: {  	[tilespmem:s22], [sflag:$0x2] =	stream.indirect_vreg.gather [hbm4b:s4+s9], $0x80, v2, vm0, $0xb8;
	[tilespmem:$0x16000] =	vst v63  }
0x12f: {  	s11 =	simm.s32 $0x7800  }
0x130: {  	[tilespmem:s11], [sflag:$0x2] =	stream.indirect_vreg.gather [hbm4b:s14+s9], $0x80, v2, vm0, $0xb8;
	[tilespmem:$0x16000] =	vst v63  }
0x131: {  	v2 =	vld.msk [tilespmem:$0x300], $0xff;
	_ =	sdelay $0x4  }
0x132: {  	v3 =	vshll.u32 v2, $0x2  }
0x133: {  	v2 =	vand.u32 $0x7, v2;
	v3 =	vand.u32 $0xFFFFFFE0, v3  }
0x134: {  	v2 =	vor.u32 v2, v3  }
0x135: {  	v2 =	vperm.xlane v2, v0;
	_ =	sdelay $0x1  }
0x136: {  	v2 =	vadd.s32 v1, v2;
	_ =	sdelay $0x3  }
0x137: {  	s12 =	simm.s32 $0x8000  }
0x138: {  	[tilespmem:s12], [sflag:$0x2] =	stream.indirect_vreg.gather [hbm4b:s4+s9], $0x80, v2, vm0, $0xb8;
	[tilespmem:$0x16000] =	vst v63  }
0x139: {  	s13 =	simm.s32 $0x8800  }
0x13a: {  	[tilespmem:s13], [sflag:$0x2] =	stream.indirect_vreg.gather [hbm4b:s14+s9], $0x80, v2, vm0, $0xb8;
	[tilespmem:$0x16000] =	vst v63  }
0x13b: {  	v2 =	vld.msk [tilespmem:$0x380], $0xff;
	_ =	sdelay $0x4  }
0x13c: {  	v3 =	vshll.u32 v2, $0x2  }
0x13d: {  	v2 =	vand.u32 $0x7, v2;
	v3 =	vand.u32 $0xFFFFFFE0, v3  }
0x13e: {  	v2 =	vor.u32 v2, v3  }
0x13f: {  	v2 =	vperm.xlane v2, v0;
	_ =	sdelay $0x1  }
0x140: {  	v2 =	vadd.s32 v1, v2;
	_ =	sdelay $0x3  }
0x141: {  	s16 =	simm.s32 $0x9000  }
0x142: {  	[tilespmem:s16], [sflag:$0x2] =	stream.indirect_vreg.gather [hbm4b:s4+s9], $0x80, v2, vm0, $0xb8;
	[tilespmem:$0x16000] =	vst v63  }
0x143: {  	s17 =	simm.s32 $0x9800  }
0x144: {  	[tilespmem:s17], [sflag:$0x2] =	stream.indirect_vreg.gather [hbm4b:s14+s9], $0x80, v2, vm0, $0xb8;
	[tilespmem:$0x16000] =	vst v63  }
0x145: {  	v2 =	vld.msk [tilespmem:$0x8], $0xff;
	_ =	sdelay $0x4  }
0x146: {  	v3 =	vshll.u32 v2, $0x2  }
0x147: {  	v2 =	vand.u32 $0x7, v2;
	v3 =	vand.u32 $0xFFFFFFE0, v3  }
0x148: {  	v2 =	vor.u32 v2, v3  }
0x149: {  	v2 =	vperm.xlane v2, v0;
	_ =	sdelay $0x1  }
0x14a: {  	v2 =	vadd.s32 v1, v2;
	_ =	sdelay $0x3  }
0x14b: {  	s18 =	simm.s32 $0xA000  }
0x14c: {  	[tilespmem:s18], [sflag:$0x3] =	stream.indirect_vreg.gather [hbm4b:s4+s9], $0x80, v2, vm0, $0xb8;
	[tilespmem:$0x16000] =	vst v63  }
0x14d: {  	s19 =	simm.s32 $0xA800  }
0x14e: {  	[tilespmem:s19], [sflag:$0x3] =	stream.indirect_vreg.gather [hbm4b:s14+s9], $0x80, v2, vm0, $0xb8;
	[tilespmem:$0x16000] =	vst v63  }
0x14f: {  	v2 =	vld.msk [tilespmem:$0x88], $0xff;
	_ =	sdelay $0x4  }
0x150: {  	v3 =	vshll.u32 v2, $0x2  }
0x151: {  	v2 =	vand.u32 $0x7, v2;
	v3 =	vand.u32 $0xFFFFFFE0, v3  }
0x152: {  	v2 =	vor.u32 v2, v3  }
0x153: {  	v2 =	vperm.xlane v2, v0;
	_ =	sdelay $0x1  }
0x154: {  	v2 =	vadd.s32 v1, v2;
	_ =	sdelay $0x3  }
0x155: {  	s20 =	simm.s32 $0xB000  }
0x156: {  	[tilespmem:s20], [sflag:$0x3] =	stream.indirect_vreg.gather [hbm4b:s4+s9], $0x80, v2, vm0, $0xb8;
	[tilespmem:$0x16000] =	vst v63  }
0x157: {  	s21 =	simm.s32 $0xB800  }
0x158: {  	[tilespmem:s21], [sflag:$0x3] =	stream.indirect_vreg.gather [hbm4b:s14+s9], $0x80, v2, vm0, $0xb8;
	[tilespmem:$0x16000] =	vst v63  }
0x159: {  	v2 =	vld.msk [tilespmem:$0x108], $0xff;
	_ =	sdelay $0x4  }
0x15a: {  	v3 =	vshll.u32 v2, $0x2  }
0x15b: {  	v2 =	vand.u32 $0x7, v2;
	v3 =	vand.u32 $0xFFFFFFE0, v3  }
0x15c: {  	v2 =	vor.u32 v2, v3  }
0x15d: {  	v2 =	vperm.xlane v2, v0;
	_ =	sdelay $0x1  }
0x15e: {  	v2 =	vadd.s32 v1, v2;
	_ =	sdelay $0x3  }
0x15f: {  	s22 =	simm.s32 $0xC000  }
0x160: {  	[tilespmem:s22], [sflag:$0x3] =	stream.indirect_vreg.gather [hbm4b:s4+s9], $0x80, v2, vm0, $0xb8;
	[tilespmem:$0x16000] =	vst v63  }
0x161: {  	_ = 	snop  }
0x162: {  	[tilespmem:s23], [sflag:$0x3] =	stream.indirect_vreg.gather [hbm4b:s14+s9], $0x80, v2, vm0, $0xb8;
	[tilespmem:$0x16000] =	vst v63  }
0x163: {  	v2 =	vld.msk [tilespmem:$0x188], $0xff;
	_ =	sdelay $0x4  }
0x164: {  	v3 =	vshll.u32 v2, $0x2  }
0x165: {  	v2 =	vand.u32 $0x7, v2;
	v3 =	vand.u32 $0xFFFFFFE0, v3  }
0x166: {  	v2 =	vor.u32 v2, v3  }
0x167: {  	v2 =	vperm.xlane v2, v0;
	_ =	sdelay $0x1  }
0x168: {  	v2 =	vadd.s32 v1, v2;
	_ =	sdelay $0x4  }
0x169: {  	[tilespmem:s24], [sflag:$0x3] =	stream.indirect_vreg.gather [hbm4b:s4+s9], $0x80, v2, vm0, $0xb8;
	[tilespmem:$0x16000] =	vst v63  }
0x16a: {  	_ = 	snop  }
0x16b: {  	[tilespmem:s6], [sflag:$0x3] =	stream.indirect_vreg.gather [hbm4b:s14+s9], $0x80, v2, vm0, $0xb8;
	[tilespmem:$0x16000] =	vst v63  }
0x16c: {  	v2 =	vld.msk [tilespmem:$0x208], $0xff;
	_ =	sdelay $0x4  }
0x16d: {  	v3 =	vshll.u32 v2, $0x2  }
0x16e: {  	v2 =	vand.u32 $0x7, v2;
	v3 =	vand.u32 $0xFFFFFFE0, v3  }
0x16f: {  	v2 =	vor.u32 v2, v3  }
0x170: {  	v2 =	vperm.xlane v2, v0;
	_ =	sdelay $0x1  }
0x171: {  	v2 =	vadd.s32 v1, v2;
	_ =	sdelay $0x4  }
0x172: {  	[tilespmem:s5], [sflag:$0x3] =	stream.indirect_vreg.gather [hbm4b:s4+s9], $0x80, v2, vm0, $0xb8;
	[tilespmem:$0x16000] =	vst v63  }
0x173: {  	_ = 	snop  }
0x174: {  	[tilespmem:s26], [sflag:$0x3] =	stream.indirect_vreg.gather [hbm4b:s14+s9], $0x80, v2, vm0, $0xb8;
	[tilespmem:$0x16000] =	vst v63  }
0x175: {  	v2 =	vld.msk [tilespmem:$0x288], $0xff;
	_ =	sdelay $0x4  }
0x176: {  	v3 =	vshll.u32 v2, $0x2  }
0x177: {  	v2 =	vand.u32 $0x7, v2;
	v3 =	vand.u32 $0xFFFFFFE0, v3  }
0x178: {  	v2 =	vor.u32 v2, v3  }
0x179: {  	v2 =	vperm.xlane v2, v0;
	_ =	sdelay $0x1  }
0x17a: {  	v2 =	vadd.s32 v1, v2;
	_ =	sdelay $0x4  }
0x17b: {  	[tilespmem:s28], [sflag:$0x3] =	stream.indirect_vreg.gather [hbm4b:s4+s9], $0x80, v2, vm0, $0xb8;
	[tilespmem:$0x16000] =	vst v63  }
0x17c: {  	_ = 	snop  }
0x17d: {  	[tilespmem:s29], [sflag:$0x3] =	stream.indirect_vreg.gather [hbm4b:s14+s9], $0x80, v2, vm0, $0xb8;
	[tilespmem:$0x16000] =	vst v63  }
0x17e: {  	v2 =	vld.msk [tilespmem:$0x308], $0xff;
	_ =	sdelay $0x4  }
0x17f: {  	v3 =	vshll.u32 v2, $0x2  }
0x180: {  	v2 =	vand.u32 $0x7, v2;
	v3 =	vand.u32 $0xFFFFFFE0, v3  }
0x181: {  	v2 =	vor.u32 v2, v3  }
0x182: {  	v2 =	vperm.xlane v2, v0;
	_ =	sdelay $0x1  }
0x183: {  	v2 =	vadd.s32 v1, v2;
	_ =	sdelay $0x4  }
0x184: {  	[tilespmem:s30], [sflag:$0x3] =	stream.indirect_vreg.gather [hbm4b:s4+s9], $0x80, v2, vm0, $0xb8;
	[tilespmem:$0x16000] =	vst v63  }
0x185: {  	_ = 	snop  }
0x186: {  	[tilespmem:s31], [sflag:$0x3] =	stream.indirect_vreg.gather [hbm4b:s14+s9], $0x80, v2, vm0, $0xb8;
	[tilespmem:$0x16000] =	vst v63  }
0x187: {  	v2 =	vld.msk [tilespmem:$0x388], $0xff;
	_ =	sdelay $0x4  }
0x188: {  	v3 =	vshll.u32 v2, $0x2  }
0x189: {  	v2 =	vand.u32 $0x7, v2;
	v3 =	vand.u32 $0xFFFFFFE0, v3  }
0x18a: {  	v2 =	vor.u32 v2, v3  }
0x18b: {  	v2 =	vperm.xlane v2, v0;
	_ =	sdelay $0x1  }
0x18c: {  	v2 =	vadd.s32 v1, v2;
	_ =	sdelay $0x4  }
0x18d: {  	[tilespmem:s1], [sflag:$0x3] =	stream.indirect_vreg.gather [hbm4b:s4+s9], $0x80, v2, vm0, $0xb8;
	[tilespmem:$0x16000] =	vst v63  }
0x18e: {  	s10 =	simm.s32 $0x0  }
0x18f: {  	[tilespmem:s0], [sflag:$0x3] =	stream.indirect_vreg.gather [hbm4b:s14+s9], $0x80, v2, vm0, $0xb8;
	[tilespmem:$0x16000] =	vst v63  }
.LBB2_4:
0x190: {  	_ =	swait.ge [sflag:s7], $0x8000  }
0x191: {  	p0 =	seq.s32 s10, $0x0;
	[sflag:s7] =	ssyncset.done $0x0  }
0x192: {  	s12 =	simm.s32 @!p0 $0x4;
	[sflag:s7] =	ssyncadd.s32 $0xFFFF8000  }
0x193: {  	_ =	swait.ge @!p0 [sflag:s12], $0x2000  }
0x194: {  	s13 =	sand.u32 $0x70, s9;
	s11 =	sand.u32 $0xC00, s9;
	[sflag:s12] =	ssyncset.done @!p0 $0x0  }
0x195: {  	[sflag:s12] =	ssyncadd.s32 @!p0 $0xFFFFE000;
	s12 =	sor.u32 s13, s11  }
0x196: {  	v2 =	vld [tilespmem:s12+$0x2080]  }
0x197: {  	v4 =	vld [tilespmem:s12+$0x4080]  }
0x198: {  	v5 =	vld [tilespmem:s12+$0x3080]  }
0x199: {  	v6 =	vld [tilespmem:s12+$0x3100]  }
0x19a: {  	v7 =	vld [tilespmem:s12+$0x3000]  }
0x19b: {  	v8 =	vld [tilespmem:s12+$0x2100]  }
0x19c: {  	v9 =	vld [tilespmem:s12+$0x2000]  }
0x19d: {  	v10 =	vld [tilespmem:s12+$0x4000]  }
0x19e: {  	v12 =	vld [tilespmem:s12+$0x5080]  }
0x19f: {  	v13 =	vld [tilespmem:s12+$0x4100];
	v11 =	vadd.f32 v5, v2  }
0x1a0: {  	v3 =	vld [tilespmem:s12+$0x5000];
	v2 =	vshll.u32 v2, $0x10;
	v5 =	vshll.u32 v5, $0x10;
	v14 =	vshll.u32 v6, $0x10  }
0x1a1: {  	v45 =	vld [tilespmem:s12+$0x5100];
	v15 =	vshll.u32 v7, $0x10;
	v17 =	vshll.u32 v8, $0x10;
	v7 =	vadd.f32 v7, v9  }
0x1a2: {  	v9 =	vshll.u32 v9, $0x10;
	v6 =	vadd.f32 v6, v8;
	v2 =	vadd.f32 v5, v2  }
0x1a3: {  	v16 =	vld [tilespmem:s12+$0x6000];
	v43 =	vshll.u32 v12, $0x10;
	v9 =	vadd.f32 v15, v9;
	v11 =	vadd.f32 v4, v11  }
0x1a4: {  	v5 =	vld [tilespmem:s12+$0x6080];
	v4 =	vshll.u32 v4, $0x10;
	v7 =	vadd.f32 v10, v7;
	v6 =	vadd.f32 v13, v6  }
0x1a5: {  	v18 =	vld [tilespmem:s12+$0x7080];
	v10 =	vshll.u32 v10, $0x10;
	v2 =	vadd.f32 v4, v2;
	v4 =	vadd.f32 v14, v17  }
0x1a6: {  	v42 =	vld [tilespmem:s12+$0x8080];
	v50 =	vshll.u32 v45, $0x10;
	v9 =	vadd.f32 v10, v9;
	v7 =	vadd.f32 v3, v7  }
0x1a7: {  	v8 =	vld [tilespmem:s12+$0x7000];
	v10 =	vshll.u32 v13, $0x10;
	v11 =	vadd.f32 v12, v11;
	v6 =	vadd.f32 v45, v6  }
0x1a8: {  	v46 =	vld [tilespmem:s12+$0x8000];
	v3 =	vshll.u32 v3, $0x10;
	v2 =	vadd.f32 v43, v2;
	v4 =	vadd.f32 v10, v4  }
0x1a9: {  	v49 =	vld [tilespmem:s12+$0x9000];
	v3 =	vadd.f32 v3, v9;
	v44 =	vshll.u32 v5, $0x10;
	v7 =	vadd.f32 v16, v7  }
0x1aa: {  	v10 =	vld [tilespmem:s12+$0x6100];
	v5 =	vadd.f32 v5, v11;
	v11 =	vshll.u32 v16, $0x10;
	v2 =	vadd.f32 v44, v2  }
0x1ab: {  	v47 =	vshll.u32 v18, $0x10;
	v9 =	vld [tilespmem:s12+$0x9080];
	v3 =	vadd.f32 v11, v3;
	v4 =	vadd.f32 v50, v4  }
0x1ac: {  	v51 =	vld [tilespmem:s12+$0x7100];
	v7 =	vadd.f32 v8, v7;
	v5 =	vadd.f32 v18, v5;
	v8 =	vshll.u32 v8, $0x10  }
0x1ad: {  	v48 =	vshll.u32 v42, $0x10;
	v2 =	vadd.f32 v47, v2;
	v3 =	vadd.f32 v8, v3  }
0x1ae: {  	v52 =	vld [tilespmem:s12+$0x8100];
	v11 =	vshll.u32 v46, $0x10;
	v7 =	vadd.f32 v46, v7;
	v5 =	vadd.f32 v42, v5  }
0x1af: {  	v6 =	vadd.f32 v10, v6;
	v10 =	vshll.u32 v10, $0x10;
	v2 =	vadd.f32 v48, v2  }
0x1b0: {  	v53 =	vld [tilespmem:s12+$0x9100];
	v8 =	vshll.u32 v9, $0x10;
	v4 =	vadd.f32 v10, v4;
	v7 =	vadd.f32 v49, v7  }
0x1b1: {  	v6 =	vadd.f32 v51, v6;
	v2 =	vadd.f32 v8, v2;
	v8 =	vshll.u32 v51, $0x10  }
0x1b2: {  	v3 =	vadd.f32 v11, v3;
	v10 =	vshll.u32 v49, $0x10;
	v4 =	vadd.f32 v8, v4  }
0x1b3: {  	v5 =	vadd.f32 v9, v5;
	[tilespmem:s12+$0x13000] =	vst v7;
	v6 =	vadd.f32 v52, v6;
	v7 =	vshll.u32 v52, $0x10  }
0x1b4: {  	[tilespmem:s12+$0x12080] =	vst v2;
	v2 =	vadd.f32 v10, v3;
	v3 =	vadd.f32 v7, v4  }
0x1b5: {  	[tilespmem:s12+$0x13080] =	vst v5;
	v5 =	vshll.u32 v53, $0x10;
	v4 =	vadd.f32 v53, v6  }
0x1b6: {  	[tilespmem:s12+$0x12000] =	vst v2;
	v2 =	vadd.f32 v5, v3  }
0x1b7: {  	s11 =	sor.u32 s11, s9;
	[tilespmem:s12+$0x13100] =	vst v4  }
0x1b8: {  	s11 =	sor.u32 $0x180, s11;
	[tilespmem:s12+$0x12100] =	vst v2;
	v2 =	vld [tilespmem:s12+$0x3180]  }
0x1b9: {  	v3 =	vld [tilespmem:s11+$0x2000];
	_ =	sdelay $0x1  }
0x1ba: {  	v4 =	vld [tilespmem:s12+$0x4180];
	_ =	sdelay $0x1  }
0x1bb: {  	v5 =	vld [tilespmem:s12+$0x5180]  }
0x1bc: {  	v7 =	vshll.u32 v2, $0x10;
	v6 =	vshll.u32 v3, $0x10  }
0x1bd: {  	v6 =	vadd.f32 v7, v6;
	v7 =	vld [tilespmem:s12+$0x6180]  }
0x1be: {  	v2 =	vadd.f32 v2, v3;
	v3 =	vshll.u32 v4, $0x10  }
0x1bf: {  	v3 =	vadd.f32 v3, v6;
	v6 =	vld [tilespmem:s12+$0x7180]  }
0x1c0: {  	v2 =	vadd.f32 v4, v2;
	v4 =	vshll.u32 v5, $0x10  }
0x1c1: {  	v3 =	vadd.f32 v4, v3;
	v4 =	vld [tilespmem:s12+$0x8180]  }
0x1c2: {  	v2 =	vadd.f32 v5, v2;
	v5 =	vshll.u32 v7, $0x10  }
0x1c3: {  	v3 =	vadd.f32 v5, v3;
	v5 =	vld [tilespmem:s12+$0x9180]  }
0x1c4: {  	v2 =	vadd.f32 v7, v2;
	v7 =	vshll.u32 v6, $0x10  }
0x1c5: {  	v3 =	vadd.f32 v7, v3  }
0x1c6: {  	v2 =	vadd.f32 v6, v2;
	v6 =	vshll.u32 v4, $0x10  }
0x1c7: {  	v3 =	vadd.f32 v6, v3  }
0x1c8: {  	v2 =	vadd.f32 v4, v2;
	v4 =	vshll.u32 v5, $0x10  }
0x1c9: {  	v3 =	vadd.f32 v4, v3  }
0x1ca: {  	v2 =	vadd.f32 v5, v2  }
0x1cb: {  	[tilespmem:s11+$0x12000] =	vst v3  }
0x1cc: {  	[tilespmem:s12+$0x13180] =	vst v2;
	v2 =	vld [tilespmem:s12+$0x2200]  }
0x1cd: {  	v3 =	vld [tilespmem:s12+$0x3200]  }
0x1ce: {  	v4 =	vld [tilespmem:s12+$0x2280]  }
0x1cf: {  	v5 =	vld [tilespmem:s12+$0x3280]  }
0x1d0: {  	v6 =	vld [tilespmem:s12+$0x4280]  }
0x1d1: {  	v7 =	vld [tilespmem:s12+$0x5280]  }
0x1d2: {  	v8 =	vld [tilespmem:s12+$0x4200]  }
0x1d3: {  	v9 =	vld [tilespmem:s12+$0x3300];
	v10 =	vshll.u32 v2, $0x10  }
0x1d4: {  	v55 =	vld [tilespmem:s12+$0x2300];
	v54 =	vshll.u32 v4, $0x10;
	v4 =	vadd.f32 v5, v4;
	v5 =	vshll.u32 v5, $0x10  }
0x1d5: {  	v11 =	vld [tilespmem:s12+$0x6280];
	v2 =	vadd.f32 v3, v2;
	v3 =	vshll.u32 v3, $0x10;
	v5 =	vadd.f32 v5, v54  }
0x1d6: {  	v56 =	vld [tilespmem:s12+$0x4300];
	v3 =	vadd.f32 v3, v10;
	v4 =	vadd.f32 v6, v4  }
0x1d7: {  	v6 =	vshll.u32 v6, $0x10;
	v57 =	vadd.f32 v8, v2;
	v2 =	vshll.u32 v8, $0x10  }
0x1d8: {  	v10 =	vld [tilespmem:s12+$0x7280];
	v5 =	vadd.f32 v6, v5;
	v8 =	vadd.f32 v2, v3;
	v3 =	vshll.u32 v7, $0x10  }
0x1d9: {  	v6 =	vld [tilespmem:s12+$0x5300];
	v2 =	vadd.f32 v7, v4;
	v7 =	vshll.u32 v9, $0x10;
	v9 =	vadd.f32 v9, v55  }
0x1da: {  	v4 =	vld [tilespmem:s12+$0x8280];
	v3 =	vadd.f32 v3, v5;
	v5 =	vshll.u32 v11, $0x10  }
0x1db: {  	v58 =	vld [tilespmem:s12+$0x6300];
	v2 =	vadd.f32 v11, v2;
	v11 =	vshll.u32 v55, $0x10;
	v9 =	vadd.f32 v56, v9  }
0x1dc: {  	v59 =	vld [tilespmem:s12+$0x9280];
	v3 =	vadd.f32 v5, v3;
	v5 =	vadd.f32 v7, v11  }
0x1dd: {  	v7 =	vshll.u32 v56, $0x10;
	v11 =	vld [tilespmem:s12+$0x5200];
	v60 =	vadd.f32 v10, v2;
	v2 =	vshll.u32 v10, $0x10  }
0x1de: {  	v10 =	vld [tilespmem:s12+$0x7300];
	v61 =	vadd.f32 v2, v3;
	v5 =	vadd.f32 v7, v5;
	v7 =	vshll.u32 v6, $0x10  }
0x1df: {  	v6 =	vadd.f32 v6, v9;
	v16 =	vadd.f32 v4, v60;
	v4 =	vshll.u32 v4, $0x10  }
0x1e0: {  	v62 =	vshll.u32 v58, $0x10;
	v2 =	vld [tilespmem:s12+$0x8200];
	v9 =	vadd.f32 v4, v61;
	v7 =	vadd.f32 v7, v5  }
0x1e1: {  	v13 =	vshll.u32 v59, $0x10;
	v3 =	vld [tilespmem:s12+$0x8300];
	v15 =	vadd.f32 v58, v6;
	v16 =	vadd.f32 v59, v16  }
0x1e2: {  	s11 =	sshll.u32 s10, $0x1;
	v5 =	vld [tilespmem:s12+$0x6200];
	v63 =	vshll.u32 v11, $0x10;
	v13 =	vadd.f32 v13, v9;
	v12 =	vadd.f32 v62, v7  }
0x1e3: {  	s17 =	simm.s32 $0x10;
	s22 =	smin.u32 s11, $0x7D;
	v4 =	vld [tilespmem:s12+$0x9300];
	v7 =	vadd.f32 v63, v8;
	v8 =	vadd.f32 v10, v15;
	v10 =	vshll.u32 v10, $0x10;
	[tilespmem:s12+$0x13280] =	vst v16  }
0x1e4: {  	s16 =	sor.u32 s9, s9;
	s18 =	simm.s32 $0x0;
	s13 =	sadd.s32 $0x2, s22;
	v6 =	vld [tilespmem:s12+$0x7200];
	v9 =	vadd.f32 v11, v57;
	[tilespmem:s12+$0x12280] =	vst v13;
	v10 =	vadd.f32 v10, v12  }
.LBB2_5:
0x1e5: {  	p1 =	sne.s32 s17, $0x1F0  }
0x1e6: {  	v11 =	vshll.u32 v3, $0x10;
	s18 =	sadd.s32 $0x80, s18;
	s19 =	smov.u32 s17;
	s17 =	sadd.s32 $0x10, s17  }
0x1e7: {  	v3 =	vadd.f32 v3, v8;
	s20 =	sor.u32 s18, s19;
	v12 =	vshll.u32 v5, $0x10;
	v8 =	vadd.f32 v11, v10  }
0x1e8: {  	v5 =	vadd.f32 v5, v9;
	v7 =	vadd.f32 v12, v7;
	v9 =	vld [tilespmem:s12+$0x9200];
	v10 =	vshll.u32 v4, $0x10  }
0x1e9: {  	v3 =	vadd.f32 v4, v3;
	v11 =	vshll.u32 v6, $0x10;
	v4 =	vadd.f32 v10, v8  }
0x1ea: {  	v5 =	vadd.f32 v6, v5;
	v6 =	vadd.f32 v11, v7  }
0x1eb: {  	v7 =	vshll.u32 v2, $0x10;
	[tilespmem:s12+$0x12300] =	vst v4  }
0x1ec: {  	v2 =	vadd.f32 v2, v5;
	v4 =	vadd.f32 v7, v6  }
0x1ed: {  	v5 =	vshll.u32 v9, $0x10  }
0x1ee: {  	v2 =	vadd.f32 v9, v2;
	v4 =	vadd.f32 v5, v4;
	_ =	sdelay $0x1  }
0x1ef: {  	[tilespmem:s12+$0x13300] =	vst v3  }
0x1f0: {  	[tilespmem:s12+$0x13200] =	vst v2  }
0x1f1: {  	s21 =	sor.u32 $0x380, s16;
	s16 =	smov.u32 s20;
	[tilespmem:s12+$0x12200] =	vst v4;
	v2 =	vld [tilespmem:s12+$0x3380]  }
0x1f2: {  	v3 =	vld [tilespmem:s21+$0x2000];
	_ =	sdelay $0x1  }
0x1f3: {  	v4 =	vld [tilespmem:s12+$0x4380];
	_ =	sdelay $0x1  }
0x1f4: {  	v5 =	vld [tilespmem:s12+$0x5380]  }
0x1f5: {  	v6 =	vshll.u32 v3, $0x10;
	v3 =	vadd.f32 v2, v3;
	v2 =	vshll.u32 v2, $0x10  }
0x1f6: {  	v2 =	vadd.f32 v2, v6;
	v6 =	vld [tilespmem:s12+$0x6380]  }
0x1f7: {  	v3 =	vadd.f32 v4, v3;
	v4 =	vshll.u32 v4, $0x10  }
0x1f8: {  	v2 =	vadd.f32 v4, v2;
	v4 =	vld [tilespmem:s12+$0x7380]  }
0x1f9: {  	v3 =	vadd.f32 v5, v3;
	v5 =	vshll.u32 v5, $0x10  }
0x1fa: {  	v2 =	vadd.f32 v5, v2;
	v5 =	vld [tilespmem:s12+$0x8380]  }
0x1fb: {  	v3 =	vadd.f32 v6, v3;
	v6 =	vshll.u32 v6, $0x10  }
0x1fc: {  	v2 =	vadd.f32 v6, v2;
	v6 =	vld [tilespmem:s12+$0x9380]  }
0x1fd: {  	v3 =	vadd.f32 v4, v3;
	v4 =	vshll.u32 v4, $0x10  }
0x1fe: {  	v2 =	vadd.f32 v4, v2  }
0x1ff: {  	v3 =	vadd.f32 v5, v3;
	v4 =	vshll.u32 v5, $0x10  }
0x200: {  	v2 =	vadd.f32 v4, v2  }
0x201: {  	v4 =	vshll.u32 v6, $0x10  }
0x202: {  	v2 =	vadd.f32 v4, v2  }
0x203: {  	s22 =	sand.u32 $0xC00, s18;
	s20 =	sand.u32 $0x70, s19;
	v3 =	vadd.f32 v6, v3  }
0x204: {  	s19 =	sor.u32 s22, s19;
	s20 =	sor.u32 s20, s22;
	[tilespmem:s21+$0x12000] =	vst v2  }
0x205: {  	v2 =	vld [tilespmem:s20+$0x2080];
	[tilespmem:s12+$0x13380] =	vst v3;
	s12 =	smov.u32 s20  }
0x206: {  	v3 =	vld [tilespmem:s12+$0x5000]  }
0x207: {  	v4 =	vld [tilespmem:s12+$0x4080]  }
0x208: {  	v5 =	vld [tilespmem:s12+$0x4000]  }
0x209: {  	v6 =	vld [tilespmem:s12+$0x3080]  }
0x20a: {  	v7 =	vld [tilespmem:s12+$0x4100]  }
0x20b: {  	v8 =	vld [tilespmem:s12+$0x3100]  }
0x20c: {  	v9 =	vld [tilespmem:s12+$0x3000]  }
0x20d: {  	v10 =	vld [tilespmem:s12+$0x2100]  }
0x20e: {  	v11 =	vld [tilespmem:s12+$0x2000];
	v12 =	vadd.f32 v6, v2  }
0x20f: {  	v13 =	vld [tilespmem:s12+$0x5080];
	v14 =	vshll.u32 v7, $0x10  }
0x210: {  	v2 =	vshll.u32 v2, $0x10;
	v6 =	vshll.u32 v6, $0x10;
	v15 =	vld [tilespmem:s12+$0x6000];
	v16 =	vshll.u32 v8, $0x10  }
0x211: {  	v18 =	vshll.u32 v5, $0x10;
	v2 =	vadd.f32 v6, v2;
	v17 =	vshll.u32 v9, $0x10;
	v6 =	vld [tilespmem:s12+$0x6080]  }
0x212: {  	v12 =	vadd.f32 v4, v12;
	v4 =	vshll.u32 v4, $0x10;
	v19 =	vld [tilespmem:s12+$0x7080];
	v20 =	vshll.u32 v10, $0x10  }
0x213: {  	v21 =	vshll.u32 v3, $0x10;
	v2 =	vadd.f32 v4, v2;
	v4 =	vld [tilespmem:s12+$0x8080];
	v16 =	vadd.f32 v16, v20  }
0x214: {  	v20 =	vshll.u32 v11, $0x10;
	v9 =	vadd.f32 v9, v11;
	v11 =	vshll.u32 v13, $0x10  }
0x215: {  	v17 =	vadd.f32 v17, v20;
	v2 =	vadd.f32 v11, v2  }
0x216: {  	v8 =	vadd.f32 v8, v10;
	v5 =	vadd.f32 v5, v9;
	v9 =	vshll.u32 v6, $0x10;
	v10 =	vld [tilespmem:s12+$0x5100]  }
0x217: {  	v11 =	vadd.f32 v18, v17;
	v17 =	vshll.u32 v15, $0x10;
	v18 =	vld [tilespmem:s12+$0x7000];
	v2 =	vadd.f32 v9, v2  }
0x218: {  	v7 =	vadd.f32 v7, v8;
	v3 =	vadd.f32 v3, v5;
	v5 =	vshll.u32 v19, $0x10  }
0x219: {  	v9 =	vadd.f32 v13, v12;
	v8 =	vld [tilespmem:s12+$0x8000];
	v2 =	vadd.f32 v5, v2  }
0x21a: {  	v12 =	vadd.f32 v14, v16;
	v3 =	vadd.f32 v15, v3;
	v5 =	vshll.u32 v4, $0x10;
	v13 =	vld [tilespmem:s12+$0x6100]  }
0x21b: {  	v6 =	vadd.f32 v6, v9;
	v14 =	vld [tilespmem:s12+$0x9000];
	v2 =	vadd.f32 v5, v2;
	v5 =	vshll.u32 v10, $0x10  }
0x21c: {  	v9 =	vadd.f32 v21, v11;
	v3 =	vadd.f32 v18, v3;
	v11 =	vld [tilespmem:s12+$0x9080]  }
0x21d: {  	v6 =	vadd.f32 v19, v6;
	v15 =	vld [tilespmem:s12+$0x7100]  }
0x21e: {  	v7 =	vadd.f32 v10, v7;
	v3 =	vadd.f32 v8, v3  }
0x21f: {  	v9 =	vadd.f32 v17, v9;
	v4 =	vadd.f32 v4, v6;
	v8 =	vshll.u32 v8, $0x10;
	v6 =	vld [tilespmem:s12+$0x8100]  }
0x220: {  	v10 =	vshll.u32 v18, $0x10;
	v7 =	vadd.f32 v13, v7;
	v3 =	vadd.f32 v14, v3  }
0x221: {  	v5 =	vadd.f32 v5, v12;
	v9 =	vadd.f32 v10, v9;
	v10 =	vshll.u32 v11, $0x10;
	v12 =	vld [tilespmem:s12+$0x9100]  }
0x222: {  	v2 =	vadd.f32 v10, v2;
	v10 =	vshll.u32 v13, $0x10;
	v7 =	vadd.f32 v15, v7  }
0x223: {  	v8 =	vadd.f32 v8, v9;
	[tilespmem:s12+$0x13000] =	vst v3;
	v3 =	vadd.f32 v10, v5;
	v5 =	vshll.u32 v15, $0x10  }
0x224: {  	v9 =	vshll.u32 v14, $0x10;
	v4 =	vadd.f32 v11, v4;
	[tilespmem:s12+$0x12080] =	vst v2;
	v2 =	vadd.f32 v6, v7  }
0x225: {  	v7 =	vadd.f32 v9, v8;
	v3 =	vadd.f32 v5, v3  }
0x226: {  	v5 =	vshll.u32 v6, $0x10;
	v2 =	vadd.f32 v12, v2  }
0x227: {  	v3 =	vadd.f32 v5, v3  }
0x228: {  	[tilespmem:s12+$0x13080] =	vst v4;
	v4 =	vshll.u32 v12, $0x10  }
0x229: {  	[tilespmem:s12+$0x12000] =	vst v7;
	v3 =	vadd.f32 v4, v3  }
0x22a: {  	[tilespmem:s12+$0x13100] =	vst v2  }
0x22b: {  	s19 =	sor.u32 $0x180, s19;
	[tilespmem:s12+$0x12100] =	vst v3;
	v2 =	vld [tilespmem:s12+$0x3180]  }
0x22c: {  	v3 =	vld [tilespmem:s19+$0x2000];
	_ =	sdelay $0x1  }
0x22d: {  	v4 =	vld [tilespmem:s12+$0x4180];
	_ =	sdelay $0x1  }
0x22e: {  	v5 =	vld [tilespmem:s12+$0x5180]  }
0x22f: {  	v6 =	vshll.u32 v3, $0x10;
	v3 =	vadd.f32 v2, v3;
	v2 =	vshll.u32 v2, $0x10  }
0x230: {  	v2 =	vadd.f32 v2, v6;
	v6 =	vld [tilespmem:s12+$0x6180]  }
0x231: {  	v3 =	vadd.f32 v4, v3;
	v4 =	vshll.u32 v4, $0x10  }
0x232: {  	v2 =	vadd.f32 v4, v2;
	v4 =	vld [tilespmem:s12+$0x7180]  }
0x233: {  	v3 =	vadd.f32 v5, v3;
	v5 =	vshll.u32 v5, $0x10  }
0x234: {  	v2 =	vadd.f32 v5, v2;
	v5 =	vld [tilespmem:s12+$0x8180]  }
0x235: {  	v3 =	vadd.f32 v6, v3;
	v6 =	vshll.u32 v6, $0x10  }
0x236: {  	v2 =	vadd.f32 v6, v2;
	v6 =	vld [tilespmem:s12+$0x9180]  }
0x237: {  	v3 =	vadd.f32 v4, v3;
	v4 =	vshll.u32 v4, $0x10  }
0x238: {  	v2 =	vadd.f32 v4, v2  }
0x239: {  	v3 =	vadd.f32 v5, v3;
	v4 =	vshll.u32 v5, $0x10  }
0x23a: {  	v2 =	vadd.f32 v4, v2  }
0x23b: {  	v4 =	vshll.u32 v6, $0x10  }
0x23c: {  	v2 =	vadd.f32 v4, v2  }
0x23d: {  	v3 =	vadd.f32 v6, v3  }
0x23e: {  	[tilespmem:s19+$0x12000] =	vst v2  }
0x23f: {  	[tilespmem:s12+$0x13180] =	vst v3;
	v2 =	vld [tilespmem:s12+$0x2200]  }
0x240: {  	v3 =	vld [tilespmem:s12+$0x3200]  }
0x241: {  	v4 =	vld [tilespmem:s12+$0x2280]  }
0x242: {  	v5 =	vld [tilespmem:s12+$0x3280]  }
0x243: {  	v6 =	vld [tilespmem:s12+$0x4280]  }
0x244: {  	v7 =	vld [tilespmem:s12+$0x5280]  }
0x245: {  	v8 =	vshll.u32 v2, $0x10;
	v2 =	vadd.f32 v3, v2;
	v3 =	vshll.u32 v3, $0x10;
	v9 =	vld [tilespmem:s12+$0x4200]  }
0x246: {  	v3 =	vadd.f32 v3, v8;
	v8 =	vshll.u32 v4, $0x10;
	v10 =	vld [tilespmem:s12+$0x3300]  }
0x247: {  	v4 =	vadd.f32 v5, v4;
	v5 =	vshll.u32 v5, $0x10;
	v11 =	vld [tilespmem:s12+$0x6280]  }
0x248: {  	v5 =	vadd.f32 v5, v8;
	v8 =	vld [tilespmem:s12+$0x2300]  }
0x249: {  	v4 =	vadd.f32 v6, v4;
	v6 =	vshll.u32 v6, $0x10;
	v12 =	vld [tilespmem:s12+$0x4300]  }
0x24a: {  	v13 =	vadd.f32 v9, v2;
	v2 =	vshll.u32 v9, $0x10;
	v5 =	vadd.f32 v6, v5;
	v6 =	vld [tilespmem:s12+$0x7280]  }
0x24b: {  	v9 =	vadd.f32 v2, v3;
	v2 =	vadd.f32 v7, v4;
	v3 =	vshll.u32 v7, $0x10;
	v4 =	vld [tilespmem:s12+$0x5300]  }
0x24c: {  	v14 =	vshll.u32 v10, $0x10;
	v3 =	vadd.f32 v3, v5;
	v5 =	vshll.u32 v11, $0x10;
	v7 =	vld [tilespmem:s12+$0x8280]  }
0x24d: {  	v2 =	vadd.f32 v11, v2;
	v11 =	vshll.u32 v8, $0x10;
	v8 =	vadd.f32 v10, v8;
	v10 =	vld [tilespmem:s12+$0x6300]  }
0x24e: {  	v3 =	vadd.f32 v5, v3;
	v15 =	vld [tilespmem:s12+$0x9280];
	v5 =	vadd.f32 v14, v11;
	v11 =	vshll.u32 v12, $0x10  }
0x24f: {  	v14 =	vld [tilespmem:s12+$0x5200];
	v16 =	vadd.f32 v6, v2;
	v2 =	vshll.u32 v6, $0x10;
	v6 =	vadd.f32 v12, v8  }
0x250: {  	v3 =	vadd.f32 v2, v3;
	v5 =	vadd.f32 v11, v5;
	v8 =	vshll.u32 v4, $0x10;
	v11 =	vld [tilespmem:s12+$0x7300]  }
0x251: {  	v2 =	vld [tilespmem:s12+$0x8200];
	v12 =	vadd.f32 v7, v16;
	v7 =	vshll.u32 v7, $0x10;
	v4 =	vadd.f32 v4, v6  }
.Ltmp1:
0x252: {  	v6 =	vadd.f32 v7, v3;
	v7 =	vadd.f32 v8, v5;
	v8 =	vshll.u32 v10, $0x10;
	v3 =	vld [tilespmem:s12+$0x8300];
	(pc) =	sbr.rel @p1 .LBB2_5-.Ltmp1, $4  }
0x253: {  	v5 =	vld [tilespmem:s12+$0x6200];
	v12 =	vadd.f32 v15, v12;
	v15 =	vshll.u32 v15, $0x10;
	v10 =	vadd.f32 v10, v4  }
0x254: {  	v16 =	vshll.u32 v14, $0x10;
	v15 =	vadd.f32 v15, v6;
	v17 =	vadd.f32 v8, v7;
	v4 =	vld [tilespmem:s12+$0x9300]  }
0x255: {  	v7 =	vadd.f32 v16, v9;
	v6 =	vld [tilespmem:s12+$0x7200];
	[tilespmem:s12+$0x13280] =	vst v12;
	v8 =	vadd.f32 v11, v10;
	v10 =	vshll.u32 v11, $0x10  }
0x256: {  	v9 =	vadd.f32 v14, v13;
	[tilespmem:s12+$0x12280] =	vst v15;
	v10 =	vadd.f32 v10, v17  }
0x257: {  	_ = 	snop  }
0x258: {  	v11 =	vshll.u32 v5, $0x10;
	v5 =	vadd.f32 v5, v9  }
0x259: {  	v9 =	vshll.u32 v3, $0x10;
	v3 =	vadd.f32 v3, v8;
	v7 =	vadd.f32 v11, v7;
	v11 =	vld [tilespmem:s12+$0x9200]  }
0x25a: {  	v9 =	vadd.f32 v9, v10;
	v10 =	vshll.u32 v6, $0x10;
	v5 =	vadd.f32 v6, v5  }
0x25b: {  	v8 =	vshll.u32 v2, $0x10;
	v7 =	vadd.f32 v10, v7  }
0x25c: {  	v6 =	vshll.u32 v4, $0x10;
	v3 =	vadd.f32 v4, v3;
	v2 =	vadd.f32 v2, v5  }
0x25d: {  	v6 =	vadd.f32 v6, v9;
	v4 =	vadd.f32 v8, v7  }
0x25e: {  	[tilespmem:s12+$0x13300] =	vst v3;
	v5 =	vshll.u32 v11, $0x10;
	v2 =	vadd.f32 v11, v2  }
0x25f: {  	[tilespmem:s12+$0x12300] =	vst v6;
	v4 =	vadd.f32 v5, v4  }
0x260: {  	[tilespmem:s12+$0x13200] =	vst v2  }
0x261: {  	s16 =	sor.u32 $0x380, s16;
	v2 =	vld [tilespmem:s12+$0x3380];
	[tilespmem:s12+$0x12200] =	vst v4  }
0x262: {  	v3 =	vld [tilespmem:s16+$0x2000];
	_ =	sdelay $0x1  }
0x263: {  	v4 =	vld [tilespmem:s12+$0x4380];
	_ =	sdelay $0x1  }
0x264: {  	v5 =	vld [tilespmem:s12+$0x5380]  }
0x265: {  	v7 =	vshll.u32 v2, $0x10;
	v6 =	vshll.u32 v3, $0x10  }
0x266: {  	v6 =	vadd.f32 v7, v6;
	v7 =	vld [tilespmem:s12+$0x6380]  }
0x267: {  	v2 =	vadd.f32 v2, v3;
	v3 =	vshll.u32 v4, $0x10  }
0x268: {  	v3 =	vadd.f32 v3, v6;
	v6 =	vld [tilespmem:s12+$0x7380]  }
0x269: {  	v2 =	vadd.f32 v4, v2;
	v4 =	vshll.u32 v5, $0x10  }
0x26a: {  	v3 =	vadd.f32 v4, v3;
	v4 =	vld [tilespmem:s12+$0x8380]  }
0x26b: {  	v2 =	vadd.f32 v5, v2;
	v5 =	vshll.u32 v7, $0x10  }
0x26c: {  	v3 =	vadd.f32 v5, v3;
	v5 =	vld [tilespmem:s12+$0x9380]  }
0x26d: {  	v2 =	vadd.f32 v7, v2;
	v7 =	vshll.u32 v6, $0x10  }
0x26e: {  	v3 =	vadd.f32 v7, v3  }
0x26f: {  	v2 =	vadd.f32 v6, v2;
	v6 =	vshll.u32 v4, $0x10  }
0x270: {  	v3 =	vadd.f32 v6, v3  }
0x271: {  	v2 =	vadd.f32 v4, v2;
	v4 =	vshll.u32 v5, $0x10  }
0x272: {  	v3 =	vadd.f32 v4, v3  }
0x273: {  	s17 =	sshll.u32 s13, $0x3;
	s22 =	sshll.u32 s13, $0x6;
	v2 =	vadd.f32 v5, v2  }
0x274: {  	s18 =	sand.u32 $0x78, s17;
	s13 =	sand.u32 $0x3C00, s22;
	[tilespmem:s16+$0x12000] =	vst v3  }
0x275: {  	[tilespmem:s12+$0x13380] =	vst v2;
	s12 =	sor.u32 s18, s13  }
0x276: {  	v2 =	vld.msk [tilespmem:s12+$0x0], $0xff;
	_ =	sdelay $0x4  }
0x277: {  	v3 =	vshll.u32 v2, $0x2  }
0x278: {  	v2 =	vand.u32 $0x7, v2;
	v3 =	vand.u32 $0xFFFFFFE0, v3  }
0x279: {  	v2 =	vor.u32 v2, v3  }
0x27a: {  	v2 =	vperm.xlane v2, v0;
	_ =	sdelay $0x1  }
0x27b: {  	v2 =	vadd.s32 v1, v2;
	_ =	sdelay $0x3  }
0x27c: {  	s19 =	simm.s32 $0x2000  }
0x27d: {  	[tilespmem:s19], [sflag:$0x2] =	stream.indirect_vreg.gather [hbm4b:s4+s3], $0x80, v2, vm0, $0xb8;
	[tilespmem:$0x16000] =	vst v63  }
0x27e: {  	s20 =	simm.s32 $0x2800;
	s21 =	sor.u32 $0x80, s12  }
0x27f: {  	[tilespmem:s20], [sflag:$0x2] =	stream.indirect_vreg.gather [hbm4b:s14+s3], $0x80, v2, vm0, $0xb8;
	[tilespmem:$0x16000] =	vst v63  }
0x280: {  	v2 =	vld.msk [tilespmem:s21+$0x0], $0xff;
	_ =	sdelay $0x4  }
0x281: {  	v3 =	vshll.u32 v2, $0x2  }
0x282: {  	v2 =	vand.u32 $0x7, v2;
	v3 =	vand.u32 $0xFFFFFFE0, v3  }
0x283: {  	v2 =	vor.u32 v2, v3  }
0x284: {  	v2 =	vperm.xlane v2, v0;
	_ =	sdelay $0x1  }
0x285: {  	v2 =	vadd.s32 v1, v2;
	_ =	sdelay $0x3  }
0x286: {  	s22 =	simm.s32 $0x3000  }
0x287: {  	[tilespmem:s22], [sflag:$0x2] =	stream.indirect_vreg.gather [hbm4b:s4+s3], $0x80, v2, vm0, $0xb8;
	[tilespmem:$0x16000] =	vst v63  }
0x288: {  	s16 =	simm.s32 $0x3800;
	s17 =	sor.u32 $0x100, s12  }
0x289: {  	[tilespmem:s16], [sflag:$0x2] =	stream.indirect_vreg.gather [hbm4b:s14+s3], $0x80, v2, vm0, $0xb8;
	[tilespmem:$0x16000] =	vst v63  }
0x28a: {  	v2 =	vld.msk [tilespmem:s17+$0x0], $0xff;
	_ =	sdelay $0x4  }
0x28b: {  	v3 =	vshll.u32 v2, $0x2  }
0x28c: {  	v2 =	vand.u32 $0x7, v2;
	v3 =	vand.u32 $0xFFFFFFE0, v3  }
0x28d: {  	v2 =	vor.u32 v2, v3  }
0x28e: {  	v2 =	vperm.xlane v2, v0;
	_ =	sdelay $0x1  }
0x28f: {  	v2 =	vadd.s32 v1, v2;
	_ =	sdelay $0x3  }
0x290: {  	s18 =	simm.s32 $0x4000  }
0x291: {  	[tilespmem:s18], [sflag:$0x2] =	stream.indirect_vreg.gather [hbm4b:s4+s3], $0x80, v2, vm0, $0xb8;
	[tilespmem:$0x16000] =	vst v63  }
0x292: {  	s19 =	simm.s32 $0x4800;
	s20 =	sor.u32 $0x180, s12  }
0x293: {  	[tilespmem:s19], [sflag:$0x2] =	stream.indirect_vreg.gather [hbm4b:s14+s3], $0x80, v2, vm0, $0xb8;
	[tilespmem:$0x16000] =	vst v63  }
0x294: {  	v2 =	vld.msk [tilespmem:s20+$0x0], $0xff;
	_ =	sdelay $0x4  }
0x295: {  	v3 =	vshll.u32 v2, $0x2  }
0x296: {  	v2 =	vand.u32 $0x7, v2;
	v3 =	vand.u32 $0xFFFFFFE0, v3  }
0x297: {  	v2 =	vor.u32 v2, v3  }
0x298: {  	v2 =	vperm.xlane v2, v0;
	_ =	sdelay $0x1  }
0x299: {  	v2 =	vadd.s32 v1, v2;
	_ =	sdelay $0x3  }
0x29a: {  	s21 =	simm.s32 $0x5000  }
0x29b: {  	[tilespmem:s21], [sflag:$0x2] =	stream.indirect_vreg.gather [hbm4b:s4+s3], $0x80, v2, vm0, $0xb8;
	[tilespmem:$0x16000] =	vst v63  }
0x29c: {  	s22 =	simm.s32 $0x5800;
	s16 =	sor.u32 $0x200, s12  }
0x29d: {  	[tilespmem:s22], [sflag:$0x2] =	stream.indirect_vreg.gather [hbm4b:s14+s3], $0x80, v2, vm0, $0xb8;
	[tilespmem:$0x16000] =	vst v63  }
0x29e: {  	v2 =	vld.msk [tilespmem:s16+$0x0], $0xff;
	_ =	sdelay $0x4  }
0x29f: {  	v3 =	vshll.u32 v2, $0x2  }
0x2a0: {  	v2 =	vand.u32 $0x7, v2;
	v3 =	vand.u32 $0xFFFFFFE0, v3  }
0x2a1: {  	v2 =	vor.u32 v2, v3  }
0x2a2: {  	v2 =	vperm.xlane v2, v0;
	_ =	sdelay $0x1  }
0x2a3: {  	v2 =	vadd.s32 v1, v2;
	_ =	sdelay $0x3  }
0x2a4: {  	s17 =	simm.s32 $0x6000  }
0x2a5: {  	[tilespmem:s17], [sflag:$0x2] =	stream.indirect_vreg.gather [hbm4b:s4+s3], $0x80, v2, vm0, $0xb8;
	[tilespmem:$0x16000] =	vst v63  }
0x2a6: {  	s18 =	simm.s32 $0x6800;
	s19 =	sor.u32 $0x280, s12  }
0x2a7: {  	[tilespmem:s18], [sflag:$0x2] =	stream.indirect_vreg.gather [hbm4b:s14+s3], $0x80, v2, vm0, $0xb8;
	[tilespmem:$0x16000] =	vst v63  }
0x2a8: {  	v2 =	vld.msk [tilespmem:s19+$0x0], $0xff;
	_ =	sdelay $0x4  }
0x2a9: {  	v3 =	vshll.u32 v2, $0x2  }
0x2aa: {  	v2 =	vand.u32 $0x7, v2;
	v3 =	vand.u32 $0xFFFFFFE0, v3  }
0x2ab: {  	v2 =	vor.u32 v2, v3  }
0x2ac: {  	v2 =	vperm.xlane v2, v0;
	_ =	sdelay $0x1  }
0x2ad: {  	v2 =	vadd.s32 v1, v2;
	_ =	sdelay $0x3  }
0x2ae: {  	s20 =	simm.s32 $0x7000  }
0x2af: {  	[tilespmem:s20], [sflag:$0x2] =	stream.indirect_vreg.gather [hbm4b:s4+s3], $0x80, v2, vm0, $0xb8;
	[tilespmem:$0x16000] =	vst v63  }
0x2b0: {  	s21 =	simm.s32 $0x7800;
	s22 =	sor.u32 $0x300, s12  }
0x2b1: {  	[tilespmem:s21], [sflag:$0x2] =	stream.indirect_vreg.gather [hbm4b:s14+s3], $0x80, v2, vm0, $0xb8;
	[tilespmem:$0x16000] =	vst v63  }
0x2b2: {  	v2 =	vld.msk [tilespmem:s22+$0x0], $0xff;
	_ =	sdelay $0x4  }
0x2b3: {  	v3 =	vshll.u32 v2, $0x2  }
0x2b4: {  	v2 =	vand.u32 $0x7, v2;
	v3 =	vand.u32 $0xFFFFFFE0, v3  }
0x2b5: {  	v2 =	vor.u32 v2, v3  }
0x2b6: {  	v2 =	vperm.xlane v2, v0;
	_ =	sdelay $0x1  }
0x2b7: {  	v2 =	vadd.s32 v1, v2;
	_ =	sdelay $0x3  }
0x2b8: {  	s16 =	simm.s32 $0x8000  }
0x2b9: {  	[tilespmem:s16], [sflag:$0x2] =	stream.indirect_vreg.gather [hbm4b:s4+s3], $0x80, v2, vm0, $0xb8;
	[tilespmem:$0x16000] =	vst v63  }
0x2ba: {  	s12 =	sor.u32 $0x380, s12;
	s17 =	simm.s32 $0x8800  }
0x2bb: {  	[tilespmem:s17], [sflag:$0x2] =	stream.indirect_vreg.gather [hbm4b:s14+s3], $0x80, v2, vm0, $0xb8;
	[tilespmem:$0x16000] =	vst v63  }
0x2bc: {  	v2 =	vld.msk [tilespmem:s12+$0x0], $0xff;
	_ =	sdelay $0x4  }
0x2bd: {  	v3 =	vshll.u32 v2, $0x2  }
0x2be: {  	v2 =	vand.u32 $0x7, v2;
	v3 =	vand.u32 $0xFFFFFFE0, v3  }
0x2bf: {  	v2 =	vor.u32 v2, v3  }
0x2c0: {  	v2 =	vperm.xlane v2, v0;
	_ =	sdelay $0x1  }
0x2c1: {  	v2 =	vadd.s32 v1, v2;
	_ =	sdelay $0x2  }
0x2c2: {  	s12 =	sshll.u32 s10, $0xE  }
0x2c3: {  	s18 =	simm.s32 $0x9000;
	s20 =	sadd.s32 s15, s12  }
0x2c4: {  	[tilespmem:s18], [sflag:$0x2] =	stream.indirect_vreg.gather [hbm4b:s4+s3], $0x80, v2, vm0, $0xb8;
	[tilespmem:$0x16000] =	vst v63  }
0x2c5: {  	s19 =	simm.s32 $0x9800;
	s13 =	sshrl.u32 s20, $0x3  }
0x2c6: {  	[tilespmem:s19], [sflag:$0x2] =	stream.indirect_vreg.gather [hbm4b:s14+s3], $0x80, v2, vm0, $0xb8;
	[tilespmem:$0x16000] =	vst v63  }
0x2c7: {  	s21 =	simm.s32 $0x12000;
	s13 =	sadd.s32 s2, s13  }
0x2c8: {  	[hbm4b:s13+s3] =	stream.linear.scatter [tilespmem:s21], [sflag:$0x4], $0x2000, $0x38;
	[tilespmem:$0x16000] =	vst v63  }
0x2c9: {  	_ =	swait.ge [sflag:s8], $0x8000  }
0x2ca: {  	[sflag:s8] =	ssyncset.done $0x0  }
0x2cb: {  	s13 =	simm.s32 @!p0 $0x5;
	[sflag:s8] =	ssyncadd.s32 $0xFFFF8000  }
0x2cc: {  	s16 =	simm.s32 $0x0;
	_ =	swait.ge @!p0 [sflag:s13], $0x2000  }
0x2cd: {  	s22 =	sand.u32 $0xC00, s16;
	s18 =	sand.u32 $0x70, s16;
	[sflag:s13] =	ssyncset.done @!p0 $0x0  }
0x2ce: {  	[sflag:s13] =	ssyncadd.s32 @!p0 $0xFFFFE000;
	s13 =	sor.u32 s18, s22  }
0x2cf: {  	v2 =	vld [tilespmem:s13+$0xA080]  }
0x2d0: {  	v4 =	vld [tilespmem:s13+$0xC080]  }
0x2d1: {  	v5 =	vld [tilespmem:s13+$0xB080]  }
0x2d2: {  	v6 =	vld [tilespmem:s13+$0xB100]  }
0x2d3: {  	v7 =	vld [tilespmem:s13+$0xB000]  }
0x2d4: {  	v8 =	vld [tilespmem:s13+$0xA100]  }
0x2d5: {  	v9 =	vld [tilespmem:s13+$0xA000]  }
0x2d6: {  	v10 =	vld [tilespmem:s13+$0xC000]  }
0x2d7: {  	v12 =	vld [tilespmem:s13+$0xD080]  }
0x2d8: {  	v13 =	vld [tilespmem:s13+$0xC100];
	v11 =	vadd.f32 v5, v2  }
0x2d9: {  	v3 =	vld [tilespmem:s13+$0xD000];
	v2 =	vshll.u32 v2, $0x10;
	v5 =	vshll.u32 v5, $0x10;
	v14 =	vshll.u32 v6, $0x10  }
0x2da: {  	v45 =	vld [tilespmem:s13+$0xD100];
	v15 =	vshll.u32 v7, $0x10;
	v17 =	vshll.u32 v8, $0x10;
	v7 =	vadd.f32 v7, v9  }
0x2db: {  	v9 =	vshll.u32 v9, $0x10;
	v6 =	vadd.f32 v6, v8;
	v2 =	vadd.f32 v5, v2  }
0x2dc: {  	v16 =	vld [tilespmem:s13+$0xE000];
	v43 =	vshll.u32 v12, $0x10;
	v9 =	vadd.f32 v15, v9;
	v11 =	vadd.f32 v4, v11  }
0x2dd: {  	v5 =	vld [tilespmem:s13+$0xE080];
	v4 =	vshll.u32 v4, $0x10;
	v7 =	vadd.f32 v10, v7;
	v6 =	vadd.f32 v13, v6  }
0x2de: {  	v18 =	vld [tilespmem:s13+$0xF080];
	v10 =	vshll.u32 v10, $0x10;
	v2 =	vadd.f32 v4, v2;
	v4 =	vadd.f32 v14, v17  }
0x2df: {  	v42 =	vld [tilespmem:s13+$0x10080];
	v50 =	vshll.u32 v45, $0x10;
	v9 =	vadd.f32 v10, v9;
	v7 =	vadd.f32 v3, v7  }
0x2e0: {  	v8 =	vld [tilespmem:s13+$0xF000];
	v10 =	vshll.u32 v13, $0x10;
	v11 =	vadd.f32 v12, v11;
	v6 =	vadd.f32 v45, v6  }
0x2e1: {  	v46 =	vld [tilespmem:s13+$0x10000];
	v3 =	vshll.u32 v3, $0x10;
	v2 =	vadd.f32 v43, v2;
	v4 =	vadd.f32 v10, v4  }
0x2e2: {  	v49 =	vld [tilespmem:s13+$0x11000];
	v3 =	vadd.f32 v3, v9;
	v44 =	vshll.u32 v5, $0x10;
	v7 =	vadd.f32 v16, v7  }
0x2e3: {  	v10 =	vld [tilespmem:s13+$0xE100];
	v5 =	vadd.f32 v5, v11;
	v11 =	vshll.u32 v16, $0x10;
	v2 =	vadd.f32 v44, v2  }
0x2e4: {  	v47 =	vshll.u32 v18, $0x10;
	v9 =	vld [tilespmem:s13+$0x11080];
	v3 =	vadd.f32 v11, v3;
	v4 =	vadd.f32 v50, v4  }
0x2e5: {  	v51 =	vld [tilespmem:s13+$0xF100];
	v7 =	vadd.f32 v8, v7;
	v5 =	vadd.f32 v18, v5;
	v8 =	vshll.u32 v8, $0x10  }
0x2e6: {  	v48 =	vshll.u32 v42, $0x10;
	v2 =	vadd.f32 v47, v2;
	v3 =	vadd.f32 v8, v3  }
0x2e7: {  	v52 =	vld [tilespmem:s13+$0x10100];
	v11 =	vshll.u32 v46, $0x10;
	v7 =	vadd.f32 v46, v7;
	v5 =	vadd.f32 v42, v5  }
0x2e8: {  	v6 =	vadd.f32 v10, v6;
	v10 =	vshll.u32 v10, $0x10;
	v2 =	vadd.f32 v48, v2  }
0x2e9: {  	v53 =	vld [tilespmem:s13+$0x11100];
	v8 =	vshll.u32 v9, $0x10;
	v4 =	vadd.f32 v10, v4;
	v7 =	vadd.f32 v49, v7  }
0x2ea: {  	v6 =	vadd.f32 v51, v6;
	v2 =	vadd.f32 v8, v2;
	v8 =	vshll.u32 v51, $0x10  }
0x2eb: {  	v3 =	vadd.f32 v11, v3;
	v10 =	vshll.u32 v49, $0x10;
	v4 =	vadd.f32 v8, v4  }
0x2ec: {  	v5 =	vadd.f32 v9, v5;
	[tilespmem:s13+$0x15000] =	vst v7;
	v6 =	vadd.f32 v52, v6;
	v7 =	vshll.u32 v52, $0x10  }
0x2ed: {  	[tilespmem:s13+$0x14080] =	vst v2;
	v2 =	vadd.f32 v10, v3;
	v3 =	vadd.f32 v7, v4  }
0x2ee: {  	[tilespmem:s13+$0x15080] =	vst v5;
	v5 =	vshll.u32 v53, $0x10;
	v4 =	vadd.f32 v53, v6  }
0x2ef: {  	[tilespmem:s13+$0x14000] =	vst v2;
	v2 =	vadd.f32 v5, v3  }
0x2f0: {  	s17 =	sor.u32 s22, s16;
	[tilespmem:s13+$0x15100] =	vst v4  }
0x2f1: {  	s17 =	sor.u32 $0x180, s17;
	[tilespmem:s13+$0x14100] =	vst v2;
	v2 =	vld [tilespmem:s13+$0xB180]  }
0x2f2: {  	v3 =	vld [tilespmem:s17+$0xA000];
	_ =	sdelay $0x1  }
0x2f3: {  	v4 =	vld [tilespmem:s13+$0xC180];
	_ =	sdelay $0x1  }
0x2f4: {  	v5 =	vld [tilespmem:s13+$0xD180]  }
0x2f5: {  	v7 =	vshll.u32 v2, $0x10;
	v6 =	vshll.u32 v3, $0x10  }
0x2f6: {  	v6 =	vadd.f32 v7, v6;
	v7 =	vld [tilespmem:s13+$0xE180]  }
0x2f7: {  	v2 =	vadd.f32 v2, v3;
	v3 =	vshll.u32 v4, $0x10  }
0x2f8: {  	v3 =	vadd.f32 v3, v6;
	v6 =	vld [tilespmem:s13+$0xF180]  }
0x2f9: {  	v2 =	vadd.f32 v4, v2;
	v4 =	vshll.u32 v5, $0x10  }
0x2fa: {  	v3 =	vadd.f32 v4, v3;
	v4 =	vld [tilespmem:s13+$0x10180]  }
0x2fb: {  	v2 =	vadd.f32 v5, v2;
	v5 =	vshll.u32 v7, $0x10  }
0x2fc: {  	v3 =	vadd.f32 v5, v3;
	v5 =	vld [tilespmem:s13+$0x11180]  }
0x2fd: {  	v2 =	vadd.f32 v7, v2;
	v7 =	vshll.u32 v6, $0x10  }
0x2fe: {  	v3 =	vadd.f32 v7, v3  }
0x2ff: {  	v2 =	vadd.f32 v6, v2;
	v6 =	vshll.u32 v4, $0x10  }
0x300: {  	v3 =	vadd.f32 v6, v3  }
0x301: {  	v2 =	vadd.f32 v4, v2;
	v4 =	vshll.u32 v5, $0x10  }
0x302: {  	v3 =	vadd.f32 v4, v3  }
0x303: {  	v2 =	vadd.f32 v5, v2  }
0x304: {  	[tilespmem:s17+$0x14000] =	vst v3  }
0x305: {  	[tilespmem:s13+$0x15180] =	vst v2;
	v2 =	vld [tilespmem:s13+$0xA200]  }
0x306: {  	v3 =	vld [tilespmem:s13+$0xB200]  }
0x307: {  	v4 =	vld [tilespmem:s13+$0xA280]  }
0x308: {  	v5 =	vld [tilespmem:s13+$0xB280]  }
0x309: {  	v6 =	vld [tilespmem:s13+$0xC280]  }
0x30a: {  	v7 =	vld [tilespmem:s13+$0xD280]  }
0x30b: {  	v8 =	vld [tilespmem:s13+$0xC200]  }
0x30c: {  	v9 =	vld [tilespmem:s13+$0xB300];
	v10 =	vshll.u32 v2, $0x10  }
0x30d: {  	v55 =	vld [tilespmem:s13+$0xA300];
	v54 =	vshll.u32 v4, $0x10;
	v4 =	vadd.f32 v5, v4;
	v5 =	vshll.u32 v5, $0x10  }
0x30e: {  	v11 =	vld [tilespmem:s13+$0xE280];
	v2 =	vadd.f32 v3, v2;
	v3 =	vshll.u32 v3, $0x10;
	v5 =	vadd.f32 v5, v54  }
0x30f: {  	v56 =	vld [tilespmem:s13+$0xC300];
	v3 =	vadd.f32 v3, v10;
	v4 =	vadd.f32 v6, v4  }
0x310: {  	v6 =	vshll.u32 v6, $0x10;
	v57 =	vadd.f32 v8, v2;
	v2 =	vshll.u32 v8, $0x10  }
0x311: {  	v10 =	vld [tilespmem:s13+$0xF280];
	v5 =	vadd.f32 v6, v5;
	v8 =	vadd.f32 v2, v3;
	v3 =	vshll.u32 v7, $0x10  }
0x312: {  	v6 =	vld [tilespmem:s13+$0xD300];
	v2 =	vadd.f32 v7, v4;
	v7 =	vshll.u32 v9, $0x10;
	v9 =	vadd.f32 v9, v55  }
0x313: {  	v4 =	vld [tilespmem:s13+$0x10280];
	v3 =	vadd.f32 v3, v5;
	v5 =	vshll.u32 v11, $0x10  }
0x314: {  	v58 =	vld [tilespmem:s13+$0xE300];
	v2 =	vadd.f32 v11, v2;
	v11 =	vshll.u32 v55, $0x10;
	v9 =	vadd.f32 v56, v9  }
0x315: {  	v59 =	vld [tilespmem:s13+$0x11280];
	v3 =	vadd.f32 v5, v3;
	v5 =	vadd.f32 v7, v11  }
0x316: {  	v7 =	vshll.u32 v56, $0x10;
	v11 =	vld [tilespmem:s13+$0xD200];
	v60 =	vadd.f32 v10, v2;
	v2 =	vshll.u32 v10, $0x10  }
0x317: {  	v10 =	vld [tilespmem:s13+$0xF300];
	v61 =	vadd.f32 v2, v3;
	v5 =	vadd.f32 v7, v5;
	v7 =	vshll.u32 v6, $0x10  }
0x318: {  	v6 =	vadd.f32 v6, v9;
	v16 =	vadd.f32 v4, v60;
	v4 =	vshll.u32 v4, $0x10  }
0x319: {  	v62 =	vshll.u32 v58, $0x10;
	v2 =	vld [tilespmem:s13+$0x10200];
	v9 =	vadd.f32 v4, v61;
	v7 =	vadd.f32 v7, v5  }
0x31a: {  	v13 =	vshll.u32 v59, $0x10;
	v3 =	vld [tilespmem:s13+$0x10300];
	v15 =	vadd.f32 v58, v6;
	v16 =	vadd.f32 v59, v16  }
0x31b: {  	v5 =	vld [tilespmem:s13+$0xE200];
	v63 =	vshll.u32 v11, $0x10;
	v13 =	vadd.f32 v13, v9;
	v12 =	vadd.f32 v62, v7  }
0x31c: {  	s11 =	smin.u32 s11, $0x7C;
	v4 =	vld [tilespmem:s13+$0x11300];
	v7 =	vadd.f32 v63, v8;
	v8 =	vadd.f32 v10, v15;
	v10 =	vshll.u32 v10, $0x10;
	[tilespmem:s13+$0x15280] =	vst v16  }
0x31d: {  	s11 =	sadd.s32 $0x3, s11;
	s18 =	simm.s32 $0x10;
	s17 =	sor.u32 s16, s16;
	v6 =	vld [tilespmem:s13+$0xF200];
	v9 =	vadd.f32 v11, v57;
	[tilespmem:s13+$0x14280] =	vst v13;
	v10 =	vadd.f32 v10, v12  }
.LBB2_7:
0x31e: {  	p0 =	sne.s32 s18, $0x1F0  }
0x31f: {  	v11 =	vshll.u32 v3, $0x10;
	s16 =	sadd.s32 $0x80, s16;
	s19 =	smov.u32 s18;
	s18 =	sadd.s32 $0x10, s18  }
0x320: {  	v3 =	vadd.f32 v3, v8;
	s20 =	sor.u32 s16, s19;
	v12 =	vshll.u32 v5, $0x10;
	v8 =	vadd.f32 v11, v10  }
0x321: {  	v5 =	vadd.f32 v5, v9;
	v7 =	vadd.f32 v12, v7;
	v9 =	vld [tilespmem:s13+$0x11200];
	v10 =	vshll.u32 v4, $0x10  }
0x322: {  	v3 =	vadd.f32 v4, v3;
	v11 =	vshll.u32 v6, $0x10;
	v4 =	vadd.f32 v10, v8  }
0x323: {  	v5 =	vadd.f32 v6, v5;
	v6 =	vadd.f32 v11, v7  }
0x324: {  	v7 =	vshll.u32 v2, $0x10;
	[tilespmem:s13+$0x14300] =	vst v4  }
0x325: {  	v2 =	vadd.f32 v2, v5;
	v4 =	vadd.f32 v7, v6  }
0x326: {  	v5 =	vshll.u32 v9, $0x10  }
0x327: {  	v2 =	vadd.f32 v9, v2;
	v4 =	vadd.f32 v5, v4;
	_ =	sdelay $0x1  }
0x328: {  	[tilespmem:s13+$0x15300] =	vst v3  }
0x329: {  	[tilespmem:s13+$0x15200] =	vst v2  }
0x32a: {  	s21 =	sor.u32 $0x380, s17;
	s17 =	smov.u32 s20;
	[tilespmem:s13+$0x14200] =	vst v4;
	v2 =	vld [tilespmem:s13+$0xB380]  }
0x32b: {  	v3 =	vld [tilespmem:s21+$0xA000];
	_ =	sdelay $0x1  }
0x32c: {  	v4 =	vld [tilespmem:s13+$0xC380];
	_ =	sdelay $0x1  }
0x32d: {  	v5 =	vld [tilespmem:s13+$0xD380]  }
0x32e: {  	v6 =	vshll.u32 v3, $0x10;
	v3 =	vadd.f32 v2, v3;
	v2 =	vshll.u32 v2, $0x10  }
0x32f: {  	v2 =	vadd.f32 v2, v6;
	v6 =	vld [tilespmem:s13+$0xE380]  }
0x330: {  	v3 =	vadd.f32 v4, v3;
	v4 =	vshll.u32 v4, $0x10  }
0x331: {  	v2 =	vadd.f32 v4, v2;
	v4 =	vld [tilespmem:s13+$0xF380]  }
0x332: {  	v3 =	vadd.f32 v5, v3;
	v5 =	vshll.u32 v5, $0x10  }
0x333: {  	v2 =	vadd.f32 v5, v2;
	v5 =	vld [tilespmem:s13+$0x10380]  }
0x334: {  	v3 =	vadd.f32 v6, v3;
	v6 =	vshll.u32 v6, $0x10  }
0x335: {  	v2 =	vadd.f32 v6, v2;
	v6 =	vld [tilespmem:s13+$0x11380]  }
0x336: {  	v3 =	vadd.f32 v4, v3;
	v4 =	vshll.u32 v4, $0x10  }
0x337: {  	v2 =	vadd.f32 v4, v2  }
0x338: {  	v3 =	vadd.f32 v5, v3;
	v4 =	vshll.u32 v5, $0x10  }
0x339: {  	v2 =	vadd.f32 v4, v2  }
0x33a: {  	v4 =	vshll.u32 v6, $0x10  }
0x33b: {  	v2 =	vadd.f32 v4, v2  }
0x33c: {  	s22 =	sand.u32 $0xC00, s16;
	s20 =	sand.u32 $0x70, s19;
	v3 =	vadd.f32 v6, v3  }
0x33d: {  	s19 =	sor.u32 s22, s19;
	s20 =	sor.u32 s20, s22;
	[tilespmem:s21+$0x14000] =	vst v2  }
0x33e: {  	v2 =	vld [tilespmem:s20+$0xA080];
	[tilespmem:s13+$0x15380] =	vst v3;
	s13 =	smov.u32 s20  }
0x33f: {  	v3 =	vld [tilespmem:s13+$0xD000]  }
0x340: {  	v4 =	vld [tilespmem:s13+$0xC080]  }
0x341: {  	v5 =	vld [tilespmem:s13+$0xC000]  }
0x342: {  	v6 =	vld [tilespmem:s13+$0xB080]  }
0x343: {  	v7 =	vld [tilespmem:s13+$0xC100]  }
0x344: {  	v8 =	vld [tilespmem:s13+$0xB100]  }
0x345: {  	v9 =	vld [tilespmem:s13+$0xB000]  }
0x346: {  	v10 =	vld [tilespmem:s13+$0xA100]  }
0x347: {  	v11 =	vld [tilespmem:s13+$0xA000];
	v12 =	vadd.f32 v6, v2  }
0x348: {  	v13 =	vld [tilespmem:s13+$0xD080];
	v14 =	vshll.u32 v7, $0x10  }
0x349: {  	v2 =	vshll.u32 v2, $0x10;
	v6 =	vshll.u32 v6, $0x10;
	v15 =	vld [tilespmem:s13+$0xE000];
	v16 =	vshll.u32 v8, $0x10  }
0x34a: {  	v18 =	vshll.u32 v5, $0x10;
	v2 =	vadd.f32 v6, v2;
	v17 =	vshll.u32 v9, $0x10;
	v6 =	vld [tilespmem:s13+$0xE080]  }
0x34b: {  	v12 =	vadd.f32 v4, v12;
	v4 =	vshll.u32 v4, $0x10;
	v19 =	vld [tilespmem:s13+$0xF080];
	v20 =	vshll.u32 v10, $0x10  }
0x34c: {  	v21 =	vshll.u32 v3, $0x10;
	v2 =	vadd.f32 v4, v2;
	v4 =	vld [tilespmem:s13+$0x10080];
	v16 =	vadd.f32 v16, v20  }
0x34d: {  	v20 =	vshll.u32 v11, $0x10;
	v9 =	vadd.f32 v9, v11;
	v11 =	vshll.u32 v13, $0x10  }
0x34e: {  	v17 =	vadd.f32 v17, v20;
	v2 =	vadd.f32 v11, v2  }
0x34f: {  	v8 =	vadd.f32 v8, v10;
	v5 =	vadd.f32 v5, v9;
	v9 =	vshll.u32 v6, $0x10;
	v10 =	vld [tilespmem:s13+$0xD100]  }
0x350: {  	v11 =	vadd.f32 v18, v17;
	v17 =	vshll.u32 v15, $0x10;
	v18 =	vld [tilespmem:s13+$0xF000];
	v2 =	vadd.f32 v9, v2  }
0x351: {  	v7 =	vadd.f32 v7, v8;
	v3 =	vadd.f32 v3, v5;
	v5 =	vshll.u32 v19, $0x10  }
0x352: {  	v9 =	vadd.f32 v13, v12;
	v8 =	vld [tilespmem:s13+$0x10000];
	v2 =	vadd.f32 v5, v2  }
0x353: {  	v12 =	vadd.f32 v14, v16;
	v3 =	vadd.f32 v15, v3;
	v5 =	vshll.u32 v4, $0x10;
	v13 =	vld [tilespmem:s13+$0xE100]  }
0x354: {  	v6 =	vadd.f32 v6, v9;
	v14 =	vld [tilespmem:s13+$0x11000];
	v2 =	vadd.f32 v5, v2;
	v5 =	vshll.u32 v10, $0x10  }
0x355: {  	v9 =	vadd.f32 v21, v11;
	v3 =	vadd.f32 v18, v3;
	v11 =	vld [tilespmem:s13+$0x11080]  }
0x356: {  	v6 =	vadd.f32 v19, v6;
	v15 =	vld [tilespmem:s13+$0xF100]  }
0x357: {  	v7 =	vadd.f32 v10, v7;
	v3 =	vadd.f32 v8, v3  }
0x358: {  	v9 =	vadd.f32 v17, v9;
	v4 =	vadd.f32 v4, v6;
	v8 =	vshll.u32 v8, $0x10;
	v6 =	vld [tilespmem:s13+$0x10100]  }
0x359: {  	v10 =	vshll.u32 v18, $0x10;
	v7 =	vadd.f32 v13, v7;
	v3 =	vadd.f32 v14, v3  }
0x35a: {  	v5 =	vadd.f32 v5, v12;
	v9 =	vadd.f32 v10, v9;
	v10 =	vshll.u32 v11, $0x10;
	v12 =	vld [tilespmem:s13+$0x11100]  }
0x35b: {  	v2 =	vadd.f32 v10, v2;
	v10 =	vshll.u32 v13, $0x10;
	v7 =	vadd.f32 v15, v7  }
0x35c: {  	v8 =	vadd.f32 v8, v9;
	[tilespmem:s13+$0x15000] =	vst v3;
	v3 =	vadd.f32 v10, v5;
	v5 =	vshll.u32 v15, $0x10  }
0x35d: {  	v9 =	vshll.u32 v14, $0x10;
	v4 =	vadd.f32 v11, v4;
	[tilespmem:s13+$0x14080] =	vst v2;
	v2 =	vadd.f32 v6, v7  }
0x35e: {  	v7 =	vadd.f32 v9, v8;
	v3 =	vadd.f32 v5, v3  }
0x35f: {  	v5 =	vshll.u32 v6, $0x10;
	v2 =	vadd.f32 v12, v2  }
0x360: {  	v3 =	vadd.f32 v5, v3  }
0x361: {  	[tilespmem:s13+$0x15080] =	vst v4;
	v4 =	vshll.u32 v12, $0x10  }
0x362: {  	[tilespmem:s13+$0x14000] =	vst v7;
	v3 =	vadd.f32 v4, v3  }
0x363: {  	[tilespmem:s13+$0x15100] =	vst v2  }
0x364: {  	s19 =	sor.u32 $0x180, s19;
	[tilespmem:s13+$0x14100] =	vst v3;
	v2 =	vld [tilespmem:s13+$0xB180]  }
0x365: {  	v3 =	vld [tilespmem:s19+$0xA000];
	_ =	sdelay $0x1  }
0x366: {  	v4 =	vld [tilespmem:s13+$0xC180];
	_ =	sdelay $0x1  }
0x367: {  	v5 =	vld [tilespmem:s13+$0xD180]  }
0x368: {  	v6 =	vshll.u32 v3, $0x10;
	v3 =	vadd.f32 v2, v3;
	v2 =	vshll.u32 v2, $0x10  }
0x369: {  	v2 =	vadd.f32 v2, v6;
	v6 =	vld [tilespmem:s13+$0xE180]  }
0x36a: {  	v3 =	vadd.f32 v4, v3;
	v4 =	vshll.u32 v4, $0x10  }
0x36b: {  	v2 =	vadd.f32 v4, v2;
	v4 =	vld [tilespmem:s13+$0xF180]  }
0x36c: {  	v3 =	vadd.f32 v5, v3;
	v5 =	vshll.u32 v5, $0x10  }
0x36d: {  	v2 =	vadd.f32 v5, v2;
	v5 =	vld [tilespmem:s13+$0x10180]  }
0x36e: {  	v3 =	vadd.f32 v6, v3;
	v6 =	vshll.u32 v6, $0x10  }
0x36f: {  	v2 =	vadd.f32 v6, v2;
	v6 =	vld [tilespmem:s13+$0x11180]  }
0x370: {  	v3 =	vadd.f32 v4, v3;
	v4 =	vshll.u32 v4, $0x10  }
0x371: {  	v2 =	vadd.f32 v4, v2  }
0x372: {  	v3 =	vadd.f32 v5, v3;
	v4 =	vshll.u32 v5, $0x10  }
0x373: {  	v2 =	vadd.f32 v4, v2  }
0x374: {  	v4 =	vshll.u32 v6, $0x10  }
0x375: {  	v2 =	vadd.f32 v4, v2  }
0x376: {  	v3 =	vadd.f32 v6, v3  }
0x377: {  	[tilespmem:s19+$0x14000] =	vst v2  }
0x378: {  	[tilespmem:s13+$0x15180] =	vst v3;
	v2 =	vld [tilespmem:s13+$0xA200]  }
0x379: {  	v3 =	vld [tilespmem:s13+$0xB200]  }
0x37a: {  	v4 =	vld [tilespmem:s13+$0xA280]  }
0x37b: {  	v5 =	vld [tilespmem:s13+$0xB280]  }
0x37c: {  	v6 =	vld [tilespmem:s13+$0xC280]  }
0x37d: {  	v7 =	vld [tilespmem:s13+$0xD280]  }
0x37e: {  	v8 =	vshll.u32 v2, $0x10;
	v2 =	vadd.f32 v3, v2;
	v3 =	vshll.u32 v3, $0x10;
	v9 =	vld [tilespmem:s13+$0xC200]  }
0x37f: {  	v3 =	vadd.f32 v3, v8;
	v8 =	vshll.u32 v4, $0x10;
	v10 =	vld [tilespmem:s13+$0xB300]  }
0x380: {  	v4 =	vadd.f32 v5, v4;
	v5 =	vshll.u32 v5, $0x10;
	v11 =	vld [tilespmem:s13+$0xE280]  }
0x381: {  	v5 =	vadd.f32 v5, v8;
	v8 =	vld [tilespmem:s13+$0xA300]  }
0x382: {  	v4 =	vadd.f32 v6, v4;
	v6 =	vshll.u32 v6, $0x10;
	v12 =	vld [tilespmem:s13+$0xC300]  }
0x383: {  	v13 =	vadd.f32 v9, v2;
	v2 =	vshll.u32 v9, $0x10;
	v5 =	vadd.f32 v6, v5;
	v6 =	vld [tilespmem:s13+$0xF280]  }
0x384: {  	v9 =	vadd.f32 v2, v3;
	v2 =	vadd.f32 v7, v4;
	v3 =	vshll.u32 v7, $0x10;
	v4 =	vld [tilespmem:s13+$0xD300]  }
0x385: {  	v14 =	vshll.u32 v10, $0x10;
	v3 =	vadd.f32 v3, v5;
	v5 =	vshll.u32 v11, $0x10;
	v7 =	vld [tilespmem:s13+$0x10280]  }
0x386: {  	v2 =	vadd.f32 v11, v2;
	v11 =	vshll.u32 v8, $0x10;
	v8 =	vadd.f32 v10, v8;
	v10 =	vld [tilespmem:s13+$0xE300]  }
0x387: {  	v3 =	vadd.f32 v5, v3;
	v15 =	vld [tilespmem:s13+$0x11280];
	v5 =	vadd.f32 v14, v11;
	v11 =	vshll.u32 v12, $0x10  }
0x388: {  	v14 =	vld [tilespmem:s13+$0xD200];
	v16 =	vadd.f32 v6, v2;
	v2 =	vshll.u32 v6, $0x10;
	v6 =	vadd.f32 v12, v8  }
0x389: {  	v3 =	vadd.f32 v2, v3;
	v5 =	vadd.f32 v11, v5;
	v8 =	vshll.u32 v4, $0x10;
	v11 =	vld [tilespmem:s13+$0xF300]  }
0x38a: {  	v2 =	vld [tilespmem:s13+$0x10200];
	v12 =	vadd.f32 v7, v16;
	v7 =	vshll.u32 v7, $0x10;
	v4 =	vadd.f32 v4, v6  }
.Ltmp2:
0x38b: {  	v6 =	vadd.f32 v7, v3;
	v7 =	vadd.f32 v8, v5;
	v8 =	vshll.u32 v10, $0x10;
	v3 =	vld [tilespmem:s13+$0x10300];
	(pc) =	sbr.rel @p0 .LBB2_7-.Ltmp2, $4  }
0x38c: {  	v5 =	vld [tilespmem:s13+$0xE200];
	v12 =	vadd.f32 v15, v12;
	v15 =	vshll.u32 v15, $0x10;
	v10 =	vadd.f32 v10, v4  }
0x38d: {  	v16 =	vshll.u32 v14, $0x10;
	v15 =	vadd.f32 v15, v6;
	v17 =	vadd.f32 v8, v7;
	v4 =	vld [tilespmem:s13+$0x11300]  }
0x38e: {  	v7 =	vadd.f32 v16, v9;
	v6 =	vld [tilespmem:s13+$0xF200];
	[tilespmem:s13+$0x15280] =	vst v12;
	v8 =	vadd.f32 v11, v10;
	v10 =	vshll.u32 v11, $0x10  }
0x38f: {  	v9 =	vadd.f32 v14, v13;
	[tilespmem:s13+$0x14280] =	vst v15;
	v10 =	vadd.f32 v10, v17  }
0x390: {  	_ = 	snop  }
0x391: {  	v11 =	vshll.u32 v5, $0x10;
	v43 =	vadd.f32 v5, v9  }
0x392: {  	v44 =	vshll.u32 v3, $0x10;
	v45 =	vld [tilespmem:s13+$0x11200];
	v7 =	vadd.f32 v11, v7  }
0x393: {  	v3 =	vadd.f32 v3, v8;
	v46 =	vshll.u32 v6, $0x10;
	v5 =	vadd.f32 v6, v43  }
0x394: {  	v48 =	vshll.u32 v2, $0x10;
	v9 =	vadd.f32 v44, v10;
	v7 =	vadd.f32 v46, v7  }
0x395: {  	v47 =	vshll.u32 v4, $0x10;
	v3 =	vadd.f32 v4, v3;
	v2 =	vadd.f32 v2, v5  }
0x396: {  	v6 =	vadd.f32 v47, v9;
	v49 =	vadd.f32 v48, v7  }
0x397: {  	[tilespmem:s13+$0x15300] =	vst v3;
	v50 =	vshll.u32 v45, $0x10;
	v2 =	vadd.f32 v45, v2  }
0x398: {  	[tilespmem:s13+$0x14300] =	vst v6;
	v4 =	vadd.f32 v50, v49  }
0x399: {  	[tilespmem:s13+$0x15200] =	vst v2  }
0x39a: {  	s16 =	sor.u32 $0x380, s17;
	v2 =	vld [tilespmem:s13+$0xB380];
	[tilespmem:s13+$0x14200] =	vst v4  }
0x39b: {  	v3 =	vld [tilespmem:s16+$0xA000];
	_ =	sdelay $0x1  }
0x39c: {  	v51 =	vld [tilespmem:s13+$0xC380];
	_ =	sdelay $0x1  }
0x39d: {  	v52 =	vld [tilespmem:s13+$0xD380]  }
0x39e: {  	v54 =	vshll.u32 v2, $0x10;
	v53 =	vshll.u32 v3, $0x10  }
0x39f: {  	v55 =	vld [tilespmem:s13+$0xE380];
	v6 =	vadd.f32 v54, v53  }
0x3a0: {  	v2 =	vadd.f32 v2, v3;
	v3 =	vshll.u32 v51, $0x10  }
0x3a1: {  	v56 =	vld [tilespmem:s13+$0xF380];
	v3 =	vadd.f32 v3, v6  }
0x3a2: {  	v57 =	vshll.u32 v52, $0x10;
	v2 =	vadd.f32 v51, v2  }
0x3a3: {  	v58 =	vld [tilespmem:s13+$0x10380];
	v3 =	vadd.f32 v57, v3  }
0x3a4: {  	v59 =	vshll.u32 v55, $0x10;
	v2 =	vadd.f32 v52, v2  }
0x3a5: {  	v60 =	vld [tilespmem:s13+$0x11380];
	v3 =	vadd.f32 v59, v3  }
0x3a6: {  	v61 =	vshll.u32 v56, $0x10;
	v2 =	vadd.f32 v55, v2  }
0x3a7: {  	v3 =	vadd.f32 v61, v3  }
0x3a8: {  	v62 =	vshll.u32 v58, $0x10;
	v2 =	vadd.f32 v56, v2  }
0x3a9: {  	v3 =	vadd.f32 v62, v3  }
0x3aa: {  	v63 =	vshll.u32 v60, $0x10;
	v2 =	vadd.f32 v58, v2  }
0x3ab: {  	v3 =	vadd.f32 v63, v3  }
0x3ac: {  	s20 =	sshll.u32 s11, $0x3;
	s21 =	sshll.u32 s11, $0x6;
	v2 =	vadd.f32 v60, v2  }
0x3ad: {  	s22 =	sand.u32 $0x78, s20;
	s11 =	sand.u32 $0x3C00, s21;
	[tilespmem:s16+$0x14000] =	vst v3  }
0x3ae: {  	s11 =	sor.u32 s22, s11;
	[tilespmem:s13+$0x15380] =	vst v2  }
0x3af: {  	v2 =	vld.msk [tilespmem:s11+$0x0], $0xff;
	_ =	sdelay $0x4  }
0x3b0: {  	v3 =	vshll.u32 v2, $0x2  }
0x3b1: {  	v2 =	vand.u32 $0x7, v2;
	v3 =	vand.u32 $0xFFFFFFE0, v3  }
0x3b2: {  	v2 =	vor.u32 v2, v3  }
0x3b3: {  	v2 =	vperm.xlane v2, v0;
	_ =	sdelay $0x1  }
0x3b4: {  	v2 =	vadd.s32 v1, v2;
	_ =	sdelay $0x3  }
0x3b5: {  	s17 =	simm.s32 $0xA000  }
0x3b6: {  	[tilespmem:s17], [sflag:$0x3] =	stream.indirect_vreg.gather [hbm4b:s4+s3], $0x80, v2, vm0, $0xb8;
	[tilespmem:$0x16000] =	vst v63  }
0x3b7: {  	s18 =	simm.s32 $0xA800;
	s19 =	sor.u32 $0x80, s11  }
0x3b8: {  	[tilespmem:s18], [sflag:$0x3] =	stream.indirect_vreg.gather [hbm4b:s14+s3], $0x80, v2, vm0, $0xb8;
	[tilespmem:$0x16000] =	vst v63  }
0x3b9: {  	v2 =	vld.msk [tilespmem:s19+$0x0], $0xff;
	_ =	sdelay $0x4  }
0x3ba: {  	v3 =	vshll.u32 v2, $0x2  }
0x3bb: {  	v2 =	vand.u32 $0x7, v2;
	v3 =	vand.u32 $0xFFFFFFE0, v3  }
0x3bc: {  	v2 =	vor.u32 v2, v3  }
0x3bd: {  	v2 =	vperm.xlane v2, v0;
	_ =	sdelay $0x1  }
0x3be: {  	v2 =	vadd.s32 v1, v2;
	_ =	sdelay $0x3  }
0x3bf: {  	s20 =	simm.s32 $0xB000  }
0x3c0: {  	[tilespmem:s20], [sflag:$0x3] =	stream.indirect_vreg.gather [hbm4b:s4+s3], $0x80, v2, vm0, $0xb8;
	[tilespmem:$0x16000] =	vst v63  }
0x3c1: {  	s21 =	simm.s32 $0xB800;
	s22 =	sor.u32 $0x100, s11  }
0x3c2: {  	[tilespmem:s21], [sflag:$0x3] =	stream.indirect_vreg.gather [hbm4b:s14+s3], $0x80, v2, vm0, $0xb8;
	[tilespmem:$0x16000] =	vst v63  }
0x3c3: {  	v2 =	vld.msk [tilespmem:s22+$0x0], $0xff;
	_ =	sdelay $0x4  }
0x3c4: {  	v3 =	vshll.u32 v2, $0x2  }
0x3c5: {  	v2 =	vand.u32 $0x7, v2;
	v3 =	vand.u32 $0xFFFFFFE0, v3  }
0x3c6: {  	v2 =	vor.u32 v2, v3  }
0x3c7: {  	v2 =	vperm.xlane v2, v0;
	_ =	sdelay $0x1  }
0x3c8: {  	v2 =	vadd.s32 v1, v2;
	_ =	sdelay $0x3  }
0x3c9: {  	s16 =	simm.s32 $0xC000  }
0x3ca: {  	[tilespmem:s16], [sflag:$0x3] =	stream.indirect_vreg.gather [hbm4b:s4+s3], $0x80, v2, vm0, $0xb8;
	[tilespmem:$0x16000] =	vst v63  }
0x3cb: {  	s17 =	sor.u32 $0x180, s11  }
0x3cc: {  	[tilespmem:s23], [sflag:$0x3] =	stream.indirect_vreg.gather [hbm4b:s14+s3], $0x80, v2, vm0, $0xb8;
	[tilespmem:$0x16000] =	vst v63  }
0x3cd: {  	v2 =	vld.msk [tilespmem:s17+$0x0], $0xff;
	_ =	sdelay $0x4  }
0x3ce: {  	v3 =	vshll.u32 v2, $0x2  }
0x3cf: {  	v2 =	vand.u32 $0x7, v2;
	v3 =	vand.u32 $0xFFFFFFE0, v3  }
0x3d0: {  	v2 =	vor.u32 v2, v3  }
0x3d1: {  	v2 =	vperm.xlane v2, v0;
	_ =	sdelay $0x1  }
0x3d2: {  	v2 =	vadd.s32 v1, v2;
	_ =	sdelay $0x4  }
0x3d3: {  	[tilespmem:s24], [sflag:$0x3] =	stream.indirect_vreg.gather [hbm4b:s4+s3], $0x80, v2, vm0, $0xb8;
	[tilespmem:$0x16000] =	vst v63  }
0x3d4: {  	s18 =	sor.u32 $0x200, s11  }
0x3d5: {  	[tilespmem:s6], [sflag:$0x3] =	stream.indirect_vreg.gather [hbm4b:s14+s3], $0x80, v2, vm0, $0xb8;
	[tilespmem:$0x16000] =	vst v63  }
0x3d6: {  	v2 =	vld.msk [tilespmem:s18+$0x0], $0xff;
	_ =	sdelay $0x4  }
0x3d7: {  	v3 =	vshll.u32 v2, $0x2  }
0x3d8: {  	v2 =	vand.u32 $0x7, v2;
	v3 =	vand.u32 $0xFFFFFFE0, v3  }
0x3d9: {  	v2 =	vor.u32 v2, v3  }
0x3da: {  	v2 =	vperm.xlane v2, v0;
	_ =	sdelay $0x1  }
0x3db: {  	v2 =	vadd.s32 v1, v2;
	_ =	sdelay $0x4  }
0x3dc: {  	[tilespmem:s5], [sflag:$0x3] =	stream.indirect_vreg.gather [hbm4b:s4+s3], $0x80, v2, vm0, $0xb8;
	[tilespmem:$0x16000] =	vst v63  }
0x3dd: {  	s19 =	sor.u32 $0x280, s11  }
0x3de: {  	[tilespmem:s26], [sflag:$0x3] =	stream.indirect_vreg.gather [hbm4b:s14+s3], $0x80, v2, vm0, $0xb8;
	[tilespmem:$0x16000] =	vst v63  }
0x3df: {  	v2 =	vld.msk [tilespmem:s19+$0x0], $0xff;
	_ =	sdelay $0x4  }
0x3e0: {  	v3 =	vshll.u32 v2, $0x2  }
0x3e1: {  	v2 =	vand.u32 $0x7, v2;
	v3 =	vand.u32 $0xFFFFFFE0, v3  }
0x3e2: {  	v2 =	vor.u32 v2, v3  }
0x3e3: {  	v2 =	vperm.xlane v2, v0;
	_ =	sdelay $0x1  }
0x3e4: {  	v2 =	vadd.s32 v1, v2;
	_ =	sdelay $0x4  }
0x3e5: {  	[tilespmem:s28], [sflag:$0x3] =	stream.indirect_vreg.gather [hbm4b:s4+s3], $0x80, v2, vm0, $0xb8;
	[tilespmem:$0x16000] =	vst v63  }
0x3e6: {  	s20 =	sor.u32 $0x300, s11  }
0x3e7: {  	[tilespmem:s29], [sflag:$0x3] =	stream.indirect_vreg.gather [hbm4b:s14+s3], $0x80, v2, vm0, $0xb8;
	[tilespmem:$0x16000] =	vst v63  }
0x3e8: {  	v2 =	vld.msk [tilespmem:s20+$0x0], $0xff;
	_ =	sdelay $0x4  }
0x3e9: {  	v3 =	vshll.u32 v2, $0x2  }
0x3ea: {  	v2 =	vand.u32 $0x7, v2;
	v3 =	vand.u32 $0xFFFFFFE0, v3  }
0x3eb: {  	v2 =	vor.u32 v2, v3  }
0x3ec: {  	v2 =	vperm.xlane v2, v0;
	_ =	sdelay $0x1  }
0x3ed: {  	v2 =	vadd.s32 v1, v2;
	_ =	sdelay $0x4  }
0x3ee: {  	[tilespmem:s30], [sflag:$0x3] =	stream.indirect_vreg.gather [hbm4b:s4+s3], $0x80, v2, vm0, $0xb8;
	[tilespmem:$0x16000] =	vst v63  }
0x3ef: {  	s11 =	sor.u32 $0x380, s11  }
0x3f0: {  	[tilespmem:s31], [sflag:$0x3] =	stream.indirect_vreg.gather [hbm4b:s14+s3], $0x80, v2, vm0, $0xb8;
	[tilespmem:$0x16000] =	vst v63  }
0x3f1: {  	v2 =	vld.msk [tilespmem:s11+$0x0], $0xff;
	_ =	sdelay $0x4  }
0x3f2: {  	v3 =	vshll.u32 v2, $0x2  }
0x3f3: {  	v2 =	vand.u32 $0x7, v2;
	v3 =	vand.u32 $0xFFFFFFE0, v3  }
0x3f4: {  	v2 =	vor.u32 v2, v3  }
0x3f5: {  	v2 =	vperm.xlane v2, v0;
	_ =	sdelay $0x1  }
0x3f6: {  	v2 =	vadd.s32 v1, v2;
	_ =	sdelay $0x2  }
0x3f7: {  	s10 =	sadd.s32 $0x1, s10  }
0x3f8: {  	p0 =	sne.s32 s10, $0x40  }
0x3f9: {  	[tilespmem:s1], [sflag:$0x3] =	stream.indirect_vreg.gather [hbm4b:s4+s3], $0x80, v2, vm0, $0xb8;
	[tilespmem:$0x16000] =	vst v63  }
.Ltmp3:
0x3fa: {  	s21 =	sadd.s32 s25, s12;
	(pc) =	sbr.rel @p0 .LBB2_4-.Ltmp3, $4  }
0x3fb: {  	s11 =	sshrl.u32 s21, $0x3  }
0x3fc: {  	[tilespmem:s0], [sflag:$0x3] =	stream.indirect_vreg.gather [hbm4b:s14+s3], $0x80, v2, vm0, $0xb8;
	[tilespmem:$0x16000] =	vst v63  }
0x3fd: {  	s22 =	simm.s32 $0x14000;
	s11 =	sadd.s32 s2, s11  }
0x3fe: {  	[hbm4b:s11+s3] =	stream.linear.scatter [tilespmem:s22], [sflag:$0x5], $0x2000, $0x38;
	[tilespmem:$0x16000] =	vst v63  }
0x3ff: {  	_ =	swait.ge [sflag:s7], $0x8000  }
0x400: {  	[sflag:s7] =	ssyncset.done $0x0  }
0x401: {  	[sflag:s7] =	ssyncadd.s32 $0xFFFF8000  }
0x402: {  	_ =	swait.ge [sflag:s8], $0x8000  }
0x403: {  	[sflag:s8] =	ssyncset.done $0x0  }
0x404: {  	s9 =	simm.s32 $0x4;
	[sflag:s8] =	ssyncadd.s32 $0xFFFF8000  }
0x405: {  	_ =	swait.ge [sflag:s9], $0x2000  }
0x406: {  	[sflag:s9] =	ssyncset.done $0x0  }
0x407: {  	s10 =	simm.s32 $0x5;
	[sflag:s9] =	ssyncadd.s32 $0xFFFFE000  }
0x408: {  	_ =	swait.ge [sflag:s10], $0x2000  }
0x409: {  	s11 =	sld [smem:$0x7D8];
	_ =	sdelay $0x2  }
0x40a: {  	s22 =	rddreg [dreg:$0xc];
	s11 =	sadd.s32 $0x1, s11  }
0x40b: {  	p0 =	sne.s32 s11, s22  }
.Ltmp4:
0x40c: {  	_ = 	snop;
	(pc) =	sbr.rel @p0 .LBB2_1-.Ltmp4, $3  }
0x40d: {  	_ =	sdelay $0x1  }
0x40e: {  	[sflag:s10] =	ssyncset.done $0x0  }
0x40f: {  	[sflag:s10] =	ssyncadd.s32 $0xFFFFE000  }
0x410: {  	_ =	sfence.sel $0x180000  }
0x411: {  	[bflag:$0x0] =	sbarrier.arrive $0xFFFF  }
0x412: {  	_ =	strace $0x90000047  }
0x413: {  	s0 =	stileid.u32;
	[bflag:$0x2] =	sbarrier.arrive $0xFFFF  }
0x414: {  	p0 =	sne.s32 s0, $0x0;
	s0 =	rddreg [dreg:$0x3]  }
0x415: {  	s0 =	sadd.s32 @!p0 $0x100000, s0  }
0x416: {  	[sflag:s0] =	ssyncadd.tile.s32 @!p0 $0x1;
	_ =	shalt  }
.Lfunc_end2:
_tile_overlayer_lowered:
.L_overlay_start_2:
0x417: {  	(tag) =	ssettag $0x2  }
0x418: {  	s0 =	rddreg [dreg:$0x0];
	s2 =	stileid.u32  }
0x419: {  	s1 =	rddreg [dreg:$0x1];
	p0 =	sne.s32 s2, $0x0  }
0x41a: {  	s3 =	rddreg [dreg:$0x2];
	[bflag:$0x3] =	sbarrier.arrive $0xFFFF;
	s2 =	simm.s32 @!p0 $0x1C06  }
0x41b: {  	[timem:s3], [sflag:s2] =	dma.local @!p0 [hbm:s0], s1  }
0x41c: {  	s0 =	simm.s32 @!p0 $0x6  }
0x41d: {  	_ =	swait.ge @!p0 [sflag:s0], s1  }
0x41e: {  	s1 =	ssub.s32 @!p0 $0x0, s1;
	[sflag:s0] =	ssyncset.done @!p0 $0x0  }
0x41f: {  	[sflag:s0] =	ssyncadd.s32 @!p0 s1  }
0x420: {  	[bflag:$0x3] =	sbarrier.arrive $0xFFFF  }
0x421: {  	_ =	shalt  }

</sc_bundles>
